<compile_context>
chip_gen: v7x
topology: tpu7x:2x2x1
jax: 0.10.2.dev20260603
libtpu: 0.0.44.dev20260713+nightly
codegen_flags: <defaults>
</compile_context>

<pallas_src>
import functools

import jax
import jax.numpy as jnp
from jax import lax
from jax.experimental import pallas as pl
from jax.experimental.pallas import tpu as pltpu
from jax.experimental.pallas import tpu_sc as plsc

N = 10000
E = 320000
F_IN = 128
H = 256
HH = H // 2
G = 64

CHUNK = 125
NCHUNKS = E // CHUNK
NSUB = 16
CPT = NCHUNKS // NSUB
KGRP = 16
NGRP = CPT // KGRP

DEG_W = 16
NPAD = 10240
ROWS_PER_SUB = NPAD // NSUB
DEG_ROWS = NPAD // NSUB
DEG_CPT = NCHUNKS // 2 // NSUB

RBLK = 1000
GRID = N // RBLK



@functools.cache
def _sc_kernels():
    mesh = plsc.VectorSubcoreMesh(
        core_axis_name="c", subcore_axis_name="s", num_cores=2, num_subcores=NSUB
    )

    @functools.partial(
        pl.kernel,
        out_type=(
            jax.ShapeDtypeStruct((NPAD, DEG_W), jnp.float32),
            jax.ShapeDtypeStruct((NPAD, DEG_W), jnp.float32),
        ),
        mesh=mesh,
        scratch_types=[
            pltpu.VMEM_SHARED((NPAD, DEG_W), jnp.float32),
            pltpu.VMEM((DEG_CPT, CHUNK), jnp.int32),
            pltpu.VMEM((CHUNK, DEG_W), jnp.float32),
            pltpu.SemaphoreType.DMA,
        ],
    )
    def deg_kernel(dst2d, ones, zeros, deg_a, deg_b, acc, idx_v, ones_v, sem):
        c = lax.axis_index("c")
        s = lax.axis_index("s")
        rbase = s * DEG_ROWS
        pltpu.sync_copy(zeros, acc.at[pl.ds(rbase, DEG_ROWS)])
        pltpu.sync_copy(ones, ones_v)
        cbase = c * (NCHUNKS // 2) + s * DEG_CPT
        pltpu.sync_copy(dst2d.at[pl.ds(cbase, DEG_CPT)], idx_v)
        plsc.subcore_barrier()

        def body(j, carry):
            pltpu.async_copy(ones_v, acc.at[idx_v.at[j]], sem, add=True)
            return carry

        lax.fori_loop(0, DEG_CPT, body, 0)

        def drain(j, carry):
            pltpu.make_async_copy(ones_v, acc.at[idx_v.at[j]], sem).wait()
            return carry

        lax.fori_loop(0, DEG_CPT, drain, 0)
        plsc.subcore_barrier()

        @pl.when(c == 0)
        def _():
            pltpu.sync_copy(acc.at[pl.ds(rbase, DEG_ROWS)],
                            deg_a.at[pl.ds(rbase, DEG_ROWS)])

        @pl.when(c == 1)
        def _():
            pltpu.sync_copy(acc.at[pl.ds(rbase, DEG_ROWS)],
                            deg_b.at[pl.ds(rbase, DEG_ROWS)])

    @functools.partial(
        pl.kernel,
        out_type=(
            jax.ShapeDtypeStruct((NPAD, HH), jnp.float32),
            jax.ShapeDtypeStruct((NPAD, HH), jnp.float32),
        ),
        mesh=mesh,
        scratch_types=[
            pltpu.VMEM_SHARED((NPAD, HH), jnp.float32),
            pltpu.VMEM((2 * KGRP, CHUNK), jnp.int32),
            pltpu.VMEM((2 * KGRP, CHUNK), jnp.int32),
            pltpu.VMEM((CHUNK, HH), jnp.float32),
            pltpu.VMEM((CHUNK, HH), jnp.float32),
            pltpu.SemaphoreType.DMA,
            pltpu.SemaphoreType.DMA,
            pltpu.SemaphoreType.DMA,
            pltpu.SemaphoreType.DMA,
            pltpu.SemaphoreType.DMA,
        ],
    )
    def prop_kernel(y_a, y_b, src2d, dst2d, agg_a, agg_b,
                    acc, src_v, dst_v, rows0, rows1,
                    gsem0, gsem1, ssem0, ssem1, isem):
        c = lax.axis_index("c")
        s = lax.axis_index("s")
        rbase = pl.multiple_of(s * ROWS_PER_SUB, 8)
        cbase = s * CPT

        def idx_row(buf, j):
            return buf.at[((j // KGRP) % 2) * KGRP + j % KGRP]

        def issue_refill(g):
            gb = pl.multiple_of(cbase + g * KGRP, 8)
            vb = (g % 2) * KGRP
            pltpu.async_copy(src2d.at[pl.ds(gb, KGRP)],
                             src_v.at[pl.ds(vb, KGRP)], isem)
            pltpu.async_copy(dst2d.at[pl.ds(gb, KGRP)],
                             dst_v.at[pl.ds(vb, KGRP)], isem)

        def wait_refill(g):
            vb = (g % 2) * KGRP
            pltpu.make_async_copy(src2d.at[pl.ds(cbase, KGRP)],
                                  src_v.at[pl.ds(vb, KGRP)], isem).wait()
            pltpu.make_async_copy(dst2d.at[pl.ds(cbase, KGRP)],
                                  dst_v.at[pl.ds(vb, KGRP)], isem).wait()

        GS0 = 64
        GS1 = CHUNK - GS0

        def issue_gather(j, rows, gsem):
            r = idx_row(src_v, j)

            @pl.when(c == 0)
            def _():
                pltpu.async_copy(y_a.at[r.at[pl.ds(0, GS0)]],
                                 rows.at[pl.ds(0, GS0)], gsem)
                pltpu.async_copy(y_a.at[r.at[pl.ds(GS0, GS1)]],
                                 rows.at[pl.ds(GS0, GS1)], gsem)

            @pl.when(c == 1)
            def _():
                pltpu.async_copy(y_b.at[r.at[pl.ds(0, GS0)]],
                                 rows.at[pl.ds(0, GS0)], gsem)
                pltpu.async_copy(y_b.at[r.at[pl.ds(GS0, GS1)]],
                                 rows.at[pl.ds(GS0, GS1)], gsem)

        def wait_gather(j, rows, gsem):
            r = idx_row(src_v, j)
            pltpu.make_async_copy(y_a.at[r.at[pl.ds(0, GS0)]],
                                  rows.at[pl.ds(0, GS0)], gsem).wait()
            pltpu.make_async_copy(y_a.at[r.at[pl.ds(GS0, GS1)]],
                                  rows.at[pl.ds(GS0, GS1)], gsem).wait()

        def issue_scatter(j, rows, ssem):
            pltpu.async_copy(rows, acc.at[idx_row(dst_v, j)], ssem, add=True)

        def wait_scatter(j, rows, ssem):
            pltpu.make_async_copy(rows, acc.at[idx_row(dst_v, j)], ssem).wait()

        @pl.when(c == 0)
        def _():
            pltpu.sync_copy(y_a.at[pl.ds(rbase, ROWS_PER_SUB)],
                            acc.at[pl.ds(rbase, ROWS_PER_SUB)])

        @pl.when(c == 1)
        def _():
            pltpu.sync_copy(y_b.at[pl.ds(rbase, ROWS_PER_SUB)],
                            acc.at[pl.ds(rbase, ROWS_PER_SUB)])

        plsc.subcore_barrier()

        issue_refill(0)
        wait_refill(0)
        issue_gather(0, rows0, gsem0)

        def pair(q, carry):
            for k in (0, 1):
                j = 2 * q + k
                rows_k, gsem_k, ssem_k = (
                    (rows0, gsem0, ssem0) if k == 0 else (rows1, gsem1, ssem1))
                rows_o, gsem_o, ssem_o = (
                    (rows1, gsem1, ssem1) if k == 0 else (rows0, gsem0, ssem0))
                boundary = j % KGRP == 0
                g = j // KGRP

                @pl.when(jnp.logical_and(j >= 1, boundary))
                def _():
                    wait_scatter(j - 1, rows_o, ssem_o)

                @pl.when(jnp.logical_and(boundary, j + KGRP < CPT))
                def _():
                    issue_refill(g + 1)

                wait_gather(j, rows_k, gsem_k)
                issue_scatter(j, rows_k, ssem_k)

                @pl.when(jnp.logical_and(j >= 1, jnp.logical_not(boundary)))
                def _():
                    wait_scatter(j - 1, rows_o, ssem_o)

                @pl.when(j + 1 < CPT)
                def _():
                    @pl.when((j + 1) % KGRP == 0)
                    def _():
                        wait_refill((j + 1) // KGRP)

                    issue_gather(j + 1, rows_o, gsem_o)
            return carry

        lax.fori_loop(0, CPT // 2, pair, 0)
        wait_scatter(CPT - 1, rows1, ssem1)
        plsc.subcore_barrier()

        @pl.when(c == 0)
        def _():
            pltpu.sync_copy(acc.at[pl.ds(rbase, ROWS_PER_SUB)],
                            agg_a.at[pl.ds(rbase, ROWS_PER_SUB)])

        @pl.when(c == 1)
        def _():
            pltpu.sync_copy(acc.at[pl.ds(rbase, ROWS_PER_SUB)],
                            agg_b.at[pl.ds(rbase, ROWS_PER_SUB)])

    return deg_kernel, prop_kernel



def _l1_body(x_ref, w_ref, da_ref, db_ref, ya_ref, yb_ref, dinv_ref):
    deg = da_ref[:, 0:1] + db_ref[:, 0:1] + 1.0
    dinv = lax.rsqrt(deg)
    y = jnp.dot(x_ref[...], w_ref[...], preferred_element_type=jnp.float32) * dinv
    ya_ref[...] = y[:, :HH]
    yb_ref[...] = y[:, HH:]
    dinv_ref[...] = dinv


@functools.cache
def _l1_call():
    return pl.pallas_call(
        _l1_body,
        grid=(GRID,),
        in_specs=[
            pl.BlockSpec((RBLK, F_IN), lambda b: (b, 0)),
            pl.BlockSpec((F_IN, H), lambda b: (0, 0)),
            pl.BlockSpec((RBLK, DEG_W), lambda b: (b, 0)),
            pl.BlockSpec((RBLK, DEG_W), lambda b: (b, 0)),
        ],
        out_specs=[
            pl.BlockSpec((RBLK, HH), lambda b: (b, 0)),
            pl.BlockSpec((RBLK, HH), lambda b: (b, 0)),
            pl.BlockSpec((RBLK, 1), lambda b: (b, 0)),
        ],
        out_shape=[
            jax.ShapeDtypeStruct((NPAD, HH), jnp.float32),
            jax.ShapeDtypeStruct((NPAD, HH), jnp.float32),
            jax.ShapeDtypeStruct((N, 1), jnp.float32),
        ],
    )


def _mid_body(aa_ref, ab_ref, dinv_ref, ba_ref, bb_ref, wa_ref, wb_ref,
              ya_ref, yb_ref):
    dinv = dinv_ref[...]
    ha = jnp.maximum(aa_ref[...] * dinv + ba_ref[...], 0.0)
    hb = jnp.maximum(ab_ref[...] * dinv + bb_ref[...], 0.0)
    y = (jnp.dot(ha, wa_ref[...], preferred_element_type=jnp.float32)
         + jnp.dot(hb, wb_ref[...], preferred_element_type=jnp.float32)) * dinv
    ya_ref[...] = y[:, :HH]
    yb_ref[...] = y[:, HH:]


@functools.cache
def _mid_call():
    return pl.pallas_call(
        _mid_body,
        grid=(GRID,),
        in_specs=[
            pl.BlockSpec((RBLK, HH), lambda b: (b, 0)),
            pl.BlockSpec((RBLK, HH), lambda b: (b, 0)),
            pl.BlockSpec((RBLK, 1), lambda b: (b, 0)),
            pl.BlockSpec((1, HH), lambda b: (0, 0)),
            pl.BlockSpec((1, HH), lambda b: (0, 0)),
            pl.BlockSpec((HH, H), lambda b: (0, 0)),
            pl.BlockSpec((HH, H), lambda b: (0, 0)),
        ],
        out_specs=[
            pl.BlockSpec((RBLK, HH), lambda b: (b, 0)),
            pl.BlockSpec((RBLK, HH), lambda b: (b, 0)),
        ],
        out_shape=[
            jax.ShapeDtypeStruct((NPAD, HH), jnp.float32),
            jax.ShapeDtypeStruct((NPAD, HH), jnp.float32),
        ],
    )


def _fin_body(aa_ref, ab_ref, dinv_ref, ba_ref, bb_ref, batch_ref, ext_ref,
              f1m_ref, f1e_ref, f1b_ref, f2w_ref, f2b_ref, out_ref,
              sums, counts):
    b = pl.program_id(0)

    @pl.when(b == 0)
    def _():
        sums[...] = jnp.zeros_like(sums)
        counts[...] = jnp.zeros_like(counts)

    dinv = dinv_ref[...]
    ha = jnp.maximum(aa_ref[...] * dinv + ba_ref[...], 0.0)
    hb = jnp.maximum(ab_ref[...] * dinv + bb_ref[...], 0.0)
    h = jnp.concatenate([ha, hb], axis=1)
    gi = lax.broadcasted_iota(jnp.int32, (1, G), 1)
    m = (batch_ref[...] == gi).astype(jnp.float32)
    sums[...] += lax.dot_general(m, h, (((0,), (0,)), ((), ())),
                                 preferred_element_type=jnp.float32)
    counts[...] += jnp.sum(m, axis=0)[:, None]

    @pl.when(b == GRID - 1)
    def _():
        hg = sums[...] / jnp.maximum(counts[...], 1.0)
        z = (jnp.dot(hg, f1m_ref[...], preferred_element_type=jnp.float32)
             + jnp.dot(ext_ref[...], f1e_ref[...],
                       preferred_element_type=jnp.float32)
             + f1b_ref[...])
        z = jnp.maximum(z, 0.0)
        out_ref[...] = (jnp.dot(z, f2w_ref[...],
                                preferred_element_type=jnp.float32)
                        + f2b_ref[...])


@functools.cache
def _fin_call():
    return pl.pallas_call(
        _fin_body,
        grid=(GRID,),
        in_specs=[
            pl.BlockSpec((RBLK, HH), lambda b: (b, 0)),
            pl.BlockSpec((RBLK, HH), lambda b: (b, 0)),
            pl.BlockSpec((RBLK, 1), lambda b: (b, 0)),
            pl.BlockSpec((1, HH), lambda b: (0, 0)),
            pl.BlockSpec((1, HH), lambda b: (0, 0)),
            pl.BlockSpec((RBLK, 1), lambda b: (b, 0)),
            pl.BlockSpec((G, 2), lambda b: (0, 0)),
            pl.BlockSpec((H, 196), lambda b: (0, 0)),
            pl.BlockSpec((2, 196), lambda b: (0, 0)),
            pl.BlockSpec((1, 196), lambda b: (0, 0)),
            pl.BlockSpec((196, 1), lambda b: (0, 0)),
            pl.BlockSpec((1, 1), lambda b: (0, 0)),
        ],
        out_specs=pl.BlockSpec((G, 1), lambda b: (0, 0)),
        out_shape=jax.ShapeDtypeStruct((G, 1), jnp.float32),
        scratch_shapes=[
            pltpu.VMEM((G, H), jnp.float32),
            pltpu.VMEM((G, 1), jnp.float32),
        ],
    )



def kernel(x, edge_index, batch, mol_wt, n_rings, W1, b1, W2, b2, W3, b3,
           fc1_W, fc1_b, fc2_W, fc2_b):
    deg_kernel, prop_kernel = _sc_kernels()
    src2d = edge_index[0].reshape(NCHUNKS, CHUNK)
    dst2d = edge_index[1].reshape(NCHUNKS, CHUNK)
    ones = jnp.ones((CHUNK, DEG_W), jnp.float32)
    zeros = jnp.zeros((DEG_ROWS, DEG_W), jnp.float32)

    deg_a, deg_b = deg_kernel(dst2d, ones, zeros)
    ya, yb, dinv = _l1_call()(x, W1, deg_a, deg_b)
    agg_a, agg_b = prop_kernel(ya, yb, src2d, dst2d)
    ya, yb = _mid_call()(agg_a, agg_b, dinv,
                         b1[:HH].reshape(1, HH), b1[HH:].reshape(1, HH),
                         W2[:HH], W2[HH:])
    agg_a, agg_b = prop_kernel(ya, yb, src2d, dst2d)
    ya, yb = _mid_call()(agg_a, agg_b, dinv,
                         b2[:HH].reshape(1, HH), b2[HH:].reshape(1, HH),
                         W3[:HH], W3[HH:])
    agg_a, agg_b = prop_kernel(ya, yb, src2d, dst2d)

    ext = jnp.concatenate([mol_wt, n_rings], axis=1)
    out = _fin_call()(agg_a, agg_b, dinv,
                      b3[:HH].reshape(1, HH), b3[HH:].reshape(1, HH),
                      batch.reshape(N, 1), ext,
                      fc1_W[:H], fc1_W[H:], fc1_b.reshape(1, 196),
                      fc2_W, fc2_b.reshape(1, 1))
    return out

# --- scband reference (transcript-rebuilt; emitter-appended) ---
"""Pipeline reference for scband-egcn-71528385348100 (READ-ONLY COPY).

The authoritative reference and input builder live on the scoring server;
editing this copy changes nothing except your own understanding.
"""

import jax, jax.numpy as jnp
import numpy as np

N = 10000
E = 320000
F_IN = 128
H = 256
G = 64
DIM_OUT = 1


def setup_inputs(seed: int = 0) -> dict:
    key = jax.random.key(seed)
    ks = jax.random.split(key, 16)
    x = jax.random.normal(ks[0], (N, F_IN), dtype=jnp.float32)
    edge_index = jax.random.randint(ks[1], (2, E), 0, N, dtype=jnp.int32)
    batch = jnp.sort(jax.random.randint(ks[2], (N,), 0, G, dtype=jnp.int32))
    mol_wt = jax.random.normal(ks[3], (G, 1), dtype=jnp.float32)
    n_rings = jax.random.uniform(ks[4], (G, 1), dtype=jnp.float32)
    W1 = jax.random.normal(ks[5], (F_IN, H), dtype=jnp.float32) * 0.05
    b1 = jnp.zeros((H,), dtype=jnp.float32)
    W2 = jax.random.normal(ks[6], (H, H), dtype=jnp.float32) * 0.05
    b2 = jnp.zeros((H,), dtype=jnp.float32)
    W3 = jax.random.normal(ks[7], (H, H), dtype=jnp.float32) * 0.05
    b3 = jnp.zeros((H,), dtype=jnp.float32)
    fc1_W = jax.random.normal(ks[8], (H + 2, 196), dtype=jnp.float32) * 0.05
    fc1_b = jnp.zeros((196,), dtype=jnp.float32)
    fc2_W = jax.random.normal(ks[9], (196, DIM_OUT), dtype=jnp.float32) * 0.05
    fc2_b = jnp.zeros((DIM_OUT,), dtype=jnp.float32)
    return {"x": x, "edge_index": edge_index, "batch": batch, "mol_wt": mol_wt,
            "n_rings": n_rings, "W1": W1, "b1": b1, "W2": W2, "b2": b2,
            "W3": W3, "b3": b3, "fc1_W": fc1_W, "fc1_b": fc1_b,
            "fc2_W": fc2_W, "fc2_b": fc2_b}


def _gcn_conv(x, edge_index, W, b):
    num_nodes = x.shape[0]
    loop = jnp.arange(num_nodes, dtype=edge_index.dtype)
    src = jnp.concatenate([edge_index[0], loop])
    dst = jnp.concatenate([edge_index[1], loop])
    deg = jnp.zeros((num_nodes,), dtype=x.dtype).at[dst].add(1.0)
    dinv = jax.lax.rsqrt(jnp.maximum(deg, 1.0))
    norm = dinv[src] * dinv[dst]
    xw = x @ W
    msg = xw[src] * norm[:, None]
    out = jnp.zeros((num_nodes, W.shape[1]), dtype=x.dtype).at[dst].add(msg)
    return out + b


def reference(x, edge_index, batch, mol_wt, n_rings, W1, b1, W2, b2, W3, b3,
              fc1_W, fc1_b, fc2_W, fc2_b):
    h = jax.nn.relu(_gcn_conv(x, edge_index, W1, b1))
    h = jax.nn.relu(_gcn_conv(h, edge_index, W2, b2))
    h = jax.nn.relu(_gcn_conv(h, edge_index, W3, b3))
    sums = jnp.zeros((G, H), dtype=h.dtype).at[batch].add(h)
    counts = jnp.zeros((G,), dtype=h.dtype).at[batch].add(1.0)
    hg = sums / jnp.maximum(counts, 1.0)[:, None]
    hg = jnp.concatenate([hg, mol_wt, n_rings], axis=1)
    hg = jax.nn.relu(hg @ fc1_W + fc1_b)
    out = hg @ fc2_W + fc2_b
    return out

if __name__ == "__main__":
    import jax
    _d = setup_inputs()
    print(jax.jit(kernel)(*tuple(_d.values())))

</pallas_src>

<mosaic_0001>
#map = affine_map<(d0, d1) -> (0, 0)>
module attributes {stable_mosaic.version = 14 : i64} {
  func.func @deg_kernel(%arg0: i32, %arg1: i32, %arg2: memref<2560x125xi32, #tpu.memory_space<hbm>>, %arg3: memref<125x16xf32, #tpu.memory_space<hbm>>, %arg4: memref<640x16xf32, #tpu.memory_space<hbm>>, %arg5: memref<10240x16xf32, #tpu.memory_space<hbm>>, %arg6: memref<10240x16xf32, #tpu.memory_space<hbm>>, %arg7: memref<10240x16xf32, #tpu.memory_space<vmem_shared>>, %arg8: memref<80x125xi32, #tpu.memory_space<vmem>>, %arg9: memref<125x16xf32, #tpu.memory_space<vmem>>, %arg10: memref<!tpu.dma_semaphore, #tpu.memory_space<semaphore_mem>>) attributes {dimension_semantics = [#tpu.dimension_semantics<core_parallel>, #tpu.dimension_semantics<subcore_parallel>], iteration_bounds = array<i64: 2, 16>, scalar_prefetch = 0 : i64, scratch_operands = 4 : i64, tpu.core_type = #tpu.core_type<sc_vector_subcore>, window_params = [{transform_indices = #map}, {transform_indices = #map}, {transform_indices = #map}, {transform_indices = #map}, {transform_indices = #map}]} {
    %mul3A = arith.constant 640 : i32
    %mul3A_0 = arith.muli %arg1, %mul3A : i32
    "tpu.region"() ({
      %run_scoped3A = tpu.sem_alloc : memref<!tpu.dma_semaphore, #tpu.memory_space<semaphore_mem>>
      %dma_start3A = arith.constant 0 : i32
      %dma_start3A_24 = tpu.memref_slice %arg7[%mul3A_0, %dma_start3A] : memref<10240x16xf32, #tpu.memory_space<vmem_shared>> -> memref<640x16xf32, #tpu.memory_space<vmem_shared>>
      tpu.enqueue_dma source(%arg4 : memref<640x16xf32, #tpu.memory_space<hbm>>) target(%dma_start3A_24 : memref<640x16xf32, #tpu.memory_space<vmem_shared>>) target_semaphore(%run_scoped3A : memref<!tpu.dma_semaphore, #tpu.memory_space<semaphore_mem>>)
      %dma_wait3A = arith.constant 0 : i32
      %dma_wait3A_25 = tpu.memref_slice %arg7[%mul3A_0, %dma_wait3A] : memref<10240x16xf32, #tpu.memory_space<vmem_shared>> -> memref<640x16xf32, #tpu.memory_space<vmem_shared>>
      tpu.wait_dma2 semaphore(%run_scoped3A : memref<!tpu.dma_semaphore, #tpu.memory_space<semaphore_mem>>) src(%arg4 : memref<640x16xf32, #tpu.memory_space<hbm>>) dst(%dma_wait3A_25 : memref<640x16xf32, #tpu.memory_space<vmem_shared>>)
      tpu.yield
    }) : () -> ()
    "tpu.region"() ({
      %run_scoped3A = tpu.sem_alloc : memref<!tpu.dma_semaphore, #tpu.memory_space<semaphore_mem>>
      tpu.enqueue_dma source(%arg3 : memref<125x16xf32, #tpu.memory_space<hbm>>) target(%arg9 : memref<125x16xf32, #tpu.memory_space<vmem>>) target_semaphore(%run_scoped3A : memref<!tpu.dma_semaphore, #tpu.memory_space<semaphore_mem>>)
      tpu.wait_dma2 semaphore(%run_scoped3A : memref<!tpu.dma_semaphore, #tpu.memory_space<semaphore_mem>>) src(%arg3 : memref<125x16xf32, #tpu.memory_space<hbm>>) dst(%arg9 : memref<125x16xf32, #tpu.memory_space<vmem>>)
      tpu.yield
    }) : () -> ()
    %mul3A_1 = arith.constant 1280 : i32
    %mul3A_2 = arith.muli %arg0, %mul3A_1 : i32
    %mul3A_3 = arith.constant 80 : i32
    %mul3A_4 = arith.muli %arg1, %mul3A_3 : i32
    %add3A = arith.addi %mul3A_2, %mul3A_4 : i32
    "tpu.region"() ({
      %run_scoped3A = tpu.sem_alloc : memref<!tpu.dma_semaphore, #tpu.memory_space<semaphore_mem>>
      %dma_start3A = arith.constant 0 : i32
      %dma_start3A_24 = tpu.memref_slice %arg2[%add3A, %dma_start3A] : memref<2560x125xi32, #tpu.memory_space<hbm>> -> memref<80x125xi32, #tpu.memory_space<hbm>>
      %dma_start3A_25 = arith.constant 0 : i32
      %dma_start3A_26 = tpu.memref_slice %arg2[%add3A, %dma_start3A_25] : memref<2560x125xi32, #tpu.memory_space<hbm>> -> memref<80x125xi32, #tpu.memory_space<hbm>>
      tpu.enqueue_dma source(%dma_start3A_26 : memref<80x125xi32, #tpu.memory_space<hbm>>) target(%arg8 : memref<80x125xi32, #tpu.memory_space<vmem>>) target_semaphore(%run_scoped3A : memref<!tpu.dma_semaphore, #tpu.memory_space<semaphore_mem>>)
      %dma_wait3A = arith.constant 0 : i32
      %dma_wait3A_27 = tpu.memref_slice %arg2[%add3A, %dma_wait3A] : memref<2560x125xi32, #tpu.memory_space<hbm>> -> memref<80x125xi32, #tpu.memory_space<hbm>>
      %dma_wait3A_28 = arith.constant 0 : i32
      %dma_wait3A_29 = tpu.memref_slice %arg2[%add3A, %dma_wait3A_28] : memref<2560x125xi32, #tpu.memory_space<hbm>> -> memref<80x125xi32, #tpu.memory_space<hbm>>
      tpu.wait_dma2 semaphore(%run_scoped3A : memref<!tpu.dma_semaphore, #tpu.memory_space<semaphore_mem>>) src(%dma_wait3A_29 : memref<80x125xi32, #tpu.memory_space<hbm>>) dst(%arg8 : memref<80x125xi32, #tpu.memory_space<vmem>>)
      tpu.yield
    }) : () -> ()
    %barrier3A = arith.constant 0 : index
    tpu.barrier barrier_id(%barrier3A)
    %scan3A = arith.constant 0 : i32
    %scan3A_5 = arith.constant 0 : i32
    %scan3A_6 = arith.constant 80 : i32
    %scan3A_7 = arith.addi %scan3A_5, %scan3A_6 : i32
    %scan3A_8 = arith.constant 1 : i32
    scf.for %scan3A_24 = %scan3A_5 to %scan3A_7 step %scan3A_8  : i32 {
      %dma_start3A = arith.constant 0 : i32
      %dma_start3A_25 = tpu.memref_slice %arg8[%scan3A_24, %dma_start3A] : memref<80x125xi32, #tpu.memory_space<vmem>> -> memref<1x125xi32, #tpu.memory_space<vmem>>
      %dma_start3A_26 = tpu.memref_squeeze %dma_start3A_25 : memref<1x125xi32, #tpu.memory_space<vmem>> -> memref<125xi32, #tpu.memory_space<vmem>>
      %dma_start3A_27 = arith.constant 0 : i32
      %dma_start3A_28 = arith.constant 0 : i32
      %dma_start3A_29 = tpu.memref_slice %arg7[%dma_start3A_27, %dma_start3A_28] : memref<10240x16xf32, #tpu.memory_space<vmem_shared>> -> memref<10240x16xf32, #tpu.memory_space<vmem_shared>>
      tpu.enqueue_indirect_dma source(%arg9 : memref<125x16xf32, #tpu.memory_space<vmem>>) target(%dma_start3A_29 : memref<10240x16xf32, #tpu.memory_space<vmem_shared>>) offsets(%dma_start3A_26 : memref<125xi32, #tpu.memory_space<vmem>>) semaphore(%arg10 : memref<!tpu.dma_semaphore, #tpu.memory_space<semaphore_mem>>) {add = true}
    }
    %scan3A_9 = arith.constant 80 : i32
    %scan3A_10 = arith.constant 0 : i32
    %scan3A_11 = arith.constant 0 : i32
    %scan3A_12 = arith.constant 80 : i32
    %scan3A_13 = arith.addi %scan3A_11, %scan3A_12 : i32
    %scan3A_14 = arith.constant 1 : i32
    scf.for %scan3A_24 = %scan3A_11 to %scan3A_13 step %scan3A_14  : i32 {
      %dma_wait3A = arith.constant 0 : i32
      %dma_wait3A_25 = tpu.memref_slice %arg8[%scan3A_24, %dma_wait3A] : memref<80x125xi32, #tpu.memory_space<vmem>> -> memref<1x125xi32, #tpu.memory_space<vmem>>
      %dma_wait3A_26 = tpu.memref_squeeze %dma_wait3A_25 : memref<1x125xi32, #tpu.memory_space<vmem>> -> memref<125xi32, #tpu.memory_space<vmem>>
      %dma_wait3A_27 = arith.constant 0 : i32
      %dma_wait3A_28 = arith.constant 0 : i32
      %dma_wait3A_29 = tpu.memref_slice %arg7[%dma_wait3A_27, %dma_wait3A_28] : memref<10240x16xf32, #tpu.memory_space<vmem_shared>> -> memref<10240x16xf32, #tpu.memory_space<vmem_shared>>
      tpu.wait_indirect_dma semaphore(%arg10 : memref<!tpu.dma_semaphore, #tpu.memory_space<semaphore_mem>>) src(%arg9 : memref<125x16xf32, #tpu.memory_space<vmem>>) dst(%dma_wait3A_29 : memref<10240x16xf32, #tpu.memory_space<vmem_shared>>)
    }
    %scan3A_15 = arith.constant 80 : i32
    %barrier3A_16 = arith.constant 0 : index
    tpu.barrier barrier_id(%barrier3A_16)
    %eq3A = arith.constant 0 : i32
    %eq3A_17 = arith.cmpi eq, %arg0, %eq3A : i32
    %convert_element_type3A = arith.extui %eq3A_17 : i1 to i32
    %cond3A = arith.constant 0 : i32
    %cond3A_18 = arith.cmpi ne, %convert_element_type3A, %cond3A : i32
    scf.if %cond3A_18 {
      "tpu.region"() ({
        %run_scoped3A = tpu.sem_alloc : memref<!tpu.dma_semaphore, #tpu.memory_space<semaphore_mem>>
        %dma_start3A = arith.constant 0 : i32
        %dma_start3A_24 = tpu.memref_slice %arg5[%mul3A_0, %dma_start3A] : memref<10240x16xf32, #tpu.memory_space<hbm>> -> memref<640x16xf32, #tpu.memory_space<hbm>>
        %dma_start3A_25 = arith.constant 0 : i32
        %dma_start3A_26 = tpu.memref_slice %arg7[%mul3A_0, %dma_start3A_25] : memref<10240x16xf32, #tpu.memory_space<vmem_shared>> -> memref<640x16xf32, #tpu.memory_space<vmem_shared>>
        tpu.enqueue_dma source(%dma_start3A_26 : memref<640x16xf32, #tpu.memory_space<vmem_shared>>) target(%dma_start3A_24 : memref<640x16xf32, #tpu.memory_space<hbm>>) target_semaphore(%run_scoped3A : memref<!tpu.dma_semaphore, #tpu.memory_space<semaphore_mem>>)
        %dma_wait3A = arith.constant 0 : i32
        %dma_wait3A_27 = tpu.memref_slice %arg5[%mul3A_0, %dma_wait3A] : memref<10240x16xf32, #tpu.memory_space<hbm>> -> memref<640x16xf32, #tpu.memory_space<hbm>>
        %dma_wait3A_28 = arith.constant 0 : i32
        %dma_wait3A_29 = tpu.memref_slice %arg7[%mul3A_0, %dma_wait3A_28] : memref<10240x16xf32, #tpu.memory_space<vmem_shared>> -> memref<640x16xf32, #tpu.memory_space<vmem_shared>>
        tpu.wait_dma2 semaphore(%run_scoped3A : memref<!tpu.dma_semaphore, #tpu.memory_space<semaphore_mem>>) src(%dma_wait3A_29 : memref<640x16xf32, #tpu.memory_space<vmem_shared>>) dst(%dma_wait3A_27 : memref<640x16xf32, #tpu.memory_space<hbm>>)
        tpu.yield
      }) : () -> ()
    } else {
    }
    %eq3A_19 = arith.constant 1 : i32
    %eq3A_20 = arith.cmpi eq, %arg0, %eq3A_19 : i32
    %convert_element_type3A_21 = arith.extui %eq3A_20 : i1 to i32
    %cond3A_22 = arith.constant 0 : i32
    %cond3A_23 = arith.cmpi ne, %convert_element_type3A_21, %cond3A_22 : i32
    scf.if %cond3A_23 {
      "tpu.region"() ({
        %run_scoped3A = tpu.sem_alloc : memref<!tpu.dma_semaphore, #tpu.memory_space<semaphore_mem>>
        %dma_start3A = arith.constant 0 : i32
        %dma_start3A_24 = tpu.memref_slice %arg6[%mul3A_0, %dma_start3A] : memref<10240x16xf32, #tpu.memory_space<hbm>> -> memref<640x16xf32, #tpu.memory_space<hbm>>
        %dma_start3A_25 = arith.constant 0 : i32
        %dma_start3A_26 = tpu.memref_slice %arg7[%mul3A_0, %dma_start3A_25] : memref<10240x16xf32, #tpu.memory_space<vmem_shared>> -> memref<640x16xf32, #tpu.memory_space<vmem_shared>>
        tpu.enqueue_dma source(%dma_start3A_26 : memref<640x16xf32, #tpu.memory_space<vmem_shared>>) target(%dma_start3A_24 : memref<640x16xf32, #tpu.memory_space<hbm>>) target_semaphore(%run_scoped3A : memref<!tpu.dma_semaphore, #tpu.memory_space<semaphore_mem>>)
        %dma_wait3A = arith.constant 0 : i32
        %dma_wait3A_27 = tpu.memref_slice %arg6[%mul3A_0, %dma_wait3A] : memref<10240x16xf32, #tpu.memory_space<hbm>> -> memref<640x16xf32, #tpu.memory_space<hbm>>
        %dma_wait3A_28 = arith.constant 0 : i32
        %dma_wait3A_29 = tpu.memref_slice %arg7[%mul3A_0, %dma_wait3A_28] : memref<10240x16xf32, #tpu.memory_space<vmem_shared>> -> memref<640x16xf32, #tpu.memory_space<vmem_shared>>
        tpu.wait_dma2 semaphore(%run_scoped3A : memref<!tpu.dma_semaphore, #tpu.memory_space<semaphore_mem>>) src(%dma_wait3A_29 : memref<640x16xf32, #tpu.memory_space<vmem_shared>>) dst(%dma_wait3A_27 : memref<640x16xf32, #tpu.memory_space<hbm>>)
        tpu.yield
      }) : () -> ()
    } else {
    }
    return
  }
}

#map = affine_map<(d0, d1) -> (0, 0)>
module attributes {stable_mosaic.version = 14 : i64} {
  func.func @prop_kernel(%arg0: i32, %arg1: i32, %arg2: memref<10240x128xf32, #tpu.memory_space<hbm>>, %arg3: memref<10240x128xf32, #tpu.memory_space<hbm>>, %arg4: memref<2560x125xi32, #tpu.memory_space<hbm>>, %arg5: memref<2560x125xi32, #tpu.memory_space<hbm>>, %arg6: memref<10240x128xf32, #tpu.memory_space<hbm>>, %arg7: memref<10240x128xf32, #tpu.memory_space<hbm>>, %arg8: memref<10240x128xf32, #tpu.memory_space<vmem_shared>>, %arg9: memref<32x125xi32, #tpu.memory_space<vmem>>, %arg10: memref<32x125xi32, #tpu.memory_space<vmem>>, %arg11: memref<125x128xf32, #tpu.memory_space<vmem>>, %arg12: memref<125x128xf32, #tpu.memory_space<vmem>>, %arg13: memref<!tpu.dma_semaphore, #tpu.memory_space<semaphore_mem>>, %arg14: memref<!tpu.dma_semaphore, #tpu.memory_space<semaphore_mem>>, %arg15: memref<!tpu.dma_semaphore, #tpu.memory_space<semaphore_mem>>, %arg16: memref<!tpu.dma_semaphore, #tpu.memory_space<semaphore_mem>>, %arg17: memref<!tpu.dma_semaphore, #tpu.memory_space<semaphore_mem>>) attributes {dimension_semantics = [#tpu.dimension_semantics<core_parallel>, #tpu.dimension_semantics<subcore_parallel>], iteration_bounds = array<i64: 2, 16>, scalar_prefetch = 0 : i64, scratch_operands = 10 : i64, tpu.core_type = #tpu.core_type<sc_vector_subcore>, window_params = [{transform_indices = #map}, {transform_indices = #map}, {transform_indices = #map}, {transform_indices = #map}, {transform_indices = #map}, {transform_indices = #map}]} {
    %mul3A = arith.constant 640 : i32
    %mul3A_0 = arith.muli %arg1, %mul3A : i32
    %multiple_of3A = tpu.assume_multiple %mul3A_0, 8 : i32
    %mul3A_1 = arith.constant 160 : i32
    %mul3A_2 = arith.muli %arg1, %mul3A_1 : i32
    %eq3A = arith.constant 0 : i32
    %eq3A_3 = arith.cmpi eq, %arg0, %eq3A : i32
    %convert_element_type3A = arith.extui %eq3A_3 : i1 to i32
    %cond3A = arith.constant 0 : i32
    %cond3A_4 = arith.cmpi ne, %convert_element_type3A, %cond3A : i32
    scf.if %cond3A_4 {
      "tpu.region"() ({
        %run_scoped3A = tpu.sem_alloc : memref<!tpu.dma_semaphore, #tpu.memory_space<semaphore_mem>>
        %dma_start3A_85 = arith.constant 0 : i32
        %dma_start3A_86 = tpu.memref_slice %arg8[%multiple_of3A, %dma_start3A_85] : memref<10240x128xf32, #tpu.memory_space<vmem_shared>> -> memref<640x128xf32, #tpu.memory_space<vmem_shared>>
        %dma_start3A_87 = arith.constant 0 : i32
        %dma_start3A_88 = tpu.memref_slice %arg2[%multiple_of3A, %dma_start3A_87] : memref<10240x128xf32, #tpu.memory_space<hbm>> -> memref<640x128xf32, #tpu.memory_space<hbm>>
        tpu.enqueue_dma source(%dma_start3A_88 : memref<640x128xf32, #tpu.memory_space<hbm>>) target(%dma_start3A_86 : memref<640x128xf32, #tpu.memory_space<vmem_shared>>) target_semaphore(%run_scoped3A : memref<!tpu.dma_semaphore, #tpu.memory_space<semaphore_mem>>)
        %dma_wait3A_89 = arith.constant 0 : i32
        %dma_wait3A_90 = tpu.memref_slice %arg8[%multiple_of3A, %dma_wait3A_89] : memref<10240x128xf32, #tpu.memory_space<vmem_shared>> -> memref<640x128xf32, #tpu.memory_space<vmem_shared>>
        %dma_wait3A_91 = arith.constant 0 : i32
        %dma_wait3A_92 = tpu.memref_slice %arg2[%multiple_of3A, %dma_wait3A_91] : memref<10240x128xf32, #tpu.memory_space<hbm>> -> memref<640x128xf32, #tpu.memory_space<hbm>>
        tpu.wait_dma2 semaphore(%run_scoped3A : memref<!tpu.dma_semaphore, #tpu.memory_space<semaphore_mem>>) src(%dma_wait3A_92 : memref<640x128xf32, #tpu.memory_space<hbm>>) dst(%dma_wait3A_90 : memref<640x128xf32, #tpu.memory_space<vmem_shared>>)
        tpu.yield
      }) : () -> ()
    } else {
    }
    %eq3A_5 = arith.constant 1 : i32
    %eq3A_6 = arith.cmpi eq, %arg0, %eq3A_5 : i32
    %convert_element_type3A_7 = arith.extui %eq3A_6 : i1 to i32
    %cond3A_8 = arith.constant 0 : i32
    %cond3A_9 = arith.cmpi ne, %convert_element_type3A_7, %cond3A_8 : i32
    scf.if %cond3A_9 {
      "tpu.region"() ({
        %run_scoped3A = tpu.sem_alloc : memref<!tpu.dma_semaphore, #tpu.memory_space<semaphore_mem>>
        %dma_start3A_85 = arith.constant 0 : i32
        %dma_start3A_86 = tpu.memref_slice %arg8[%multiple_of3A, %dma_start3A_85] : memref<10240x128xf32, #tpu.memory_space<vmem_shared>> -> memref<640x128xf32, #tpu.memory_space<vmem_shared>>
        %dma_start3A_87 = arith.constant 0 : i32
        %dma_start3A_88 = tpu.memref_slice %arg3[%multiple_of3A, %dma_start3A_87] : memref<10240x128xf32, #tpu.memory_space<hbm>> -> memref<640x128xf32, #tpu.memory_space<hbm>>
        tpu.enqueue_dma source(%dma_start3A_88 : memref<640x128xf32, #tpu.memory_space<hbm>>) target(%dma_start3A_86 : memref<640x128xf32, #tpu.memory_space<vmem_shared>>) target_semaphore(%run_scoped3A : memref<!tpu.dma_semaphore, #tpu.memory_space<semaphore_mem>>)
        %dma_wait3A_89 = arith.constant 0 : i32
        %dma_wait3A_90 = tpu.memref_slice %arg8[%multiple_of3A, %dma_wait3A_89] : memref<10240x128xf32, #tpu.memory_space<vmem_shared>> -> memref<640x128xf32, #tpu.memory_space<vmem_shared>>
        %dma_wait3A_91 = arith.constant 0 : i32
        %dma_wait3A_92 = tpu.memref_slice %arg3[%multiple_of3A, %dma_wait3A_91] : memref<10240x128xf32, #tpu.memory_space<hbm>> -> memref<640x128xf32, #tpu.memory_space<hbm>>
        tpu.wait_dma2 semaphore(%run_scoped3A : memref<!tpu.dma_semaphore, #tpu.memory_space<semaphore_mem>>) src(%dma_wait3A_92 : memref<640x128xf32, #tpu.memory_space<hbm>>) dst(%dma_wait3A_90 : memref<640x128xf32, #tpu.memory_space<vmem_shared>>)
        tpu.yield
      }) : () -> ()
    } else {
    }
    %barrier3A = arith.constant 0 : index
    tpu.barrier barrier_id(%barrier3A)
    %add3A = arith.constant 0 : i32
    %add3A_10 = arith.addi %mul3A_2, %add3A : i32
    %multiple_of3A_11 = tpu.assume_multiple %add3A_10, 8 : i32
    %dma_start3A = arith.constant 0 : i32
    %dma_start3A_12 = arith.constant 0 : i32
    %dma_start3A_13 = tpu.memref_slice %arg9[%dma_start3A, %dma_start3A_12] : memref<32x125xi32, #tpu.memory_space<vmem>> -> memref<16x125xi32, #tpu.memory_space<vmem>>
    %dma_start3A_14 = arith.constant 0 : i32
    %dma_start3A_15 = tpu.memref_slice %arg4[%multiple_of3A_11, %dma_start3A_14] : memref<2560x125xi32, #tpu.memory_space<hbm>> -> memref<16x125xi32, #tpu.memory_space<hbm>>
    %dma_start3A_16 = arith.constant 0 : i32
    %dma_start3A_17 = arith.constant 0 : i32
    %dma_start3A_18 = tpu.memref_slice %arg9[%dma_start3A_16, %dma_start3A_17] : memref<32x125xi32, #tpu.memory_space<vmem>> -> memref<16x125xi32, #tpu.memory_space<vmem>>
    %dma_start3A_19 = arith.constant 0 : i32
    %dma_start3A_20 = tpu.memref_slice %arg4[%multiple_of3A_11, %dma_start3A_19] : memref<2560x125xi32, #tpu.memory_space<hbm>> -> memref<16x125xi32, #tpu.memory_space<hbm>>
    tpu.enqueue_dma source(%dma_start3A_20 : memref<16x125xi32, #tpu.memory_space<hbm>>) target(%dma_start3A_18 : memref<16x125xi32, #tpu.memory_space<vmem>>) target_semaphore(%arg17 : memref<!tpu.dma_semaphore, #tpu.memory_space<semaphore_mem>>)
    %dma_start3A_21 = arith.constant 0 : i32
    %dma_start3A_22 = arith.constant 0 : i32
    %dma_start3A_23 = tpu.memref_slice %arg10[%dma_start3A_21, %dma_start3A_22] : memref<32x125xi32, #tpu.memory_space<vmem>> -> memref<16x125xi32, #tpu.memory_space<vmem>>
    %dma_start3A_24 = arith.constant 0 : i32
    %dma_start3A_25 = tpu.memref_slice %arg5[%multiple_of3A_11, %dma_start3A_24] : memref<2560x125xi32, #tpu.memory_space<hbm>> -> memref<16x125xi32, #tpu.memory_space<hbm>>
    %dma_start3A_26 = arith.constant 0 : i32
    %dma_start3A_27 = arith.constant 0 : i32
    %dma_start3A_28 = tpu.memref_slice %arg10[%dma_start3A_26, %dma_start3A_27] : memref<32x125xi32, #tpu.memory_space<vmem>> -> memref<16x125xi32, #tpu.memory_space<vmem>>
    %dma_start3A_29 = arith.constant 0 : i32
    %dma_start3A_30 = tpu.memref_slice %arg5[%multiple_of3A_11, %dma_start3A_29] : memref<2560x125xi32, #tpu.memory_space<hbm>> -> memref<16x125xi32, #tpu.memory_space<hbm>>
    tpu.enqueue_dma source(%dma_start3A_30 : memref<16x125xi32, #tpu.memory_space<hbm>>) target(%dma_start3A_28 : memref<16x125xi32, #tpu.memory_space<vmem>>) target_semaphore(%arg17 : memref<!tpu.dma_semaphore, #tpu.memory_space<semaphore_mem>>)
    %dma_wait3A = arith.constant 0 : i32
    %dma_wait3A_31 = arith.constant 0 : i32
    %dma_wait3A_32 = tpu.memref_slice %arg9[%dma_wait3A, %dma_wait3A_31] : memref<32x125xi32, #tpu.memory_space<vmem>> -> memref<16x125xi32, #tpu.memory_space<vmem>>
    %dma_wait3A_33 = arith.constant 0 : i32
    %dma_wait3A_34 = tpu.memref_slice %arg4[%mul3A_2, %dma_wait3A_33] : memref<2560x125xi32, #tpu.memory_space<hbm>> -> memref<16x125xi32, #tpu.memory_space<hbm>>
    %dma_wait3A_35 = arith.constant 0 : i32
    %dma_wait3A_36 = arith.constant 0 : i32
    %dma_wait3A_37 = tpu.memref_slice %arg9[%dma_wait3A_35, %dma_wait3A_36] : memref<32x125xi32, #tpu.memory_space<vmem>> -> memref<16x125xi32, #tpu.memory_space<vmem>>
    %dma_wait3A_38 = arith.constant 0 : i32
    %dma_wait3A_39 = tpu.memref_slice %arg4[%mul3A_2, %dma_wait3A_38] : memref<2560x125xi32, #tpu.memory_space<hbm>> -> memref<16x125xi32, #tpu.memory_space<hbm>>
    tpu.wait_dma2 semaphore(%arg17 : memref<!tpu.dma_semaphore, #tpu.memory_space<semaphore_mem>>) src(%dma_wait3A_39 : memref<16x125xi32, #tpu.memory_space<hbm>>) dst(%dma_wait3A_37 : memref<16x125xi32, #tpu.memory_space<vmem>>)
    %dma_wait3A_40 = arith.constant 0 : i32
    %dma_wait3A_41 = arith.constant 0 : i32
    %dma_wait3A_42 = tpu.memref_slice %arg10[%dma_wait3A_40, %dma_wait3A_41] : memref<32x125xi32, #tpu.memory_space<vmem>> -> memref<16x125xi32, #tpu.memory_space<vmem>>
    %dma_wait3A_43 = arith.constant 0 : i32
    %dma_wait3A_44 = tpu.memref_slice %arg5[%mul3A_2, %dma_wait3A_43] : memref<2560x125xi32, #tpu.memory_space<hbm>> -> memref<16x125xi32, #tpu.memory_space<hbm>>
    %dma_wait3A_45 = arith.constant 0 : i32
    %dma_wait3A_46 = arith.constant 0 : i32
    %dma_wait3A_47 = tpu.memref_slice %arg10[%dma_wait3A_45, %dma_wait3A_46] : memref<32x125xi32, #tpu.memory_space<vmem>> -> memref<16x125xi32, #tpu.memory_space<vmem>>
    %dma_wait3A_48 = arith.constant 0 : i32
    %dma_wait3A_49 = tpu.memref_slice %arg5[%mul3A_2, %dma_wait3A_48] : memref<2560x125xi32, #tpu.memory_space<hbm>> -> memref<16x125xi32, #tpu.memory_space<hbm>>
    tpu.wait_dma2 semaphore(%arg17 : memref<!tpu.dma_semaphore, #tpu.memory_space<semaphore_mem>>) src(%dma_wait3A_49 : memref<16x125xi32, #tpu.memory_space<hbm>>) dst(%dma_wait3A_47 : memref<16x125xi32, #tpu.memory_space<vmem>>)
    %eq3A_50 = arith.constant 0 : i32
    %eq3A_51 = arith.cmpi eq, %arg0, %eq3A_50 : i32
    %convert_element_type3A_52 = arith.extui %eq3A_51 : i1 to i32
    %cond3A_53 = arith.constant 0 : i32
    %cond3A_54 = arith.constant 0 : i32
    %cond3A_55 = arith.cmpi ne, %convert_element_type3A_52, %cond3A_54 : i32
    scf.if %cond3A_55 {
      %dma_start3A_85 = arith.constant 0 : i32
      %dma_start3A_86 = arith.constant 0 : i32
      %dma_start3A_87 = tpu.memref_slice %arg11[%dma_start3A_85, %dma_start3A_86] : memref<125x128xf32, #tpu.memory_space<vmem>> -> memref<64x128xf32, #tpu.memory_space<vmem>>
      %dma_start3A_88 = arith.constant 0 : i32
      %dma_start3A_89 = tpu.memref_slice %arg9[%cond3A_53, %dma_start3A_88] : memref<32x125xi32, #tpu.memory_space<vmem>> -> memref<1x125xi32, #tpu.memory_space<vmem>>
      %dma_start3A_90 = tpu.memref_squeeze %dma_start3A_89 : memref<1x125xi32, #tpu.memory_space<vmem>> -> memref<125xi32, #tpu.memory_space<vmem>>
      %dma_start3A_91 = arith.constant 0 : i32
      %dma_start3A_92 = tpu.memref_slice %dma_start3A_90[%dma_start3A_91] : memref<125xi32, #tpu.memory_space<vmem>> -> memref<64xi32, #tpu.memory_space<vmem>>
      %dma_start3A_93 = arith.constant 0 : i32
      %dma_start3A_94 = arith.constant 0 : i32
      %dma_start3A_95 = tpu.memref_slice %arg2[%dma_start3A_93, %dma_start3A_94] : memref<10240x128xf32, #tpu.memory_space<hbm>> -> memref<10240x128xf32, #tpu.memory_space<hbm>>
      tpu.enqueue_indirect_dma source(%dma_start3A_95 : memref<10240x128xf32, #tpu.memory_space<hbm>>) target(%dma_start3A_87 : memref<64x128xf32, #tpu.memory_space<vmem>>) offsets(%dma_start3A_92 : memref<64xi32, #tpu.memory_space<vmem>>) semaphore(%arg13 : memref<!tpu.dma_semaphore, #tpu.memory_space<semaphore_mem>>)
      %dma_start3A_96 = arith.constant 64 : i32
      %dma_start3A_97 = arith.constant 0 : i32
      %dma_start3A_98 = tpu.memref_slice %arg11[%dma_start3A_96, %dma_start3A_97] : memref<125x128xf32, #tpu.memory_space<vmem>> -> memref<61x128xf32, #tpu.memory_space<vmem>>
      %dma_start3A_99 = arith.constant 0 : i32
      %dma_start3A_100 = tpu.memref_slice %arg9[%cond3A_53, %dma_start3A_99] : memref<32x125xi32, #tpu.memory_space<vmem>> -> memref<1x125xi32, #tpu.memory_space<vmem>>
      %dma_start3A_101 = tpu.memref_squeeze %dma_start3A_100 : memref<1x125xi32, #tpu.memory_space<vmem>> -> memref<125xi32, #tpu.memory_space<vmem>>
      %dma_start3A_102 = arith.constant 64 : i32
      %dma_start3A_103 = tpu.memref_slice %dma_start3A_101[%dma_start3A_102] : memref<125xi32, #tpu.memory_space<vmem>> -> memref<61xi32, #tpu.memory_space<vmem>>
      %dma_start3A_104 = arith.constant 0 : i32
      %dma_start3A_105 = arith.constant 0 : i32
      %dma_start3A_106 = tpu.memref_slice %arg2[%dma_start3A_104, %dma_start3A_105] : memref<10240x128xf32, #tpu.memory_space<hbm>> -> memref<10240x128xf32, #tpu.memory_space<hbm>>
      tpu.enqueue_indirect_dma source(%dma_start3A_106 : memref<10240x128xf32, #tpu.memory_space<hbm>>) target(%dma_start3A_98 : memref<61x128xf32, #tpu.memory_space<vmem>>) offsets(%dma_start3A_103 : memref<61xi32, #tpu.memory_space<vmem>>) semaphore(%arg13 : memref<!tpu.dma_semaphore, #tpu.memory_space<semaphore_mem>>)
    } else {
    }
    %eq3A_56 = arith.constant 1 : i32
    %eq3A_57 = arith.cmpi eq, %arg0, %eq3A_56 : i32
    %convert_element_type3A_58 = arith.extui %eq3A_57 : i1 to i32
    %cond3A_59 = arith.constant 0 : i32
    %cond3A_60 = arith.constant 0 : i32
    %cond3A_61 = arith.cmpi ne, %convert_element_type3A_58, %cond3A_60 : i32
    scf.if %cond3A_61 {
      %dma_start3A_85 = arith.constant 0 : i32
      %dma_start3A_86 = arith.constant 0 : i32
      %dma_start3A_87 = tpu.memref_slice %arg11[%dma_start3A_85, %dma_start3A_86] : memref<125x128xf32, #tpu.memory_space<vmem>> -> memref<64x128xf32, #tpu.memory_space<vmem>>
      %dma_start3A_88 = arith.constant 0 : i32
      %dma_start3A_89 = tpu.memref_slice %arg9[%cond3A_59, %dma_start3A_88] : memref<32x125xi32, #tpu.memory_space<vmem>> -> memref<1x125xi32, #tpu.memory_space<vmem>>
      %dma_start3A_90 = tpu.memref_squeeze %dma_start3A_89 : memref<1x125xi32, #tpu.memory_space<vmem>> -> memref<125xi32, #tpu.memory_space<vmem>>
      %dma_start3A_91 = arith.constant 0 : i32
      %dma_start3A_92 = tpu.memref_slice %dma_start3A_90[%dma_start3A_91] : memref<125xi32, #tpu.memory_space<vmem>> -> memref<64xi32, #tpu.memory_space<vmem>>
      %dma_start3A_93 = arith.constant 0 : i32
      %dma_start3A_94 = arith.constant 0 : i32
      %dma_start3A_95 = tpu.memref_slice %arg3[%dma_start3A_93, %dma_start3A_94] : memref<10240x128xf32, #tpu.memory_space<hbm>> -> memref<10240x128xf32, #tpu.memory_space<hbm>>
      tpu.enqueue_indirect_dma source(%dma_start3A_95 : memref<10240x128xf32, #tpu.memory_space<hbm>>) target(%dma_start3A_87 : memref<64x128xf32, #tpu.memory_space<vmem>>) offsets(%dma_start3A_92 : memref<64xi32, #tpu.memory_space<vmem>>) semaphore(%arg13 : memref<!tpu.dma_semaphore, #tpu.memory_space<semaphore_mem>>)
      %dma_start3A_96 = arith.constant 64 : i32
      %dma_start3A_97 = arith.constant 0 : i32
      %dma_start3A_98 = tpu.memref_slice %arg11[%dma_start3A_96, %dma_start3A_97] : memref<125x128xf32, #tpu.memory_space<vmem>> -> memref<61x128xf32, #tpu.memory_space<vmem>>
      %dma_start3A_99 = arith.constant 0 : i32
      %dma_start3A_100 = tpu.memref_slice %arg9[%cond3A_59, %dma_start3A_99] : memref<32x125xi32, #tpu.memory_space<vmem>> -> memref<1x125xi32, #tpu.memory_space<vmem>>
      %dma_start3A_101 = tpu.memref_squeeze %dma_start3A_100 : memref<1x125xi32, #tpu.memory_space<vmem>> -> memref<125xi32, #tpu.memory_space<vmem>>
      %dma_start3A_102 = arith.constant 64 : i32
      %dma_start3A_103 = tpu.memref_slice %dma_start3A_101[%dma_start3A_102] : memref<125xi32, #tpu.memory_space<vmem>> -> memref<61xi32, #tpu.memory_space<vmem>>
      %dma_start3A_104 = arith.constant 0 : i32
      %dma_start3A_105 = arith.constant 0 : i32
      %dma_start3A_106 = tpu.memref_slice %arg3[%dma_start3A_104, %dma_start3A_105] : memref<10240x128xf32, #tpu.memory_space<hbm>> -> memref<10240x128xf32, #tpu.memory_space<hbm>>
      tpu.enqueue_indirect_dma source(%dma_start3A_106 : memref<10240x128xf32, #tpu.memory_space<hbm>>) target(%dma_start3A_98 : memref<61x128xf32, #tpu.memory_space<vmem>>) offsets(%dma_start3A_103 : memref<61xi32, #tpu.memory_space<vmem>>) semaphore(%arg13 : memref<!tpu.dma_semaphore, #tpu.memory_space<semaphore_mem>>)
    } else {
    }
    %scan3A = arith.constant 0 : i32
    %scan3A_62 = arith.constant 0 : i32
    %scan3A_63 = arith.constant 80 : i32
    %scan3A_64 = arith.addi %scan3A_62, %scan3A_63 : i32
    %scan3A_65 = arith.constant 1 : i32
    scf.for %scan3A_85 = %scan3A_62 to %scan3A_64 step %scan3A_65  : i32 {
      %mul3A_86 = arith.constant 2 : i32
      %mul3A_87 = arith.muli %mul3A_86, %scan3A_85 : i32
      %add3A_88 = arith.constant 0 : i32
      %add3A_89 = arith.addi %mul3A_87, %add3A_88 : i32
      %jit3A = arith.constant 16 : i32
      %eq3A_90 = arith.constant 0 : i32
      %eq3A_91 = arith.cmpi eq, %jit3A, %eq3A_90 : i32
      %jit3A_92 = arith.constant 1 : i32
      %select_n3A = arith.select %eq3A_91, %jit3A_92, %jit3A : i32
      %rem3A = arith.remsi %add3A_89, %select_n3A : i32
      %ne3A = arith.constant 0 : i32
      %ne3A_93 = arith.cmpi ne, %rem3A, %ne3A : i32
      %lt3A = arith.constant 0 : i32
      %lt3A_94 = arith.cmpi slt, %rem3A, %lt3A : i32
      %lt3A_95 = arith.constant 0 : i32
      %lt3A_96 = arith.cmpi slt, %select_n3A, %lt3A_95 : i32
      %ne3A_97 = arith.xori %lt3A_94, %lt3A_96 : i1
      %and3A = arith.andi %ne3A_97, %ne3A_93 : i1
      %add3A_98 = arith.addi %rem3A, %select_n3A : i32
      %select_n3A_99 = arith.select %and3A, %add3A_98, %rem3A : i32
      %eq3A_100 = arith.constant 0 : i32
      %eq3A_101 = arith.cmpi eq, %select_n3A_99, %eq3A_100 : i32
      %jit3A_102 = arith.constant 16 : i32
      %div3A = arith.divsi %add3A_89, %jit3A_102 : i32
      %sign3A = arith.constant 0 : i32
      %sign3A_103 = arith.cmpi sgt, %add3A_89, %sign3A : i32
      %sign3A_104 = arith.extui %sign3A_103 : i1 to i32
      %sign3A_105 = arith.constant 0 : i32
      %sign3A_106 = arith.cmpi slt, %add3A_89, %sign3A_105 : i32
      %sign3A_107 = arith.extui %sign3A_106 : i1 to i32
      %sign3A_108 = arith.subi %sign3A_104, %sign3A_107 : i32
      %sign3A_109 = arith.constant 0 : i32
      %sign3A_110 = arith.cmpi sgt, %jit3A_102, %sign3A_109 : i32
      %sign3A_111 = arith.extui %sign3A_110 : i1 to i32
      %sign3A_112 = arith.constant 0 : i32
      %sign3A_113 = arith.cmpi slt, %jit3A_102, %sign3A_112 : i32
      %sign3A_114 = arith.extui %sign3A_113 : i1 to i32
      %sign3A_115 = arith.subi %sign3A_111, %sign3A_114 : i32
      %ne3A_116 = arith.cmpi ne, %sign3A_108, %sign3A_115 : i32
      %rem3A_117 = arith.remsi %add3A_89, %jit3A_102 : i32
      %ne3A_118 = arith.constant 0 : i32
      %ne3A_119 = arith.cmpi ne, %rem3A_117, %ne3A_118 : i32
      %and3A_120 = arith.andi %ne3A_116, %ne3A_119 : i1
      %sub3A = arith.constant 1 : i32
      %sub3A_121 = arith.subi %div3A, %sub3A : i32
      %select_n3A_122 = arith.select %and3A_120, %sub3A_121, %div3A : i32
      %ge3A = arith.constant 1 : i32
      %ge3A_123 = arith.cmpi sge, %add3A_89, %ge3A : i32
      %and3A_124 = arith.andi %ge3A_123, %eq3A_101 : i1
      %convert_element_type3A_125 = arith.extui %and3A_124 : i1 to i32
      %cond3A_126 = arith.constant 0 : i32
      %cond3A_127 = arith.cmpi ne, %convert_element_type3A_125, %cond3A_126 : i32
      scf.if %cond3A_127 {
        %sub3A_517 = arith.constant 1 : i32
        %sub3A_518 = arith.subi %add3A_89, %sub3A_517 : i32
        %jit3A_519 = arith.constant 16 : i32
        %div3A_520 = arith.divsi %sub3A_518, %jit3A_519 : i32
        %sign3A_521 = arith.constant 0 : i32
        %sign3A_522 = arith.cmpi sgt, %sub3A_518, %sign3A_521 : i32
        %sign3A_523 = arith.extui %sign3A_522 : i1 to i32
        %sign3A_524 = arith.constant 0 : i32
        %sign3A_525 = arith.cmpi slt, %sub3A_518, %sign3A_524 : i32
        %sign3A_526 = arith.extui %sign3A_525 : i1 to i32
        %sign3A_527 = arith.subi %sign3A_523, %sign3A_526 : i32
        %sign3A_528 = arith.constant 0 : i32
        %sign3A_529 = arith.cmpi sgt, %jit3A_519, %sign3A_528 : i32
        %sign3A_530 = arith.extui %sign3A_529 : i1 to i32
        %sign3A_531 = arith.constant 0 : i32
        %sign3A_532 = arith.cmpi slt, %jit3A_519, %sign3A_531 : i32
        %sign3A_533 = arith.extui %sign3A_532 : i1 to i32
        %sign3A_534 = arith.subi %sign3A_530, %sign3A_533 : i32
        %ne3A_535 = arith.cmpi ne, %sign3A_527, %sign3A_534 : i32
        %rem3A_536 = arith.remsi %sub3A_518, %jit3A_519 : i32
        %ne3A_537 = arith.constant 0 : i32
        %ne3A_538 = arith.cmpi ne, %rem3A_536, %ne3A_537 : i32
        %and3A_539 = arith.andi %ne3A_535, %ne3A_538 : i1
        %sub3A_540 = arith.constant 1 : i32
        %sub3A_541 = arith.subi %div3A_520, %sub3A_540 : i32
        %select_n3A_542 = arith.select %and3A_539, %sub3A_541, %div3A_520 : i32
        %jit3A_543 = arith.constant 2 : i32
        %eq3A_544 = arith.constant 0 : i32
        %eq3A_545 = arith.cmpi eq, %jit3A_543, %eq3A_544 : i32
        %jit3A_546 = arith.constant 1 : i32
        %select_n3A_547 = arith.select %eq3A_545, %jit3A_546, %jit3A_543 : i32
        %rem3A_548 = arith.remsi %select_n3A_542, %select_n3A_547 : i32
        %ne3A_549 = arith.constant 0 : i32
        %ne3A_550 = arith.cmpi ne, %rem3A_548, %ne3A_549 : i32
        %lt3A_551 = arith.constant 0 : i32
        %lt3A_552 = arith.cmpi slt, %rem3A_548, %lt3A_551 : i32
        %lt3A_553 = arith.constant 0 : i32
        %lt3A_554 = arith.cmpi slt, %select_n3A_547, %lt3A_553 : i32
        %ne3A_555 = arith.xori %lt3A_552, %lt3A_554 : i1
        %and3A_556 = arith.andi %ne3A_555, %ne3A_550 : i1
        %add3A_557 = arith.addi %rem3A_548, %select_n3A_547 : i32
        %select_n3A_558 = arith.select %and3A_556, %add3A_557, %rem3A_548 : i32
        %mul3A_559 = arith.constant 16 : i32
        %mul3A_560 = arith.muli %select_n3A_558, %mul3A_559 : i32
        %jit3A_561 = arith.constant 16 : i32
        %eq3A_562 = arith.constant 0 : i32
        %eq3A_563 = arith.cmpi eq, %jit3A_561, %eq3A_562 : i32
        %jit3A_564 = arith.constant 1 : i32
        %select_n3A_565 = arith.select %eq3A_563, %jit3A_564, %jit3A_561 : i32
        %rem3A_566 = arith.remsi %sub3A_518, %select_n3A_565 : i32
        %ne3A_567 = arith.constant 0 : i32
        %ne3A_568 = arith.cmpi ne, %rem3A_566, %ne3A_567 : i32
        %lt3A_569 = arith.constant 0 : i32
        %lt3A_570 = arith.cmpi slt, %rem3A_566, %lt3A_569 : i32
        %lt3A_571 = arith.constant 0 : i32
        %lt3A_572 = arith.cmpi slt, %select_n3A_565, %lt3A_571 : i32
        %ne3A_573 = arith.xori %lt3A_570, %lt3A_572 : i1
        %and3A_574 = arith.andi %ne3A_573, %ne3A_568 : i1
        %add3A_575 = arith.addi %rem3A_566, %select_n3A_565 : i32
        %select_n3A_576 = arith.select %and3A_574, %add3A_575, %rem3A_566 : i32
        %add3A_577 = arith.addi %mul3A_560, %select_n3A_576 : i32
        %dma_wait3A_578 = arith.constant 0 : i32
        %dma_wait3A_579 = tpu.memref_slice %arg10[%add3A_577, %dma_wait3A_578] : memref<32x125xi32, #tpu.memory_space<vmem>> -> memref<1x125xi32, #tpu.memory_space<vmem>>
        %dma_wait3A_580 = tpu.memref_squeeze %dma_wait3A_579 : memref<1x125xi32, #tpu.memory_space<vmem>> -> memref<125xi32, #tpu.memory_space<vmem>>
        %dma_wait3A_581 = arith.constant 0 : i32
        %dma_wait3A_582 = arith.constant 0 : i32
        %dma_wait3A_583 = tpu.memref_slice %arg8[%dma_wait3A_581, %dma_wait3A_582] : memref<10240x128xf32, #tpu.memory_space<vmem_shared>> -> memref<10240x128xf32, #tpu.memory_space<vmem_shared>>
        tpu.wait_indirect_dma semaphore(%arg16 : memref<!tpu.dma_semaphore, #tpu.memory_space<semaphore_mem>>) src(%arg12 : memref<125x128xf32, #tpu.memory_space<vmem>>) dst(%dma_wait3A_583 : memref<10240x128xf32, #tpu.memory_space<vmem_shared>>)
      } else {
      }
      %add3A_128 = arith.constant 16 : i32
      %add3A_129 = arith.addi %add3A_89, %add3A_128 : i32
      %lt3A_130 = arith.constant 160 : i32
      %lt3A_131 = arith.cmpi slt, %add3A_129, %lt3A_130 : i32
      %and3A_132 = arith.andi %eq3A_101, %lt3A_131 : i1
      %convert_element_type3A_133 = arith.extui %and3A_132 : i1 to i32
      %cond3A_134 = arith.constant 0 : i32
      %cond3A_135 = arith.cmpi ne, %convert_element_type3A_133, %cond3A_134 : i32
      scf.if %cond3A_135 {
        %add3A_517 = arith.constant 1 : i32
        %add3A_518 = arith.addi %select_n3A_122, %add3A_517 : i32
        %mul3A_519 = arith.constant 16 : i32
        %mul3A_520 = arith.muli %add3A_518, %mul3A_519 : i32
        %add3A_521 = arith.addi %mul3A_2, %mul3A_520 : i32
        %multiple_of3A_522 = tpu.assume_multiple %add3A_521, 8 : i32
        %jit3A_523 = arith.constant 2 : i32
        %eq3A_524 = arith.constant 0 : i32
        %eq3A_525 = arith.cmpi eq, %jit3A_523, %eq3A_524 : i32
        %jit3A_526 = arith.constant 1 : i32
        %select_n3A_527 = arith.select %eq3A_525, %jit3A_526, %jit3A_523 : i32
        %rem3A_528 = arith.remsi %add3A_518, %select_n3A_527 : i32
        %ne3A_529 = arith.constant 0 : i32
        %ne3A_530 = arith.cmpi ne, %rem3A_528, %ne3A_529 : i32
        %lt3A_531 = arith.constant 0 : i32
        %lt3A_532 = arith.cmpi slt, %rem3A_528, %lt3A_531 : i32
        %lt3A_533 = arith.constant 0 : i32
        %lt3A_534 = arith.cmpi slt, %select_n3A_527, %lt3A_533 : i32
        %ne3A_535 = arith.xori %lt3A_532, %lt3A_534 : i1
        %and3A_536 = arith.andi %ne3A_535, %ne3A_530 : i1
        %add3A_537 = arith.addi %rem3A_528, %select_n3A_527 : i32
        %select_n3A_538 = arith.select %and3A_536, %add3A_537, %rem3A_528 : i32
        %mul3A_539 = arith.constant 16 : i32
        %mul3A_540 = arith.muli %select_n3A_538, %mul3A_539 : i32
        %dma_start3A_541 = arith.constant 0 : i32
        %dma_start3A_542 = tpu.memref_slice %arg9[%mul3A_540, %dma_start3A_541] : memref<32x125xi32, #tpu.memory_space<vmem>> -> memref<16x125xi32, #tpu.memory_space<vmem>>
        %dma_start3A_543 = arith.constant 0 : i32
        %dma_start3A_544 = tpu.memref_slice %arg4[%multiple_of3A_522, %dma_start3A_543] : memref<2560x125xi32, #tpu.memory_space<hbm>> -> memref<16x125xi32, #tpu.memory_space<hbm>>
        %dma_start3A_545 = arith.constant 0 : i32
        %dma_start3A_546 = tpu.memref_slice %arg9[%mul3A_540, %dma_start3A_545] : memref<32x125xi32, #tpu.memory_space<vmem>> -> memref<16x125xi32, #tpu.memory_space<vmem>>
        %dma_start3A_547 = arith.constant 0 : i32
        %dma_start3A_548 = tpu.memref_slice %arg4[%multiple_of3A_522, %dma_start3A_547] : memref<2560x125xi32, #tpu.memory_space<hbm>> -> memref<16x125xi32, #tpu.memory_space<hbm>>
        tpu.enqueue_dma source(%dma_start3A_548 : memref<16x125xi32, #tpu.memory_space<hbm>>) target(%dma_start3A_546 : memref<16x125xi32, #tpu.memory_space<vmem>>) target_semaphore(%arg17 : memref<!tpu.dma_semaphore, #tpu.memory_space<semaphore_mem>>)
        %dma_start3A_549 = arith.constant 0 : i32
        %dma_start3A_550 = tpu.memref_slice %arg10[%mul3A_540, %dma_start3A_549] : memref<32x125xi32, #tpu.memory_space<vmem>> -> memref<16x125xi32, #tpu.memory_space<vmem>>
        %dma_start3A_551 = arith.constant 0 : i32
        %dma_start3A_552 = tpu.memref_slice %arg5[%multiple_of3A_522, %dma_start3A_551] : memref<2560x125xi32, #tpu.memory_space<hbm>> -> memref<16x125xi32, #tpu.memory_space<hbm>>
        %dma_start3A_553 = arith.constant 0 : i32
        %dma_start3A_554 = tpu.memref_slice %arg10[%mul3A_540, %dma_start3A_553] : memref<32x125xi32, #tpu.memory_space<vmem>> -> memref<16x125xi32, #tpu.memory_space<vmem>>
        %dma_start3A_555 = arith.constant 0 : i32
        %dma_start3A_556 = tpu.memref_slice %arg5[%multiple_of3A_522, %dma_start3A_555] : memref<2560x125xi32, #tpu.memory_space<hbm>> -> memref<16x125xi32, #tpu.memory_space<hbm>>
        tpu.enqueue_dma source(%dma_start3A_556 : memref<16x125xi32, #tpu.memory_space<hbm>>) target(%dma_start3A_554 : memref<16x125xi32, #tpu.memory_space<vmem>>) target_semaphore(%arg17 : memref<!tpu.dma_semaphore, #tpu.memory_space<semaphore_mem>>)
      } else {
      }
      %jit3A_136 = arith.constant 16 : i32
      %div3A_137 = arith.divsi %add3A_89, %jit3A_136 : i32
      %sign3A_138 = arith.constant 0 : i32
      %sign3A_139 = arith.cmpi sgt, %add3A_89, %sign3A_138 : i32
      %sign3A_140 = arith.extui %sign3A_139 : i1 to i32
      %sign3A_141 = arith.constant 0 : i32
      %sign3A_142 = arith.cmpi slt, %add3A_89, %sign3A_141 : i32
      %sign3A_143 = arith.extui %sign3A_142 : i1 to i32
      %sign3A_144 = arith.subi %sign3A_140, %sign3A_143 : i32
      %sign3A_145 = arith.constant 0 : i32
      %sign3A_146 = arith.cmpi sgt, %jit3A_136, %sign3A_145 : i32
      %sign3A_147 = arith.extui %sign3A_146 : i1 to i32
      %sign3A_148 = arith.constant 0 : i32
      %sign3A_149 = arith.cmpi slt, %jit3A_136, %sign3A_148 : i32
      %sign3A_150 = arith.extui %sign3A_149 : i1 to i32
      %sign3A_151 = arith.subi %sign3A_147, %sign3A_150 : i32
      %ne3A_152 = arith.cmpi ne, %sign3A_144, %sign3A_151 : i32
      %rem3A_153 = arith.remsi %add3A_89, %jit3A_136 : i32
      %ne3A_154 = arith.constant 0 : i32
      %ne3A_155 = arith.cmpi ne, %rem3A_153, %ne3A_154 : i32
      %and3A_156 = arith.andi %ne3A_152, %ne3A_155 : i1
      %sub3A_157 = arith.constant 1 : i32
      %sub3A_158 = arith.subi %div3A_137, %sub3A_157 : i32
      %select_n3A_159 = arith.select %and3A_156, %sub3A_158, %div3A_137 : i32
      %jit3A_160 = arith.constant 2 : i32
      %eq3A_161 = arith.constant 0 : i32
      %eq3A_162 = arith.cmpi eq, %jit3A_160, %eq3A_161 : i32
      %jit3A_163 = arith.constant 1 : i32
      %select_n3A_164 = arith.select %eq3A_162, %jit3A_163, %jit3A_160 : i32
      %rem3A_165 = arith.remsi %select_n3A_159, %select_n3A_164 : i32
      %ne3A_166 = arith.constant 0 : i32
      %ne3A_167 = arith.cmpi ne, %rem3A_165, %ne3A_166 : i32
      %lt3A_168 = arith.constant 0 : i32
      %lt3A_169 = arith.cmpi slt, %rem3A_165, %lt3A_168 : i32
      %lt3A_170 = arith.constant 0 : i32
      %lt3A_171 = arith.cmpi slt, %select_n3A_164, %lt3A_170 : i32
      %ne3A_172 = arith.xori %lt3A_169, %lt3A_171 : i1
      %and3A_173 = arith.andi %ne3A_172, %ne3A_167 : i1
      %add3A_174 = arith.addi %rem3A_165, %select_n3A_164 : i32
      %select_n3A_175 = arith.select %and3A_173, %add3A_174, %rem3A_165 : i32
      %mul3A_176 = arith.constant 16 : i32
      %mul3A_177 = arith.muli %select_n3A_175, %mul3A_176 : i32
      %jit3A_178 = arith.constant 16 : i32
      %eq3A_179 = arith.constant 0 : i32
      %eq3A_180 = arith.cmpi eq, %jit3A_178, %eq3A_179 : i32
      %jit3A_181 = arith.constant 1 : i32
      %select_n3A_182 = arith.select %eq3A_180, %jit3A_181, %jit3A_178 : i32
      %rem3A_183 = arith.remsi %add3A_89, %select_n3A_182 : i32
      %ne3A_184 = arith.constant 0 : i32
      %ne3A_185 = arith.cmpi ne, %rem3A_183, %ne3A_184 : i32
      %lt3A_186 = arith.constant 0 : i32
      %lt3A_187 = arith.cmpi slt, %rem3A_183, %lt3A_186 : i32
      %lt3A_188 = arith.constant 0 : i32
      %lt3A_189 = arith.cmpi slt, %select_n3A_182, %lt3A_188 : i32
      %ne3A_190 = arith.xori %lt3A_187, %lt3A_189 : i1
      %and3A_191 = arith.andi %ne3A_190, %ne3A_185 : i1
      %add3A_192 = arith.addi %rem3A_183, %select_n3A_182 : i32
      %select_n3A_193 = arith.select %and3A_191, %add3A_192, %rem3A_183 : i32
      %add3A_194 = arith.addi %mul3A_177, %select_n3A_193 : i32
      %dma_wait3A_195 = arith.constant 0 : i32
      %dma_wait3A_196 = arith.constant 0 : i32
      %dma_wait3A_197 = tpu.memref_slice %arg11[%dma_wait3A_195, %dma_wait3A_196] : memref<125x128xf32, #tpu.memory_space<vmem>> -> memref<64x128xf32, #tpu.memory_space<vmem>>
      %dma_wait3A_198 = arith.constant 0 : i32
      %dma_wait3A_199 = tpu.memref_slice %arg9[%add3A_194, %dma_wait3A_198] : memref<32x125xi32, #tpu.memory_space<vmem>> -> memref<1x125xi32, #tpu.memory_space<vmem>>
      %dma_wait3A_200 = tpu.memref_squeeze %dma_wait3A_199 : memref<1x125xi32, #tpu.memory_space<vmem>> -> memref<125xi32, #tpu.memory_space<vmem>>
      %dma_wait3A_201 = arith.constant 0 : i32
      %dma_wait3A_202 = tpu.memref_slice %dma_wait3A_200[%dma_wait3A_201] : memref<125xi32, #tpu.memory_space<vmem>> -> memref<64xi32, #tpu.memory_space<vmem>>
      %dma_wait3A_203 = arith.constant 0 : i32
      %dma_wait3A_204 = arith.constant 0 : i32
      %dma_wait3A_205 = tpu.memref_slice %arg2[%dma_wait3A_203, %dma_wait3A_204] : memref<10240x128xf32, #tpu.memory_space<hbm>> -> memref<10240x128xf32, #tpu.memory_space<hbm>>
      tpu.wait_indirect_dma semaphore(%arg13 : memref<!tpu.dma_semaphore, #tpu.memory_space<semaphore_mem>>) src(%dma_wait3A_205 : memref<10240x128xf32, #tpu.memory_space<hbm>>) dst(%dma_wait3A_197 : memref<64x128xf32, #tpu.memory_space<vmem>>)
      %dma_wait3A_206 = arith.constant 64 : i32
      %dma_wait3A_207 = arith.constant 0 : i32
      %dma_wait3A_208 = tpu.memref_slice %arg11[%dma_wait3A_206, %dma_wait3A_207] : memref<125x128xf32, #tpu.memory_space<vmem>> -> memref<61x128xf32, #tpu.memory_space<vmem>>
      %dma_wait3A_209 = arith.constant 0 : i32
      %dma_wait3A_210 = tpu.memref_slice %arg9[%add3A_194, %dma_wait3A_209] : memref<32x125xi32, #tpu.memory_space<vmem>> -> memref<1x125xi32, #tpu.memory_space<vmem>>
      %dma_wait3A_211 = tpu.memref_squeeze %dma_wait3A_210 : memref<1x125xi32, #tpu.memory_space<vmem>> -> memref<125xi32, #tpu.memory_space<vmem>>
      %dma_wait3A_212 = arith.constant 64 : i32
      %dma_wait3A_213 = tpu.memref_slice %dma_wait3A_211[%dma_wait3A_212] : memref<125xi32, #tpu.memory_space<vmem>> -> memref<61xi32, #tpu.memory_space<vmem>>
      %dma_wait3A_214 = arith.constant 0 : i32
      %dma_wait3A_215 = arith.constant 0 : i32
      %dma_wait3A_216 = tpu.memref_slice %arg2[%dma_wait3A_214, %dma_wait3A_215] : memref<10240x128xf32, #tpu.memory_space<hbm>> -> memref<10240x128xf32, #tpu.memory_space<hbm>>
      tpu.wait_indirect_dma semaphore(%arg13 : memref<!tpu.dma_semaphore, #tpu.memory_space<semaphore_mem>>) src(%dma_wait3A_216 : memref<10240x128xf32, #tpu.memory_space<hbm>>) dst(%dma_wait3A_208 : memref<61x128xf32, #tpu.memory_space<vmem>>)
      %jit3A_217 = arith.constant 16 : i32
      %div3A_218 = arith.divsi %add3A_89, %jit3A_217 : i32
      %sign3A_219 = arith.constant 0 : i32
      %sign3A_220 = arith.cmpi sgt, %add3A_89, %sign3A_219 : i32
      %sign3A_221 = arith.extui %sign3A_220 : i1 to i32
      %sign3A_222 = arith.constant 0 : i32
      %sign3A_223 = arith.cmpi slt, %add3A_89, %sign3A_222 : i32
      %sign3A_224 = arith.extui %sign3A_223 : i1 to i32
      %sign3A_225 = arith.subi %sign3A_221, %sign3A_224 : i32
      %sign3A_226 = arith.constant 0 : i32
      %sign3A_227 = arith.cmpi sgt, %jit3A_217, %sign3A_226 : i32
      %sign3A_228 = arith.extui %sign3A_227 : i1 to i32
      %sign3A_229 = arith.constant 0 : i32
      %sign3A_230 = arith.cmpi slt, %jit3A_217, %sign3A_229 : i32
      %sign3A_231 = arith.extui %sign3A_230 : i1 to i32
      %sign3A_232 = arith.subi %sign3A_228, %sign3A_231 : i32
      %ne3A_233 = arith.cmpi ne, %sign3A_225, %sign3A_232 : i32
      %rem3A_234 = arith.remsi %add3A_89, %jit3A_217 : i32
      %ne3A_235 = arith.constant 0 : i32
      %ne3A_236 = arith.cmpi ne, %rem3A_234, %ne3A_235 : i32
      %and3A_237 = arith.andi %ne3A_233, %ne3A_236 : i1
      %sub3A_238 = arith.constant 1 : i32
      %sub3A_239 = arith.subi %div3A_218, %sub3A_238 : i32
      %select_n3A_240 = arith.select %and3A_237, %sub3A_239, %div3A_218 : i32
      %jit3A_241 = arith.constant 2 : i32
      %eq3A_242 = arith.constant 0 : i32
      %eq3A_243 = arith.cmpi eq, %jit3A_241, %eq3A_242 : i32
      %jit3A_244 = arith.constant 1 : i32
      %select_n3A_245 = arith.select %eq3A_243, %jit3A_244, %jit3A_241 : i32
      %rem3A_246 = arith.remsi %select_n3A_240, %select_n3A_245 : i32
      %ne3A_247 = arith.constant 0 : i32
      %ne3A_248 = arith.cmpi ne, %rem3A_246, %ne3A_247 : i32
      %lt3A_249 = arith.constant 0 : i32
      %lt3A_250 = arith.cmpi slt, %rem3A_246, %lt3A_249 : i32
      %lt3A_251 = arith.constant 0 : i32
      %lt3A_252 = arith.cmpi slt, %select_n3A_245, %lt3A_251 : i32
      %ne3A_253 = arith.xori %lt3A_250, %lt3A_252 : i1
      %and3A_254 = arith.andi %ne3A_253, %ne3A_248 : i1
      %add3A_255 = arith.addi %rem3A_246, %select_n3A_245 : i32
      %select_n3A_256 = arith.select %and3A_254, %add3A_255, %rem3A_246 : i32
      %mul3A_257 = arith.constant 16 : i32
      %mul3A_258 = arith.muli %select_n3A_256, %mul3A_257 : i32
      %jit3A_259 = arith.constant 16 : i32
      %eq3A_260 = arith.constant 0 : i32
      %eq3A_261 = arith.cmpi eq, %jit3A_259, %eq3A_260 : i32
      %jit3A_262 = arith.constant 1 : i32
      %select_n3A_263 = arith.select %eq3A_261, %jit3A_262, %jit3A_259 : i32
      %rem3A_264 = arith.remsi %add3A_89, %select_n3A_263 : i32
      %ne3A_265 = arith.constant 0 : i32
      %ne3A_266 = arith.cmpi ne, %rem3A_264, %ne3A_265 : i32
      %lt3A_267 = arith.constant 0 : i32
      %lt3A_268 = arith.cmpi slt, %rem3A_264, %lt3A_267 : i32
      %lt3A_269 = arith.constant 0 : i32
      %lt3A_270 = arith.cmpi slt, %select_n3A_263, %lt3A_269 : i32
      %ne3A_271 = arith.xori %lt3A_268, %lt3A_270 : i1
      %and3A_272 = arith.andi %ne3A_271, %ne3A_266 : i1
      %add3A_273 = arith.addi %rem3A_264, %select_n3A_263 : i32
      %select_n3A_274 = arith.select %and3A_272, %add3A_273, %rem3A_264 : i32
      %add3A_275 = arith.addi %mul3A_258, %select_n3A_274 : i32
      %dma_start3A_276 = arith.constant 0 : i32
      %dma_start3A_277 = tpu.memref_slice %arg10[%add3A_275, %dma_start3A_276] : memref<32x125xi32, #tpu.memory_space<vmem>> -> memref<1x125xi32, #tpu.memory_space<vmem>>
      %dma_start3A_278 = tpu.memref_squeeze %dma_start3A_277 : memref<1x125xi32, #tpu.memory_space<vmem>> -> memref<125xi32, #tpu.memory_space<vmem>>
      %dma_start3A_279 = arith.constant 0 : i32
      %dma_start3A_280 = arith.constant 0 : i32
      %dma_start3A_281 = tpu.memref_slice %arg8[%dma_start3A_279, %dma_start3A_280] : memref<10240x128xf32, #tpu.memory_space<vmem_shared>> -> memref<10240x128xf32, #tpu.memory_space<vmem_shared>>
      tpu.enqueue_indirect_dma source(%arg11 : memref<125x128xf32, #tpu.memory_space<vmem>>) target(%dma_start3A_281 : memref<10240x128xf32, #tpu.memory_space<vmem_shared>>) offsets(%dma_start3A_278 : memref<125xi32, #tpu.memory_space<vmem>>) semaphore(%arg15 : memref<!tpu.dma_semaphore, #tpu.memory_space<semaphore_mem>>) {add = true}
      %ge3A_282 = arith.constant 1 : i32
      %ge3A_283 = arith.cmpi sge, %add3A_89, %ge3A_282 : i32
      %not3A = arith.constant true
      %not3A_284 = arith.xori %eq3A_101, %not3A : i1
      %and3A_285 = arith.andi %ge3A_283, %not3A_284 : i1
      %convert_element_type3A_286 = arith.extui %and3A_285 : i1 to i32
      %cond3A_287 = arith.constant 0 : i32
      %cond3A_288 = arith.cmpi ne, %convert_element_type3A_286, %cond3A_287 : i32
      scf.if %cond3A_288 {
        %sub3A_517 = arith.constant 1 : i32
        %sub3A_518 = arith.subi %add3A_89, %sub3A_517 : i32
        %jit3A_519 = arith.constant 16 : i32
        %div3A_520 = arith.divsi %sub3A_518, %jit3A_519 : i32
        %sign3A_521 = arith.constant 0 : i32
        %sign3A_522 = arith.cmpi sgt, %sub3A_518, %sign3A_521 : i32
        %sign3A_523 = arith.extui %sign3A_522 : i1 to i32
        %sign3A_524 = arith.constant 0 : i32
        %sign3A_525 = arith.cmpi slt, %sub3A_518, %sign3A_524 : i32
        %sign3A_526 = arith.extui %sign3A_525 : i1 to i32
        %sign3A_527 = arith.subi %sign3A_523, %sign3A_526 : i32
        %sign3A_528 = arith.constant 0 : i32
        %sign3A_529 = arith.cmpi sgt, %jit3A_519, %sign3A_528 : i32
        %sign3A_530 = arith.extui %sign3A_529 : i1 to i32
        %sign3A_531 = arith.constant 0 : i32
        %sign3A_532 = arith.cmpi slt, %jit3A_519, %sign3A_531 : i32
        %sign3A_533 = arith.extui %sign3A_532 : i1 to i32
        %sign3A_534 = arith.subi %sign3A_530, %sign3A_533 : i32
        %ne3A_535 = arith.cmpi ne, %sign3A_527, %sign3A_534 : i32
        %rem3A_536 = arith.remsi %sub3A_518, %jit3A_519 : i32
        %ne3A_537 = arith.constant 0 : i32
        %ne3A_538 = arith.cmpi ne, %rem3A_536, %ne3A_537 : i32
        %and3A_539 = arith.andi %ne3A_535, %ne3A_538 : i1
        %sub3A_540 = arith.constant 1 : i32
        %sub3A_541 = arith.subi %div3A_520, %sub3A_540 : i32
        %select_n3A_542 = arith.select %and3A_539, %sub3A_541, %div3A_520 : i32
        %jit3A_543 = arith.constant 2 : i32
        %eq3A_544 = arith.constant 0 : i32
        %eq3A_545 = arith.cmpi eq, %jit3A_543, %eq3A_544 : i32
        %jit3A_546 = arith.constant 1 : i32
        %select_n3A_547 = arith.select %eq3A_545, %jit3A_546, %jit3A_543 : i32
        %rem3A_548 = arith.remsi %select_n3A_542, %select_n3A_547 : i32
        %ne3A_549 = arith.constant 0 : i32
        %ne3A_550 = arith.cmpi ne, %rem3A_548, %ne3A_549 : i32
        %lt3A_551 = arith.constant 0 : i32
        %lt3A_552 = arith.cmpi slt, %rem3A_548, %lt3A_551 : i32
        %lt3A_553 = arith.constant 0 : i32
        %lt3A_554 = arith.cmpi slt, %select_n3A_547, %lt3A_553 : i32
        %ne3A_555 = arith.xori %lt3A_552, %lt3A_554 : i1
        %and3A_556 = arith.andi %ne3A_555, %ne3A_550 : i1
        %add3A_557 = arith.addi %rem3A_548, %select_n3A_547 : i32
        %select_n3A_558 = arith.select %and3A_556, %add3A_557, %rem3A_548 : i32
        %mul3A_559 = arith.constant 16 : i32
        %mul3A_560 = arith.muli %select_n3A_558, %mul3A_559 : i32
        %jit3A_561 = arith.constant 16 : i32
        %eq3A_562 = arith.constant 0 : i32
        %eq3A_563 = arith.cmpi eq, %jit3A_561, %eq3A_562 : i32
        %jit3A_564 = arith.constant 1 : i32
        %select_n3A_565 = arith.select %eq3A_563, %jit3A_564, %jit3A_561 : i32
        %rem3A_566 = arith.remsi %sub3A_518, %select_n3A_565 : i32
        %ne3A_567 = arith.constant 0 : i32
        %ne3A_568 = arith.cmpi ne, %rem3A_566, %ne3A_567 : i32
        %lt3A_569 = arith.constant 0 : i32
        %lt3A_570 = arith.cmpi slt, %rem3A_566, %lt3A_569 : i32
        %lt3A_571 = arith.constant 0 : i32
        %lt3A_572 = arith.cmpi slt, %select_n3A_565, %lt3A_571 : i32
        %ne3A_573 = arith.xori %lt3A_570, %lt3A_572 : i1
        %and3A_574 = arith.andi %ne3A_573, %ne3A_568 : i1
        %add3A_575 = arith.addi %rem3A_566, %select_n3A_565 : i32
        %select_n3A_576 = arith.select %and3A_574, %add3A_575, %rem3A_566 : i32
        %add3A_577 = arith.addi %mul3A_560, %select_n3A_576 : i32
        %dma_wait3A_578 = arith.constant 0 : i32
        %dma_wait3A_579 = tpu.memref_slice %arg10[%add3A_577, %dma_wait3A_578] : memref<32x125xi32, #tpu.memory_space<vmem>> -> memref<1x125xi32, #tpu.memory_space<vmem>>
        %dma_wait3A_580 = tpu.memref_squeeze %dma_wait3A_579 : memref<1x125xi32, #tpu.memory_space<vmem>> -> memref<125xi32, #tpu.memory_space<vmem>>
        %dma_wait3A_581 = arith.constant 0 : i32
        %dma_wait3A_582 = arith.constant 0 : i32
        %dma_wait3A_583 = tpu.memref_slice %arg8[%dma_wait3A_581, %dma_wait3A_582] : memref<10240x128xf32, #tpu.memory_space<vmem_shared>> -> memref<10240x128xf32, #tpu.memory_space<vmem_shared>>
        tpu.wait_indirect_dma semaphore(%arg16 : memref<!tpu.dma_semaphore, #tpu.memory_space<semaphore_mem>>) src(%arg12 : memref<125x128xf32, #tpu.memory_space<vmem>>) dst(%dma_wait3A_583 : memref<10240x128xf32, #tpu.memory_space<vmem_shared>>)
      } else {
      }
      %add3A_289 = arith.constant 1 : i32
      %add3A_290 = arith.addi %add3A_89, %add3A_289 : i32
      %lt3A_291 = arith.constant 160 : i32
      %lt3A_292 = arith.cmpi slt, %add3A_290, %lt3A_291 : i32
      %convert_element_type3A_293 = arith.extui %lt3A_292 : i1 to i32
      %cond3A_294 = arith.constant 0 : i32
      %cond3A_295 = arith.cmpi ne, %convert_element_type3A_293, %cond3A_294 : i32
      scf.if %cond3A_295 {
        %add3A_517 = arith.constant 1 : i32
        %add3A_518 = arith.addi %add3A_89, %add3A_517 : i32
        %jit3A_519 = arith.constant 16 : i32
        %eq3A_520 = arith.constant 0 : i32
        %eq3A_521 = arith.cmpi eq, %jit3A_519, %eq3A_520 : i32
        %jit3A_522 = arith.constant 1 : i32
        %select_n3A_523 = arith.select %eq3A_521, %jit3A_522, %jit3A_519 : i32
        %rem3A_524 = arith.remsi %add3A_518, %select_n3A_523 : i32
        %ne3A_525 = arith.constant 0 : i32
        %ne3A_526 = arith.cmpi ne, %rem3A_524, %ne3A_525 : i32
        %lt3A_527 = arith.constant 0 : i32
        %lt3A_528 = arith.cmpi slt, %rem3A_524, %lt3A_527 : i32
        %lt3A_529 = arith.constant 0 : i32
        %lt3A_530 = arith.cmpi slt, %select_n3A_523, %lt3A_529 : i32
        %ne3A_531 = arith.xori %lt3A_528, %lt3A_530 : i1
        %and3A_532 = arith.andi %ne3A_531, %ne3A_526 : i1
        %add3A_533 = arith.addi %rem3A_524, %select_n3A_523 : i32
        %select_n3A_534 = arith.select %and3A_532, %add3A_533, %rem3A_524 : i32
        %eq3A_535 = arith.constant 0 : i32
        %eq3A_536 = arith.cmpi eq, %select_n3A_534, %eq3A_535 : i32
        %convert_element_type3A_537 = arith.extui %eq3A_536 : i1 to i32
        %cond3A_538 = arith.constant 0 : i32
        %cond3A_539 = arith.cmpi ne, %convert_element_type3A_537, %cond3A_538 : i32
        scf.if %cond3A_539 {
          %add3A_611 = arith.constant 1 : i32
          %add3A_612 = arith.addi %add3A_89, %add3A_611 : i32
          %jit3A_613 = arith.constant 16 : i32
          %div3A_614 = arith.divsi %add3A_612, %jit3A_613 : i32
          %sign3A_615 = arith.constant 0 : i32
          %sign3A_616 = arith.cmpi sgt, %add3A_612, %sign3A_615 : i32
          %sign3A_617 = arith.extui %sign3A_616 : i1 to i32
          %sign3A_618 = arith.constant 0 : i32
          %sign3A_619 = arith.cmpi slt, %add3A_612, %sign3A_618 : i32
          %sign3A_620 = arith.extui %sign3A_619 : i1 to i32
          %sign3A_621 = arith.subi %sign3A_617, %sign3A_620 : i32
          %sign3A_622 = arith.constant 0 : i32
          %sign3A_623 = arith.cmpi sgt, %jit3A_613, %sign3A_622 : i32
          %sign3A_624 = arith.extui %sign3A_623 : i1 to i32
          %sign3A_625 = arith.constant 0 : i32
          %sign3A_626 = arith.cmpi slt, %jit3A_613, %sign3A_625 : i32
          %sign3A_627 = arith.extui %sign3A_626 : i1 to i32
          %sign3A_628 = arith.subi %sign3A_624, %sign3A_627 : i32
          %ne3A_629 = arith.cmpi ne, %sign3A_621, %sign3A_628 : i32
          %rem3A_630 = arith.remsi %add3A_612, %jit3A_613 : i32
          %ne3A_631 = arith.constant 0 : i32
          %ne3A_632 = arith.cmpi ne, %rem3A_630, %ne3A_631 : i32
          %and3A_633 = arith.andi %ne3A_629, %ne3A_632 : i1
          %sub3A_634 = arith.constant 1 : i32
          %sub3A_635 = arith.subi %div3A_614, %sub3A_634 : i32
          %select_n3A_636 = arith.select %and3A_633, %sub3A_635, %div3A_614 : i32
          %jit3A_637 = arith.constant 2 : i32
          %eq3A_638 = arith.constant 0 : i32
          %eq3A_639 = arith.cmpi eq, %jit3A_637, %eq3A_638 : i32
          %jit3A_640 = arith.constant 1 : i32
          %select_n3A_641 = arith.select %eq3A_639, %jit3A_640, %jit3A_637 : i32
          %rem3A_642 = arith.remsi %select_n3A_636, %select_n3A_641 : i32
          %ne3A_643 = arith.constant 0 : i32
          %ne3A_644 = arith.cmpi ne, %rem3A_642, %ne3A_643 : i32
          %lt3A_645 = arith.constant 0 : i32
          %lt3A_646 = arith.cmpi slt, %rem3A_642, %lt3A_645 : i32
          %lt3A_647 = arith.constant 0 : i32
          %lt3A_648 = arith.cmpi slt, %select_n3A_641, %lt3A_647 : i32
          %ne3A_649 = arith.xori %lt3A_646, %lt3A_648 : i1
          %and3A_650 = arith.andi %ne3A_649, %ne3A_644 : i1
          %add3A_651 = arith.addi %rem3A_642, %select_n3A_641 : i32
          %select_n3A_652 = arith.select %and3A_650, %add3A_651, %rem3A_642 : i32
          %mul3A_653 = arith.constant 16 : i32
          %mul3A_654 = arith.muli %select_n3A_652, %mul3A_653 : i32
          %dma_wait3A_655 = arith.constant 0 : i32
          %dma_wait3A_656 = tpu.memref_slice %arg9[%mul3A_654, %dma_wait3A_655] : memref<32x125xi32, #tpu.memory_space<vmem>> -> memref<16x125xi32, #tpu.memory_space<vmem>>
          %dma_wait3A_657 = arith.constant 0 : i32
          %dma_wait3A_658 = tpu.memref_slice %arg4[%mul3A_2, %dma_wait3A_657] : memref<2560x125xi32, #tpu.memory_space<hbm>> -> memref<16x125xi32, #tpu.memory_space<hbm>>
          %dma_wait3A_659 = arith.constant 0 : i32
          %dma_wait3A_660 = tpu.memref_slice %arg9[%mul3A_654, %dma_wait3A_659] : memref<32x125xi32, #tpu.memory_space<vmem>> -> memref<16x125xi32, #tpu.memory_space<vmem>>
          %dma_wait3A_661 = arith.constant 0 : i32
          %dma_wait3A_662 = tpu.memref_slice %arg4[%mul3A_2, %dma_wait3A_661] : memref<2560x125xi32, #tpu.memory_space<hbm>> -> memref<16x125xi32, #tpu.memory_space<hbm>>
          tpu.wait_dma2 semaphore(%arg17 : memref<!tpu.dma_semaphore, #tpu.memory_space<semaphore_mem>>) src(%dma_wait3A_662 : memref<16x125xi32, #tpu.memory_space<hbm>>) dst(%dma_wait3A_660 : memref<16x125xi32, #tpu.memory_space<vmem>>)
          %dma_wait3A_663 = arith.constant 0 : i32
          %dma_wait3A_664 = tpu.memref_slice %arg10[%mul3A_654, %dma_wait3A_663] : memref<32x125xi32, #tpu.memory_space<vmem>> -> memref<16x125xi32, #tpu.memory_space<vmem>>
          %dma_wait3A_665 = arith.constant 0 : i32
          %dma_wait3A_666 = tpu.memref_slice %arg5[%mul3A_2, %dma_wait3A_665] : memref<2560x125xi32, #tpu.memory_space<hbm>> -> memref<16x125xi32, #tpu.memory_space<hbm>>
          %dma_wait3A_667 = arith.constant 0 : i32
          %dma_wait3A_668 = tpu.memref_slice %arg10[%mul3A_654, %dma_wait3A_667] : memref<32x125xi32, #tpu.memory_space<vmem>> -> memref<16x125xi32, #tpu.memory_space<vmem>>
          %dma_wait3A_669 = arith.constant 0 : i32
          %dma_wait3A_670 = tpu.memref_slice %arg5[%mul3A_2, %dma_wait3A_669] : memref<2560x125xi32, #tpu.memory_space<hbm>> -> memref<16x125xi32, #tpu.memory_space<hbm>>
          tpu.wait_dma2 semaphore(%arg17 : memref<!tpu.dma_semaphore, #tpu.memory_space<semaphore_mem>>) src(%dma_wait3A_670 : memref<16x125xi32, #tpu.memory_space<hbm>>) dst(%dma_wait3A_668 : memref<16x125xi32, #tpu.memory_space<vmem>>)
        } else {
        }
        %add3A_540 = arith.constant 1 : i32
        %add3A_541 = arith.addi %add3A_89, %add3A_540 : i32
        %jit3A_542 = arith.constant 16 : i32
        %div3A_543 = arith.divsi %add3A_541, %jit3A_542 : i32
        %sign3A_544 = arith.constant 0 : i32
        %sign3A_545 = arith.cmpi sgt, %add3A_541, %sign3A_544 : i32
        %sign3A_546 = arith.extui %sign3A_545 : i1 to i32
        %sign3A_547 = arith.constant 0 : i32
        %sign3A_548 = arith.cmpi slt, %add3A_541, %sign3A_547 : i32
        %sign3A_549 = arith.extui %sign3A_548 : i1 to i32
        %sign3A_550 = arith.subi %sign3A_546, %sign3A_549 : i32
        %sign3A_551 = arith.constant 0 : i32
        %sign3A_552 = arith.cmpi sgt, %jit3A_542, %sign3A_551 : i32
        %sign3A_553 = arith.extui %sign3A_552 : i1 to i32
        %sign3A_554 = arith.constant 0 : i32
        %sign3A_555 = arith.cmpi slt, %jit3A_542, %sign3A_554 : i32
        %sign3A_556 = arith.extui %sign3A_555 : i1 to i32
        %sign3A_557 = arith.subi %sign3A_553, %sign3A_556 : i32
        %ne3A_558 = arith.cmpi ne, %sign3A_550, %sign3A_557 : i32
        %rem3A_559 = arith.remsi %add3A_541, %jit3A_542 : i32
        %ne3A_560 = arith.constant 0 : i32
        %ne3A_561 = arith.cmpi ne, %rem3A_559, %ne3A_560 : i32
        %and3A_562 = arith.andi %ne3A_558, %ne3A_561 : i1
        %sub3A_563 = arith.constant 1 : i32
        %sub3A_564 = arith.subi %div3A_543, %sub3A_563 : i32
        %select_n3A_565 = arith.select %and3A_562, %sub3A_564, %div3A_543 : i32
        %jit3A_566 = arith.constant 2 : i32
        %eq3A_567 = arith.constant 0 : i32
        %eq3A_568 = arith.cmpi eq, %jit3A_566, %eq3A_567 : i32
        %jit3A_569 = arith.constant 1 : i32
        %select_n3A_570 = arith.select %eq3A_568, %jit3A_569, %jit3A_566 : i32
        %rem3A_571 = arith.remsi %select_n3A_565, %select_n3A_570 : i32
        %ne3A_572 = arith.constant 0 : i32
        %ne3A_573 = arith.cmpi ne, %rem3A_571, %ne3A_572 : i32
        %lt3A_574 = arith.constant 0 : i32
        %lt3A_575 = arith.cmpi slt, %rem3A_571, %lt3A_574 : i32
        %lt3A_576 = arith.constant 0 : i32
        %lt3A_577 = arith.cmpi slt, %select_n3A_570, %lt3A_576 : i32
        %ne3A_578 = arith.xori %lt3A_575, %lt3A_577 : i1
        %and3A_579 = arith.andi %ne3A_578, %ne3A_573 : i1
        %add3A_580 = arith.addi %rem3A_571, %select_n3A_570 : i32
        %select_n3A_581 = arith.select %and3A_579, %add3A_580, %rem3A_571 : i32
        %mul3A_582 = arith.constant 16 : i32
        %mul3A_583 = arith.muli %select_n3A_581, %mul3A_582 : i32
        %jit3A_584 = arith.constant 16 : i32
        %eq3A_585 = arith.constant 0 : i32
        %eq3A_586 = arith.cmpi eq, %jit3A_584, %eq3A_585 : i32
        %jit3A_587 = arith.constant 1 : i32
        %select_n3A_588 = arith.select %eq3A_586, %jit3A_587, %jit3A_584 : i32
        %rem3A_589 = arith.remsi %add3A_541, %select_n3A_588 : i32
        %ne3A_590 = arith.constant 0 : i32
        %ne3A_591 = arith.cmpi ne, %rem3A_589, %ne3A_590 : i32
        %lt3A_592 = arith.constant 0 : i32
        %lt3A_593 = arith.cmpi slt, %rem3A_589, %lt3A_592 : i32
        %lt3A_594 = arith.constant 0 : i32
        %lt3A_595 = arith.cmpi slt, %select_n3A_588, %lt3A_594 : i32
        %ne3A_596 = arith.xori %lt3A_593, %lt3A_595 : i1
        %and3A_597 = arith.andi %ne3A_596, %ne3A_591 : i1
        %add3A_598 = arith.addi %rem3A_589, %select_n3A_588 : i32
        %select_n3A_599 = arith.select %and3A_597, %add3A_598, %rem3A_589 : i32
        %add3A_600 = arith.addi %mul3A_583, %select_n3A_599 : i32
        %eq3A_601 = arith.constant 0 : i32
        %eq3A_602 = arith.cmpi eq, %arg0, %eq3A_601 : i32
        %convert_element_type3A_603 = arith.extui %eq3A_602 : i1 to i32
        %cond3A_604 = arith.constant 0 : i32
        %cond3A_605 = arith.cmpi ne, %convert_element_type3A_603, %cond3A_604 : i32
        scf.if %cond3A_605 {
          %dma_start3A_611 = arith.constant 0 : i32
          %dma_start3A_612 = arith.constant 0 : i32
          %dma_start3A_613 = tpu.memref_slice %arg12[%dma_start3A_611, %dma_start3A_612] : memref<125x128xf32, #tpu.memory_space<vmem>> -> memref<64x128xf32, #tpu.memory_space<vmem>>
          %dma_start3A_614 = arith.constant 0 : i32
          %dma_start3A_615 = tpu.memref_slice %arg9[%add3A_600, %dma_start3A_614] : memref<32x125xi32, #tpu.memory_space<vmem>> -> memref<1x125xi32, #tpu.memory_space<vmem>>
          %dma_start3A_616 = tpu.memref_squeeze %dma_start3A_615 : memref<1x125xi32, #tpu.memory_space<vmem>> -> memref<125xi32, #tpu.memory_space<vmem>>
          %dma_start3A_617 = arith.constant 0 : i32
          %dma_start3A_618 = tpu.memref_slice %dma_start3A_616[%dma_start3A_617] : memref<125xi32, #tpu.memory_space<vmem>> -> memref<64xi32, #tpu.memory_space<vmem>>
          %dma_start3A_619 = arith.constant 0 : i32
          %dma_start3A_620 = arith.constant 0 : i32
          %dma_start3A_621 = tpu.memref_slice %arg2[%dma_start3A_619, %dma_start3A_620] : memref<10240x128xf32, #tpu.memory_space<hbm>> -> memref<10240x128xf32, #tpu.memory_space<hbm>>
          tpu.enqueue_indirect_dma source(%dma_start3A_621 : memref<10240x128xf32, #tpu.memory_space<hbm>>) target(%dma_start3A_613 : memref<64x128xf32, #tpu.memory_space<vmem>>) offsets(%dma_start3A_618 : memref<64xi32, #tpu.memory_space<vmem>>) semaphore(%arg14 : memref<!tpu.dma_semaphore, #tpu.memory_space<semaphore_mem>>)
          %dma_start3A_622 = arith.constant 64 : i32
          %dma_start3A_623 = arith.constant 0 : i32
          %dma_start3A_624 = tpu.memref_slice %arg12[%dma_start3A_622, %dma_start3A_623] : memref<125x128xf32, #tpu.memory_space<vmem>> -> memref<61x128xf32, #tpu.memory_space<vmem>>
          %dma_start3A_625 = arith.constant 0 : i32
          %dma_start3A_626 = tpu.memref_slice %arg9[%add3A_600, %dma_start3A_625] : memref<32x125xi32, #tpu.memory_space<vmem>> -> memref<1x125xi32, #tpu.memory_space<vmem>>
          %dma_start3A_627 = tpu.memref_squeeze %dma_start3A_626 : memref<1x125xi32, #tpu.memory_space<vmem>> -> memref<125xi32, #tpu.memory_space<vmem>>
          %dma_start3A_628 = arith.constant 64 : i32
          %dma_start3A_629 = tpu.memref_slice %dma_start3A_627[%dma_start3A_628] : memref<125xi32, #tpu.memory_space<vmem>> -> memref<61xi32, #tpu.memory_space<vmem>>
          %dma_start3A_630 = arith.constant 0 : i32
          %dma_start3A_631 = arith.constant 0 : i32
          %dma_start3A_632 = tpu.memref_slice %arg2[%dma_start3A_630, %dma_start3A_631] : memref<10240x128xf32, #tpu.memory_space<hbm>> -> memref<10240x128xf32, #tpu.memory_space<hbm>>
          tpu.enqueue_indirect_dma source(%dma_start3A_632 : memref<10240x128xf32, #tpu.memory_space<hbm>>) target(%dma_start3A_624 : memref<61x128xf32, #tpu.memory_space<vmem>>) offsets(%dma_start3A_629 : memref<61xi32, #tpu.memory_space<vmem>>) semaphore(%arg14 : memref<!tpu.dma_semaphore, #tpu.memory_space<semaphore_mem>>)
        } else {
        }
        %eq3A_606 = arith.constant 1 : i32
        %eq3A_607 = arith.cmpi eq, %arg0, %eq3A_606 : i32
        %convert_element_type3A_608 = arith.extui %eq3A_607 : i1 to i32
        %cond3A_609 = arith.constant 0 : i32
        %cond3A_610 = arith.cmpi ne, %convert_element_type3A_608, %cond3A_609 : i32
        scf.if %cond3A_610 {
          %dma_start3A_611 = arith.constant 0 : i32
          %dma_start3A_612 = arith.constant 0 : i32
          %dma_start3A_613 = tpu.memref_slice %arg12[%dma_start3A_611, %dma_start3A_612] : memref<125x128xf32, #tpu.memory_space<vmem>> -> memref<64x128xf32, #tpu.memory_space<vmem>>
          %dma_start3A_614 = arith.constant 0 : i32
          %dma_start3A_615 = tpu.memref_slice %arg9[%add3A_600, %dma_start3A_614] : memref<32x125xi32, #tpu.memory_space<vmem>> -> memref<1x125xi32, #tpu.memory_space<vmem>>
          %dma_start3A_616 = tpu.memref_squeeze %dma_start3A_615 : memref<1x125xi32, #tpu.memory_space<vmem>> -> memref<125xi32, #tpu.memory_space<vmem>>
          %dma_start3A_617 = arith.constant 0 : i32
          %dma_start3A_618 = tpu.memref_slice %dma_start3A_616[%dma_start3A_617] : memref<125xi32, #tpu.memory_space<vmem>> -> memref<64xi32, #tpu.memory_space<vmem>>
          %dma_start3A_619 = arith.constant 0 : i32
          %dma_start3A_620 = arith.constant 0 : i32
          %dma_start3A_621 = tpu.memref_slice %arg3[%dma_start3A_619, %dma_start3A_620] : memref<10240x128xf32, #tpu.memory_space<hbm>> -> memref<10240x128xf32, #tpu.memory_space<hbm>>
          tpu.enqueue_indirect_dma source(%dma_start3A_621 : memref<10240x128xf32, #tpu.memory_space<hbm>>) target(%dma_start3A_613 : memref<64x128xf32, #tpu.memory_space<vmem>>) offsets(%dma_start3A_618 : memref<64xi32, #tpu.memory_space<vmem>>) semaphore(%arg14 : memref<!tpu.dma_semaphore, #tpu.memory_space<semaphore_mem>>)
          %dma_start3A_622 = arith.constant 64 : i32
          %dma_start3A_623 = arith.constant 0 : i32
          %dma_start3A_624 = tpu.memref_slice %arg12[%dma_start3A_622, %dma_start3A_623] : memref<125x128xf32, #tpu.memory_space<vmem>> -> memref<61x128xf32, #tpu.memory_space<vmem>>
          %dma_start3A_625 = arith.constant 0 : i32
          %dma_start3A_626 = tpu.memref_slice %arg9[%add3A_600, %dma_start3A_625] : memref<32x125xi32, #tpu.memory_space<vmem>> -> memref<1x125xi32, #tpu.memory_space<vmem>>
          %dma_start3A_627 = tpu.memref_squeeze %dma_start3A_626 : memref<1x125xi32, #tpu.memory_space<vmem>> -> memref<125xi32, #tpu.memory_space<vmem>>
          %dma_start3A_628 = arith.constant 64 : i32
          %dma_start3A_629 = tpu.memref_slice %dma_start3A_627[%dma_start3A_628] : memref<125xi32, #tpu.memory_space<vmem>> -> memref<61xi32, #tpu.memory_space<vmem>>
          %dma_start3A_630 = arith.constant 0 : i32
          %dma_start3A_631 = arith.constant 0 : i32
          %dma_start3A_632 = tpu.memref_slice %arg3[%dma_start3A_630, %dma_start3A_631] : memref<10240x128xf32, #tpu.memory_space<hbm>> -> memref<10240x128xf32, #tpu.memory_space<hbm>>
          tpu.enqueue_indirect_dma source(%dma_start3A_632 : memref<10240x128xf32, #tpu.memory_space<hbm>>) target(%dma_start3A_624 : memref<61x128xf32, #tpu.memory_space<vmem>>) offsets(%dma_start3A_629 : memref<61xi32, #tpu.memory_space<vmem>>) semaphore(%arg14 : memref<!tpu.dma_semaphore, #tpu.memory_space<semaphore_mem>>)
        } else {
        }
      } else {
      }
      %mul3A_296 = arith.constant 2 : i32
      %mul3A_297 = arith.muli %mul3A_296, %scan3A_85 : i32
      %add3A_298 = arith.constant 1 : i32
      %add3A_299 = arith.addi %mul3A_297, %add3A_298 : i32
      %jit3A_300 = arith.constant 16 : i32
      %eq3A_301 = arith.constant 0 : i32
      %eq3A_302 = arith.cmpi eq, %jit3A_300, %eq3A_301 : i32
      %jit3A_303 = arith.constant 1 : i32
      %select_n3A_304 = arith.select %eq3A_302, %jit3A_303, %jit3A_300 : i32
      %rem3A_305 = arith.remsi %add3A_299, %select_n3A_304 : i32
      %ne3A_306 = arith.constant 0 : i32
      %ne3A_307 = arith.cmpi ne, %rem3A_305, %ne3A_306 : i32
      %lt3A_308 = arith.constant 0 : i32
      %lt3A_309 = arith.cmpi slt, %rem3A_305, %lt3A_308 : i32
      %lt3A_310 = arith.constant 0 : i32
      %lt3A_311 = arith.cmpi slt, %select_n3A_304, %lt3A_310 : i32
      %ne3A_312 = arith.xori %lt3A_309, %lt3A_311 : i1
      %and3A_313 = arith.andi %ne3A_312, %ne3A_307 : i1
      %add3A_314 = arith.addi %rem3A_305, %select_n3A_304 : i32
      %select_n3A_315 = arith.select %and3A_313, %add3A_314, %rem3A_305 : i32
      %eq3A_316 = arith.constant 0 : i32
      %eq3A_317 = arith.cmpi eq, %select_n3A_315, %eq3A_316 : i32
      %jit3A_318 = arith.constant 16 : i32
      %div3A_319 = arith.divsi %add3A_299, %jit3A_318 : i32
      %sign3A_320 = arith.constant 0 : i32
      %sign3A_321 = arith.cmpi sgt, %add3A_299, %sign3A_320 : i32
      %sign3A_322 = arith.extui %sign3A_321 : i1 to i32
      %sign3A_323 = arith.constant 0 : i32
      %sign3A_324 = arith.cmpi slt, %add3A_299, %sign3A_323 : i32
      %sign3A_325 = arith.extui %sign3A_324 : i1 to i32
      %sign3A_326 = arith.subi %sign3A_322, %sign3A_325 : i32
      %sign3A_327 = arith.constant 0 : i32
      %sign3A_328 = arith.cmpi sgt, %jit3A_318, %sign3A_327 : i32
      %sign3A_329 = arith.extui %sign3A_328 : i1 to i32
      %sign3A_330 = arith.constant 0 : i32
      %sign3A_331 = arith.cmpi slt, %jit3A_318, %sign3A_330 : i32
      %sign3A_332 = arith.extui %sign3A_331 : i1 to i32
      %sign3A_333 = arith.subi %sign3A_329, %sign3A_332 : i32
      %ne3A_334 = arith.cmpi ne, %sign3A_326, %sign3A_333 : i32
      %rem3A_335 = arith.remsi %add3A_299, %jit3A_318 : i32
      %ne3A_336 = arith.constant 0 : i32
      %ne3A_337 = arith.cmpi ne, %rem3A_335, %ne3A_336 : i32
      %and3A_338 = arith.andi %ne3A_334, %ne3A_337 : i1
      %sub3A_339 = arith.constant 1 : i32
      %sub3A_340 = arith.subi %div3A_319, %sub3A_339 : i32
      %select_n3A_341 = arith.select %and3A_338, %sub3A_340, %div3A_319 : i32
      %ge3A_342 = arith.constant 1 : i32
      %ge3A_343 = arith.cmpi sge, %add3A_299, %ge3A_342 : i32
      %and3A_344 = arith.andi %ge3A_343, %eq3A_317 : i1
      %convert_element_type3A_345 = arith.extui %and3A_344 : i1 to i32
      %cond3A_346 = arith.constant 0 : i32
      %cond3A_347 = arith.cmpi ne, %convert_element_type3A_345, %cond3A_346 : i32
      scf.if %cond3A_347 {
        %sub3A_517 = arith.constant 1 : i32
        %sub3A_518 = arith.subi %add3A_299, %sub3A_517 : i32
        %jit3A_519 = arith.constant 16 : i32
        %div3A_520 = arith.divsi %sub3A_518, %jit3A_519 : i32
        %sign3A_521 = arith.constant 0 : i32
        %sign3A_522 = arith.cmpi sgt, %sub3A_518, %sign3A_521 : i32
        %sign3A_523 = arith.extui %sign3A_522 : i1 to i32
        %sign3A_524 = arith.constant 0 : i32
        %sign3A_525 = arith.cmpi slt, %sub3A_518, %sign3A_524 : i32
        %sign3A_526 = arith.extui %sign3A_525 : i1 to i32
        %sign3A_527 = arith.subi %sign3A_523, %sign3A_526 : i32
        %sign3A_528 = arith.constant 0 : i32
        %sign3A_529 = arith.cmpi sgt, %jit3A_519, %sign3A_528 : i32
        %sign3A_530 = arith.extui %sign3A_529 : i1 to i32
        %sign3A_531 = arith.constant 0 : i32
        %sign3A_532 = arith.cmpi slt, %jit3A_519, %sign3A_531 : i32
        %sign3A_533 = arith.extui %sign3A_532 : i1 to i32
        %sign3A_534 = arith.subi %sign3A_530, %sign3A_533 : i32
        %ne3A_535 = arith.cmpi ne, %sign3A_527, %sign3A_534 : i32
        %rem3A_536 = arith.remsi %sub3A_518, %jit3A_519 : i32
        %ne3A_537 = arith.constant 0 : i32
        %ne3A_538 = arith.cmpi ne, %rem3A_536, %ne3A_537 : i32
        %and3A_539 = arith.andi %ne3A_535, %ne3A_538 : i1
        %sub3A_540 = arith.constant 1 : i32
        %sub3A_541 = arith.subi %div3A_520, %sub3A_540 : i32
        %select_n3A_542 = arith.select %and3A_539, %sub3A_541, %div3A_520 : i32
        %jit3A_543 = arith.constant 2 : i32
        %eq3A_544 = arith.constant 0 : i32
        %eq3A_545 = arith.cmpi eq, %jit3A_543, %eq3A_544 : i32
        %jit3A_546 = arith.constant 1 : i32
        %select_n3A_547 = arith.select %eq3A_545, %jit3A_546, %jit3A_543 : i32
        %rem3A_548 = arith.remsi %select_n3A_542, %select_n3A_547 : i32
        %ne3A_549 = arith.constant 0 : i32
        %ne3A_550 = arith.cmpi ne, %rem3A_548, %ne3A_549 : i32
        %lt3A_551 = arith.constant 0 : i32
        %lt3A_552 = arith.cmpi slt, %rem3A_548, %lt3A_551 : i32
        %lt3A_553 = arith.constant 0 : i32
        %lt3A_554 = arith.cmpi slt, %select_n3A_547, %lt3A_553 : i32
        %ne3A_555 = arith.xori %lt3A_552, %lt3A_554 : i1
        %and3A_556 = arith.andi %ne3A_555, %ne3A_550 : i1
        %add3A_557 = arith.addi %rem3A_548, %select_n3A_547 : i32
        %select_n3A_558 = arith.select %and3A_556, %add3A_557, %rem3A_548 : i32
        %mul3A_559 = arith.constant 16 : i32
        %mul3A_560 = arith.muli %select_n3A_558, %mul3A_559 : i32
        %jit3A_561 = arith.constant 16 : i32
        %eq3A_562 = arith.constant 0 : i32
        %eq3A_563 = arith.cmpi eq, %jit3A_561, %eq3A_562 : i32
        %jit3A_564 = arith.constant 1 : i32
        %select_n3A_565 = arith.select %eq3A_563, %jit3A_564, %jit3A_561 : i32
        %rem3A_566 = arith.remsi %sub3A_518, %select_n3A_565 : i32
        %ne3A_567 = arith.constant 0 : i32
        %ne3A_568 = arith.cmpi ne, %rem3A_566, %ne3A_567 : i32
        %lt3A_569 = arith.constant 0 : i32
        %lt3A_570 = arith.cmpi slt, %rem3A_566, %lt3A_569 : i32
        %lt3A_571 = arith.constant 0 : i32
        %lt3A_572 = arith.cmpi slt, %select_n3A_565, %lt3A_571 : i32
        %ne3A_573 = arith.xori %lt3A_570, %lt3A_572 : i1
        %and3A_574 = arith.andi %ne3A_573, %ne3A_568 : i1
        %add3A_575 = arith.addi %rem3A_566, %select_n3A_565 : i32
        %select_n3A_576 = arith.select %and3A_574, %add3A_575, %rem3A_566 : i32
        %add3A_577 = arith.addi %mul3A_560, %select_n3A_576 : i32
        %dma_wait3A_578 = arith.constant 0 : i32
        %dma_wait3A_579 = tpu.memref_slice %arg10[%add3A_577, %dma_wait3A_578] : memref<32x125xi32, #tpu.memory_space<vmem>> -> memref<1x125xi32, #tpu.memory_space<vmem>>
        %dma_wait3A_580 = tpu.memref_squeeze %dma_wait3A_579 : memref<1x125xi32, #tpu.memory_space<vmem>> -> memref<125xi32, #tpu.memory_space<vmem>>
        %dma_wait3A_581 = arith.constant 0 : i32
        %dma_wait3A_582 = arith.constant 0 : i32
        %dma_wait3A_583 = tpu.memref_slice %arg8[%dma_wait3A_581, %dma_wait3A_582] : memref<10240x128xf32, #tpu.memory_space<vmem_shared>> -> memref<10240x128xf32, #tpu.memory_space<vmem_shared>>
        tpu.wait_indirect_dma semaphore(%arg15 : memref<!tpu.dma_semaphore, #tpu.memory_space<semaphore_mem>>) src(%arg11 : memref<125x128xf32, #tpu.memory_space<vmem>>) dst(%dma_wait3A_583 : memref<10240x128xf32, #tpu.memory_space<vmem_shared>>)
      } else {
      }
      %add3A_348 = arith.constant 16 : i32
      %add3A_349 = arith.addi %add3A_299, %add3A_348 : i32
      %lt3A_350 = arith.constant 160 : i32
      %lt3A_351 = arith.cmpi slt, %add3A_349, %lt3A_350 : i32
      %and3A_352 = arith.andi %eq3A_317, %lt3A_351 : i1
      %convert_element_type3A_353 = arith.extui %and3A_352 : i1 to i32
      %cond3A_354 = arith.constant 0 : i32
      %cond3A_355 = arith.cmpi ne, %convert_element_type3A_353, %cond3A_354 : i32
      scf.if %cond3A_355 {
        %add3A_517 = arith.constant 1 : i32
        %add3A_518 = arith.addi %select_n3A_341, %add3A_517 : i32
        %mul3A_519 = arith.constant 16 : i32
        %mul3A_520 = arith.muli %add3A_518, %mul3A_519 : i32
        %add3A_521 = arith.addi %mul3A_2, %mul3A_520 : i32
        %multiple_of3A_522 = tpu.assume_multiple %add3A_521, 8 : i32
        %jit3A_523 = arith.constant 2 : i32
        %eq3A_524 = arith.constant 0 : i32
        %eq3A_525 = arith.cmpi eq, %jit3A_523, %eq3A_524 : i32
        %jit3A_526 = arith.constant 1 : i32
        %select_n3A_527 = arith.select %eq3A_525, %jit3A_526, %jit3A_523 : i32
        %rem3A_528 = arith.remsi %add3A_518, %select_n3A_527 : i32
        %ne3A_529 = arith.constant 0 : i32
        %ne3A_530 = arith.cmpi ne, %rem3A_528, %ne3A_529 : i32
        %lt3A_531 = arith.constant 0 : i32
        %lt3A_532 = arith.cmpi slt, %rem3A_528, %lt3A_531 : i32
        %lt3A_533 = arith.constant 0 : i32
        %lt3A_534 = arith.cmpi slt, %select_n3A_527, %lt3A_533 : i32
        %ne3A_535 = arith.xori %lt3A_532, %lt3A_534 : i1
        %and3A_536 = arith.andi %ne3A_535, %ne3A_530 : i1
        %add3A_537 = arith.addi %rem3A_528, %select_n3A_527 : i32
        %select_n3A_538 = arith.select %and3A_536, %add3A_537, %rem3A_528 : i32
        %mul3A_539 = arith.constant 16 : i32
        %mul3A_540 = arith.muli %select_n3A_538, %mul3A_539 : i32
        %dma_start3A_541 = arith.constant 0 : i32
        %dma_start3A_542 = tpu.memref_slice %arg9[%mul3A_540, %dma_start3A_541] : memref<32x125xi32, #tpu.memory_space<vmem>> -> memref<16x125xi32, #tpu.memory_space<vmem>>
        %dma_start3A_543 = arith.constant 0 : i32
        %dma_start3A_544 = tpu.memref_slice %arg4[%multiple_of3A_522, %dma_start3A_543] : memref<2560x125xi32, #tpu.memory_space<hbm>> -> memref<16x125xi32, #tpu.memory_space<hbm>>
        %dma_start3A_545 = arith.constant 0 : i32
        %dma_start3A_546 = tpu.memref_slice %arg9[%mul3A_540, %dma_start3A_545] : memref<32x125xi32, #tpu.memory_space<vmem>> -> memref<16x125xi32, #tpu.memory_space<vmem>>
        %dma_start3A_547 = arith.constant 0 : i32
        %dma_start3A_548 = tpu.memref_slice %arg4[%multiple_of3A_522, %dma_start3A_547] : memref<2560x125xi32, #tpu.memory_space<hbm>> -> memref<16x125xi32, #tpu.memory_space<hbm>>
        tpu.enqueue_dma source(%dma_start3A_548 : memref<16x125xi32, #tpu.memory_space<hbm>>) target(%dma_start3A_546 : memref<16x125xi32, #tpu.memory_space<vmem>>) target_semaphore(%arg17 : memref<!tpu.dma_semaphore, #tpu.memory_space<semaphore_mem>>)
        %dma_start3A_549 = arith.constant 0 : i32
        %dma_start3A_550 = tpu.memref_slice %arg10[%mul3A_540, %dma_start3A_549] : memref<32x125xi32, #tpu.memory_space<vmem>> -> memref<16x125xi32, #tpu.memory_space<vmem>>
        %dma_start3A_551 = arith.constant 0 : i32
        %dma_start3A_552 = tpu.memref_slice %arg5[%multiple_of3A_522, %dma_start3A_551] : memref<2560x125xi32, #tpu.memory_space<hbm>> -> memref<16x125xi32, #tpu.memory_space<hbm>>
        %dma_start3A_553 = arith.constant 0 : i32
        %dma_start3A_554 = tpu.memref_slice %arg10[%mul3A_540, %dma_start3A_553] : memref<32x125xi32, #tpu.memory_space<vmem>> -> memref<16x125xi32, #tpu.memory_space<vmem>>
        %dma_start3A_555 = arith.constant 0 : i32
        %dma_start3A_556 = tpu.memref_slice %arg5[%multiple_of3A_522, %dma_start3A_555] : memref<2560x125xi32, #tpu.memory_space<hbm>> -> memref<16x125xi32, #tpu.memory_space<hbm>>
        tpu.enqueue_dma source(%dma_start3A_556 : memref<16x125xi32, #tpu.memory_space<hbm>>) target(%dma_start3A_554 : memref<16x125xi32, #tpu.memory_space<vmem>>) target_semaphore(%arg17 : memref<!tpu.dma_semaphore, #tpu.memory_space<semaphore_mem>>)
      } else {
      }
      %jit3A_356 = arith.constant 16 : i32
      %div3A_357 = arith.divsi %add3A_299, %jit3A_356 : i32
      %sign3A_358 = arith.constant 0 : i32
      %sign3A_359 = arith.cmpi sgt, %add3A_299, %sign3A_358 : i32
      %sign3A_360 = arith.extui %sign3A_359 : i1 to i32
      %sign3A_361 = arith.constant 0 : i32
      %sign3A_362 = arith.cmpi slt, %add3A_299, %sign3A_361 : i32
      %sign3A_363 = arith.extui %sign3A_362 : i1 to i32
      %sign3A_364 = arith.subi %sign3A_360, %sign3A_363 : i32
      %sign3A_365 = arith.constant 0 : i32
      %sign3A_366 = arith.cmpi sgt, %jit3A_356, %sign3A_365 : i32
      %sign3A_367 = arith.extui %sign3A_366 : i1 to i32
      %sign3A_368 = arith.constant 0 : i32
      %sign3A_369 = arith.cmpi slt, %jit3A_356, %sign3A_368 : i32
      %sign3A_370 = arith.extui %sign3A_369 : i1 to i32
      %sign3A_371 = arith.subi %sign3A_367, %sign3A_370 : i32
      %ne3A_372 = arith.cmpi ne, %sign3A_364, %sign3A_371 : i32
      %rem3A_373 = arith.remsi %add3A_299, %jit3A_356 : i32
      %ne3A_374 = arith.constant 0 : i32
      %ne3A_375 = arith.cmpi ne, %rem3A_373, %ne3A_374 : i32
      %and3A_376 = arith.andi %ne3A_372, %ne3A_375 : i1
      %sub3A_377 = arith.constant 1 : i32
      %sub3A_378 = arith.subi %div3A_357, %sub3A_377 : i32
      %select_n3A_379 = arith.select %and3A_376, %sub3A_378, %div3A_357 : i32
      %jit3A_380 = arith.constant 2 : i32
      %eq3A_381 = arith.constant 0 : i32
      %eq3A_382 = arith.cmpi eq, %jit3A_380, %eq3A_381 : i32
      %jit3A_383 = arith.constant 1 : i32
      %select_n3A_384 = arith.select %eq3A_382, %jit3A_383, %jit3A_380 : i32
      %rem3A_385 = arith.remsi %select_n3A_379, %select_n3A_384 : i32
      %ne3A_386 = arith.constant 0 : i32
      %ne3A_387 = arith.cmpi ne, %rem3A_385, %ne3A_386 : i32
      %lt3A_388 = arith.constant 0 : i32
      %lt3A_389 = arith.cmpi slt, %rem3A_385, %lt3A_388 : i32
      %lt3A_390 = arith.constant 0 : i32
      %lt3A_391 = arith.cmpi slt, %select_n3A_384, %lt3A_390 : i32
      %ne3A_392 = arith.xori %lt3A_389, %lt3A_391 : i1
      %and3A_393 = arith.andi %ne3A_392, %ne3A_387 : i1
      %add3A_394 = arith.addi %rem3A_385, %select_n3A_384 : i32
      %select_n3A_395 = arith.select %and3A_393, %add3A_394, %rem3A_385 : i32
      %mul3A_396 = arith.constant 16 : i32
      %mul3A_397 = arith.muli %select_n3A_395, %mul3A_396 : i32
      %jit3A_398 = arith.constant 16 : i32
      %eq3A_399 = arith.constant 0 : i32
      %eq3A_400 = arith.cmpi eq, %jit3A_398, %eq3A_399 : i32
      %jit3A_401 = arith.constant 1 : i32
      %select_n3A_402 = arith.select %eq3A_400, %jit3A_401, %jit3A_398 : i32
      %rem3A_403 = arith.remsi %add3A_299, %select_n3A_402 : i32
      %ne3A_404 = arith.constant 0 : i32
      %ne3A_405 = arith.cmpi ne, %rem3A_403, %ne3A_404 : i32
      %lt3A_406 = arith.constant 0 : i32
      %lt3A_407 = arith.cmpi slt, %rem3A_403, %lt3A_406 : i32
      %lt3A_408 = arith.constant 0 : i32
      %lt3A_409 = arith.cmpi slt, %select_n3A_402, %lt3A_408 : i32
      %ne3A_410 = arith.xori %lt3A_407, %lt3A_409 : i1
      %and3A_411 = arith.andi %ne3A_410, %ne3A_405 : i1
      %add3A_412 = arith.addi %rem3A_403, %select_n3A_402 : i32
      %select_n3A_413 = arith.select %and3A_411, %add3A_412, %rem3A_403 : i32
      %add3A_414 = arith.addi %mul3A_397, %select_n3A_413 : i32
      %dma_wait3A_415 = arith.constant 0 : i32
      %dma_wait3A_416 = arith.constant 0 : i32
      %dma_wait3A_417 = tpu.memref_slice %arg12[%dma_wait3A_415, %dma_wait3A_416] : memref<125x128xf32, #tpu.memory_space<vmem>> -> memref<64x128xf32, #tpu.memory_space<vmem>>
      %dma_wait3A_418 = arith.constant 0 : i32
      %dma_wait3A_419 = tpu.memref_slice %arg9[%add3A_414, %dma_wait3A_418] : memref<32x125xi32, #tpu.memory_space<vmem>> -> memref<1x125xi32, #tpu.memory_space<vmem>>
      %dma_wait3A_420 = tpu.memref_squeeze %dma_wait3A_419 : memref<1x125xi32, #tpu.memory_space<vmem>> -> memref<125xi32, #tpu.memory_space<vmem>>
      %dma_wait3A_421 = arith.constant 0 : i32
      %dma_wait3A_422 = tpu.memref_slice %dma_wait3A_420[%dma_wait3A_421] : memref<125xi32, #tpu.memory_space<vmem>> -> memref<64xi32, #tpu.memory_space<vmem>>
      %dma_wait3A_423 = arith.constant 0 : i32
      %dma_wait3A_424 = arith.constant 0 : i32
      %dma_wait3A_425 = tpu.memref_slice %arg2[%dma_wait3A_423, %dma_wait3A_424] : memref<10240x128xf32, #tpu.memory_space<hbm>> -> memref<10240x128xf32, #tpu.memory_space<hbm>>
      tpu.wait_indirect_dma semaphore(%arg14 : memref<!tpu.dma_semaphore, #tpu.memory_space<semaphore_mem>>) src(%dma_wait3A_425 : memref<10240x128xf32, #tpu.memory_space<hbm>>) dst(%dma_wait3A_417 : memref<64x128xf32, #tpu.memory_space<vmem>>)
      %dma_wait3A_426 = arith.constant 64 : i32
      %dma_wait3A_427 = arith.constant 0 : i32
      %dma_wait3A_428 = tpu.memref_slice %arg12[%dma_wait3A_426, %dma_wait3A_427] : memref<125x128xf32, #tpu.memory_space<vmem>> -> memref<61x128xf32, #tpu.memory_space<vmem>>
      %dma_wait3A_429 = arith.constant 0 : i32
      %dma_wait3A_430 = tpu.memref_slice %arg9[%add3A_414, %dma_wait3A_429] : memref<32x125xi32, #tpu.memory_space<vmem>> -> memref<1x125xi32, #tpu.memory_space<vmem>>
      %dma_wait3A_431 = tpu.memref_squeeze %dma_wait3A_430 : memref<1x125xi32, #tpu.memory_space<vmem>> -> memref<125xi32, #tpu.memory_space<vmem>>
      %dma_wait3A_432 = arith.constant 64 : i32
      %dma_wait3A_433 = tpu.memref_slice %dma_wait3A_431[%dma_wait3A_432] : memref<125xi32, #tpu.memory_space<vmem>> -> memref<61xi32, #tpu.memory_space<vmem>>
      %dma_wait3A_434 = arith.constant 0 : i32
      %dma_wait3A_435 = arith.constant 0 : i32
      %dma_wait3A_436 = tpu.memref_slice %arg2[%dma_wait3A_434, %dma_wait3A_435] : memref<10240x128xf32, #tpu.memory_space<hbm>> -> memref<10240x128xf32, #tpu.memory_space<hbm>>
      tpu.wait_indirect_dma semaphore(%arg14 : memref<!tpu.dma_semaphore, #tpu.memory_space<semaphore_mem>>) src(%dma_wait3A_436 : memref<10240x128xf32, #tpu.memory_space<hbm>>) dst(%dma_wait3A_428 : memref<61x128xf32, #tpu.memory_space<vmem>>)
      %jit3A_437 = arith.constant 16 : i32
      %div3A_438 = arith.divsi %add3A_299, %jit3A_437 : i32
      %sign3A_439 = arith.constant 0 : i32
      %sign3A_440 = arith.cmpi sgt, %add3A_299, %sign3A_439 : i32
      %sign3A_441 = arith.extui %sign3A_440 : i1 to i32
      %sign3A_442 = arith.constant 0 : i32
      %sign3A_443 = arith.cmpi slt, %add3A_299, %sign3A_442 : i32
      %sign3A_444 = arith.extui %sign3A_443 : i1 to i32
      %sign3A_445 = arith.subi %sign3A_441, %sign3A_444 : i32
      %sign3A_446 = arith.constant 0 : i32
      %sign3A_447 = arith.cmpi sgt, %jit3A_437, %sign3A_446 : i32
      %sign3A_448 = arith.extui %sign3A_447 : i1 to i32
      %sign3A_449 = arith.constant 0 : i32
      %sign3A_450 = arith.cmpi slt, %jit3A_437, %sign3A_449 : i32
      %sign3A_451 = arith.extui %sign3A_450 : i1 to i32
      %sign3A_452 = arith.subi %sign3A_448, %sign3A_451 : i32
      %ne3A_453 = arith.cmpi ne, %sign3A_445, %sign3A_452 : i32
      %rem3A_454 = arith.remsi %add3A_299, %jit3A_437 : i32
      %ne3A_455 = arith.constant 0 : i32
      %ne3A_456 = arith.cmpi ne, %rem3A_454, %ne3A_455 : i32
      %and3A_457 = arith.andi %ne3A_453, %ne3A_456 : i1
      %sub3A_458 = arith.constant 1 : i32
      %sub3A_459 = arith.subi %div3A_438, %sub3A_458 : i32
      %select_n3A_460 = arith.select %and3A_457, %sub3A_459, %div3A_438 : i32
      %jit3A_461 = arith.constant 2 : i32
      %eq3A_462 = arith.constant 0 : i32
      %eq3A_463 = arith.cmpi eq, %jit3A_461, %eq3A_462 : i32
      %jit3A_464 = arith.constant 1 : i32
      %select_n3A_465 = arith.select %eq3A_463, %jit3A_464, %jit3A_461 : i32
      %rem3A_466 = arith.remsi %select_n3A_460, %select_n3A_465 : i32
      %ne3A_467 = arith.constant 0 : i32
      %ne3A_468 = arith.cmpi ne, %rem3A_466, %ne3A_467 : i32
      %lt3A_469 = arith.constant 0 : i32
      %lt3A_470 = arith.cmpi slt, %rem3A_466, %lt3A_469 : i32
      %lt3A_471 = arith.constant 0 : i32
      %lt3A_472 = arith.cmpi slt, %select_n3A_465, %lt3A_471 : i32
      %ne3A_473 = arith.xori %lt3A_470, %lt3A_472 : i1
      %and3A_474 = arith.andi %ne3A_473, %ne3A_468 : i1
      %add3A_475 = arith.addi %rem3A_466, %select_n3A_465 : i32
      %select_n3A_476 = arith.select %and3A_474, %add3A_475, %rem3A_466 : i32
      %mul3A_477 = arith.constant 16 : i32
      %mul3A_478 = arith.muli %select_n3A_476, %mul3A_477 : i32
      %jit3A_479 = arith.constant 16 : i32
      %eq3A_480 = arith.constant 0 : i32
      %eq3A_481 = arith.cmpi eq, %jit3A_479, %eq3A_480 : i32
      %jit3A_482 = arith.constant 1 : i32
      %select_n3A_483 = arith.select %eq3A_481, %jit3A_482, %jit3A_479 : i32
      %rem3A_484 = arith.remsi %add3A_299, %select_n3A_483 : i32
      %ne3A_485 = arith.constant 0 : i32
      %ne3A_486 = arith.cmpi ne, %rem3A_484, %ne3A_485 : i32
      %lt3A_487 = arith.constant 0 : i32
      %lt3A_488 = arith.cmpi slt, %rem3A_484, %lt3A_487 : i32
      %lt3A_489 = arith.constant 0 : i32
      %lt3A_490 = arith.cmpi slt, %select_n3A_483, %lt3A_489 : i32
      %ne3A_491 = arith.xori %lt3A_488, %lt3A_490 : i1
      %and3A_492 = arith.andi %ne3A_491, %ne3A_486 : i1
      %add3A_493 = arith.addi %rem3A_484, %select_n3A_483 : i32
      %select_n3A_494 = arith.select %and3A_492, %add3A_493, %rem3A_484 : i32
      %add3A_495 = arith.addi %mul3A_478, %select_n3A_494 : i32
      %dma_start3A_496 = arith.constant 0 : i32
      %dma_start3A_497 = tpu.memref_slice %arg10[%add3A_495, %dma_start3A_496] : memref<32x125xi32, #tpu.memory_space<vmem>> -> memref<1x125xi32, #tpu.memory_space<vmem>>
      %dma_start3A_498 = tpu.memref_squeeze %dma_start3A_497 : memref<1x125xi32, #tpu.memory_space<vmem>> -> memref<125xi32, #tpu.memory_space<vmem>>
      %dma_start3A_499 = arith.constant 0 : i32
      %dma_start3A_500 = arith.constant 0 : i32
      %dma_start3A_501 = tpu.memref_slice %arg8[%dma_start3A_499, %dma_start3A_500] : memref<10240x128xf32, #tpu.memory_space<vmem_shared>> -> memref<10240x128xf32, #tpu.memory_space<vmem_shared>>
      tpu.enqueue_indirect_dma source(%arg12 : memref<125x128xf32, #tpu.memory_space<vmem>>) target(%dma_start3A_501 : memref<10240x128xf32, #tpu.memory_space<vmem_shared>>) offsets(%dma_start3A_498 : memref<125xi32, #tpu.memory_space<vmem>>) semaphore(%arg16 : memref<!tpu.dma_semaphore, #tpu.memory_space<semaphore_mem>>) {add = true}
      %ge3A_502 = arith.constant 1 : i32
      %ge3A_503 = arith.cmpi sge, %add3A_299, %ge3A_502 : i32
      %not3A_504 = arith.constant true
      %not3A_505 = arith.xori %eq3A_317, %not3A_504 : i1
      %and3A_506 = arith.andi %ge3A_503, %not3A_505 : i1
      %convert_element_type3A_507 = arith.extui %and3A_506 : i1 to i32
      %cond3A_508 = arith.constant 0 : i32
      %cond3A_509 = arith.cmpi ne, %convert_element_type3A_507, %cond3A_508 : i32
      scf.if %cond3A_509 {
        %sub3A_517 = arith.constant 1 : i32
        %sub3A_518 = arith.subi %add3A_299, %sub3A_517 : i32
        %jit3A_519 = arith.constant 16 : i32
        %div3A_520 = arith.divsi %sub3A_518, %jit3A_519 : i32
        %sign3A_521 = arith.constant 0 : i32
        %sign3A_522 = arith.cmpi sgt, %sub3A_518, %sign3A_521 : i32
        %sign3A_523 = arith.extui %sign3A_522 : i1 to i32
        %sign3A_524 = arith.constant 0 : i32
        %sign3A_525 = arith.cmpi slt, %sub3A_518, %sign3A_524 : i32
        %sign3A_526 = arith.extui %sign3A_525 : i1 to i32
        %sign3A_527 = arith.subi %sign3A_523, %sign3A_526 : i32
        %sign3A_528 = arith.constant 0 : i32
        %sign3A_529 = arith.cmpi sgt, %jit3A_519, %sign3A_528 : i32
        %sign3A_530 = arith.extui %sign3A_529 : i1 to i32
        %sign3A_531 = arith.constant 0 : i32
        %sign3A_532 = arith.cmpi slt, %jit3A_519, %sign3A_531 : i32
        %sign3A_533 = arith.extui %sign3A_532 : i1 to i32
        %sign3A_534 = arith.subi %sign3A_530, %sign3A_533 : i32
        %ne3A_535 = arith.cmpi ne, %sign3A_527, %sign3A_534 : i32
        %rem3A_536 = arith.remsi %sub3A_518, %jit3A_519 : i32
        %ne3A_537 = arith.constant 0 : i32
        %ne3A_538 = arith.cmpi ne, %rem3A_536, %ne3A_537 : i32
        %and3A_539 = arith.andi %ne3A_535, %ne3A_538 : i1
        %sub3A_540 = arith.constant 1 : i32
        %sub3A_541 = arith.subi %div3A_520, %sub3A_540 : i32
        %select_n3A_542 = arith.select %and3A_539, %sub3A_541, %div3A_520 : i32
        %jit3A_543 = arith.constant 2 : i32
        %eq3A_544 = arith.constant 0 : i32
        %eq3A_545 = arith.cmpi eq, %jit3A_543, %eq3A_544 : i32
        %jit3A_546 = arith.constant 1 : i32
        %select_n3A_547 = arith.select %eq3A_545, %jit3A_546, %jit3A_543 : i32
        %rem3A_548 = arith.remsi %select_n3A_542, %select_n3A_547 : i32
        %ne3A_549 = arith.constant 0 : i32
        %ne3A_550 = arith.cmpi ne, %rem3A_548, %ne3A_549 : i32
        %lt3A_551 = arith.constant 0 : i32
        %lt3A_552 = arith.cmpi slt, %rem3A_548, %lt3A_551 : i32
        %lt3A_553 = arith.constant 0 : i32
        %lt3A_554 = arith.cmpi slt, %select_n3A_547, %lt3A_553 : i32
        %ne3A_555 = arith.xori %lt3A_552, %lt3A_554 : i1
        %and3A_556 = arith.andi %ne3A_555, %ne3A_550 : i1
        %add3A_557 = arith.addi %rem3A_548, %select_n3A_547 : i32
        %select_n3A_558 = arith.select %and3A_556, %add3A_557, %rem3A_548 : i32
        %mul3A_559 = arith.constant 16 : i32
        %mul3A_560 = arith.muli %select_n3A_558, %mul3A_559 : i32
        %jit3A_561 = arith.constant 16 : i32
        %eq3A_562 = arith.constant 0 : i32
        %eq3A_563 = arith.cmpi eq, %jit3A_561, %eq3A_562 : i32
        %jit3A_564 = arith.constant 1 : i32
        %select_n3A_565 = arith.select %eq3A_563, %jit3A_564, %jit3A_561 : i32
        %rem3A_566 = arith.remsi %sub3A_518, %select_n3A_565 : i32
        %ne3A_567 = arith.constant 0 : i32
        %ne3A_568 = arith.cmpi ne, %rem3A_566, %ne3A_567 : i32
        %lt3A_569 = arith.constant 0 : i32
        %lt3A_570 = arith.cmpi slt, %rem3A_566, %lt3A_569 : i32
        %lt3A_571 = arith.constant 0 : i32
        %lt3A_572 = arith.cmpi slt, %select_n3A_565, %lt3A_571 : i32
        %ne3A_573 = arith.xori %lt3A_570, %lt3A_572 : i1
        %and3A_574 = arith.andi %ne3A_573, %ne3A_568 : i1
        %add3A_575 = arith.addi %rem3A_566, %select_n3A_565 : i32
        %select_n3A_576 = arith.select %and3A_574, %add3A_575, %rem3A_566 : i32
        %add3A_577 = arith.addi %mul3A_560, %select_n3A_576 : i32
        %dma_wait3A_578 = arith.constant 0 : i32
        %dma_wait3A_579 = tpu.memref_slice %arg10[%add3A_577, %dma_wait3A_578] : memref<32x125xi32, #tpu.memory_space<vmem>> -> memref<1x125xi32, #tpu.memory_space<vmem>>
        %dma_wait3A_580 = tpu.memref_squeeze %dma_wait3A_579 : memref<1x125xi32, #tpu.memory_space<vmem>> -> memref<125xi32, #tpu.memory_space<vmem>>
        %dma_wait3A_581 = arith.constant 0 : i32
        %dma_wait3A_582 = arith.constant 0 : i32
        %dma_wait3A_583 = tpu.memref_slice %arg8[%dma_wait3A_581, %dma_wait3A_582] : memref<10240x128xf32, #tpu.memory_space<vmem_shared>> -> memref<10240x128xf32, #tpu.memory_space<vmem_shared>>
        tpu.wait_indirect_dma semaphore(%arg15 : memref<!tpu.dma_semaphore, #tpu.memory_space<semaphore_mem>>) src(%arg11 : memref<125x128xf32, #tpu.memory_space<vmem>>) dst(%dma_wait3A_583 : memref<10240x128xf32, #tpu.memory_space<vmem_shared>>)
      } else {
      }
      %add3A_510 = arith.constant 1 : i32
      %add3A_511 = arith.addi %add3A_299, %add3A_510 : i32
      %lt3A_512 = arith.constant 160 : i32
      %lt3A_513 = arith.cmpi slt, %add3A_511, %lt3A_512 : i32
      %convert_element_type3A_514 = arith.extui %lt3A_513 : i1 to i32
      %cond3A_515 = arith.constant 0 : i32
      %cond3A_516 = arith.cmpi ne, %convert_element_type3A_514, %cond3A_515 : i32
      scf.if %cond3A_516 {
        %add3A_517 = arith.constant 1 : i32
        %add3A_518 = arith.addi %add3A_299, %add3A_517 : i32
        %jit3A_519 = arith.constant 16 : i32
        %eq3A_520 = arith.constant 0 : i32
        %eq3A_521 = arith.cmpi eq, %jit3A_519, %eq3A_520 : i32
        %jit3A_522 = arith.constant 1 : i32
        %select_n3A_523 = arith.select %eq3A_521, %jit3A_522, %jit3A_519 : i32
        %rem3A_524 = arith.remsi %add3A_518, %select_n3A_523 : i32
        %ne3A_525 = arith.constant 0 : i32
        %ne3A_526 = arith.cmpi ne, %rem3A_524, %ne3A_525 : i32
        %lt3A_527 = arith.constant 0 : i32
        %lt3A_528 = arith.cmpi slt, %rem3A_524, %lt3A_527 : i32
        %lt3A_529 = arith.constant 0 : i32
        %lt3A_530 = arith.cmpi slt, %select_n3A_523, %lt3A_529 : i32
        %ne3A_531 = arith.xori %lt3A_528, %lt3A_530 : i1
        %and3A_532 = arith.andi %ne3A_531, %ne3A_526 : i1
        %add3A_533 = arith.addi %rem3A_524, %select_n3A_523 : i32
        %select_n3A_534 = arith.select %and3A_532, %add3A_533, %rem3A_524 : i32
        %eq3A_535 = arith.constant 0 : i32
        %eq3A_536 = arith.cmpi eq, %select_n3A_534, %eq3A_535 : i32
        %convert_element_type3A_537 = arith.extui %eq3A_536 : i1 to i32
        %cond3A_538 = arith.constant 0 : i32
        %cond3A_539 = arith.cmpi ne, %convert_element_type3A_537, %cond3A_538 : i32
        scf.if %cond3A_539 {
          %add3A_611 = arith.constant 1 : i32
          %add3A_612 = arith.addi %add3A_299, %add3A_611 : i32
          %jit3A_613 = arith.constant 16 : i32
          %div3A_614 = arith.divsi %add3A_612, %jit3A_613 : i32
          %sign3A_615 = arith.constant 0 : i32
          %sign3A_616 = arith.cmpi sgt, %add3A_612, %sign3A_615 : i32
          %sign3A_617 = arith.extui %sign3A_616 : i1 to i32
          %sign3A_618 = arith.constant 0 : i32
          %sign3A_619 = arith.cmpi slt, %add3A_612, %sign3A_618 : i32
          %sign3A_620 = arith.extui %sign3A_619 : i1 to i32
          %sign3A_621 = arith.subi %sign3A_617, %sign3A_620 : i32
          %sign3A_622 = arith.constant 0 : i32
          %sign3A_623 = arith.cmpi sgt, %jit3A_613, %sign3A_622 : i32
          %sign3A_624 = arith.extui %sign3A_623 : i1 to i32
          %sign3A_625 = arith.constant 0 : i32
          %sign3A_626 = arith.cmpi slt, %jit3A_613, %sign3A_625 : i32
          %sign3A_627 = arith.extui %sign3A_626 : i1 to i32
          %sign3A_628 = arith.subi %sign3A_624, %sign3A_627 : i32
          %ne3A_629 = arith.cmpi ne, %sign3A_621, %sign3A_628 : i32
          %rem3A_630 = arith.remsi %add3A_612, %jit3A_613 : i32
          %ne3A_631 = arith.constant 0 : i32
          %ne3A_632 = arith.cmpi ne, %rem3A_630, %ne3A_631 : i32
          %and3A_633 = arith.andi %ne3A_629, %ne3A_632 : i1
          %sub3A_634 = arith.constant 1 : i32
          %sub3A_635 = arith.subi %div3A_614, %sub3A_634 : i32
          %select_n3A_636 = arith.select %and3A_633, %sub3A_635, %div3A_614 : i32
          %jit3A_637 = arith.constant 2 : i32
          %eq3A_638 = arith.constant 0 : i32
          %eq3A_639 = arith.cmpi eq, %jit3A_637, %eq3A_638 : i32
          %jit3A_640 = arith.constant 1 : i32
          %select_n3A_641 = arith.select %eq3A_639, %jit3A_640, %jit3A_637 : i32
          %rem3A_642 = arith.remsi %select_n3A_636, %select_n3A_641 : i32
          %ne3A_643 = arith.constant 0 : i32
          %ne3A_644 = arith.cmpi ne, %rem3A_642, %ne3A_643 : i32
          %lt3A_645 = arith.constant 0 : i32
          %lt3A_646 = arith.cmpi slt, %rem3A_642, %lt3A_645 : i32
          %lt3A_647 = arith.constant 0 : i32
          %lt3A_648 = arith.cmpi slt, %select_n3A_641, %lt3A_647 : i32
          %ne3A_649 = arith.xori %lt3A_646, %lt3A_648 : i1
          %and3A_650 = arith.andi %ne3A_649, %ne3A_644 : i1
          %add3A_651 = arith.addi %rem3A_642, %select_n3A_641 : i32
          %select_n3A_652 = arith.select %and3A_650, %add3A_651, %rem3A_642 : i32
          %mul3A_653 = arith.constant 16 : i32
          %mul3A_654 = arith.muli %select_n3A_652, %mul3A_653 : i32
          %dma_wait3A_655 = arith.constant 0 : i32
          %dma_wait3A_656 = tpu.memref_slice %arg9[%mul3A_654, %dma_wait3A_655] : memref<32x125xi32, #tpu.memory_space<vmem>> -> memref<16x125xi32, #tpu.memory_space<vmem>>
          %dma_wait3A_657 = arith.constant 0 : i32
          %dma_wait3A_658 = tpu.memref_slice %arg4[%mul3A_2, %dma_wait3A_657] : memref<2560x125xi32, #tpu.memory_space<hbm>> -> memref<16x125xi32, #tpu.memory_space<hbm>>
          %dma_wait3A_659 = arith.constant 0 : i32
          %dma_wait3A_660 = tpu.memref_slice %arg9[%mul3A_654, %dma_wait3A_659] : memref<32x125xi32, #tpu.memory_space<vmem>> -> memref<16x125xi32, #tpu.memory_space<vmem>>
          %dma_wait3A_661 = arith.constant 0 : i32
          %dma_wait3A_662 = tpu.memref_slice %arg4[%mul3A_2, %dma_wait3A_661] : memref<2560x125xi32, #tpu.memory_space<hbm>> -> memref<16x125xi32, #tpu.memory_space<hbm>>
          tpu.wait_dma2 semaphore(%arg17 : memref<!tpu.dma_semaphore, #tpu.memory_space<semaphore_mem>>) src(%dma_wait3A_662 : memref<16x125xi32, #tpu.memory_space<hbm>>) dst(%dma_wait3A_660 : memref<16x125xi32, #tpu.memory_space<vmem>>)
          %dma_wait3A_663 = arith.constant 0 : i32
          %dma_wait3A_664 = tpu.memref_slice %arg10[%mul3A_654, %dma_wait3A_663] : memref<32x125xi32, #tpu.memory_space<vmem>> -> memref<16x125xi32, #tpu.memory_space<vmem>>
          %dma_wait3A_665 = arith.constant 0 : i32
          %dma_wait3A_666 = tpu.memref_slice %arg5[%mul3A_2, %dma_wait3A_665] : memref<2560x125xi32, #tpu.memory_space<hbm>> -> memref<16x125xi32, #tpu.memory_space<hbm>>
          %dma_wait3A_667 = arith.constant 0 : i32
          %dma_wait3A_668 = tpu.memref_slice %arg10[%mul3A_654, %dma_wait3A_667] : memref<32x125xi32, #tpu.memory_space<vmem>> -> memref<16x125xi32, #tpu.memory_space<vmem>>
          %dma_wait3A_669 = arith.constant 0 : i32
          %dma_wait3A_670 = tpu.memref_slice %arg5[%mul3A_2, %dma_wait3A_669] : memref<2560x125xi32, #tpu.memory_space<hbm>> -> memref<16x125xi32, #tpu.memory_space<hbm>>
          tpu.wait_dma2 semaphore(%arg17 : memref<!tpu.dma_semaphore, #tpu.memory_space<semaphore_mem>>) src(%dma_wait3A_670 : memref<16x125xi32, #tpu.memory_space<hbm>>) dst(%dma_wait3A_668 : memref<16x125xi32, #tpu.memory_space<vmem>>)
        } else {
        }
        %add3A_540 = arith.constant 1 : i32
        %add3A_541 = arith.addi %add3A_299, %add3A_540 : i32
        %jit3A_542 = arith.constant 16 : i32
        %div3A_543 = arith.divsi %add3A_541, %jit3A_542 : i32
        %sign3A_544 = arith.constant 0 : i32
        %sign3A_545 = arith.cmpi sgt, %add3A_541, %sign3A_544 : i32
        %sign3A_546 = arith.extui %sign3A_545 : i1 to i32
        %sign3A_547 = arith.constant 0 : i32
        %sign3A_548 = arith.cmpi slt, %add3A_541, %sign3A_547 : i32
        %sign3A_549 = arith.extui %sign3A_548 : i1 to i32
        %sign3A_550 = arith.subi %sign3A_546, %sign3A_549 : i32
        %sign3A_551 = arith.constant 0 : i32
        %sign3A_552 = arith.cmpi sgt, %jit3A_542, %sign3A_551 : i32
        %sign3A_553 = arith.extui %sign3A_552 : i1 to i32
        %sign3A_554 = arith.constant 0 : i32
        %sign3A_555 = arith.cmpi slt, %jit3A_542, %sign3A_554 : i32
        %sign3A_556 = arith.extui %sign3A_555 : i1 to i32
        %sign3A_557 = arith.subi %sign3A_553, %sign3A_556 : i32
        %ne3A_558 = arith.cmpi ne, %sign3A_550, %sign3A_557 : i32
        %rem3A_559 = arith.remsi %add3A_541, %jit3A_542 : i32
        %ne3A_560 = arith.constant 0 : i32
        %ne3A_561 = arith.cmpi ne, %rem3A_559, %ne3A_560 : i32
        %and3A_562 = arith.andi %ne3A_558, %ne3A_561 : i1
        %sub3A_563 = arith.constant 1 : i32
        %sub3A_564 = arith.subi %div3A_543, %sub3A_563 : i32
        %select_n3A_565 = arith.select %and3A_562, %sub3A_564, %div3A_543 : i32
        %jit3A_566 = arith.constant 2 : i32
        %eq3A_567 = arith.constant 0 : i32
        %eq3A_568 = arith.cmpi eq, %jit3A_566, %eq3A_567 : i32
        %jit3A_569 = arith.constant 1 : i32
        %select_n3A_570 = arith.select %eq3A_568, %jit3A_569, %jit3A_566 : i32
        %rem3A_571 = arith.remsi %select_n3A_565, %select_n3A_570 : i32
        %ne3A_572 = arith.constant 0 : i32
        %ne3A_573 = arith.cmpi ne, %rem3A_571, %ne3A_572 : i32
        %lt3A_574 = arith.constant 0 : i32
        %lt3A_575 = arith.cmpi slt, %rem3A_571, %lt3A_574 : i32
        %lt3A_576 = arith.constant 0 : i32
        %lt3A_577 = arith.cmpi slt, %select_n3A_570, %lt3A_576 : i32
        %ne3A_578 = arith.xori %lt3A_575, %lt3A_577 : i1
        %and3A_579 = arith.andi %ne3A_578, %ne3A_573 : i1
        %add3A_580 = arith.addi %rem3A_571, %select_n3A_570 : i32
        %select_n3A_581 = arith.select %and3A_579, %add3A_580, %rem3A_571 : i32
        %mul3A_582 = arith.constant 16 : i32
        %mul3A_583 = arith.muli %select_n3A_581, %mul3A_582 : i32
        %jit3A_584 = arith.constant 16 : i32
        %eq3A_585 = arith.constant 0 : i32
        %eq3A_586 = arith.cmpi eq, %jit3A_584, %eq3A_585 : i32
        %jit3A_587 = arith.constant 1 : i32
        %select_n3A_588 = arith.select %eq3A_586, %jit3A_587, %jit3A_584 : i32
        %rem3A_589 = arith.remsi %add3A_541, %select_n3A_588 : i32
        %ne3A_590 = arith.constant 0 : i32
        %ne3A_591 = arith.cmpi ne, %rem3A_589, %ne3A_590 : i32
        %lt3A_592 = arith.constant 0 : i32
        %lt3A_593 = arith.cmpi slt, %rem3A_589, %lt3A_592 : i32
        %lt3A_594 = arith.constant 0 : i32
        %lt3A_595 = arith.cmpi slt, %select_n3A_588, %lt3A_594 : i32
        %ne3A_596 = arith.xori %lt3A_593, %lt3A_595 : i1
        %and3A_597 = arith.andi %ne3A_596, %ne3A_591 : i1
        %add3A_598 = arith.addi %rem3A_589, %select_n3A_588 : i32
        %select_n3A_599 = arith.select %and3A_597, %add3A_598, %rem3A_589 : i32
        %add3A_600 = arith.addi %mul3A_583, %select_n3A_599 : i32
        %eq3A_601 = arith.constant 0 : i32
        %eq3A_602 = arith.cmpi eq, %arg0, %eq3A_601 : i32
        %convert_element_type3A_603 = arith.extui %eq3A_602 : i1 to i32
        %cond3A_604 = arith.constant 0 : i32
        %cond3A_605 = arith.cmpi ne, %convert_element_type3A_603, %cond3A_604 : i32
        scf.if %cond3A_605 {
          %dma_start3A_611 = arith.constant 0 : i32
          %dma_start3A_612 = arith.constant 0 : i32
          %dma_start3A_613 = tpu.memref_slice %arg11[%dma_start3A_611, %dma_start3A_612] : memref<125x128xf32, #tpu.memory_space<vmem>> -> memref<64x128xf32, #tpu.memory_space<vmem>>
          %dma_start3A_614 = arith.constant 0 : i32
          %dma_start3A_615 = tpu.memref_slice %arg9[%add3A_600, %dma_start3A_614] : memref<32x125xi32, #tpu.memory_space<vmem>> -> memref<1x125xi32, #tpu.memory_space<vmem>>
          %dma_start3A_616 = tpu.memref_squeeze %dma_start3A_615 : memref<1x125xi32, #tpu.memory_space<vmem>> -> memref<125xi32, #tpu.memory_space<vmem>>
          %dma_start3A_617 = arith.constant 0 : i32
          %dma_start3A_618 = tpu.memref_slice %dma_start3A_616[%dma_start3A_617] : memref<125xi32, #tpu.memory_space<vmem>> -> memref<64xi32, #tpu.memory_space<vmem>>
          %dma_start3A_619 = arith.constant 0 : i32
          %dma_start3A_620 = arith.constant 0 : i32
          %dma_start3A_621 = tpu.memref_slice %arg2[%dma_start3A_619, %dma_start3A_620] : memref<10240x128xf32, #tpu.memory_space<hbm>> -> memref<10240x128xf32, #tpu.memory_space<hbm>>
          tpu.enqueue_indirect_dma source(%dma_start3A_621 : memref<10240x128xf32, #tpu.memory_space<hbm>>) target(%dma_start3A_613 : memref<64x128xf32, #tpu.memory_space<vmem>>) offsets(%dma_start3A_618 : memref<64xi32, #tpu.memory_space<vmem>>) semaphore(%arg13 : memref<!tpu.dma_semaphore, #tpu.memory_space<semaphore_mem>>)
          %dma_start3A_622 = arith.constant 64 : i32
          %dma_start3A_623 = arith.constant 0 : i32
          %dma_start3A_624 = tpu.memref_slice %arg11[%dma_start3A_622, %dma_start3A_623] : memref<125x128xf32, #tpu.memory_space<vmem>> -> memref<61x128xf32, #tpu.memory_space<vmem>>
          %dma_start3A_625 = arith.constant 0 : i32
          %dma_start3A_626 = tpu.memref_slice %arg9[%add3A_600, %dma_start3A_625] : memref<32x125xi32, #tpu.memory_space<vmem>> -> memref<1x125xi32, #tpu.memory_space<vmem>>
          %dma_start3A_627 = tpu.memref_squeeze %dma_start3A_626 : memref<1x125xi32, #tpu.memory_space<vmem>> -> memref<125xi32, #tpu.memory_space<vmem>>
          %dma_start3A_628 = arith.constant 64 : i32
          %dma_start3A_629 = tpu.memref_slice %dma_start3A_627[%dma_start3A_628] : memref<125xi32, #tpu.memory_space<vmem>> -> memref<61xi32, #tpu.memory_space<vmem>>
          %dma_start3A_630 = arith.constant 0 : i32
          %dma_start3A_631 = arith.constant 0 : i32
          %dma_start3A_632 = tpu.memref_slice %arg2[%dma_start3A_630, %dma_start3A_631] : memref<10240x128xf32, #tpu.memory_space<hbm>> -> memref<10240x128xf32, #tpu.memory_space<hbm>>
          tpu.enqueue_indirect_dma source(%dma_start3A_632 : memref<10240x128xf32, #tpu.memory_space<hbm>>) target(%dma_start3A_624 : memref<61x128xf32, #tpu.memory_space<vmem>>) offsets(%dma_start3A_629 : memref<61xi32, #tpu.memory_space<vmem>>) semaphore(%arg13 : memref<!tpu.dma_semaphore, #tpu.memory_space<semaphore_mem>>)
        } else {
        }
        %eq3A_606 = arith.constant 1 : i32
        %eq3A_607 = arith.cmpi eq, %arg0, %eq3A_606 : i32
        %convert_element_type3A_608 = arith.extui %eq3A_607 : i1 to i32
        %cond3A_609 = arith.constant 0 : i32
        %cond3A_610 = arith.cmpi ne, %convert_element_type3A_608, %cond3A_609 : i32
        scf.if %cond3A_610 {
          %dma_start3A_611 = arith.constant 0 : i32
          %dma_start3A_612 = arith.constant 0 : i32
          %dma_start3A_613 = tpu.memref_slice %arg11[%dma_start3A_611, %dma_start3A_612] : memref<125x128xf32, #tpu.memory_space<vmem>> -> memref<64x128xf32, #tpu.memory_space<vmem>>
          %dma_start3A_614 = arith.constant 0 : i32
          %dma_start3A_615 = tpu.memref_slice %arg9[%add3A_600, %dma_start3A_614] : memref<32x125xi32, #tpu.memory_space<vmem>> -> memref<1x125xi32, #tpu.memory_space<vmem>>
          %dma_start3A_616 = tpu.memref_squeeze %dma_start3A_615 : memref<1x125xi32, #tpu.memory_space<vmem>> -> memref<125xi32, #tpu.memory_space<vmem>>
          %dma_start3A_617 = arith.constant 0 : i32
          %dma_start3A_618 = tpu.memref_slice %dma_start3A_616[%dma_start3A_617] : memref<125xi32, #tpu.memory_space<vmem>> -> memref<64xi32, #tpu.memory_space<vmem>>
          %dma_start3A_619 = arith.constant 0 : i32
          %dma_start3A_620 = arith.constant 0 : i32
          %dma_start3A_621 = tpu.memref_slice %arg3[%dma_start3A_619, %dma_start3A_620] : memref<10240x128xf32, #tpu.memory_space<hbm>> -> memref<10240x128xf32, #tpu.memory_space<hbm>>
          tpu.enqueue_indirect_dma source(%dma_start3A_621 : memref<10240x128xf32, #tpu.memory_space<hbm>>) target(%dma_start3A_613 : memref<64x128xf32, #tpu.memory_space<vmem>>) offsets(%dma_start3A_618 : memref<64xi32, #tpu.memory_space<vmem>>) semaphore(%arg13 : memref<!tpu.dma_semaphore, #tpu.memory_space<semaphore_mem>>)
          %dma_start3A_622 = arith.constant 64 : i32
          %dma_start3A_623 = arith.constant 0 : i32
          %dma_start3A_624 = tpu.memref_slice %arg11[%dma_start3A_622, %dma_start3A_623] : memref<125x128xf32, #tpu.memory_space<vmem>> -> memref<61x128xf32, #tpu.memory_space<vmem>>
          %dma_start3A_625 = arith.constant 0 : i32
          %dma_start3A_626 = tpu.memref_slice %arg9[%add3A_600, %dma_start3A_625] : memref<32x125xi32, #tpu.memory_space<vmem>> -> memref<1x125xi32, #tpu.memory_space<vmem>>
          %dma_start3A_627 = tpu.memref_squeeze %dma_start3A_626 : memref<1x125xi32, #tpu.memory_space<vmem>> -> memref<125xi32, #tpu.memory_space<vmem>>
          %dma_start3A_628 = arith.constant 64 : i32
          %dma_start3A_629 = tpu.memref_slice %dma_start3A_627[%dma_start3A_628] : memref<125xi32, #tpu.memory_space<vmem>> -> memref<61xi32, #tpu.memory_space<vmem>>
          %dma_start3A_630 = arith.constant 0 : i32
          %dma_start3A_631 = arith.constant 0 : i32
          %dma_start3A_632 = tpu.memref_slice %arg3[%dma_start3A_630, %dma_start3A_631] : memref<10240x128xf32, #tpu.memory_space<hbm>> -> memref<10240x128xf32, #tpu.memory_space<hbm>>
          tpu.enqueue_indirect_dma source(%dma_start3A_632 : memref<10240x128xf32, #tpu.memory_space<hbm>>) target(%dma_start3A_624 : memref<61x128xf32, #tpu.memory_space<vmem>>) offsets(%dma_start3A_629 : memref<61xi32, #tpu.memory_space<vmem>>) semaphore(%arg13 : memref<!tpu.dma_semaphore, #tpu.memory_space<semaphore_mem>>)
        } else {
        }
      } else {
      }
    }
    %scan3A_66 = arith.constant 80 : i32
    %dma_wait3A_67 = arith.constant 31 : i32
    %dma_wait3A_68 = arith.constant 0 : i32
    %dma_wait3A_69 = tpu.memref_slice %arg10[%dma_wait3A_67, %dma_wait3A_68] : memref<32x125xi32, #tpu.memory_space<vmem>> -> memref<1x125xi32, #tpu.memory_space<vmem>>
    %dma_wait3A_70 = tpu.memref_squeeze %dma_wait3A_69 : memref<1x125xi32, #tpu.memory_space<vmem>> -> memref<125xi32, #tpu.memory_space<vmem>>
    %dma_wait3A_71 = arith.constant 0 : i32
    %dma_wait3A_72 = arith.constant 0 : i32
    %dma_wait3A_73 = tpu.memref_slice %arg8[%dma_wait3A_71, %dma_wait3A_72] : memref<10240x128xf32, #tpu.memory_space<vmem_shared>> -> memref<10240x128xf32, #tpu.memory_space<vmem_shared>>
    tpu.wait_indirect_dma semaphore(%arg16 : memref<!tpu.dma_semaphore, #tpu.memory_space<semaphore_mem>>) src(%arg12 : memref<125x128xf32, #tpu.memory_space<vmem>>) dst(%dma_wait3A_73 : memref<10240x128xf32, #tpu.memory_space<vmem_shared>>)
    %barrier3A_74 = arith.constant 0 : index
    tpu.barrier barrier_id(%barrier3A_74)
    %eq3A_75 = arith.constant 0 : i32
    %eq3A_76 = arith.cmpi eq, %arg0, %eq3A_75 : i32
    %convert_element_type3A_77 = arith.extui %eq3A_76 : i1 to i32
    %cond3A_78 = arith.constant 0 : i32
    %cond3A_79 = arith.cmpi ne, %convert_element_type3A_77, %cond3A_78 : i32
    scf.if %cond3A_79 {
      "tpu.region"() ({
        %run_scoped3A = tpu.sem_alloc : memref<!tpu.dma_semaphore, #tpu.memory_space<semaphore_mem>>
        %dma_start3A_85 = arith.constant 0 : i32
        %dma_start3A_86 = tpu.memref_slice %arg6[%multiple_of3A, %dma_start3A_85] : memref<10240x128xf32, #tpu.memory_space<hbm>> -> memref<640x128xf32, #tpu.memory_space<hbm>>
        %dma_start3A_87 = arith.constant 0 : i32
        %dma_start3A_88 = tpu.memref_slice %arg8[%multiple_of3A, %dma_start3A_87] : memref<10240x128xf32, #tpu.memory_space<vmem_shared>> -> memref<640x128xf32, #tpu.memory_space<vmem_shared>>
        tpu.enqueue_dma source(%dma_start3A_88 : memref<640x128xf32, #tpu.memory_space<vmem_shared>>) target(%dma_start3A_86 : memref<640x128xf32, #tpu.memory_space<hbm>>) target_semaphore(%run_scoped3A : memref<!tpu.dma_semaphore, #tpu.memory_space<semaphore_mem>>)
        %dma_wait3A_89 = arith.constant 0 : i32
        %dma_wait3A_90 = tpu.memref_slice %arg6[%multiple_of3A, %dma_wait3A_89] : memref<10240x128xf32, #tpu.memory_space<hbm>> -> memref<640x128xf32, #tpu.memory_space<hbm>>
        %dma_wait3A_91 = arith.constant 0 : i32
        %dma_wait3A_92 = tpu.memref_slice %arg8[%multiple_of3A, %dma_wait3A_91] : memref<10240x128xf32, #tpu.memory_space<vmem_shared>> -> memref<640x128xf32, #tpu.memory_space<vmem_shared>>
        tpu.wait_dma2 semaphore(%run_scoped3A : memref<!tpu.dma_semaphore, #tpu.memory_space<semaphore_mem>>) src(%dma_wait3A_92 : memref<640x128xf32, #tpu.memory_space<vmem_shared>>) dst(%dma_wait3A_90 : memref<640x128xf32, #tpu.memory_space<hbm>>)
        tpu.yield
      }) : () -> ()
    } else {
    }
    %eq3A_80 = arith.constant 1 : i32
    %eq3A_81 = arith.cmpi eq, %arg0, %eq3A_80 : i32
    %convert_element_type3A_82 = arith.extui %eq3A_81 : i1 to i32
    %cond3A_83 = arith.constant 0 : i32
    %cond3A_84 = arith.cmpi ne, %convert_element_type3A_82, %cond3A_83 : i32
    scf.if %cond3A_84 {
      "tpu.region"() ({
        %run_scoped3A = tpu.sem_alloc : memref<!tpu.dma_semaphore, #tpu.memory_space<semaphore_mem>>
        %dma_start3A_85 = arith.constant 0 : i32
        %dma_start3A_86 = tpu.memref_slice %arg7[%multiple_of3A, %dma_start3A_85] : memref<10240x128xf32, #tpu.memory_space<hbm>> -> memref<640x128xf32, #tpu.memory_space<hbm>>
        %dma_start3A_87 = arith.constant 0 : i32
        %dma_start3A_88 = tpu.memref_slice %arg8[%multiple_of3A, %dma_start3A_87] : memref<10240x128xf32, #tpu.memory_space<vmem_shared>> -> memref<640x128xf32, #tpu.memory_space<vmem_shared>>
        tpu.enqueue_dma source(%dma_start3A_88 : memref<640x128xf32, #tpu.memory_space<vmem_shared>>) target(%dma_start3A_86 : memref<640x128xf32, #tpu.memory_space<hbm>>) target_semaphore(%run_scoped3A : memref<!tpu.dma_semaphore, #tpu.memory_space<semaphore_mem>>)
        %dma_wait3A_89 = arith.constant 0 : i32
        %dma_wait3A_90 = tpu.memref_slice %arg7[%multiple_of3A, %dma_wait3A_89] : memref<10240x128xf32, #tpu.memory_space<hbm>> -> memref<640x128xf32, #tpu.memory_space<hbm>>
        %dma_wait3A_91 = arith.constant 0 : i32
        %dma_wait3A_92 = tpu.memref_slice %arg8[%multiple_of3A, %dma_wait3A_91] : memref<10240x128xf32, #tpu.memory_space<vmem_shared>> -> memref<640x128xf32, #tpu.memory_space<vmem_shared>>
        tpu.wait_dma2 semaphore(%run_scoped3A : memref<!tpu.dma_semaphore, #tpu.memory_space<semaphore_mem>>) src(%dma_wait3A_92 : memref<640x128xf32, #tpu.memory_space<vmem_shared>>) dst(%dma_wait3A_90 : memref<640x128xf32, #tpu.memory_space<hbm>>)
        tpu.yield
      }) : () -> ()
    } else {
    }
    return
  }
}

#map = affine_map<(d0, d1) -> (0, 0)>
module attributes {stable_mosaic.version = 14 : i64} {
  func.func @prop_kernel(%arg0: i32, %arg1: i32, %arg2: memref<10240x128xf32, #tpu.memory_space<hbm>>, %arg3: memref<10240x128xf32, #tpu.memory_space<hbm>>, %arg4: memref<2560x125xi32, #tpu.memory_space<hbm>>, %arg5: memref<2560x125xi32, #tpu.memory_space<hbm>>, %arg6: memref<10240x128xf32, #tpu.memory_space<hbm>>, %arg7: memref<10240x128xf32, #tpu.memory_space<hbm>>, %arg8: memref<10240x128xf32, #tpu.memory_space<vmem_shared>>, %arg9: memref<32x125xi32, #tpu.memory_space<vmem>>, %arg10: memref<32x125xi32, #tpu.memory_space<vmem>>, %arg11: memref<125x128xf32, #tpu.memory_space<vmem>>, %arg12: memref<125x128xf32, #tpu.memory_space<vmem>>, %arg13: memref<!tpu.dma_semaphore, #tpu.memory_space<semaphore_mem>>, %arg14: memref<!tpu.dma_semaphore, #tpu.memory_space<semaphore_mem>>, %arg15: memref<!tpu.dma_semaphore, #tpu.memory_space<semaphore_mem>>, %arg16: memref<!tpu.dma_semaphore, #tpu.memory_space<semaphore_mem>>, %arg17: memref<!tpu.dma_semaphore, #tpu.memory_space<semaphore_mem>>) attributes {dimension_semantics = [#tpu.dimension_semantics<core_parallel>, #tpu.dimension_semantics<subcore_parallel>], iteration_bounds = array<i64: 2, 16>, scalar_prefetch = 0 : i64, scratch_operands = 10 : i64, tpu.core_type = #tpu.core_type<sc_vector_subcore>, window_params = [{transform_indices = #map}, {transform_indices = #map}, {transform_indices = #map}, {transform_indices = #map}, {transform_indices = #map}, {transform_indices = #map}]} {
    %mul3A = arith.constant 640 : i32
    %mul3A_0 = arith.muli %arg1, %mul3A : i32
    %multiple_of3A = tpu.assume_multiple %mul3A_0, 8 : i32
    %mul3A_1 = arith.constant 160 : i32
    %mul3A_2 = arith.muli %arg1, %mul3A_1 : i32
    %eq3A = arith.constant 0 : i32
    %eq3A_3 = arith.cmpi eq, %arg0, %eq3A : i32
    %convert_element_type3A = arith.extui %eq3A_3 : i1 to i32
    %cond3A = arith.constant 0 : i32
    %cond3A_4 = arith.cmpi ne, %convert_element_type3A, %cond3A : i32
    scf.if %cond3A_4 {
      "tpu.region"() ({
        %run_scoped3A = tpu.sem_alloc : memref<!tpu.dma_semaphore, #tpu.memory_space<semaphore_mem>>
        %dma_start3A_85 = arith.constant 0 : i32
        %dma_start3A_86 = tpu.memref_slice %arg8[%multiple_of3A, %dma_start3A_85] : memref<10240x128xf32, #tpu.memory_space<vmem_shared>> -> memref<640x128xf32, #tpu.memory_space<vmem_shared>>
        %dma_start3A_87 = arith.constant 0 : i32
        %dma_start3A_88 = tpu.memref_slice %arg2[%multiple_of3A, %dma_start3A_87] : memref<10240x128xf32, #tpu.memory_space<hbm>> -> memref<640x128xf32, #tpu.memory_space<hbm>>
        tpu.enqueue_dma source(%dma_start3A_88 : memref<640x128xf32, #tpu.memory_space<hbm>>) target(%dma_start3A_86 : memref<640x128xf32, #tpu.memory_space<vmem_shared>>) target_semaphore(%run_scoped3A : memref<!tpu.dma_semaphore, #tpu.memory_space<semaphore_mem>>)
        %dma_wait3A_89 = arith.constant 0 : i32
        %dma_wait3A_90 = tpu.memref_slice %arg8[%multiple_of3A, %dma_wait3A_89] : memref<10240x128xf32, #tpu.memory_space<vmem_shared>> -> memref<640x128xf32, #tpu.memory_space<vmem_shared>>
        %dma_wait3A_91 = arith.constant 0 : i32
        %dma_wait3A_92 = tpu.memref_slice %arg2[%multiple_of3A, %dma_wait3A_91] : memref<10240x128xf32, #tpu.memory_space<hbm>> -> memref<640x128xf32, #tpu.memory_space<hbm>>
        tpu.wait_dma2 semaphore(%run_scoped3A : memref<!tpu.dma_semaphore, #tpu.memory_space<semaphore_mem>>) src(%dma_wait3A_92 : memref<640x128xf32, #tpu.memory_space<hbm>>) dst(%dma_wait3A_90 : memref<640x128xf32, #tpu.memory_space<vmem_shared>>)
        tpu.yield
      }) : () -> ()
    } else {
    }
    %eq3A_5 = arith.constant 1 : i32
    %eq3A_6 = arith.cmpi eq, %arg0, %eq3A_5 : i32
    %convert_element_type3A_7 = arith.extui %eq3A_6 : i1 to i32
    %cond3A_8 = arith.constant 0 : i32
    %cond3A_9 = arith.cmpi ne, %convert_element_type3A_7, %cond3A_8 : i32
    scf.if %cond3A_9 {
      "tpu.region"() ({
        %run_scoped3A = tpu.sem_alloc : memref<!tpu.dma_semaphore, #tpu.memory_space<semaphore_mem>>
        %dma_start3A_85 = arith.constant 0 : i32
        %dma_start3A_86 = tpu.memref_slice %arg8[%multiple_of3A, %dma_start3A_85] : memref<10240x128xf32, #tpu.memory_space<vmem_shared>> -> memref<640x128xf32, #tpu.memory_space<vmem_shared>>
        %dma_start3A_87 = arith.constant 0 : i32
        %dma_start3A_88 = tpu.memref_slice %arg3[%multiple_of3A, %dma_start3A_87] : memref<10240x128xf32, #tpu.memory_space<hbm>> -> memref<640x128xf32, #tpu.memory_space<hbm>>
        tpu.enqueue_dma source(%dma_start3A_88 : memref<640x128xf32, #tpu.memory_space<hbm>>) target(%dma_start3A_86 : memref<640x128xf32, #tpu.memory_space<vmem_shared>>) target_semaphore(%run_scoped3A : memref<!tpu.dma_semaphore, #tpu.memory_space<semaphore_mem>>)
        %dma_wait3A_89 = arith.constant 0 : i32
        %dma_wait3A_90 = tpu.memref_slice %arg8[%multiple_of3A, %dma_wait3A_89] : memref<10240x128xf32, #tpu.memory_space<vmem_shared>> -> memref<640x128xf32, #tpu.memory_space<vmem_shared>>
        %dma_wait3A_91 = arith.constant 0 : i32
        %dma_wait3A_92 = tpu.memref_slice %arg3[%multiple_of3A, %dma_wait3A_91] : memref<10240x128xf32, #tpu.memory_space<hbm>> -> memref<640x128xf32, #tpu.memory_space<hbm>>
        tpu.wait_dma2 semaphore(%run_scoped3A : memref<!tpu.dma_semaphore, #tpu.memory_space<semaphore_mem>>) src(%dma_wait3A_92 : memref<640x128xf32, #tpu.memory_space<hbm>>) dst(%dma_wait3A_90 : memref<640x128xf32, #tpu.memory_space<vmem_shared>>)
        tpu.yield
      }) : () -> ()
    } else {
    }
    %barrier3A = arith.constant 0 : index
    tpu.barrier barrier_id(%barrier3A)
    %add3A = arith.constant 0 : i32
    %add3A_10 = arith.addi %mul3A_2, %add3A : i32
    %multiple_of3A_11 = tpu.assume_multiple %add3A_10, 8 : i32
    %dma_start3A = arith.constant 0 : i32
    %dma_start3A_12 = arith.constant 0 : i32
    %dma_start3A_13 = tpu.memref_slice %arg9[%dma_start3A, %dma_start3A_12] : memref<32x125xi32, #tpu.memory_space<vmem>> -> memref<16x125xi32, #tpu.memory_space<vmem>>
    %dma_start3A_14 = arith.constant 0 : i32
    %dma_start3A_15 = tpu.memref_slice %arg4[%multiple_of3A_11, %dma_start3A_14] : memref<2560x125xi32, #tpu.memory_space<hbm>> -> memref<16x125xi32, #tpu.memory_space<hbm>>
    %dma_start3A_16 = arith.constant 0 : i32
    %dma_start3A_17 = arith.constant 0 : i32
    %dma_start3A_18 = tpu.memref_slice %arg9[%dma_start3A_16, %dma_start3A_17] : memref<32x125xi32, #tpu.memory_space<vmem>> -> memref<16x125xi32, #tpu.memory_space<vmem>>
    %dma_start3A_19 = arith.constant 0 : i32
    %dma_start3A_20 = tpu.memref_slice %arg4[%multiple_of3A_11, %dma_start3A_19] : memref<2560x125xi32, #tpu.memory_space<hbm>> -> memref<16x125xi32, #tpu.memory_space<hbm>>
    tpu.enqueue_dma source(%dma_start3A_20 : memref<16x125xi32, #tpu.memory_space<hbm>>) target(%dma_start3A_18 : memref<16x125xi32, #tpu.memory_space<vmem>>) target_semaphore(%arg17 : memref<!tpu.dma_semaphore, #tpu.memory_space<semaphore_mem>>)
    %dma_start3A_21 = arith.constant 0 : i32
    %dma_start3A_22 = arith.constant 0 : i32
    %dma_start3A_23 = tpu.memref_slice %arg10[%dma_start3A_21, %dma_start3A_22] : memref<32x125xi32, #tpu.memory_space<vmem>> -> memref<16x125xi32, #tpu.memory_space<vmem>>
    %dma_start3A_24 = arith.constant 0 : i32
    %dma_start3A_25 = tpu.memref_slice %arg5[%multiple_of3A_11, %dma_start3A_24] : memref<2560x125xi32, #tpu.memory_space<hbm>> -> memref<16x125xi32, #tpu.memory_space<hbm>>
    %dma_start3A_26 = arith.constant 0 : i32
    %dma_start3A_27 = arith.constant 0 : i32
    %dma_start3A_28 = tpu.memref_slice %arg10[%dma_start3A_26, %dma_start3A_27] : memref<32x125xi32, #tpu.memory_space<vmem>> -> memref<16x125xi32, #tpu.memory_space<vmem>>
    %dma_start3A_29 = arith.constant 0 : i32
    %dma_start3A_30 = tpu.memref_slice %arg5[%multiple_of3A_11, %dma_start3A_29] : memref<2560x125xi32, #tpu.memory_space<hbm>> -> memref<16x125xi32, #tpu.memory_space<hbm>>
    tpu.enqueue_dma source(%dma_start3A_30 : memref<16x125xi32, #tpu.memory_space<hbm>>) target(%dma_start3A_28 : memref<16x125xi32, #tpu.memory_space<vmem>>) target_semaphore(%arg17 : memref<!tpu.dma_semaphore, #tpu.memory_space<semaphore_mem>>)
    %dma_wait3A = arith.constant 0 : i32
    %dma_wait3A_31 = arith.constant 0 : i32
    %dma_wait3A_32 = tpu.memref_slice %arg9[%dma_wait3A, %dma_wait3A_31] : memref<32x125xi32, #tpu.memory_space<vmem>> -> memref<16x125xi32, #tpu.memory_space<vmem>>
    %dma_wait3A_33 = arith.constant 0 : i32
    %dma_wait3A_34 = tpu.memref_slice %arg4[%mul3A_2, %dma_wait3A_33] : memref<2560x125xi32, #tpu.memory_space<hbm>> -> memref<16x125xi32, #tpu.memory_space<hbm>>
    %dma_wait3A_35 = arith.constant 0 : i32
    %dma_wait3A_36 = arith.constant 0 : i32
    %dma_wait3A_37 = tpu.memref_slice %arg9[%dma_wait3A_35, %dma_wait3A_36] : memref<32x125xi32, #tpu.memory_space<vmem>> -> memref<16x125xi32, #tpu.memory_space<vmem>>
    %dma_wait3A_38 = arith.constant 0 : i32
    %dma_wait3A_39 = tpu.memref_slice %arg4[%mul3A_2, %dma_wait3A_38] : memref<2560x125xi32, #tpu.memory_space<hbm>> -> memref<16x125xi32, #tpu.memory_space<hbm>>
    tpu.wait_dma2 semaphore(%arg17 : memref<!tpu.dma_semaphore, #tpu.memory_space<semaphore_mem>>) src(%dma_wait3A_39 : memref<16x125xi32, #tpu.memory_space<hbm>>) dst(%dma_wait3A_37 : memref<16x125xi32, #tpu.memory_space<vmem>>)
    %dma_wait3A_40 = arith.constant 0 : i32
    %dma_wait3A_41 = arith.constant 0 : i32
    %dma_wait3A_42 = tpu.memref_slice %arg10[%dma_wait3A_40, %dma_wait3A_41] : memref<32x125xi32, #tpu.memory_space<vmem>> -> memref<16x125xi32, #tpu.memory_space<vmem>>
    %dma_wait3A_43 = arith.constant 0 : i32
    %dma_wait3A_44 = tpu.memref_slice %arg5[%mul3A_2, %dma_wait3A_43] : memref<2560x125xi32, #tpu.memory_space<hbm>> -> memref<16x125xi32, #tpu.memory_space<hbm>>
    %dma_wait3A_45 = arith.constant 0 : i32
    %dma_wait3A_46 = arith.constant 0 : i32
    %dma_wait3A_47 = tpu.memref_slice %arg10[%dma_wait3A_45, %dma_wait3A_46] : memref<32x125xi32, #tpu.memory_space<vmem>> -> memref<16x125xi32, #tpu.memory_space<vmem>>
    %dma_wait3A_48 = arith.constant 0 : i32
    %dma_wait3A_49 = tpu.memref_slice %arg5[%mul3A_2, %dma_wait3A_48] : memref<2560x125xi32, #tpu.memory_space<hbm>> -> memref<16x125xi32, #tpu.memory_space<hbm>>
    tpu.wait_dma2 semaphore(%arg17 : memref<!tpu.dma_semaphore, #tpu.memory_space<semaphore_mem>>) src(%dma_wait3A_49 : memref<16x125xi32, #tpu.memory_space<hbm>>) dst(%dma_wait3A_47 : memref<16x125xi32, #tpu.memory_space<vmem>>)
    %eq3A_50 = arith.constant 0 : i32
    %eq3A_51 = arith.cmpi eq, %arg0, %eq3A_50 : i32
    %convert_element_type3A_52 = arith.extui %eq3A_51 : i1 to i32
    %cond3A_53 = arith.constant 0 : i32
    %cond3A_54 = arith.constant 0 : i32
    %cond3A_55 = arith.cmpi ne, %convert_element_type3A_52, %cond3A_54 : i32
    scf.if %cond3A_55 {
      %dma_start3A_85 = arith.constant 0 : i32
      %dma_start3A_86 = arith.constant 0 : i32
      %dma_start3A_87 = tpu.memref_slice %arg11[%dma_start3A_85, %dma_start3A_86] : memref<125x128xf32, #tpu.memory_space<vmem>> -> memref<64x128xf32, #tpu.memory_space<vmem>>
      %dma_start3A_88 = arith.constant 0 : i32
      %dma_start3A_89 = tpu.memref_slice %arg9[%cond3A_53, %dma_start3A_88] : memref<32x125xi32, #tpu.memory_space<vmem>> -> memref<1x125xi32, #tpu.memory_space<vmem>>
      %dma_start3A_90 = tpu.memref_squeeze %dma_start3A_89 : memref<1x125xi32, #tpu.memory_space<vmem>> -> memref<125xi32, #tpu.memory_space<vmem>>
      %dma_start3A_91 = arith.constant 0 : i32
      %dma_start3A_92 = tpu.memref_slice %dma_start3A_90[%dma_start3A_91] : memref<125xi32, #tpu.memory_space<vmem>> -> memref<64xi32, #tpu.memory_space<vmem>>
      %dma_start3A_93 = arith.constant 0 : i32
      %dma_start3A_94 = arith.constant 0 : i32
      %dma_start3A_95 = tpu.memref_slice %arg2[%dma_start3A_93, %dma_start3A_94] : memref<10240x128xf32, #tpu.memory_space<hbm>> -> memref<10240x128xf32, #tpu.memory_space<hbm>>
      tpu.enqueue_indirect_dma source(%dma_start3A_95 : memref<10240x128xf32, #tpu.memory_space<hbm>>) target(%dma_start3A_87 : memref<64x128xf32, #tpu.memory_space<vmem>>) offsets(%dma_start3A_92 : memref<64xi32, #tpu.memory_space<vmem>>) semaphore(%arg13 : memref<!tpu.dma_semaphore, #tpu.memory_space<semaphore_mem>>)
      %dma_start3A_96 = arith.constant 64 : i32
      %dma_start3A_97 = arith.constant 0 : i32
      %dma_start3A_98 = tpu.memref_slice %arg11[%dma_start3A_96, %dma_start3A_97] : memref<125x128xf32, #tpu.memory_space<vmem>> -> memref<61x128xf32, #tpu.memory_space<vmem>>
      %dma_start3A_99 = arith.constant 0 : i32
      %dma_start3A_100 = tpu.memref_slice %arg9[%cond3A_53, %dma_start3A_99] : memref<32x125xi32, #tpu.memory_space<vmem>> -> memref<1x125xi32, #tpu.memory_space<vmem>>
      %dma_start3A_101 = tpu.memref_squeeze %dma_start3A_100 : memref<1x125xi32, #tpu.memory_space<vmem>> -> memref<125xi32, #tpu.memory_space<vmem>>
      %dma_start3A_102 = arith.constant 64 : i32
      %dma_start3A_103 = tpu.memref_slice %dma_start3A_101[%dma_start3A_102] : memref<125xi32, #tpu.memory_space<vmem>> -> memref<61xi32, #tpu.memory_space<vmem>>
      %dma_start3A_104 = arith.constant 0 : i32
      %dma_start3A_105 = arith.constant 0 : i32
      %dma_start3A_106 = tpu.memref_slice %arg2[%dma_start3A_104, %dma_start3A_105] : memref<10240x128xf32, #tpu.memory_space<hbm>> -> memref<10240x128xf32, #tpu.memory_space<hbm>>
      tpu.enqueue_indirect_dma source(%dma_start3A_106 : memref<10240x128xf32, #tpu.memory_space<hbm>>) target(%dma_start3A_98 : memref<61x128xf32, #tpu.memory_space<vmem>>) offsets(%dma_start3A_103 : memref<61xi32, #tpu.memory_space<vmem>>) semaphore(%arg13 : memref<!tpu.dma_semaphore, #tpu.memory_space<semaphore_mem>>)
    } else {
    }
    %eq3A_56 = arith.constant 1 : i32
    %eq3A_57 = arith.cmpi eq, %arg0, %eq3A_56 : i32
    %convert_element_type3A_58 = arith.extui %eq3A_57 : i1 to i32
    %cond3A_59 = arith.constant 0 : i32
    %cond3A_60 = arith.constant 0 : i32
    %cond3A_61 = arith.cmpi ne, %convert_element_type3A_58, %cond3A_60 : i32
    scf.if %cond3A_61 {
      %dma_start3A_85 = arith.constant 0 : i32
      %dma_start3A_86 = arith.constant 0 : i32
      %dma_start3A_87 = tpu.memref_slice %arg11[%dma_start3A_85, %dma_start3A_86] : memref<125x128xf32, #tpu.memory_space<vmem>> -> memref<64x128xf32, #tpu.memory_space<vmem>>
      %dma_start3A_88 = arith.constant 0 : i32
      %dma_start3A_89 = tpu.memref_slice %arg9[%cond3A_59, %dma_start3A_88] : memref<32x125xi32, #tpu.memory_space<vmem>> -> memref<1x125xi32, #tpu.memory_space<vmem>>
      %dma_start3A_90 = tpu.memref_squeeze %dma_start3A_89 : memref<1x125xi32, #tpu.memory_space<vmem>> -> memref<125xi32, #tpu.memory_space<vmem>>
      %dma_start3A_91 = arith.constant 0 : i32
      %dma_start3A_92 = tpu.memref_slice %dma_start3A_90[%dma_start3A_91] : memref<125xi32, #tpu.memory_space<vmem>> -> memref<64xi32, #tpu.memory_space<vmem>>
      %dma_start3A_93 = arith.constant 0 : i32
      %dma_start3A_94 = arith.constant 0 : i32
      %dma_start3A_95 = tpu.memref_slice %arg3[%dma_start3A_93, %dma_start3A_94] : memref<10240x128xf32, #tpu.memory_space<hbm>> -> memref<10240x128xf32, #tpu.memory_space<hbm>>
      tpu.enqueue_indirect_dma source(%dma_start3A_95 : memref<10240x128xf32, #tpu.memory_space<hbm>>) target(%dma_start3A_87 : memref<64x128xf32, #tpu.memory_space<vmem>>) offsets(%dma_start3A_92 : memref<64xi32, #tpu.memory_space<vmem>>) semaphore(%arg13 : memref<!tpu.dma_semaphore, #tpu.memory_space<semaphore_mem>>)
      %dma_start3A_96 = arith.constant 64 : i32
      %dma_start3A_97 = arith.constant 0 : i32
      %dma_start3A_98 = tpu.memref_slice %arg11[%dma_start3A_96, %dma_start3A_97] : memref<125x128xf32, #tpu.memory_space<vmem>> -> memref<61x128xf32, #tpu.memory_space<vmem>>
      %dma_start3A_99 = arith.constant 0 : i32
      %dma_start3A_100 = tpu.memref_slice %arg9[%cond3A_59, %dma_start3A_99] : memref<32x125xi32, #tpu.memory_space<vmem>> -> memref<1x125xi32, #tpu.memory_space<vmem>>
      %dma_start3A_101 = tpu.memref_squeeze %dma_start3A_100 : memref<1x125xi32, #tpu.memory_space<vmem>> -> memref<125xi32, #tpu.memory_space<vmem>>
      %dma_start3A_102 = arith.constant 64 : i32
      %dma_start3A_103 = tpu.memref_slice %dma_start3A_101[%dma_start3A_102] : memref<125xi32, #tpu.memory_space<vmem>> -> memref<61xi32, #tpu.memory_space<vmem>>
      %dma_start3A_104 = arith.constant 0 : i32
      %dma_start3A_105 = arith.constant 0 : i32
      %dma_start3A_106 = tpu.memref_slice %arg3[%dma_start3A_104, %dma_start3A_105] : memref<10240x128xf32, #tpu.memory_space<hbm>> -> memref<10240x128xf32, #tpu.memory_space<hbm>>
      tpu.enqueue_indirect_dma source(%dma_start3A_106 : memref<10240x128xf32, #tpu.memory_space<hbm>>) target(%dma_start3A_98 : memref<61x128xf32, #tpu.memory_space<vmem>>) offsets(%dma_start3A_103 : memref<61xi32, #tpu.memory_space<vmem>>) semaphore(%arg13 : memref<!tpu.dma_semaphore, #tpu.memory_space<semaphore_mem>>)
    } else {
    }
    %scan3A = arith.constant 0 : i32
    %scan3A_62 = arith.constant 0 : i32
    %scan3A_63 = arith.constant 80 : i32
    %scan3A_64 = arith.addi %scan3A_62, %scan3A_63 : i32
    %scan3A_65 = arith.constant 1 : i32
    scf.for %scan3A_85 = %scan3A_62 to %scan3A_64 step %scan3A_65  : i32 {
      %mul3A_86 = arith.constant 2 : i32
      %mul3A_87 = arith.muli %mul3A_86, %scan3A_85 : i32
      %add3A_88 = arith.constant 0 : i32
      %add3A_89 = arith.addi %mul3A_87, %add3A_88 : i32
      %jit3A = arith.constant 16 : i32
      %eq3A_90 = arith.constant 0 : i32
      %eq3A_91 = arith.cmpi eq, %jit3A, %eq3A_90 : i32
      %jit3A_92 = arith.constant 1 : i32
      %select_n3A = arith.select %eq3A_91, %jit3A_92, %jit3A : i32
      %rem3A = arith.remsi %add3A_89, %select_n3A : i32
      %ne3A = arith.constant 0 : i32
      %ne3A_93 = arith.cmpi ne, %rem3A, %ne3A : i32
      %lt3A = arith.constant 0 : i32
      %lt3A_94 = arith.cmpi slt, %rem3A, %lt3A : i32
      %lt3A_95 = arith.constant 0 : i32
      %lt3A_96 = arith.cmpi slt, %select_n3A, %lt3A_95 : i32
      %ne3A_97 = arith.xori %lt3A_94, %lt3A_96 : i1
      %and3A = arith.andi %ne3A_97, %ne3A_93 : i1
      %add3A_98 = arith.addi %rem3A, %select_n3A : i32
      %select_n3A_99 = arith.select %and3A, %add3A_98, %rem3A : i32
      %eq3A_100 = arith.constant 0 : i32
      %eq3A_101 = arith.cmpi eq, %select_n3A_99, %eq3A_100 : i32
      %jit3A_102 = arith.constant 16 : i32
      %div3A = arith.divsi %add3A_89, %jit3A_102 : i32
      %sign3A = arith.constant 0 : i32
      %sign3A_103 = arith.cmpi sgt, %add3A_89, %sign3A : i32
      %sign3A_104 = arith.extui %sign3A_103 : i1 to i32
      %sign3A_105 = arith.constant 0 : i32
      %sign3A_106 = arith.cmpi slt, %add3A_89, %sign3A_105 : i32
      %sign3A_107 = arith.extui %sign3A_106 : i1 to i32
      %sign3A_108 = arith.subi %sign3A_104, %sign3A_107 : i32
      %sign3A_109 = arith.constant 0 : i32
      %sign3A_110 = arith.cmpi sgt, %jit3A_102, %sign3A_109 : i32
      %sign3A_111 = arith.extui %sign3A_110 : i1 to i32
      %sign3A_112 = arith.constant 0 : i32
      %sign3A_113 = arith.cmpi slt, %jit3A_102, %sign3A_112 : i32
      %sign3A_114 = arith.extui %sign3A_113 : i1 to i32
      %sign3A_115 = arith.subi %sign3A_111, %sign3A_114 : i32
      %ne3A_116 = arith.cmpi ne, %sign3A_108, %sign3A_115 : i32
      %rem3A_117 = arith.remsi %add3A_89, %jit3A_102 : i32
      %ne3A_118 = arith.constant 0 : i32
      %ne3A_119 = arith.cmpi ne, %rem3A_117, %ne3A_118 : i32
      %and3A_120 = arith.andi %ne3A_116, %ne3A_119 : i1
      %sub3A = arith.constant 1 : i32
      %sub3A_121 = arith.subi %div3A, %sub3A : i32
      %select_n3A_122 = arith.select %and3A_120, %sub3A_121, %div3A : i32
      %ge3A = arith.constant 1 : i32
      %ge3A_123 = arith.cmpi sge, %add3A_89, %ge3A : i32
      %and3A_124 = arith.andi %ge3A_123, %eq3A_101 : i1
      %convert_element_type3A_125 = arith.extui %and3A_124 : i1 to i32
      %cond3A_126 = arith.constant 0 : i32
      %cond3A_127 = arith.cmpi ne, %convert_element_type3A_125, %cond3A_126 : i32
      scf.if %cond3A_127 {
        %sub3A_517 = arith.constant 1 : i32
        %sub3A_518 = arith.subi %add3A_89, %sub3A_517 : i32
        %jit3A_519 = arith.constant 16 : i32
        %div3A_520 = arith.divsi %sub3A_518, %jit3A_519 : i32
        %sign3A_521 = arith.constant 0 : i32
        %sign3A_522 = arith.cmpi sgt, %sub3A_518, %sign3A_521 : i32
        %sign3A_523 = arith.extui %sign3A_522 : i1 to i32
        %sign3A_524 = arith.constant 0 : i32
        %sign3A_525 = arith.cmpi slt, %sub3A_518, %sign3A_524 : i32
        %sign3A_526 = arith.extui %sign3A_525 : i1 to i32
        %sign3A_527 = arith.subi %sign3A_523, %sign3A_526 : i32
        %sign3A_528 = arith.constant 0 : i32
        %sign3A_529 = arith.cmpi sgt, %jit3A_519, %sign3A_528 : i32
        %sign3A_530 = arith.extui %sign3A_529 : i1 to i32
        %sign3A_531 = arith.constant 0 : i32
        %sign3A_532 = arith.cmpi slt, %jit3A_519, %sign3A_531 : i32
        %sign3A_533 = arith.extui %sign3A_532 : i1 to i32
        %sign3A_534 = arith.subi %sign3A_530, %sign3A_533 : i32
        %ne3A_535 = arith.cmpi ne, %sign3A_527, %sign3A_534 : i32
        %rem3A_536 = arith.remsi %sub3A_518, %jit3A_519 : i32
        %ne3A_537 = arith.constant 0 : i32
        %ne3A_538 = arith.cmpi ne, %rem3A_536, %ne3A_537 : i32
        %and3A_539 = arith.andi %ne3A_535, %ne3A_538 : i1
        %sub3A_540 = arith.constant 1 : i32
        %sub3A_541 = arith.subi %div3A_520, %sub3A_540 : i32
        %select_n3A_542 = arith.select %and3A_539, %sub3A_541, %div3A_520 : i32
        %jit3A_543 = arith.constant 2 : i32
        %eq3A_544 = arith.constant 0 : i32
        %eq3A_545 = arith.cmpi eq, %jit3A_543, %eq3A_544 : i32
        %jit3A_546 = arith.constant 1 : i32
        %select_n3A_547 = arith.select %eq3A_545, %jit3A_546, %jit3A_543 : i32
        %rem3A_548 = arith.remsi %select_n3A_542, %select_n3A_547 : i32
        %ne3A_549 = arith.constant 0 : i32
        %ne3A_550 = arith.cmpi ne, %rem3A_548, %ne3A_549 : i32
        %lt3A_551 = arith.constant 0 : i32
        %lt3A_552 = arith.cmpi slt, %rem3A_548, %lt3A_551 : i32
        %lt3A_553 = arith.constant 0 : i32
        %lt3A_554 = arith.cmpi slt, %select_n3A_547, %lt3A_553 : i32
        %ne3A_555 = arith.xori %lt3A_552, %lt3A_554 : i1
        %and3A_556 = arith.andi %ne3A_555, %ne3A_550 : i1
        %add3A_557 = arith.addi %rem3A_548, %select_n3A_547 : i32
        %select_n3A_558 = arith.select %and3A_556, %add3A_557, %rem3A_548 : i32
        %mul3A_559 = arith.constant 16 : i32
        %mul3A_560 = arith.muli %select_n3A_558, %mul3A_559 : i32
        %jit3A_561 = arith.constant 16 : i32
        %eq3A_562 = arith.constant 0 : i32
        %eq3A_563 = arith.cmpi eq, %jit3A_561, %eq3A_562 : i32
        %jit3A_564 = arith.constant 1 : i32
        %select_n3A_565 = arith.select %eq3A_563, %jit3A_564, %jit3A_561 : i32
        %rem3A_566 = arith.remsi %sub3A_518, %select_n3A_565 : i32
        %ne3A_567 = arith.constant 0 : i32
        %ne3A_568 = arith.cmpi ne, %rem3A_566, %ne3A_567 : i32
        %lt3A_569 = arith.constant 0 : i32
        %lt3A_570 = arith.cmpi slt, %rem3A_566, %lt3A_569 : i32
        %lt3A_571 = arith.constant 0 : i32
        %lt3A_572 = arith.cmpi slt, %select_n3A_565, %lt3A_571 : i32
        %ne3A_573 = arith.xori %lt3A_570, %lt3A_572 : i1
        %and3A_574 = arith.andi %ne3A_573, %ne3A_568 : i1
        %add3A_575 = arith.addi %rem3A_566, %select_n3A_565 : i32
        %select_n3A_576 = arith.select %and3A_574, %add3A_575, %rem3A_566 : i32
        %add3A_577 = arith.addi %mul3A_560, %select_n3A_576 : i32
        %dma_wait3A_578 = arith.constant 0 : i32
        %dma_wait3A_579 = tpu.memref_slice %arg10[%add3A_577, %dma_wait3A_578] : memref<32x125xi32, #tpu.memory_space<vmem>> -> memref<1x125xi32, #tpu.memory_space<vmem>>
        %dma_wait3A_580 = tpu.memref_squeeze %dma_wait3A_579 : memref<1x125xi32, #tpu.memory_space<vmem>> -> memref<125xi32, #tpu.memory_space<vmem>>
        %dma_wait3A_581 = arith.constant 0 : i32
        %dma_wait3A_582 = arith.constant 0 : i32
        %dma_wait3A_583 = tpu.memref_slice %arg8[%dma_wait3A_581, %dma_wait3A_582] : memref<10240x128xf32, #tpu.memory_space<vmem_shared>> -> memref<10240x128xf32, #tpu.memory_space<vmem_shared>>
        tpu.wait_indirect_dma semaphore(%arg16 : memref<!tpu.dma_semaphore, #tpu.memory_space<semaphore_mem>>) src(%arg12 : memref<125x128xf32, #tpu.memory_space<vmem>>) dst(%dma_wait3A_583 : memref<10240x128xf32, #tpu.memory_space<vmem_shared>>)
      } else {
      }
      %add3A_128 = arith.constant 16 : i32
      %add3A_129 = arith.addi %add3A_89, %add3A_128 : i32
      %lt3A_130 = arith.constant 160 : i32
      %lt3A_131 = arith.cmpi slt, %add3A_129, %lt3A_130 : i32
      %and3A_132 = arith.andi %eq3A_101, %lt3A_131 : i1
      %convert_element_type3A_133 = arith.extui %and3A_132 : i1 to i32
      %cond3A_134 = arith.constant 0 : i32
      %cond3A_135 = arith.cmpi ne, %convert_element_type3A_133, %cond3A_134 : i32
      scf.if %cond3A_135 {
        %add3A_517 = arith.constant 1 : i32
        %add3A_518 = arith.addi %select_n3A_122, %add3A_517 : i32
        %mul3A_519 = arith.constant 16 : i32
        %mul3A_520 = arith.muli %add3A_518, %mul3A_519 : i32
        %add3A_521 = arith.addi %mul3A_2, %mul3A_520 : i32
        %multiple_of3A_522 = tpu.assume_multiple %add3A_521, 8 : i32
        %jit3A_523 = arith.constant 2 : i32
        %eq3A_524 = arith.constant 0 : i32
        %eq3A_525 = arith.cmpi eq, %jit3A_523, %eq3A_524 : i32
        %jit3A_526 = arith.constant 1 : i32
        %select_n3A_527 = arith.select %eq3A_525, %jit3A_526, %jit3A_523 : i32
        %rem3A_528 = arith.remsi %add3A_518, %select_n3A_527 : i32
        %ne3A_529 = arith.constant 0 : i32
        %ne3A_530 = arith.cmpi ne, %rem3A_528, %ne3A_529 : i32
        %lt3A_531 = arith.constant 0 : i32
        %lt3A_532 = arith.cmpi slt, %rem3A_528, %lt3A_531 : i32
        %lt3A_533 = arith.constant 0 : i32
        %lt3A_534 = arith.cmpi slt, %select_n3A_527, %lt3A_533 : i32
        %ne3A_535 = arith.xori %lt3A_532, %lt3A_534 : i1
        %and3A_536 = arith.andi %ne3A_535, %ne3A_530 : i1
        %add3A_537 = arith.addi %rem3A_528, %select_n3A_527 : i32
        %select_n3A_538 = arith.select %and3A_536, %add3A_537, %rem3A_528 : i32
        %mul3A_539 = arith.constant 16 : i32
        %mul3A_540 = arith.muli %select_n3A_538, %mul3A_539 : i32
        %dma_start3A_541 = arith.constant 0 : i32
        %dma_start3A_542 = tpu.memref_slice %arg9[%mul3A_540, %dma_start3A_541] : memref<32x125xi32, #tpu.memory_space<vmem>> -> memref<16x125xi32, #tpu.memory_space<vmem>>
        %dma_start3A_543 = arith.constant 0 : i32
        %dma_start3A_544 = tpu.memref_slice %arg4[%multiple_of3A_522, %dma_start3A_543] : memref<2560x125xi32, #tpu.memory_space<hbm>> -> memref<16x125xi32, #tpu.memory_space<hbm>>
        %dma_start3A_545 = arith.constant 0 : i32
        %dma_start3A_546 = tpu.memref_slice %arg9[%mul3A_540, %dma_start3A_545] : memref<32x125xi32, #tpu.memory_space<vmem>> -> memref<16x125xi32, #tpu.memory_space<vmem>>
        %dma_start3A_547 = arith.constant 0 : i32
        %dma_start3A_548 = tpu.memref_slice %arg4[%multiple_of3A_522, %dma_start3A_547] : memref<2560x125xi32, #tpu.memory_space<hbm>> -> memref<16x125xi32, #tpu.memory_space<hbm>>
        tpu.enqueue_dma source(%dma_start3A_548 : memref<16x125xi32, #tpu.memory_space<hbm>>) target(%dma_start3A_546 : memref<16x125xi32, #tpu.memory_space<vmem>>) target_semaphore(%arg17 : memref<!tpu.dma_semaphore, #tpu.memory_space<semaphore_mem>>)
        %dma_start3A_549 = arith.constant 0 : i32
        %dma_start3A_550 = tpu.memref_slice %arg10[%mul3A_540, %dma_start3A_549] : memref<32x125xi32, #tpu.memory_space<vmem>> -> memref<16x125xi32, #tpu.memory_space<vmem>>
        %dma_start3A_551 = arith.constant 0 : i32
        %dma_start3A_552 = tpu.memref_slice %arg5[%multiple_of3A_522, %dma_start3A_551] : memref<2560x125xi32, #tpu.memory_space<hbm>> -> memref<16x125xi32, #tpu.memory_space<hbm>>
        %dma_start3A_553 = arith.constant 0 : i32
        %dma_start3A_554 = tpu.memref_slice %arg10[%mul3A_540, %dma_start3A_553] : memref<32x125xi32, #tpu.memory_space<vmem>> -> memref<16x125xi32, #tpu.memory_space<vmem>>
        %dma_start3A_555 = arith.constant 0 : i32
        %dma_start3A_556 = tpu.memref_slice %arg5[%multiple_of3A_522, %dma_start3A_555] : memref<2560x125xi32, #tpu.memory_space<hbm>> -> memref<16x125xi32, #tpu.memory_space<hbm>>
        tpu.enqueue_dma source(%dma_start3A_556 : memref<16x125xi32, #tpu.memory_space<hbm>>) target(%dma_start3A_554 : memref<16x125xi32, #tpu.memory_space<vmem>>) target_semaphore(%arg17 : memref<!tpu.dma_semaphore, #tpu.memory_space<semaphore_mem>>)
      } else {
      }
      %jit3A_136 = arith.constant 16 : i32
      %div3A_137 = arith.divsi %add3A_89, %jit3A_136 : i32
      %sign3A_138 = arith.constant 0 : i32
      %sign3A_139 = arith.cmpi sgt, %add3A_89, %sign3A_138 : i32
      %sign3A_140 = arith.extui %sign3A_139 : i1 to i32
      %sign3A_141 = arith.constant 0 : i32
      %sign3A_142 = arith.cmpi slt, %add3A_89, %sign3A_141 : i32
      %sign3A_143 = arith.extui %sign3A_142 : i1 to i32
      %sign3A_144 = arith.subi %sign3A_140, %sign3A_143 : i32
      %sign3A_145 = arith.constant 0 : i32
      %sign3A_146 = arith.cmpi sgt, %jit3A_136, %sign3A_145 : i32
      %sign3A_147 = arith.extui %sign3A_146 : i1 to i32
      %sign3A_148 = arith.constant 0 : i32
      %sign3A_149 = arith.cmpi slt, %jit3A_136, %sign3A_148 : i32
      %sign3A_150 = arith.extui %sign3A_149 : i1 to i32
      %sign3A_151 = arith.subi %sign3A_147, %sign3A_150 : i32
      %ne3A_152 = arith.cmpi ne, %sign3A_144, %sign3A_151 : i32
      %rem3A_153 = arith.remsi %add3A_89, %jit3A_136 : i32
      %ne3A_154 = arith.constant 0 : i32
      %ne3A_155 = arith.cmpi ne, %rem3A_153, %ne3A_154 : i32
      %and3A_156 = arith.andi %ne3A_152, %ne3A_155 : i1
      %sub3A_157 = arith.constant 1 : i32
      %sub3A_158 = arith.subi %div3A_137, %sub3A_157 : i32
      %select_n3A_159 = arith.select %and3A_156, %sub3A_158, %div3A_137 : i32
      %jit3A_160 = arith.constant 2 : i32
      %eq3A_161 = arith.constant 0 : i32
      %eq3A_162 = arith.cmpi eq, %jit3A_160, %eq3A_161 : i32
      %jit3A_163 = arith.constant 1 : i32
      %select_n3A_164 = arith.select %eq3A_162, %jit3A_163, %jit3A_160 : i32
      %rem3A_165 = arith.remsi %select_n3A_159, %select_n3A_164 : i32
      %ne3A_166 = arith.constant 0 : i32
      %ne3A_167 = arith.cmpi ne, %rem3A_165, %ne3A_166 : i32
      %lt3A_168 = arith.constant 0 : i32
      %lt3A_169 = arith.cmpi slt, %rem3A_165, %lt3A_168 : i32
      %lt3A_170 = arith.constant 0 : i32
      %lt3A_171 = arith.cmpi slt, %select_n3A_164, %lt3A_170 : i32
      %ne3A_172 = arith.xori %lt3A_169, %lt3A_171 : i1
      %and3A_173 = arith.andi %ne3A_172, %ne3A_167 : i1
      %add3A_174 = arith.addi %rem3A_165, %select_n3A_164 : i32
      %select_n3A_175 = arith.select %and3A_173, %add3A_174, %rem3A_165 : i32
      %mul3A_176 = arith.constant 16 : i32
      %mul3A_177 = arith.muli %select_n3A_175, %mul3A_176 : i32
      %jit3A_178 = arith.constant 16 : i32
      %eq3A_179 = arith.constant 0 : i32
      %eq3A_180 = arith.cmpi eq, %jit3A_178, %eq3A_179 : i32
      %jit3A_181 = arith.constant 1 : i32
      %select_n3A_182 = arith.select %eq3A_180, %jit3A_181, %jit3A_178 : i32
      %rem3A_183 = arith.remsi %add3A_89, %select_n3A_182 : i32
      %ne3A_184 = arith.constant 0 : i32
      %ne3A_185 = arith.cmpi ne, %rem3A_183, %ne3A_184 : i32
      %lt3A_186 = arith.constant 0 : i32
      %lt3A_187 = arith.cmpi slt, %rem3A_183, %lt3A_186 : i32
      %lt3A_188 = arith.constant 0 : i32
      %lt3A_189 = arith.cmpi slt, %select_n3A_182, %lt3A_188 : i32
      %ne3A_190 = arith.xori %lt3A_187, %lt3A_189 : i1
      %and3A_191 = arith.andi %ne3A_190, %ne3A_185 : i1
      %add3A_192 = arith.addi %rem3A_183, %select_n3A_182 : i32
      %select_n3A_193 = arith.select %and3A_191, %add3A_192, %rem3A_183 : i32
      %add3A_194 = arith.addi %mul3A_177, %select_n3A_193 : i32
      %dma_wait3A_195 = arith.constant 0 : i32
      %dma_wait3A_196 = arith.constant 0 : i32
      %dma_wait3A_197 = tpu.memref_slice %arg11[%dma_wait3A_195, %dma_wait3A_196] : memref<125x128xf32, #tpu.memory_space<vmem>> -> memref<64x128xf32, #tpu.memory_space<vmem>>
      %dma_wait3A_198 = arith.constant 0 : i32
      %dma_wait3A_199 = tpu.memref_slice %arg9[%add3A_194, %dma_wait3A_198] : memref<32x125xi32, #tpu.memory_space<vmem>> -> memref<1x125xi32, #tpu.memory_space<vmem>>
      %dma_wait3A_200 = tpu.memref_squeeze %dma_wait3A_199 : memref<1x125xi32, #tpu.memory_space<vmem>> -> memref<125xi32, #tpu.memory_space<vmem>>
      %dma_wait3A_201 = arith.constant 0 : i32
      %dma_wait3A_202 = tpu.memref_slice %dma_wait3A_200[%dma_wait3A_201] : memref<125xi32, #tpu.memory_space<vmem>> -> memref<64xi32, #tpu.memory_space<vmem>>
      %dma_wait3A_203 = arith.constant 0 : i32
      %dma_wait3A_204 = arith.constant 0 : i32
      %dma_wait3A_205 = tpu.memref_slice %arg2[%dma_wait3A_203, %dma_wait3A_204] : memref<10240x128xf32, #tpu.memory_space<hbm>> -> memref<10240x128xf32, #tpu.memory_space<hbm>>
      tpu.wait_indirect_dma semaphore(%arg13 : memref<!tpu.dma_semaphore, #tpu.memory_space<semaphore_mem>>) src(%dma_wait3A_205 : memref<10240x128xf32, #tpu.memory_space<hbm>>) dst(%dma_wait3A_197 : memref<64x128xf32, #tpu.memory_space<vmem>>)
      %dma_wait3A_206 = arith.constant 64 : i32
      %dma_wait3A_207 = arith.constant 0 : i32
      %dma_wait3A_208 = tpu.memref_slice %arg11[%dma_wait3A_206, %dma_wait3A_207] : memref<125x128xf32, #tpu.memory_space<vmem>> -> memref<61x128xf32, #tpu.memory_space<vmem>>
      %dma_wait3A_209 = arith.constant 0 : i32
      %dma_wait3A_210 = tpu.memref_slice %arg9[%add3A_194, %dma_wait3A_209] : memref<32x125xi32, #tpu.memory_space<vmem>> -> memref<1x125xi32, #tpu.memory_space<vmem>>
      %dma_wait3A_211 = tpu.memref_squeeze %dma_wait3A_210 : memref<1x125xi32, #tpu.memory_space<vmem>> -> memref<125xi32, #tpu.memory_space<vmem>>
      %dma_wait3A_212 = arith.constant 64 : i32
      %dma_wait3A_213 = tpu.memref_slice %dma_wait3A_211[%dma_wait3A_212] : memref<125xi32, #tpu.memory_space<vmem>> -> memref<61xi32, #tpu.memory_space<vmem>>
      %dma_wait3A_214 = arith.constant 0 : i32
      %dma_wait3A_215 = arith.constant 0 : i32
      %dma_wait3A_216 = tpu.memref_slice %arg2[%dma_wait3A_214, %dma_wait3A_215] : memref<10240x128xf32, #tpu.memory_space<hbm>> -> memref<10240x128xf32, #tpu.memory_space<hbm>>
      tpu.wait_indirect_dma semaphore(%arg13 : memref<!tpu.dma_semaphore, #tpu.memory_space<semaphore_mem>>) src(%dma_wait3A_216 : memref<10240x128xf32, #tpu.memory_space<hbm>>) dst(%dma_wait3A_208 : memref<61x128xf32, #tpu.memory_space<vmem>>)
      %jit3A_217 = arith.constant 16 : i32
      %div3A_218 = arith.divsi %add3A_89, %jit3A_217 : i32
      %sign3A_219 = arith.constant 0 : i32
      %sign3A_220 = arith.cmpi sgt, %add3A_89, %sign3A_219 : i32
      %sign3A_221 = arith.extui %sign3A_220 : i1 to i32
      %sign3A_222 = arith.constant 0 : i32
      %sign3A_223 = arith.cmpi slt, %add3A_89, %sign3A_222 : i32
      %sign3A_224 = arith.extui %sign3A_223 : i1 to i32
      %sign3A_225 = arith.subi %sign3A_221, %sign3A_224 : i32
      %sign3A_226 = arith.constant 0 : i32
      %sign3A_227 = arith.cmpi sgt, %jit3A_217, %sign3A_226 : i32
      %sign3A_228 = arith.extui %sign3A_227 : i1 to i32
      %sign3A_229 = arith.constant 0 : i32
      %sign3A_230 = arith.cmpi slt, %jit3A_217, %sign3A_229 : i32
      %sign3A_231 = arith.extui %sign3A_230 : i1 to i32
      %sign3A_232 = arith.subi %sign3A_228, %sign3A_231 : i32
      %ne3A_233 = arith.cmpi ne, %sign3A_225, %sign3A_232 : i32
      %rem3A_234 = arith.remsi %add3A_89, %jit3A_217 : i32
      %ne3A_235 = arith.constant 0 : i32
      %ne3A_236 = arith.cmpi ne, %rem3A_234, %ne3A_235 : i32
      %and3A_237 = arith.andi %ne3A_233, %ne3A_236 : i1
      %sub3A_238 = arith.constant 1 : i32
      %sub3A_239 = arith.subi %div3A_218, %sub3A_238 : i32
      %select_n3A_240 = arith.select %and3A_237, %sub3A_239, %div3A_218 : i32
      %jit3A_241 = arith.constant 2 : i32
      %eq3A_242 = arith.constant 0 : i32
      %eq3A_243 = arith.cmpi eq, %jit3A_241, %eq3A_242 : i32
      %jit3A_244 = arith.constant 1 : i32
      %select_n3A_245 = arith.select %eq3A_243, %jit3A_244, %jit3A_241 : i32
      %rem3A_246 = arith.remsi %select_n3A_240, %select_n3A_245 : i32
      %ne3A_247 = arith.constant 0 : i32
      %ne3A_248 = arith.cmpi ne, %rem3A_246, %ne3A_247 : i32
      %lt3A_249 = arith.constant 0 : i32
      %lt3A_250 = arith.cmpi slt, %rem3A_246, %lt3A_249 : i32
      %lt3A_251 = arith.constant 0 : i32
      %lt3A_252 = arith.cmpi slt, %select_n3A_245, %lt3A_251 : i32
      %ne3A_253 = arith.xori %lt3A_250, %lt3A_252 : i1
      %and3A_254 = arith.andi %ne3A_253, %ne3A_248 : i1
      %add3A_255 = arith.addi %rem3A_246, %select_n3A_245 : i32
      %select_n3A_256 = arith.select %and3A_254, %add3A_255, %rem3A_246 : i32
      %mul3A_257 = arith.constant 16 : i32
      %mul3A_258 = arith.muli %select_n3A_256, %mul3A_257 : i32
      %jit3A_259 = arith.constant 16 : i32
      %eq3A_260 = arith.constant 0 : i32
      %eq3A_261 = arith.cmpi eq, %jit3A_259, %eq3A_260 : i32
      %jit3A_262 = arith.constant 1 : i32
      %select_n3A_263 = arith.select %eq3A_261, %jit3A_262, %jit3A_259 : i32
      %rem3A_264 = arith.remsi %add3A_89, %select_n3A_263 : i32
      %ne3A_265 = arith.constant 0 : i32
      %ne3A_266 = arith.cmpi ne, %rem3A_264, %ne3A_265 : i32
      %lt3A_267 = arith.constant 0 : i32
      %lt3A_268 = arith.cmpi slt, %rem3A_264, %lt3A_267 : i32
      %lt3A_269 = arith.constant 0 : i32
      %lt3A_270 = arith.cmpi slt, %select_n3A_263, %lt3A_269 : i32
      %ne3A_271 = arith.xori %lt3A_268, %lt3A_270 : i1
      %and3A_272 = arith.andi %ne3A_271, %ne3A_266 : i1
      %add3A_273 = arith.addi %rem3A_264, %select_n3A_263 : i32
      %select_n3A_274 = arith.select %and3A_272, %add3A_273, %rem3A_264 : i32
      %add3A_275 = arith.addi %mul3A_258, %select_n3A_274 : i32
      %dma_start3A_276 = arith.constant 0 : i32
      %dma_start3A_277 = tpu.memref_slice %arg10[%add3A_275, %dma_start3A_276] : memref<32x125xi32, #tpu.memory_space<vmem>> -> memref<1x125xi32, #tpu.memory_space<vmem>>
      %dma_start3A_278 = tpu.memref_squeeze %dma_start3A_277 : memref<1x125xi32, #tpu.memory_space<vmem>> -> memref<125xi32, #tpu.memory_space<vmem>>
      %dma_start3A_279 = arith.constant 0 : i32
      %dma_start3A_280 = arith.constant 0 : i32
      %dma_start3A_281 = tpu.memref_slice %arg8[%dma_start3A_279, %dma_start3A_280] : memref<10240x128xf32, #tpu.memory_space<vmem_shared>> -> memref<10240x128xf32, #tpu.memory_space<vmem_shared>>
      tpu.enqueue_indirect_dma source(%arg11 : memref<125x128xf32, #tpu.memory_space<vmem>>) target(%dma_start3A_281 : memref<10240x128xf32, #tpu.memory_space<vmem_shared>>) offsets(%dma_start3A_278 : memref<125xi32, #tpu.memory_space<vmem>>) semaphore(%arg15 : memref<!tpu.dma_semaphore, #tpu.memory_space<semaphore_mem>>) {add = true}
      %ge3A_282 = arith.constant 1 : i32
      %ge3A_283 = arith.cmpi sge, %add3A_89, %ge3A_282 : i32
      %not3A = arith.constant true
      %not3A_284 = arith.xori %eq3A_101, %not3A : i1
      %and3A_285 = arith.andi %ge3A_283, %not3A_284 : i1
      %convert_element_type3A_286 = arith.extui %and3A_285 : i1 to i32
      %cond3A_287 = arith.constant 0 : i32
      %cond3A_288 = arith.cmpi ne, %convert_element_type3A_286, %cond3A_287 : i32
      scf.if %cond3A_288 {
        %sub3A_517 = arith.constant 1 : i32
        %sub3A_518 = arith.subi %add3A_89, %sub3A_517 : i32
        %jit3A_519 = arith.constant 16 : i32
        %div3A_520 = arith.divsi %sub3A_518, %jit3A_519 : i32
        %sign3A_521 = arith.constant 0 : i32
        %sign3A_522 = arith.cmpi sgt, %sub3A_518, %sign3A_521 : i32
        %sign3A_523 = arith.extui %sign3A_522 : i1 to i32
        %sign3A_524 = arith.constant 0 : i32
        %sign3A_525 = arith.cmpi slt, %sub3A_518, %sign3A_524 : i32
        %sign3A_526 = arith.extui %sign3A_525 : i1 to i32
        %sign3A_527 = arith.subi %sign3A_523, %sign3A_526 : i32
        %sign3A_528 = arith.constant 0 : i32
        %sign3A_529 = arith.cmpi sgt, %jit3A_519, %sign3A_528 : i32
        %sign3A_530 = arith.extui %sign3A_529 : i1 to i32
        %sign3A_531 = arith.constant 0 : i32
        %sign3A_532 = arith.cmpi slt, %jit3A_519, %sign3A_531 : i32
        %sign3A_533 = arith.extui %sign3A_532 : i1 to i32
        %sign3A_534 = arith.subi %sign3A_530, %sign3A_533 : i32
        %ne3A_535 = arith.cmpi ne, %sign3A_527, %sign3A_534 : i32
        %rem3A_536 = arith.remsi %sub3A_518, %jit3A_519 : i32
        %ne3A_537 = arith.constant 0 : i32
        %ne3A_538 = arith.cmpi ne, %rem3A_536, %ne3A_537 : i32
        %and3A_539 = arith.andi %ne3A_535, %ne3A_538 : i1
        %sub3A_540 = arith.constant 1 : i32
        %sub3A_541 = arith.subi %div3A_520, %sub3A_540 : i32
        %select_n3A_542 = arith.select %and3A_539, %sub3A_541, %div3A_520 : i32
        %jit3A_543 = arith.constant 2 : i32
        %eq3A_544 = arith.constant 0 : i32
        %eq3A_545 = arith.cmpi eq, %jit3A_543, %eq3A_544 : i32
        %jit3A_546 = arith.constant 1 : i32
        %select_n3A_547 = arith.select %eq3A_545, %jit3A_546, %jit3A_543 : i32
        %rem3A_548 = arith.remsi %select_n3A_542, %select_n3A_547 : i32
        %ne3A_549 = arith.constant 0 : i32
        %ne3A_550 = arith.cmpi ne, %rem3A_548, %ne3A_549 : i32
        %lt3A_551 = arith.constant 0 : i32
        %lt3A_552 = arith.cmpi slt, %rem3A_548, %lt3A_551 : i32
        %lt3A_553 = arith.constant 0 : i32
        %lt3A_554 = arith.cmpi slt, %select_n3A_547, %lt3A_553 : i32
        %ne3A_555 = arith.xori %lt3A_552, %lt3A_554 : i1
        %and3A_556 = arith.andi %ne3A_555, %ne3A_550 : i1
        %add3A_557 = arith.addi %rem3A_548, %select_n3A_547 : i32
        %select_n3A_558 = arith.select %and3A_556, %add3A_557, %rem3A_548 : i32
        %mul3A_559 = arith.constant 16 : i32
        %mul3A_560 = arith.muli %select_n3A_558, %mul3A_559 : i32
        %jit3A_561 = arith.constant 16 : i32
        %eq3A_562 = arith.constant 0 : i32
        %eq3A_563 = arith.cmpi eq, %jit3A_561, %eq3A_562 : i32
        %jit3A_564 = arith.constant 1 : i32
        %select_n3A_565 = arith.select %eq3A_563, %jit3A_564, %jit3A_561 : i32
        %rem3A_566 = arith.remsi %sub3A_518, %select_n3A_565 : i32
        %ne3A_567 = arith.constant 0 : i32
        %ne3A_568 = arith.cmpi ne, %rem3A_566, %ne3A_567 : i32
        %lt3A_569 = arith.constant 0 : i32
        %lt3A_570 = arith.cmpi slt, %rem3A_566, %lt3A_569 : i32
        %lt3A_571 = arith.constant 0 : i32
        %lt3A_572 = arith.cmpi slt, %select_n3A_565, %lt3A_571 : i32
        %ne3A_573 = arith.xori %lt3A_570, %lt3A_572 : i1
        %and3A_574 = arith.andi %ne3A_573, %ne3A_568 : i1
        %add3A_575 = arith.addi %rem3A_566, %select_n3A_565 : i32
        %select_n3A_576 = arith.select %and3A_574, %add3A_575, %rem3A_566 : i32
        %add3A_577 = arith.addi %mul3A_560, %select_n3A_576 : i32
        %dma_wait3A_578 = arith.constant 0 : i32
        %dma_wait3A_579 = tpu.memref_slice %arg10[%add3A_577, %dma_wait3A_578] : memref<32x125xi32, #tpu.memory_space<vmem>> -> memref<1x125xi32, #tpu.memory_space<vmem>>
        %dma_wait3A_580 = tpu.memref_squeeze %dma_wait3A_579 : memref<1x125xi32, #tpu.memory_space<vmem>> -> memref<125xi32, #tpu.memory_space<vmem>>
        %dma_wait3A_581 = arith.constant 0 : i32
        %dma_wait3A_582 = arith.constant 0 : i32
        %dma_wait3A_583 = tpu.memref_slice %arg8[%dma_wait3A_581, %dma_wait3A_582] : memref<10240x128xf32, #tpu.memory_space<vmem_shared>> -> memref<10240x128xf32, #tpu.memory_space<vmem_shared>>
        tpu.wait_indirect_dma semaphore(%arg16 : memref<!tpu.dma_semaphore, #tpu.memory_space<semaphore_mem>>) src(%arg12 : memref<125x128xf32, #tpu.memory_space<vmem>>) dst(%dma_wait3A_583 : memref<10240x128xf32, #tpu.memory_space<vmem_shared>>)
      } else {
      }
      %add3A_289 = arith.constant 1 : i32
      %add3A_290 = arith.addi %add3A_89, %add3A_289 : i32
      %lt3A_291 = arith.constant 160 : i32
      %lt3A_292 = arith.cmpi slt, %add3A_290, %lt3A_291 : i32
      %convert_element_type3A_293 = arith.extui %lt3A_292 : i1 to i32
      %cond3A_294 = arith.constant 0 : i32
      %cond3A_295 = arith.cmpi ne, %convert_element_type3A_293, %cond3A_294 : i32
      scf.if %cond3A_295 {
        %add3A_517 = arith.constant 1 : i32
        %add3A_518 = arith.addi %add3A_89, %add3A_517 : i32
        %jit3A_519 = arith.constant 16 : i32
        %eq3A_520 = arith.constant 0 : i32
        %eq3A_521 = arith.cmpi eq, %jit3A_519, %eq3A_520 : i32
        %jit3A_522 = arith.constant 1 : i32
        %select_n3A_523 = arith.select %eq3A_521, %jit3A_522, %jit3A_519 : i32
        %rem3A_524 = arith.remsi %add3A_518, %select_n3A_523 : i32
        %ne3A_525 = arith.constant 0 : i32
        %ne3A_526 = arith.cmpi ne, %rem3A_524, %ne3A_525 : i32
        %lt3A_527 = arith.constant 0 : i32
        %lt3A_528 = arith.cmpi slt, %rem3A_524, %lt3A_527 : i32
        %lt3A_529 = arith.constant 0 : i32
        %lt3A_530 = arith.cmpi slt, %select_n3A_523, %lt3A_529 : i32
        %ne3A_531 = arith.xori %lt3A_528, %lt3A_530 : i1
        %and3A_532 = arith.andi %ne3A_531, %ne3A_526 : i1
        %add3A_533 = arith.addi %rem3A_524, %select_n3A_523 : i32
        %select_n3A_534 = arith.select %and3A_532, %add3A_533, %rem3A_524 : i32
        %eq3A_535 = arith.constant 0 : i32
        %eq3A_536 = arith.cmpi eq, %select_n3A_534, %eq3A_535 : i32
        %convert_element_type3A_537 = arith.extui %eq3A_536 : i1 to i32
        %cond3A_538 = arith.constant 0 : i32
        %cond3A_539 = arith.cmpi ne, %convert_element_type3A_537, %cond3A_538 : i32
        scf.if %cond3A_539 {
          %add3A_611 = arith.constant 1 : i32
          %add3A_612 = arith.addi %add3A_89, %add3A_611 : i32
          %jit3A_613 = arith.constant 16 : i32
          %div3A_614 = arith.divsi %add3A_612, %jit3A_613 : i32
          %sign3A_615 = arith.constant 0 : i32
          %sign3A_616 = arith.cmpi sgt, %add3A_612, %sign3A_615 : i32
          %sign3A_617 = arith.extui %sign3A_616 : i1 to i32
          %sign3A_618 = arith.constant 0 : i32
          %sign3A_619 = arith.cmpi slt, %add3A_612, %sign3A_618 : i32
          %sign3A_620 = arith.extui %sign3A_619 : i1 to i32
          %sign3A_621 = arith.subi %sign3A_617, %sign3A_620 : i32
          %sign3A_622 = arith.constant 0 : i32
          %sign3A_623 = arith.cmpi sgt, %jit3A_613, %sign3A_622 : i32
          %sign3A_624 = arith.extui %sign3A_623 : i1 to i32
          %sign3A_625 = arith.constant 0 : i32
          %sign3A_626 = arith.cmpi slt, %jit3A_613, %sign3A_625 : i32
          %sign3A_627 = arith.extui %sign3A_626 : i1 to i32
          %sign3A_628 = arith.subi %sign3A_624, %sign3A_627 : i32
          %ne3A_629 = arith.cmpi ne, %sign3A_621, %sign3A_628 : i32
          %rem3A_630 = arith.remsi %add3A_612, %jit3A_613 : i32
          %ne3A_631 = arith.constant 0 : i32
          %ne3A_632 = arith.cmpi ne, %rem3A_630, %ne3A_631 : i32
          %and3A_633 = arith.andi %ne3A_629, %ne3A_632 : i1
          %sub3A_634 = arith.constant 1 : i32
          %sub3A_635 = arith.subi %div3A_614, %sub3A_634 : i32
          %select_n3A_636 = arith.select %and3A_633, %sub3A_635, %div3A_614 : i32
          %jit3A_637 = arith.constant 2 : i32
          %eq3A_638 = arith.constant 0 : i32
          %eq3A_639 = arith.cmpi eq, %jit3A_637, %eq3A_638 : i32
          %jit3A_640 = arith.constant 1 : i32
          %select_n3A_641 = arith.select %eq3A_639, %jit3A_640, %jit3A_637 : i32
          %rem3A_642 = arith.remsi %select_n3A_636, %select_n3A_641 : i32
          %ne3A_643 = arith.constant 0 : i32
          %ne3A_644 = arith.cmpi ne, %rem3A_642, %ne3A_643 : i32
          %lt3A_645 = arith.constant 0 : i32
          %lt3A_646 = arith.cmpi slt, %rem3A_642, %lt3A_645 : i32
          %lt3A_647 = arith.constant 0 : i32
          %lt3A_648 = arith.cmpi slt, %select_n3A_641, %lt3A_647 : i32
          %ne3A_649 = arith.xori %lt3A_646, %lt3A_648 : i1
          %and3A_650 = arith.andi %ne3A_649, %ne3A_644 : i1
          %add3A_651 = arith.addi %rem3A_642, %select_n3A_641 : i32
          %select_n3A_652 = arith.select %and3A_650, %add3A_651, %rem3A_642 : i32
          %mul3A_653 = arith.constant 16 : i32
          %mul3A_654 = arith.muli %select_n3A_652, %mul3A_653 : i32
          %dma_wait3A_655 = arith.constant 0 : i32
          %dma_wait3A_656 = tpu.memref_slice %arg9[%mul3A_654, %dma_wait3A_655] : memref<32x125xi32, #tpu.memory_space<vmem>> -> memref<16x125xi32, #tpu.memory_space<vmem>>
          %dma_wait3A_657 = arith.constant 0 : i32
          %dma_wait3A_658 = tpu.memref_slice %arg4[%mul3A_2, %dma_wait3A_657] : memref<2560x125xi32, #tpu.memory_space<hbm>> -> memref<16x125xi32, #tpu.memory_space<hbm>>
          %dma_wait3A_659 = arith.constant 0 : i32
          %dma_wait3A_660 = tpu.memref_slice %arg9[%mul3A_654, %dma_wait3A_659] : memref<32x125xi32, #tpu.memory_space<vmem>> -> memref<16x125xi32, #tpu.memory_space<vmem>>
          %dma_wait3A_661 = arith.constant 0 : i32
          %dma_wait3A_662 = tpu.memref_slice %arg4[%mul3A_2, %dma_wait3A_661] : memref<2560x125xi32, #tpu.memory_space<hbm>> -> memref<16x125xi32, #tpu.memory_space<hbm>>
          tpu.wait_dma2 semaphore(%arg17 : memref<!tpu.dma_semaphore, #tpu.memory_space<semaphore_mem>>) src(%dma_wait3A_662 : memref<16x125xi32, #tpu.memory_space<hbm>>) dst(%dma_wait3A_660 : memref<16x125xi32, #tpu.memory_space<vmem>>)
          %dma_wait3A_663 = arith.constant 0 : i32
          %dma_wait3A_664 = tpu.memref_slice %arg10[%mul3A_654, %dma_wait3A_663] : memref<32x125xi32, #tpu.memory_space<vmem>> -> memref<16x125xi32, #tpu.memory_space<vmem>>
          %dma_wait3A_665 = arith.constant 0 : i32
          %dma_wait3A_666 = tpu.memref_slice %arg5[%mul3A_2, %dma_wait3A_665] : memref<2560x125xi32, #tpu.memory_space<hbm>> -> memref<16x125xi32, #tpu.memory_space<hbm>>
          %dma_wait3A_667 = arith.constant 0 : i32
          %dma_wait3A_668 = tpu.memref_slice %arg10[%mul3A_654, %dma_wait3A_667] : memref<32x125xi32, #tpu.memory_space<vmem>> -> memref<16x125xi32, #tpu.memory_space<vmem>>
          %dma_wait3A_669 = arith.constant 0 : i32
          %dma_wait3A_670 = tpu.memref_slice %arg5[%mul3A_2, %dma_wait3A_669] : memref<2560x125xi32, #tpu.memory_space<hbm>> -> memref<16x125xi32, #tpu.memory_space<hbm>>
          tpu.wait_dma2 semaphore(%arg17 : memref<!tpu.dma_semaphore, #tpu.memory_space<semaphore_mem>>) src(%dma_wait3A_670 : memref<16x125xi32, #tpu.memory_space<hbm>>) dst(%dma_wait3A_668 : memref<16x125xi32, #tpu.memory_space<vmem>>)
        } else {
        }
        %add3A_540 = arith.constant 1 : i32
        %add3A_541 = arith.addi %add3A_89, %add3A_540 : i32
        %jit3A_542 = arith.constant 16 : i32
        %div3A_543 = arith.divsi %add3A_541, %jit3A_542 : i32
        %sign3A_544 = arith.constant 0 : i32
        %sign3A_545 = arith.cmpi sgt, %add3A_541, %sign3A_544 : i32
        %sign3A_546 = arith.extui %sign3A_545 : i1 to i32
        %sign3A_547 = arith.constant 0 : i32
        %sign3A_548 = arith.cmpi slt, %add3A_541, %sign3A_547 : i32
        %sign3A_549 = arith.extui %sign3A_548 : i1 to i32
        %sign3A_550 = arith.subi %sign3A_546, %sign3A_549 : i32
        %sign3A_551 = arith.constant 0 : i32
        %sign3A_552 = arith.cmpi sgt, %jit3A_542, %sign3A_551 : i32
        %sign3A_553 = arith.extui %sign3A_552 : i1 to i32
        %sign3A_554 = arith.constant 0 : i32
        %sign3A_555 = arith.cmpi slt, %jit3A_542, %sign3A_554 : i32
        %sign3A_556 = arith.extui %sign3A_555 : i1 to i32
        %sign3A_557 = arith.subi %sign3A_553, %sign3A_556 : i32
        %ne3A_558 = arith.cmpi ne, %sign3A_550, %sign3A_557 : i32
        %rem3A_559 = arith.remsi %add3A_541, %jit3A_542 : i32
        %ne3A_560 = arith.constant 0 : i32
        %ne3A_561 = arith.cmpi ne, %rem3A_559, %ne3A_560 : i32
        %and3A_562 = arith.andi %ne3A_558, %ne3A_561 : i1
        %sub3A_563 = arith.constant 1 : i32
        %sub3A_564 = arith.subi %div3A_543, %sub3A_563 : i32
        %select_n3A_565 = arith.select %and3A_562, %sub3A_564, %div3A_543 : i32
        %jit3A_566 = arith.constant 2 : i32
        %eq3A_567 = arith.constant 0 : i32
        %eq3A_568 = arith.cmpi eq, %jit3A_566, %eq3A_567 : i32
        %jit3A_569 = arith.constant 1 : i32
        %select_n3A_570 = arith.select %eq3A_568, %jit3A_569, %jit3A_566 : i32
        %rem3A_571 = arith.remsi %select_n3A_565, %select_n3A_570 : i32
        %ne3A_572 = arith.constant 0 : i32
        %ne3A_573 = arith.cmpi ne, %rem3A_571, %ne3A_572 : i32
        %lt3A_574 = arith.constant 0 : i32
        %lt3A_575 = arith.cmpi slt, %rem3A_571, %lt3A_574 : i32
        %lt3A_576 = arith.constant 0 : i32
        %lt3A_577 = arith.cmpi slt, %select_n3A_570, %lt3A_576 : i32
        %ne3A_578 = arith.xori %lt3A_575, %lt3A_577 : i1
        %and3A_579 = arith.andi %ne3A_578, %ne3A_573 : i1
        %add3A_580 = arith.addi %rem3A_571, %select_n3A_570 : i32
        %select_n3A_581 = arith.select %and3A_579, %add3A_580, %rem3A_571 : i32
        %mul3A_582 = arith.constant 16 : i32
        %mul3A_583 = arith.muli %select_n3A_581, %mul3A_582 : i32
        %jit3A_584 = arith.constant 16 : i32
        %eq3A_585 = arith.constant 0 : i32
        %eq3A_586 = arith.cmpi eq, %jit3A_584, %eq3A_585 : i32
        %jit3A_587 = arith.constant 1 : i32
        %select_n3A_588 = arith.select %eq3A_586, %jit3A_587, %jit3A_584 : i32
        %rem3A_589 = arith.remsi %add3A_541, %select_n3A_588 : i32
        %ne3A_590 = arith.constant 0 : i32
        %ne3A_591 = arith.cmpi ne, %rem3A_589, %ne3A_590 : i32
        %lt3A_592 = arith.constant 0 : i32
        %lt3A_593 = arith.cmpi slt, %rem3A_589, %lt3A_592 : i32
        %lt3A_594 = arith.constant 0 : i32
        %lt3A_595 = arith.cmpi slt, %select_n3A_588, %lt3A_594 : i32
        %ne3A_596 = arith.xori %lt3A_593, %lt3A_595 : i1
        %and3A_597 = arith.andi %ne3A_596, %ne3A_591 : i1
        %add3A_598 = arith.addi %rem3A_589, %select_n3A_588 : i32
        %select_n3A_599 = arith.select %and3A_597, %add3A_598, %rem3A_589 : i32
        %add3A_600 = arith.addi %mul3A_583, %select_n3A_599 : i32
        %eq3A_601 = arith.constant 0 : i32
        %eq3A_602 = arith.cmpi eq, %arg0, %eq3A_601 : i32
        %convert_element_type3A_603 = arith.extui %eq3A_602 : i1 to i32
        %cond3A_604 = arith.constant 0 : i32
        %cond3A_605 = arith.cmpi ne, %convert_element_type3A_603, %cond3A_604 : i32
        scf.if %cond3A_605 {
          %dma_start3A_611 = arith.constant 0 : i32
          %dma_start3A_612 = arith.constant 0 : i32
          %dma_start3A_613 = tpu.memref_slice %arg12[%dma_start3A_611, %dma_start3A_612] : memref<125x128xf32, #tpu.memory_space<vmem>> -> memref<64x128xf32, #tpu.memory_space<vmem>>
          %dma_start3A_614 = arith.constant 0 : i32
          %dma_start3A_615 = tpu.memref_slice %arg9[%add3A_600, %dma_start3A_614] : memref<32x125xi32, #tpu.memory_space<vmem>> -> memref<1x125xi32, #tpu.memory_space<vmem>>
          %dma_start3A_616 = tpu.memref_squeeze %dma_start3A_615 : memref<1x125xi32, #tpu.memory_space<vmem>> -> memref<125xi32, #tpu.memory_space<vmem>>
          %dma_start3A_617 = arith.constant 0 : i32
          %dma_start3A_618 = tpu.memref_slice %dma_start3A_616[%dma_start3A_617] : memref<125xi32, #tpu.memory_space<vmem>> -> memref<64xi32, #tpu.memory_space<vmem>>
          %dma_start3A_619 = arith.constant 0 : i32
          %dma_start3A_620 = arith.constant 0 : i32
          %dma_start3A_621 = tpu.memref_slice %arg2[%dma_start3A_619, %dma_start3A_620] : memref<10240x128xf32, #tpu.memory_space<hbm>> -> memref<10240x128xf32, #tpu.memory_space<hbm>>
          tpu.enqueue_indirect_dma source(%dma_start3A_621 : memref<10240x128xf32, #tpu.memory_space<hbm>>) target(%dma_start3A_613 : memref<64x128xf32, #tpu.memory_space<vmem>>) offsets(%dma_start3A_618 : memref<64xi32, #tpu.memory_space<vmem>>) semaphore(%arg14 : memref<!tpu.dma_semaphore, #tpu.memory_space<semaphore_mem>>)
          %dma_start3A_622 = arith.constant 64 : i32
          %dma_start3A_623 = arith.constant 0 : i32
          %dma_start3A_624 = tpu.memref_slice %arg12[%dma_start3A_622, %dma_start3A_623] : memref<125x128xf32, #tpu.memory_space<vmem>> -> memref<61x128xf32, #tpu.memory_space<vmem>>
          %dma_start3A_625 = arith.constant 0 : i32
          %dma_start3A_626 = tpu.memref_slice %arg9[%add3A_600, %dma_start3A_625] : memref<32x125xi32, #tpu.memory_space<vmem>> -> memref<1x125xi32, #tpu.memory_space<vmem>>
          %dma_start3A_627 = tpu.memref_squeeze %dma_start3A_626 : memref<1x125xi32, #tpu.memory_space<vmem>> -> memref<125xi32, #tpu.memory_space<vmem>>
          %dma_start3A_628 = arith.constant 64 : i32
          %dma_start3A_629 = tpu.memref_slice %dma_start3A_627[%dma_start3A_628] : memref<125xi32, #tpu.memory_space<vmem>> -> memref<61xi32, #tpu.memory_space<vmem>>
          %dma_start3A_630 = arith.constant 0 : i32
          %dma_start3A_631 = arith.constant 0 : i32
          %dma_start3A_632 = tpu.memref_slice %arg2[%dma_start3A_630, %dma_start3A_631] : memref<10240x128xf32, #tpu.memory_space<hbm>> -> memref<10240x128xf32, #tpu.memory_space<hbm>>
          tpu.enqueue_indirect_dma source(%dma_start3A_632 : memref<10240x128xf32, #tpu.memory_space<hbm>>) target(%dma_start3A_624 : memref<61x128xf32, #tpu.memory_space<vmem>>) offsets(%dma_start3A_629 : memref<61xi32, #tpu.memory_space<vmem>>) semaphore(%arg14 : memref<!tpu.dma_semaphore, #tpu.memory_space<semaphore_mem>>)
        } else {
        }
        %eq3A_606 = arith.constant 1 : i32
        %eq3A_607 = arith.cmpi eq, %arg0, %eq3A_606 : i32
        %convert_element_type3A_608 = arith.extui %eq3A_607 : i1 to i32
        %cond3A_609 = arith.constant 0 : i32
        %cond3A_610 = arith.cmpi ne, %convert_element_type3A_608, %cond3A_609 : i32
        scf.if %cond3A_610 {
          %dma_start3A_611 = arith.constant 0 : i32
          %dma_start3A_612 = arith.constant 0 : i32
          %dma_start3A_613 = tpu.memref_slice %arg12[%dma_start3A_611, %dma_start3A_612] : memref<125x128xf32, #tpu.memory_space<vmem>> -> memref<64x128xf32, #tpu.memory_space<vmem>>
          %dma_start3A_614 = arith.constant 0 : i32
          %dma_start3A_615 = tpu.memref_slice %arg9[%add3A_600, %dma_start3A_614] : memref<32x125xi32, #tpu.memory_space<vmem>> -> memref<1x125xi32, #tpu.memory_space<vmem>>
          %dma_start3A_616 = tpu.memref_squeeze %dma_start3A_615 : memref<1x125xi32, #tpu.memory_space<vmem>> -> memref<125xi32, #tpu.memory_space<vmem>>
          %dma_start3A_617 = arith.constant 0 : i32
          %dma_start3A_618 = tpu.memref_slice %dma_start3A_616[%dma_start3A_617] : memref<125xi32, #tpu.memory_space<vmem>> -> memref<64xi32, #tpu.memory_space<vmem>>
          %dma_start3A_619 = arith.constant 0 : i32
          %dma_start3A_620 = arith.constant 0 : i32
          %dma_start3A_621 = tpu.memref_slice %arg3[%dma_start3A_619, %dma_start3A_620] : memref<10240x128xf32, #tpu.memory_space<hbm>> -> memref<10240x128xf32, #tpu.memory_space<hbm>>
          tpu.enqueue_indirect_dma source(%dma_start3A_621 : memref<10240x128xf32, #tpu.memory_space<hbm>>) target(%dma_start3A_613 : memref<64x128xf32, #tpu.memory_space<vmem>>) offsets(%dma_start3A_618 : memref<64xi32, #tpu.memory_space<vmem>>) semaphore(%arg14 : memref<!tpu.dma_semaphore, #tpu.memory_space<semaphore_mem>>)
          %dma_start3A_622 = arith.constant 64 : i32
          %dma_start3A_623 = arith.constant 0 : i32
          %dma_start3A_624 = tpu.memref_slice %arg12[%dma_start3A_622, %dma_start3A_623] : memref<125x128xf32, #tpu.memory_space<vmem>> -> memref<61x128xf32, #tpu.memory_space<vmem>>
          %dma_start3A_625 = arith.constant 0 : i32
          %dma_start3A_626 = tpu.memref_slice %arg9[%add3A_600, %dma_start3A_625] : memref<32x125xi32, #tpu.memory_space<vmem>> -> memref<1x125xi32, #tpu.memory_space<vmem>>
          %dma_start3A_627 = tpu.memref_squeeze %dma_start3A_626 : memref<1x125xi32, #tpu.memory_space<vmem>> -> memref<125xi32, #tpu.memory_space<vmem>>
          %dma_start3A_628 = arith.constant 64 : i32
          %dma_start3A_629 = tpu.memref_slice %dma_start3A_627[%dma_start3A_628] : memref<125xi32, #tpu.memory_space<vmem>> -> memref<61xi32, #tpu.memory_space<vmem>>
          %dma_start3A_630 = arith.constant 0 : i32
          %dma_start3A_631 = arith.constant 0 : i32
          %dma_start3A_632 = tpu.memref_slice %arg3[%dma_start3A_630, %dma_start3A_631] : memref<10240x128xf32, #tpu.memory_space<hbm>> -> memref<10240x128xf32, #tpu.memory_space<hbm>>
          tpu.enqueue_indirect_dma source(%dma_start3A_632 : memref<10240x128xf32, #tpu.memory_space<hbm>>) target(%dma_start3A_624 : memref<61x128xf32, #tpu.memory_space<vmem>>) offsets(%dma_start3A_629 : memref<61xi32, #tpu.memory_space<vmem>>) semaphore(%arg14 : memref<!tpu.dma_semaphore, #tpu.memory_space<semaphore_mem>>)
        } else {
        }
      } else {
      }
      %mul3A_296 = arith.constant 2 : i32
      %mul3A_297 = arith.muli %mul3A_296, %scan3A_85 : i32
      %add3A_298 = arith.constant 1 : i32
      %add3A_299 = arith.addi %mul3A_297, %add3A_298 : i32
      %jit3A_300 = arith.constant 16 : i32
      %eq3A_301 = arith.constant 0 : i32
      %eq3A_302 = arith.cmpi eq, %jit3A_300, %eq3A_301 : i32
      %jit3A_303 = arith.constant 1 : i32
      %select_n3A_304 = arith.select %eq3A_302, %jit3A_303, %jit3A_300 : i32
      %rem3A_305 = arith.remsi %add3A_299, %select_n3A_304 : i32
      %ne3A_306 = arith.constant 0 : i32
      %ne3A_307 = arith.cmpi ne, %rem3A_305, %ne3A_306 : i32
      %lt3A_308 = arith.constant 0 : i32
      %lt3A_309 = arith.cmpi slt, %rem3A_305, %lt3A_308 : i32
      %lt3A_310 = arith.constant 0 : i32
      %lt3A_311 = arith.cmpi slt, %select_n3A_304, %lt3A_310 : i32
      %ne3A_312 = arith.xori %lt3A_309, %lt3A_311 : i1
      %and3A_313 = arith.andi %ne3A_312, %ne3A_307 : i1
      %add3A_314 = arith.addi %rem3A_305, %select_n3A_304 : i32
      %select_n3A_315 = arith.select %and3A_313, %add3A_314, %rem3A_305 : i32
      %eq3A_316 = arith.constant 0 : i32
      %eq3A_317 = arith.cmpi eq, %select_n3A_315, %eq3A_316 : i32
      %jit3A_318 = arith.constant 16 : i32
      %div3A_319 = arith.divsi %add3A_299, %jit3A_318 : i32
      %sign3A_320 = arith.constant 0 : i32
      %sign3A_321 = arith.cmpi sgt, %add3A_299, %sign3A_320 : i32
      %sign3A_322 = arith.extui %sign3A_321 : i1 to i32
      %sign3A_323 = arith.constant 0 : i32
      %sign3A_324 = arith.cmpi slt, %add3A_299, %sign3A_323 : i32
      %sign3A_325 = arith.extui %sign3A_324 : i1 to i32
      %sign3A_326 = arith.subi %sign3A_322, %sign3A_325 : i32
      %sign3A_327 = arith.constant 0 : i32
      %sign3A_328 = arith.cmpi sgt, %jit3A_318, %sign3A_327 : i32
      %sign3A_329 = arith.extui %sign3A_328 : i1 to i32
      %sign3A_330 = arith.constant 0 : i32
      %sign3A_331 = arith.cmpi slt, %jit3A_318, %sign3A_330 : i32
      %sign3A_332 = arith.extui %sign3A_331 : i1 to i32
      %sign3A_333 = arith.subi %sign3A_329, %sign3A_332 : i32
      %ne3A_334 = arith.cmpi ne, %sign3A_326, %sign3A_333 : i32
      %rem3A_335 = arith.remsi %add3A_299, %jit3A_318 : i32
      %ne3A_336 = arith.constant 0 : i32
      %ne3A_337 = arith.cmpi ne, %rem3A_335, %ne3A_336 : i32
      %and3A_338 = arith.andi %ne3A_334, %ne3A_337 : i1
      %sub3A_339 = arith.constant 1 : i32
      %sub3A_340 = arith.subi %div3A_319, %sub3A_339 : i32
      %select_n3A_341 = arith.select %and3A_338, %sub3A_340, %div3A_319 : i32
      %ge3A_342 = arith.constant 1 : i32
      %ge3A_343 = arith.cmpi sge, %add3A_299, %ge3A_342 : i32
      %and3A_344 = arith.andi %ge3A_343, %eq3A_317 : i1
      %convert_element_type3A_345 = arith.extui %and3A_344 : i1 to i32
      %cond3A_346 = arith.constant 0 : i32
      %cond3A_347 = arith.cmpi ne, %convert_element_type3A_345, %cond3A_346 : i32
      scf.if %cond3A_347 {
        %sub3A_517 = arith.constant 1 : i32
        %sub3A_518 = arith.subi %add3A_299, %sub3A_517 : i32
        %jit3A_519 = arith.constant 16 : i32
        %div3A_520 = arith.divsi %sub3A_518, %jit3A_519 : i32
        %sign3A_521 = arith.constant 0 : i32
        %sign3A_522 = arith.cmpi sgt, %sub3A_518, %sign3A_521 : i32
        %sign3A_523 = arith.extui %sign3A_522 : i1 to i32
        %sign3A_524 = arith.constant 0 : i32
        %sign3A_525 = arith.cmpi slt, %sub3A_518, %sign3A_524 : i32
        %sign3A_526 = arith.extui %sign3A_525 : i1 to i32
        %sign3A_527 = arith.subi %sign3A_523, %sign3A_526 : i32
        %sign3A_528 = arith.constant 0 : i32
        %sign3A_529 = arith.cmpi sgt, %jit3A_519, %sign3A_528 : i32
        %sign3A_530 = arith.extui %sign3A_529 : i1 to i32
        %sign3A_531 = arith.constant 0 : i32
        %sign3A_532 = arith.cmpi slt, %jit3A_519, %sign3A_531 : i32
        %sign3A_533 = arith.extui %sign3A_532 : i1 to i32
        %sign3A_534 = arith.subi %sign3A_530, %sign3A_533 : i32
        %ne3A_535 = arith.cmpi ne, %sign3A_527, %sign3A_534 : i32
        %rem3A_536 = arith.remsi %sub3A_518, %jit3A_519 : i32
        %ne3A_537 = arith.constant 0 : i32
        %ne3A_538 = arith.cmpi ne, %rem3A_536, %ne3A_537 : i32
        %and3A_539 = arith.andi %ne3A_535, %ne3A_538 : i1
        %sub3A_540 = arith.constant 1 : i32
        %sub3A_541 = arith.subi %div3A_520, %sub3A_540 : i32
        %select_n3A_542 = arith.select %and3A_539, %sub3A_541, %div3A_520 : i32
        %jit3A_543 = arith.constant 2 : i32
        %eq3A_544 = arith.constant 0 : i32
        %eq3A_545 = arith.cmpi eq, %jit3A_543, %eq3A_544 : i32
        %jit3A_546 = arith.constant 1 : i32
        %select_n3A_547 = arith.select %eq3A_545, %jit3A_546, %jit3A_543 : i32
        %rem3A_548 = arith.remsi %select_n3A_542, %select_n3A_547 : i32
        %ne3A_549 = arith.constant 0 : i32
        %ne3A_550 = arith.cmpi ne, %rem3A_548, %ne3A_549 : i32
        %lt3A_551 = arith.constant 0 : i32
        %lt3A_552 = arith.cmpi slt, %rem3A_548, %lt3A_551 : i32
        %lt3A_553 = arith.constant 0 : i32
        %lt3A_554 = arith.cmpi slt, %select_n3A_547, %lt3A_553 : i32
        %ne3A_555 = arith.xori %lt3A_552, %lt3A_554 : i1
        %and3A_556 = arith.andi %ne3A_555, %ne3A_550 : i1
        %add3A_557 = arith.addi %rem3A_548, %select_n3A_547 : i32
        %select_n3A_558 = arith.select %and3A_556, %add3A_557, %rem3A_548 : i32
        %mul3A_559 = arith.constant 16 : i32
        %mul3A_560 = arith.muli %select_n3A_558, %mul3A_559 : i32
        %jit3A_561 = arith.constant 16 : i32
        %eq3A_562 = arith.constant 0 : i32
        %eq3A_563 = arith.cmpi eq, %jit3A_561, %eq3A_562 : i32
        %jit3A_564 = arith.constant 1 : i32
        %select_n3A_565 = arith.select %eq3A_563, %jit3A_564, %jit3A_561 : i32
        %rem3A_566 = arith.remsi %sub3A_518, %select_n3A_565 : i32
        %ne3A_567 = arith.constant 0 : i32
        %ne3A_568 = arith.cmpi ne, %rem3A_566, %ne3A_567 : i32
        %lt3A_569 = arith.constant 0 : i32
        %lt3A_570 = arith.cmpi slt, %rem3A_566, %lt3A_569 : i32
        %lt3A_571 = arith.constant 0 : i32
        %lt3A_572 = arith.cmpi slt, %select_n3A_565, %lt3A_571 : i32
        %ne3A_573 = arith.xori %lt3A_570, %lt3A_572 : i1
        %and3A_574 = arith.andi %ne3A_573, %ne3A_568 : i1
        %add3A_575 = arith.addi %rem3A_566, %select_n3A_565 : i32
        %select_n3A_576 = arith.select %and3A_574, %add3A_575, %rem3A_566 : i32
        %add3A_577 = arith.addi %mul3A_560, %select_n3A_576 : i32
        %dma_wait3A_578 = arith.constant 0 : i32
        %dma_wait3A_579 = tpu.memref_slice %arg10[%add3A_577, %dma_wait3A_578] : memref<32x125xi32, #tpu.memory_space<vmem>> -> memref<1x125xi32, #tpu.memory_space<vmem>>
        %dma_wait3A_580 = tpu.memref_squeeze %dma_wait3A_579 : memref<1x125xi32, #tpu.memory_space<vmem>> -> memref<125xi32, #tpu.memory_space<vmem>>
        %dma_wait3A_581 = arith.constant 0 : i32
        %dma_wait3A_582 = arith.constant 0 : i32
        %dma_wait3A_583 = tpu.memref_slice %arg8[%dma_wait3A_581, %dma_wait3A_582] : memref<10240x128xf32, #tpu.memory_space<vmem_shared>> -> memref<10240x128xf32, #tpu.memory_space<vmem_shared>>
        tpu.wait_indirect_dma semaphore(%arg15 : memref<!tpu.dma_semaphore, #tpu.memory_space<semaphore_mem>>) src(%arg11 : memref<125x128xf32, #tpu.memory_space<vmem>>) dst(%dma_wait3A_583 : memref<10240x128xf32, #tpu.memory_space<vmem_shared>>)
      } else {
      }
      %add3A_348 = arith.constant 16 : i32
      %add3A_349 = arith.addi %add3A_299, %add3A_348 : i32
      %lt3A_350 = arith.constant 160 : i32
      %lt3A_351 = arith.cmpi slt, %add3A_349, %lt3A_350 : i32
      %and3A_352 = arith.andi %eq3A_317, %lt3A_351 : i1
      %convert_element_type3A_353 = arith.extui %and3A_352 : i1 to i32
      %cond3A_354 = arith.constant 0 : i32
      %cond3A_355 = arith.cmpi ne, %convert_element_type3A_353, %cond3A_354 : i32
      scf.if %cond3A_355 {
        %add3A_517 = arith.constant 1 : i32
        %add3A_518 = arith.addi %select_n3A_341, %add3A_517 : i32
        %mul3A_519 = arith.constant 16 : i32
        %mul3A_520 = arith.muli %add3A_518, %mul3A_519 : i32
        %add3A_521 = arith.addi %mul3A_2, %mul3A_520 : i32
        %multiple_of3A_522 = tpu.assume_multiple %add3A_521, 8 : i32
        %jit3A_523 = arith.constant 2 : i32
        %eq3A_524 = arith.constant 0 : i32
        %eq3A_525 = arith.cmpi eq, %jit3A_523, %eq3A_524 : i32
        %jit3A_526 = arith.constant 1 : i32
        %select_n3A_527 = arith.select %eq3A_525, %jit3A_526, %jit3A_523 : i32
        %rem3A_528 = arith.remsi %add3A_518, %select_n3A_527 : i32
        %ne3A_529 = arith.constant 0 : i32
        %ne3A_530 = arith.cmpi ne, %rem3A_528, %ne3A_529 : i32
        %lt3A_531 = arith.constant 0 : i32
        %lt3A_532 = arith.cmpi slt, %rem3A_528, %lt3A_531 : i32
        %lt3A_533 = arith.constant 0 : i32
        %lt3A_534 = arith.cmpi slt, %select_n3A_527, %lt3A_533 : i32
        %ne3A_535 = arith.xori %lt3A_532, %lt3A_534 : i1
        %and3A_536 = arith.andi %ne3A_535, %ne3A_530 : i1
        %add3A_537 = arith.addi %rem3A_528, %select_n3A_527 : i32
        %select_n3A_538 = arith.select %and3A_536, %add3A_537, %rem3A_528 : i32
        %mul3A_539 = arith.constant 16 : i32
        %mul3A_540 = arith.muli %select_n3A_538, %mul3A_539 : i32
        %dma_start3A_541 = arith.constant 0 : i32
        %dma_start3A_542 = tpu.memref_slice %arg9[%mul3A_540, %dma_start3A_541] : memref<32x125xi32, #tpu.memory_space<vmem>> -> memref<16x125xi32, #tpu.memory_space<vmem>>
        %dma_start3A_543 = arith.constant 0 : i32
        %dma_start3A_544 = tpu.memref_slice %arg4[%multiple_of3A_522, %dma_start3A_543] : memref<2560x125xi32, #tpu.memory_space<hbm>> -> memref<16x125xi32, #tpu.memory_space<hbm>>
        %dma_start3A_545 = arith.constant 0 : i32
        %dma_start3A_546 = tpu.memref_slice %arg9[%mul3A_540, %dma_start3A_545] : memref<32x125xi32, #tpu.memory_space<vmem>> -> memref<16x125xi32, #tpu.memory_space<vmem>>
        %dma_start3A_547 = arith.constant 0 : i32
        %dma_start3A_548 = tpu.memref_slice %arg4[%multiple_of3A_522, %dma_start3A_547] : memref<2560x125xi32, #tpu.memory_space<hbm>> -> memref<16x125xi32, #tpu.memory_space<hbm>>
        tpu.enqueue_dma source(%dma_start3A_548 : memref<16x125xi32, #tpu.memory_space<hbm>>) target(%dma_start3A_546 : memref<16x125xi32, #tpu.memory_space<vmem>>) target_semaphore(%arg17 : memref<!tpu.dma_semaphore, #tpu.memory_space<semaphore_mem>>)
        %dma_start3A_549 = arith.constant 0 : i32
        %dma_start3A_550 = tpu.memref_slice %arg10[%mul3A_540, %dma_start3A_549] : memref<32x125xi32, #tpu.memory_space<vmem>> -> memref<16x125xi32, #tpu.memory_space<vmem>>
        %dma_start3A_551 = arith.constant 0 : i32
        %dma_start3A_552 = tpu.memref_slice %arg5[%multiple_of3A_522, %dma_start3A_551] : memref<2560x125xi32, #tpu.memory_space<hbm>> -> memref<16x125xi32, #tpu.memory_space<hbm>>
        %dma_start3A_553 = arith.constant 0 : i32
        %dma_start3A_554 = tpu.memref_slice %arg10[%mul3A_540, %dma_start3A_553] : memref<32x125xi32, #tpu.memory_space<vmem>> -> memref<16x125xi32, #tpu.memory_space<vmem>>
        %dma_start3A_555 = arith.constant 0 : i32
        %dma_start3A_556 = tpu.memref_slice %arg5[%multiple_of3A_522, %dma_start3A_555] : memref<2560x125xi32, #tpu.memory_space<hbm>> -> memref<16x125xi32, #tpu.memory_space<hbm>>
        tpu.enqueue_dma source(%dma_start3A_556 : memref<16x125xi32, #tpu.memory_space<hbm>>) target(%dma_start3A_554 : memref<16x125xi32, #tpu.memory_space<vmem>>) target_semaphore(%arg17 : memref<!tpu.dma_semaphore, #tpu.memory_space<semaphore_mem>>)
      } else {
      }
      %jit3A_356 = arith.constant 16 : i32
      %div3A_357 = arith.divsi %add3A_299, %jit3A_356 : i32
      %sign3A_358 = arith.constant 0 : i32
      %sign3A_359 = arith.cmpi sgt, %add3A_299, %sign3A_358 : i32
      %sign3A_360 = arith.extui %sign3A_359 : i1 to i32
      %sign3A_361 = arith.constant 0 : i32
      %sign3A_362 = arith.cmpi slt, %add3A_299, %sign3A_361 : i32
      %sign3A_363 = arith.extui %sign3A_362 : i1 to i32
      %sign3A_364 = arith.subi %sign3A_360, %sign3A_363 : i32
      %sign3A_365 = arith.constant 0 : i32
      %sign3A_366 = arith.cmpi sgt, %jit3A_356, %sign3A_365 : i32
      %sign3A_367 = arith.extui %sign3A_366 : i1 to i32
      %sign3A_368 = arith.constant 0 : i32
      %sign3A_369 = arith.cmpi slt, %jit3A_356, %sign3A_368 : i32
      %sign3A_370 = arith.extui %sign3A_369 : i1 to i32
      %sign3A_371 = arith.subi %sign3A_367, %sign3A_370 : i32
      %ne3A_372 = arith.cmpi ne, %sign3A_364, %sign3A_371 : i32
      %rem3A_373 = arith.remsi %add3A_299, %jit3A_356 : i32
      %ne3A_374 = arith.constant 0 : i32
      %ne3A_375 = arith.cmpi ne, %rem3A_373, %ne3A_374 : i32
      %and3A_376 = arith.andi %ne3A_372, %ne3A_375 : i1
      %sub3A_377 = arith.constant 1 : i32
      %sub3A_378 = arith.subi %div3A_357, %sub3A_377 : i32
      %select_n3A_379 = arith.select %and3A_376, %sub3A_378, %div3A_357 : i32
      %jit3A_380 = arith.constant 2 : i32
      %eq3A_381 = arith.constant 0 : i32
      %eq3A_382 = arith.cmpi eq, %jit3A_380, %eq3A_381 : i32
      %jit3A_383 = arith.constant 1 : i32
      %select_n3A_384 = arith.select %eq3A_382, %jit3A_383, %jit3A_380 : i32
      %rem3A_385 = arith.remsi %select_n3A_379, %select_n3A_384 : i32
      %ne3A_386 = arith.constant 0 : i32
      %ne3A_387 = arith.cmpi ne, %rem3A_385, %ne3A_386 : i32
      %lt3A_388 = arith.constant 0 : i32
      %lt3A_389 = arith.cmpi slt, %rem3A_385, %lt3A_388 : i32
      %lt3A_390 = arith.constant 0 : i32
      %lt3A_391 = arith.cmpi slt, %select_n3A_384, %lt3A_390 : i32
      %ne3A_392 = arith.xori %lt3A_389, %lt3A_391 : i1
      %and3A_393 = arith.andi %ne3A_392, %ne3A_387 : i1
      %add3A_394 = arith.addi %rem3A_385, %select_n3A_384 : i32
      %select_n3A_395 = arith.select %and3A_393, %add3A_394, %rem3A_385 : i32
      %mul3A_396 = arith.constant 16 : i32
      %mul3A_397 = arith.muli %select_n3A_395, %mul3A_396 : i32
      %jit3A_398 = arith.constant 16 : i32
      %eq3A_399 = arith.constant 0 : i32
      %eq3A_400 = arith.cmpi eq, %jit3A_398, %eq3A_399 : i32
      %jit3A_401 = arith.constant 1 : i32
      %select_n3A_402 = arith.select %eq3A_400, %jit3A_401, %jit3A_398 : i32
      %rem3A_403 = arith.remsi %add3A_299, %select_n3A_402 : i32
      %ne3A_404 = arith.constant 0 : i32
      %ne3A_405 = arith.cmpi ne, %rem3A_403, %ne3A_404 : i32
      %lt3A_406 = arith.constant 0 : i32
      %lt3A_407 = arith.cmpi slt, %rem3A_403, %lt3A_406 : i32
      %lt3A_408 = arith.constant 0 : i32
      %lt3A_409 = arith.cmpi slt, %select_n3A_402, %lt3A_408 : i32
      %ne3A_410 = arith.xori %lt3A_407, %lt3A_409 : i1
      %and3A_411 = arith.andi %ne3A_410, %ne3A_405 : i1
      %add3A_412 = arith.addi %rem3A_403, %select_n3A_402 : i32
      %select_n3A_413 = arith.select %and3A_411, %add3A_412, %rem3A_403 : i32
      %add3A_414 = arith.addi %mul3A_397, %select_n3A_413 : i32
      %dma_wait3A_415 = arith.constant 0 : i32
      %dma_wait3A_416 = arith.constant 0 : i32
      %dma_wait3A_417 = tpu.memref_slice %arg12[%dma_wait3A_415, %dma_wait3A_416] : memref<125x128xf32, #tpu.memory_space<vmem>> -> memref<64x128xf32, #tpu.memory_space<vmem>>
      %dma_wait3A_418 = arith.constant 0 : i32
      %dma_wait3A_419 = tpu.memref_slice %arg9[%add3A_414, %dma_wait3A_418] : memref<32x125xi32, #tpu.memory_space<vmem>> -> memref<1x125xi32, #tpu.memory_space<vmem>>
      %dma_wait3A_420 = tpu.memref_squeeze %dma_wait3A_419 : memref<1x125xi32, #tpu.memory_space<vmem>> -> memref<125xi32, #tpu.memory_space<vmem>>
      %dma_wait3A_421 = arith.constant 0 : i32
      %dma_wait3A_422 = tpu.memref_slice %dma_wait3A_420[%dma_wait3A_421] : memref<125xi32, #tpu.memory_space<vmem>> -> memref<64xi32, #tpu.memory_space<vmem>>
      %dma_wait3A_423 = arith.constant 0 : i32
      %dma_wait3A_424 = arith.constant 0 : i32
      %dma_wait3A_425 = tpu.memref_slice %arg2[%dma_wait3A_423, %dma_wait3A_424] : memref<10240x128xf32, #tpu.memory_space<hbm>> -> memref<10240x128xf32, #tpu.memory_space<hbm>>
      tpu.wait_indirect_dma semaphore(%arg14 : memref<!tpu.dma_semaphore, #tpu.memory_space<semaphore_mem>>) src(%dma_wait3A_425 : memref<10240x128xf32, #tpu.memory_space<hbm>>) dst(%dma_wait3A_417 : memref<64x128xf32, #tpu.memory_space<vmem>>)
      %dma_wait3A_426 = arith.constant 64 : i32
      %dma_wait3A_427 = arith.constant 0 : i32
      %dma_wait3A_428 = tpu.memref_slice %arg12[%dma_wait3A_426, %dma_wait3A_427] : memref<125x128xf32, #tpu.memory_space<vmem>> -> memref<61x128xf32, #tpu.memory_space<vmem>>
      %dma_wait3A_429 = arith.constant 0 : i32
      %dma_wait3A_430 = tpu.memref_slice %arg9[%add3A_414, %dma_wait3A_429] : memref<32x125xi32, #tpu.memory_space<vmem>> -> memref<1x125xi32, #tpu.memory_space<vmem>>
      %dma_wait3A_431 = tpu.memref_squeeze %dma_wait3A_430 : memref<1x125xi32, #tpu.memory_space<vmem>> -> memref<125xi32, #tpu.memory_space<vmem>>
      %dma_wait3A_432 = arith.constant 64 : i32
      %dma_wait3A_433 = tpu.memref_slice %dma_wait3A_431[%dma_wait3A_432] : memref<125xi32, #tpu.memory_space<vmem>> -> memref<61xi32, #tpu.memory_space<vmem>>
      %dma_wait3A_434 = arith.constant 0 : i32
      %dma_wait3A_435 = arith.constant 0 : i32
      %dma_wait3A_436 = tpu.memref_slice %arg2[%dma_wait3A_434, %dma_wait3A_435] : memref<10240x128xf32, #tpu.memory_space<hbm>> -> memref<10240x128xf32, #tpu.memory_space<hbm>>
      tpu.wait_indirect_dma semaphore(%arg14 : memref<!tpu.dma_semaphore, #tpu.memory_space<semaphore_mem>>) src(%dma_wait3A_436 : memref<10240x128xf32, #tpu.memory_space<hbm>>) dst(%dma_wait3A_428 : memref<61x128xf32, #tpu.memory_space<vmem>>)
      %jit3A_437 = arith.constant 16 : i32
      %div3A_438 = arith.divsi %add3A_299, %jit3A_437 : i32
      %sign3A_439 = arith.constant 0 : i32
      %sign3A_440 = arith.cmpi sgt, %add3A_299, %sign3A_439 : i32
      %sign3A_441 = arith.extui %sign3A_440 : i1 to i32
      %sign3A_442 = arith.constant 0 : i32
      %sign3A_443 = arith.cmpi slt, %add3A_299, %sign3A_442 : i32
      %sign3A_444 = arith.extui %sign3A_443 : i1 to i32
      %sign3A_445 = arith.subi %sign3A_441, %sign3A_444 : i32
      %sign3A_446 = arith.constant 0 : i32
      %sign3A_447 = arith.cmpi sgt, %jit3A_437, %sign3A_446 : i32
      %sign3A_448 = arith.extui %sign3A_447 : i1 to i32
      %sign3A_449 = arith.constant 0 : i32
      %sign3A_450 = arith.cmpi slt, %jit3A_437, %sign3A_449 : i32
      %sign3A_451 = arith.extui %sign3A_450 : i1 to i32
      %sign3A_452 = arith.subi %sign3A_448, %sign3A_451 : i32
      %ne3A_453 = arith.cmpi ne, %sign3A_445, %sign3A_452 : i32
      %rem3A_454 = arith.remsi %add3A_299, %jit3A_437 : i32
      %ne3A_455 = arith.constant 0 : i32
      %ne3A_456 = arith.cmpi ne, %rem3A_454, %ne3A_455 : i32
      %and3A_457 = arith.andi %ne3A_453, %ne3A_456 : i1
      %sub3A_458 = arith.constant 1 : i32
      %sub3A_459 = arith.subi %div3A_438, %sub3A_458 : i32
      %select_n3A_460 = arith.select %and3A_457, %sub3A_459, %div3A_438 : i32
      %jit3A_461 = arith.constant 2 : i32
      %eq3A_462 = arith.constant 0 : i32
      %eq3A_463 = arith.cmpi eq, %jit3A_461, %eq3A_462 : i32
      %jit3A_464 = arith.constant 1 : i32
      %select_n3A_465 = arith.select %eq3A_463, %jit3A_464, %jit3A_461 : i32
      %rem3A_466 = arith.remsi %select_n3A_460, %select_n3A_465 : i32
      %ne3A_467 = arith.constant 0 : i32
      %ne3A_468 = arith.cmpi ne, %rem3A_466, %ne3A_467 : i32
      %lt3A_469 = arith.constant 0 : i32
      %lt3A_470 = arith.cmpi slt, %rem3A_466, %lt3A_469 : i32
      %lt3A_471 = arith.constant 0 : i32
      %lt3A_472 = arith.cmpi slt, %select_n3A_465, %lt3A_471 : i32
      %ne3A_473 = arith.xori %lt3A_470, %lt3A_472 : i1
      %and3A_474 = arith.andi %ne3A_473, %ne3A_468 : i1
      %add3A_475 = arith.addi %rem3A_466, %select_n3A_465 : i32
      %select_n3A_476 = arith.select %and3A_474, %add3A_475, %rem3A_466 : i32
      %mul3A_477 = arith.constant 16 : i32
      %mul3A_478 = arith.muli %select_n3A_476, %mul3A_477 : i32
      %jit3A_479 = arith.constant 16 : i32
      %eq3A_480 = arith.constant 0 : i32
      %eq3A_481 = arith.cmpi eq, %jit3A_479, %eq3A_480 : i32
      %jit3A_482 = arith.constant 1 : i32
      %select_n3A_483 = arith.select %eq3A_481, %jit3A_482, %jit3A_479 : i32
      %rem3A_484 = arith.remsi %add3A_299, %select_n3A_483 : i32
      %ne3A_485 = arith.constant 0 : i32
      %ne3A_486 = arith.cmpi ne, %rem3A_484, %ne3A_485 : i32
      %lt3A_487 = arith.constant 0 : i32
      %lt3A_488 = arith.cmpi slt, %rem3A_484, %lt3A_487 : i32
      %lt3A_489 = arith.constant 0 : i32
      %lt3A_490 = arith.cmpi slt, %select_n3A_483, %lt3A_489 : i32
      %ne3A_491 = arith.xori %lt3A_488, %lt3A_490 : i1
      %and3A_492 = arith.andi %ne3A_491, %ne3A_486 : i1
      %add3A_493 = arith.addi %rem3A_484, %select_n3A_483 : i32
      %select_n3A_494 = arith.select %and3A_492, %add3A_493, %rem3A_484 : i32
      %add3A_495 = arith.addi %mul3A_478, %select_n3A_494 : i32
      %dma_start3A_496 = arith.constant 0 : i32
      %dma_start3A_497 = tpu.memref_slice %arg10[%add3A_495, %dma_start3A_496] : memref<32x125xi32, #tpu.memory_space<vmem>> -> memref<1x125xi32, #tpu.memory_space<vmem>>
      %dma_start3A_498 = tpu.memref_squeeze %dma_start3A_497 : memref<1x125xi32, #tpu.memory_space<vmem>> -> memref<125xi32, #tpu.memory_space<vmem>>
      %dma_start3A_499 = arith.constant 0 : i32
      %dma_start3A_500 = arith.constant 0 : i32
      %dma_start3A_501 = tpu.memref_slice %arg8[%dma_start3A_499, %dma_start3A_500] : memref<10240x128xf32, #tpu.memory_space<vmem_shared>> -> memref<10240x128xf32, #tpu.memory_space<vmem_shared>>
      tpu.enqueue_indirect_dma source(%arg12 : memref<125x128xf32, #tpu.memory_space<vmem>>) target(%dma_start3A_501 : memref<10240x128xf32, #tpu.memory_space<vmem_shared>>) offsets(%dma_start3A_498 : memref<125xi32, #tpu.memory_space<vmem>>) semaphore(%arg16 : memref<!tpu.dma_semaphore, #tpu.memory_space<semaphore_mem>>) {add = true}
      %ge3A_502 = arith.constant 1 : i32
      %ge3A_503 = arith.cmpi sge, %add3A_299, %ge3A_502 : i32
      %not3A_504 = arith.constant true
      %not3A_505 = arith.xori %eq3A_317, %not3A_504 : i1
      %and3A_506 = arith.andi %ge3A_503, %not3A_505 : i1
      %convert_element_type3A_507 = arith.extui %and3A_506 : i1 to i32
      %cond3A_508 = arith.constant 0 : i32
      %cond3A_509 = arith.cmpi ne, %convert_element_type3A_507, %cond3A_508 : i32
      scf.if %cond3A_509 {
        %sub3A_517 = arith.constant 1 : i32
        %sub3A_518 = arith.subi %add3A_299, %sub3A_517 : i32
        %jit3A_519 = arith.constant 16 : i32
        %div3A_520 = arith.divsi %sub3A_518, %jit3A_519 : i32
        %sign3A_521 = arith.constant 0 : i32
        %sign3A_522 = arith.cmpi sgt, %sub3A_518, %sign3A_521 : i32
        %sign3A_523 = arith.extui %sign3A_522 : i1 to i32
        %sign3A_524 = arith.constant 0 : i32
        %sign3A_525 = arith.cmpi slt, %sub3A_518, %sign3A_524 : i32
        %sign3A_526 = arith.extui %sign3A_525 : i1 to i32
        %sign3A_527 = arith.subi %sign3A_523, %sign3A_526 : i32
        %sign3A_528 = arith.constant 0 : i32
        %sign3A_529 = arith.cmpi sgt, %jit3A_519, %sign3A_528 : i32
        %sign3A_530 = arith.extui %sign3A_529 : i1 to i32
        %sign3A_531 = arith.constant 0 : i32
        %sign3A_532 = arith.cmpi slt, %jit3A_519, %sign3A_531 : i32
        %sign3A_533 = arith.extui %sign3A_532 : i1 to i32
        %sign3A_534 = arith.subi %sign3A_530, %sign3A_533 : i32
        %ne3A_535 = arith.cmpi ne, %sign3A_527, %sign3A_534 : i32
        %rem3A_536 = arith.remsi %sub3A_518, %jit3A_519 : i32
        %ne3A_537 = arith.constant 0 : i32
        %ne3A_538 = arith.cmpi ne, %rem3A_536, %ne3A_537 : i32
        %and3A_539 = arith.andi %ne3A_535, %ne3A_538 : i1
        %sub3A_540 = arith.constant 1 : i32
        %sub3A_541 = arith.subi %div3A_520, %sub3A_540 : i32
        %select_n3A_542 = arith.select %and3A_539, %sub3A_541, %div3A_520 : i32
        %jit3A_543 = arith.constant 2 : i32
        %eq3A_544 = arith.constant 0 : i32
        %eq3A_545 = arith.cmpi eq, %jit3A_543, %eq3A_544 : i32
        %jit3A_546 = arith.constant 1 : i32
        %select_n3A_547 = arith.select %eq3A_545, %jit3A_546, %jit3A_543 : i32
        %rem3A_548 = arith.remsi %select_n3A_542, %select_n3A_547 : i32
        %ne3A_549 = arith.constant 0 : i32
        %ne3A_550 = arith.cmpi ne, %rem3A_548, %ne3A_549 : i32
        %lt3A_551 = arith.constant 0 : i32
        %lt3A_552 = arith.cmpi slt, %rem3A_548, %lt3A_551 : i32
        %lt3A_553 = arith.constant 0 : i32
        %lt3A_554 = arith.cmpi slt, %select_n3A_547, %lt3A_553 : i32
        %ne3A_555 = arith.xori %lt3A_552, %lt3A_554 : i1
        %and3A_556 = arith.andi %ne3A_555, %ne3A_550 : i1
        %add3A_557 = arith.addi %rem3A_548, %select_n3A_547 : i32
        %select_n3A_558 = arith.select %and3A_556, %add3A_557, %rem3A_548 : i32
        %mul3A_559 = arith.constant 16 : i32
        %mul3A_560 = arith.muli %select_n3A_558, %mul3A_559 : i32
        %jit3A_561 = arith.constant 16 : i32
        %eq3A_562 = arith.constant 0 : i32
        %eq3A_563 = arith.cmpi eq, %jit3A_561, %eq3A_562 : i32
        %jit3A_564 = arith.constant 1 : i32
        %select_n3A_565 = arith.select %eq3A_563, %jit3A_564, %jit3A_561 : i32
        %rem3A_566 = arith.remsi %sub3A_518, %select_n3A_565 : i32
        %ne3A_567 = arith.constant 0 : i32
        %ne3A_568 = arith.cmpi ne, %rem3A_566, %ne3A_567 : i32
        %lt3A_569 = arith.constant 0 : i32
        %lt3A_570 = arith.cmpi slt, %rem3A_566, %lt3A_569 : i32
        %lt3A_571 = arith.constant 0 : i32
        %lt3A_572 = arith.cmpi slt, %select_n3A_565, %lt3A_571 : i32
        %ne3A_573 = arith.xori %lt3A_570, %lt3A_572 : i1
        %and3A_574 = arith.andi %ne3A_573, %ne3A_568 : i1
        %add3A_575 = arith.addi %rem3A_566, %select_n3A_565 : i32
        %select_n3A_576 = arith.select %and3A_574, %add3A_575, %rem3A_566 : i32
        %add3A_577 = arith.addi %mul3A_560, %select_n3A_576 : i32
        %dma_wait3A_578 = arith.constant 0 : i32
        %dma_wait3A_579 = tpu.memref_slice %arg10[%add3A_577, %dma_wait3A_578] : memref<32x125xi32, #tpu.memory_space<vmem>> -> memref<1x125xi32, #tpu.memory_space<vmem>>
        %dma_wait3A_580 = tpu.memref_squeeze %dma_wait3A_579 : memref<1x125xi32, #tpu.memory_space<vmem>> -> memref<125xi32, #tpu.memory_space<vmem>>
        %dma_wait3A_581 = arith.constant 0 : i32
        %dma_wait3A_582 = arith.constant 0 : i32
        %dma_wait3A_583 = tpu.memref_slice %arg8[%dma_wait3A_581, %dma_wait3A_582] : memref<10240x128xf32, #tpu.memory_space<vmem_shared>> -> memref<10240x128xf32, #tpu.memory_space<vmem_shared>>
        tpu.wait_indirect_dma semaphore(%arg15 : memref<!tpu.dma_semaphore, #tpu.memory_space<semaphore_mem>>) src(%arg11 : memref<125x128xf32, #tpu.memory_space<vmem>>) dst(%dma_wait3A_583 : memref<10240x128xf32, #tpu.memory_space<vmem_shared>>)
      } else {
      }
      %add3A_510 = arith.constant 1 : i32
      %add3A_511 = arith.addi %add3A_299, %add3A_510 : i32
      %lt3A_512 = arith.constant 160 : i32
      %lt3A_513 = arith.cmpi slt, %add3A_511, %lt3A_512 : i32
      %convert_element_type3A_514 = arith.extui %lt3A_513 : i1 to i32
      %cond3A_515 = arith.constant 0 : i32
      %cond3A_516 = arith.cmpi ne, %convert_element_type3A_514, %cond3A_515 : i32
      scf.if %cond3A_516 {
        %add3A_517 = arith.constant 1 : i32
        %add3A_518 = arith.addi %add3A_299, %add3A_517 : i32
        %jit3A_519 = arith.constant 16 : i32
        %eq3A_520 = arith.constant 0 : i32
        %eq3A_521 = arith.cmpi eq, %jit3A_519, %eq3A_520 : i32
        %jit3A_522 = arith.constant 1 : i32
        %select_n3A_523 = arith.select %eq3A_521, %jit3A_522, %jit3A_519 : i32
        %rem3A_524 = arith.remsi %add3A_518, %select_n3A_523 : i32
        %ne3A_525 = arith.constant 0 : i32
        %ne3A_526 = arith.cmpi ne, %rem3A_524, %ne3A_525 : i32
        %lt3A_527 = arith.constant 0 : i32
        %lt3A_528 = arith.cmpi slt, %rem3A_524, %lt3A_527 : i32
        %lt3A_529 = arith.constant 0 : i32
        %lt3A_530 = arith.cmpi slt, %select_n3A_523, %lt3A_529 : i32
        %ne3A_531 = arith.xori %lt3A_528, %lt3A_530 : i1
        %and3A_532 = arith.andi %ne3A_531, %ne3A_526 : i1
        %add3A_533 = arith.addi %rem3A_524, %select_n3A_523 : i32
        %select_n3A_534 = arith.select %and3A_532, %add3A_533, %rem3A_524 : i32
        %eq3A_535 = arith.constant 0 : i32
        %eq3A_536 = arith.cmpi eq, %select_n3A_534, %eq3A_535 : i32
        %convert_element_type3A_537 = arith.extui %eq3A_536 : i1 to i32
        %cond3A_538 = arith.constant 0 : i32
        %cond3A_539 = arith.cmpi ne, %convert_element_type3A_537, %cond3A_538 : i32
        scf.if %cond3A_539 {
          %add3A_611 = arith.constant 1 : i32
          %add3A_612 = arith.addi %add3A_299, %add3A_611 : i32
          %jit3A_613 = arith.constant 16 : i32
          %div3A_614 = arith.divsi %add3A_612, %jit3A_613 : i32
          %sign3A_615 = arith.constant 0 : i32
          %sign3A_616 = arith.cmpi sgt, %add3A_612, %sign3A_615 : i32
          %sign3A_617 = arith.extui %sign3A_616 : i1 to i32
          %sign3A_618 = arith.constant 0 : i32
          %sign3A_619 = arith.cmpi slt, %add3A_612, %sign3A_618 : i32
          %sign3A_620 = arith.extui %sign3A_619 : i1 to i32
          %sign3A_621 = arith.subi %sign3A_617, %sign3A_620 : i32
          %sign3A_622 = arith.constant 0 : i32
          %sign3A_623 = arith.cmpi sgt, %jit3A_613, %sign3A_622 : i32
          %sign3A_624 = arith.extui %sign3A_623 : i1 to i32
          %sign3A_625 = arith.constant 0 : i32
          %sign3A_626 = arith.cmpi slt, %jit3A_613, %sign3A_625 : i32
          %sign3A_627 = arith.extui %sign3A_626 : i1 to i32
          %sign3A_628 = arith.subi %sign3A_624, %sign3A_627 : i32
          %ne3A_629 = arith.cmpi ne, %sign3A_621, %sign3A_628 : i32
          %rem3A_630 = arith.remsi %add3A_612, %jit3A_613 : i32
          %ne3A_631 = arith.constant 0 : i32
          %ne3A_632 = arith.cmpi ne, %rem3A_630, %ne3A_631 : i32
          %and3A_633 = arith.andi %ne3A_629, %ne3A_632 : i1
          %sub3A_634 = arith.constant 1 : i32
          %sub3A_635 = arith.subi %div3A_614, %sub3A_634 : i32
          %select_n3A_636 = arith.select %and3A_633, %sub3A_635, %div3A_614 : i32
          %jit3A_637 = arith.constant 2 : i32
          %eq3A_638 = arith.constant 0 : i32
          %eq3A_639 = arith.cmpi eq, %jit3A_637, %eq3A_638 : i32
          %jit3A_640 = arith.constant 1 : i32
          %select_n3A_641 = arith.select %eq3A_639, %jit3A_640, %jit3A_637 : i32
          %rem3A_642 = arith.remsi %select_n3A_636, %select_n3A_641 : i32
          %ne3A_643 = arith.constant 0 : i32
          %ne3A_644 = arith.cmpi ne, %rem3A_642, %ne3A_643 : i32
          %lt3A_645 = arith.constant 0 : i32
          %lt3A_646 = arith.cmpi slt, %rem3A_642, %lt3A_645 : i32
          %lt3A_647 = arith.constant 0 : i32
          %lt3A_648 = arith.cmpi slt, %select_n3A_641, %lt3A_647 : i32
          %ne3A_649 = arith.xori %lt3A_646, %lt3A_648 : i1
          %and3A_650 = arith.andi %ne3A_649, %ne3A_644 : i1
          %add3A_651 = arith.addi %rem3A_642, %select_n3A_641 : i32
          %select_n3A_652 = arith.select %and3A_650, %add3A_651, %rem3A_642 : i32
          %mul3A_653 = arith.constant 16 : i32
          %mul3A_654 = arith.muli %select_n3A_652, %mul3A_653 : i32
          %dma_wait3A_655 = arith.constant 0 : i32
          %dma_wait3A_656 = tpu.memref_slice %arg9[%mul3A_654, %dma_wait3A_655] : memref<32x125xi32, #tpu.memory_space<vmem>> -> memref<16x125xi32, #tpu.memory_space<vmem>>
          %dma_wait3A_657 = arith.constant 0 : i32
          %dma_wait3A_658 = tpu.memref_slice %arg4[%mul3A_2, %dma_wait3A_657] : memref<2560x125xi32, #tpu.memory_space<hbm>> -> memref<16x125xi32, #tpu.memory_space<hbm>>
          %dma_wait3A_659 = arith.constant 0 : i32
          %dma_wait3A_660 = tpu.memref_slice %arg9[%mul3A_654, %dma_wait3A_659] : memref<32x125xi32, #tpu.memory_space<vmem>> -> memref<16x125xi32, #tpu.memory_space<vmem>>
          %dma_wait3A_661 = arith.constant 0 : i32
          %dma_wait3A_662 = tpu.memref_slice %arg4[%mul3A_2, %dma_wait3A_661] : memref<2560x125xi32, #tpu.memory_space<hbm>> -> memref<16x125xi32, #tpu.memory_space<hbm>>
          tpu.wait_dma2 semaphore(%arg17 : memref<!tpu.dma_semaphore, #tpu.memory_space<semaphore_mem>>) src(%dma_wait3A_662 : memref<16x125xi32, #tpu.memory_space<hbm>>) dst(%dma_wait3A_660 : memref<16x125xi32, #tpu.memory_space<vmem>>)
          %dma_wait3A_663 = arith.constant 0 : i32
          %dma_wait3A_664 = tpu.memref_slice %arg10[%mul3A_654, %dma_wait3A_663] : memref<32x125xi32, #tpu.memory_space<vmem>> -> memref<16x125xi32, #tpu.memory_space<vmem>>
          %dma_wait3A_665 = arith.constant 0 : i32
          %dma_wait3A_666 = tpu.memref_slice %arg5[%mul3A_2, %dma_wait3A_665] : memref<2560x125xi32, #tpu.memory_space<hbm>> -> memref<16x125xi32, #tpu.memory_space<hbm>>
          %dma_wait3A_667 = arith.constant 0 : i32
          %dma_wait3A_668 = tpu.memref_slice %arg10[%mul3A_654, %dma_wait3A_667] : memref<32x125xi32, #tpu.memory_space<vmem>> -> memref<16x125xi32, #tpu.memory_space<vmem>>
          %dma_wait3A_669 = arith.constant 0 : i32
          %dma_wait3A_670 = tpu.memref_slice %arg5[%mul3A_2, %dma_wait3A_669] : memref<2560x125xi32, #tpu.memory_space<hbm>> -> memref<16x125xi32, #tpu.memory_space<hbm>>
          tpu.wait_dma2 semaphore(%arg17 : memref<!tpu.dma_semaphore, #tpu.memory_space<semaphore_mem>>) src(%dma_wait3A_670 : memref<16x125xi32, #tpu.memory_space<hbm>>) dst(%dma_wait3A_668 : memref<16x125xi32, #tpu.memory_space<vmem>>)
        } else {
        }
        %add3A_540 = arith.constant 1 : i32
        %add3A_541 = arith.addi %add3A_299, %add3A_540 : i32
        %jit3A_542 = arith.constant 16 : i32
        %div3A_543 = arith.divsi %add3A_541, %jit3A_542 : i32
        %sign3A_544 = arith.constant 0 : i32
        %sign3A_545 = arith.cmpi sgt, %add3A_541, %sign3A_544 : i32
        %sign3A_546 = arith.extui %sign3A_545 : i1 to i32
        %sign3A_547 = arith.constant 0 : i32
        %sign3A_548 = arith.cmpi slt, %add3A_541, %sign3A_547 : i32
        %sign3A_549 = arith.extui %sign3A_548 : i1 to i32
        %sign3A_550 = arith.subi %sign3A_546, %sign3A_549 : i32
        %sign3A_551 = arith.constant 0 : i32
        %sign3A_552 = arith.cmpi sgt, %jit3A_542, %sign3A_551 : i32
        %sign3A_553 = arith.extui %sign3A_552 : i1 to i32
        %sign3A_554 = arith.constant 0 : i32
        %sign3A_555 = arith.cmpi slt, %jit3A_542, %sign3A_554 : i32
        %sign3A_556 = arith.extui %sign3A_555 : i1 to i32
        %sign3A_557 = arith.subi %sign3A_553, %sign3A_556 : i32
        %ne3A_558 = arith.cmpi ne, %sign3A_550, %sign3A_557 : i32
        %rem3A_559 = arith.remsi %add3A_541, %jit3A_542 : i32
        %ne3A_560 = arith.constant 0 : i32
        %ne3A_561 = arith.cmpi ne, %rem3A_559, %ne3A_560 : i32
        %and3A_562 = arith.andi %ne3A_558, %ne3A_561 : i1
        %sub3A_563 = arith.constant 1 : i32
        %sub3A_564 = arith.subi %div3A_543, %sub3A_563 : i32
        %select_n3A_565 = arith.select %and3A_562, %sub3A_564, %div3A_543 : i32
        %jit3A_566 = arith.constant 2 : i32
        %eq3A_567 = arith.constant 0 : i32
        %eq3A_568 = arith.cmpi eq, %jit3A_566, %eq3A_567 : i32
        %jit3A_569 = arith.constant 1 : i32
        %select_n3A_570 = arith.select %eq3A_568, %jit3A_569, %jit3A_566 : i32
        %rem3A_571 = arith.remsi %select_n3A_565, %select_n3A_570 : i32
        %ne3A_572 = arith.constant 0 : i32
        %ne3A_573 = arith.cmpi ne, %rem3A_571, %ne3A_572 : i32
        %lt3A_574 = arith.constant 0 : i32
        %lt3A_575 = arith.cmpi slt, %rem3A_571, %lt3A_574 : i32
        %lt3A_576 = arith.constant 0 : i32
        %lt3A_577 = arith.cmpi slt, %select_n3A_570, %lt3A_576 : i32
        %ne3A_578 = arith.xori %lt3A_575, %lt3A_577 : i1
        %and3A_579 = arith.andi %ne3A_578, %ne3A_573 : i1
        %add3A_580 = arith.addi %rem3A_571, %select_n3A_570 : i32
        %select_n3A_581 = arith.select %and3A_579, %add3A_580, %rem3A_571 : i32
        %mul3A_582 = arith.constant 16 : i32
        %mul3A_583 = arith.muli %select_n3A_581, %mul3A_582 : i32
        %jit3A_584 = arith.constant 16 : i32
        %eq3A_585 = arith.constant 0 : i32
        %eq3A_586 = arith.cmpi eq, %jit3A_584, %eq3A_585 : i32
        %jit3A_587 = arith.constant 1 : i32
        %select_n3A_588 = arith.select %eq3A_586, %jit3A_587, %jit3A_584 : i32
        %rem3A_589 = arith.remsi %add3A_541, %select_n3A_588 : i32
        %ne3A_590 = arith.constant 0 : i32
        %ne3A_591 = arith.cmpi ne, %rem3A_589, %ne3A_590 : i32
        %lt3A_592 = arith.constant 0 : i32
        %lt3A_593 = arith.cmpi slt, %rem3A_589, %lt3A_592 : i32
        %lt3A_594 = arith.constant 0 : i32
        %lt3A_595 = arith.cmpi slt, %select_n3A_588, %lt3A_594 : i32
        %ne3A_596 = arith.xori %lt3A_593, %lt3A_595 : i1
        %and3A_597 = arith.andi %ne3A_596, %ne3A_591 : i1
        %add3A_598 = arith.addi %rem3A_589, %select_n3A_588 : i32
        %select_n3A_599 = arith.select %and3A_597, %add3A_598, %rem3A_589 : i32
        %add3A_600 = arith.addi %mul3A_583, %select_n3A_599 : i32
        %eq3A_601 = arith.constant 0 : i32
        %eq3A_602 = arith.cmpi eq, %arg0, %eq3A_601 : i32
        %convert_element_type3A_603 = arith.extui %eq3A_602 : i1 to i32
        %cond3A_604 = arith.constant 0 : i32
        %cond3A_605 = arith.cmpi ne, %convert_element_type3A_603, %cond3A_604 : i32
        scf.if %cond3A_605 {
          %dma_start3A_611 = arith.constant 0 : i32
          %dma_start3A_612 = arith.constant 0 : i32
          %dma_start3A_613 = tpu.memref_slice %arg11[%dma_start3A_611, %dma_start3A_612] : memref<125x128xf32, #tpu.memory_space<vmem>> -> memref<64x128xf32, #tpu.memory_space<vmem>>
          %dma_start3A_614 = arith.constant 0 : i32
          %dma_start3A_615 = tpu.memref_slice %arg9[%add3A_600, %dma_start3A_614] : memref<32x125xi32, #tpu.memory_space<vmem>> -> memref<1x125xi32, #tpu.memory_space<vmem>>
          %dma_start3A_616 = tpu.memref_squeeze %dma_start3A_615 : memref<1x125xi32, #tpu.memory_space<vmem>> -> memref<125xi32, #tpu.memory_space<vmem>>
          %dma_start3A_617 = arith.constant 0 : i32
          %dma_start3A_618 = tpu.memref_slice %dma_start3A_616[%dma_start3A_617] : memref<125xi32, #tpu.memory_space<vmem>> -> memref<64xi32, #tpu.memory_space<vmem>>
          %dma_start3A_619 = arith.constant 0 : i32
          %dma_start3A_620 = arith.constant 0 : i32
          %dma_start3A_621 = tpu.memref_slice %arg2[%dma_start3A_619, %dma_start3A_620] : memref<10240x128xf32, #tpu.memory_space<hbm>> -> memref<10240x128xf32, #tpu.memory_space<hbm>>
          tpu.enqueue_indirect_dma source(%dma_start3A_621 : memref<10240x128xf32, #tpu.memory_space<hbm>>) target(%dma_start3A_613 : memref<64x128xf32, #tpu.memory_space<vmem>>) offsets(%dma_start3A_618 : memref<64xi32, #tpu.memory_space<vmem>>) semaphore(%arg13 : memref<!tpu.dma_semaphore, #tpu.memory_space<semaphore_mem>>)
          %dma_start3A_622 = arith.constant 64 : i32
          %dma_start3A_623 = arith.constant 0 : i32
          %dma_start3A_624 = tpu.memref_slice %arg11[%dma_start3A_622, %dma_start3A_623] : memref<125x128xf32, #tpu.memory_space<vmem>> -> memref<61x128xf32, #tpu.memory_space<vmem>>
          %dma_start3A_625 = arith.constant 0 : i32
          %dma_start3A_626 = tpu.memref_slice %arg9[%add3A_600, %dma_start3A_625] : memref<32x125xi32, #tpu.memory_space<vmem>> -> memref<1x125xi32, #tpu.memory_space<vmem>>
          %dma_start3A_627 = tpu.memref_squeeze %dma_start3A_626 : memref<1x125xi32, #tpu.memory_space<vmem>> -> memref<125xi32, #tpu.memory_space<vmem>>
          %dma_start3A_628 = arith.constant 64 : i32
          %dma_start3A_629 = tpu.memref_slice %dma_start3A_627[%dma_start3A_628] : memref<125xi32, #tpu.memory_space<vmem>> -> memref<61xi32, #tpu.memory_space<vmem>>
          %dma_start3A_630 = arith.constant 0 : i32
          %dma_start3A_631 = arith.constant 0 : i32
          %dma_start3A_632 = tpu.memref_slice %arg2[%dma_start3A_630, %dma_start3A_631] : memref<10240x128xf32, #tpu.memory_space<hbm>> -> memref<10240x128xf32, #tpu.memory_space<hbm>>
          tpu.enqueue_indirect_dma source(%dma_start3A_632 : memref<10240x128xf32, #tpu.memory_space<hbm>>) target(%dma_start3A_624 : memref<61x128xf32, #tpu.memory_space<vmem>>) offsets(%dma_start3A_629 : memref<61xi32, #tpu.memory_space<vmem>>) semaphore(%arg13 : memref<!tpu.dma_semaphore, #tpu.memory_space<semaphore_mem>>)
        } else {
        }
        %eq3A_606 = arith.constant 1 : i32
        %eq3A_607 = arith.cmpi eq, %arg0, %eq3A_606 : i32
        %convert_element_type3A_608 = arith.extui %eq3A_607 : i1 to i32
        %cond3A_609 = arith.constant 0 : i32
        %cond3A_610 = arith.cmpi ne, %convert_element_type3A_608, %cond3A_609 : i32
        scf.if %cond3A_610 {
          %dma_start3A_611 = arith.constant 0 : i32
          %dma_start3A_612 = arith.constant 0 : i32
          %dma_start3A_613 = tpu.memref_slice %arg11[%dma_start3A_611, %dma_start3A_612] : memref<125x128xf32, #tpu.memory_space<vmem>> -> memref<64x128xf32, #tpu.memory_space<vmem>>
          %dma_start3A_614 = arith.constant 0 : i32
          %dma_start3A_615 = tpu.memref_slice %arg9[%add3A_600, %dma_start3A_614] : memref<32x125xi32, #tpu.memory_space<vmem>> -> memref<1x125xi32, #tpu.memory_space<vmem>>
          %dma_start3A_616 = tpu.memref_squeeze %dma_start3A_615 : memref<1x125xi32, #tpu.memory_space<vmem>> -> memref<125xi32, #tpu.memory_space<vmem>>
          %dma_start3A_617 = arith.constant 0 : i32
          %dma_start3A_618 = tpu.memref_slice %dma_start3A_616[%dma_start3A_617] : memref<125xi32, #tpu.memory_space<vmem>> -> memref<64xi32, #tpu.memory_space<vmem>>
          %dma_start3A_619 = arith.constant 0 : i32
          %dma_start3A_620 = arith.constant 0 : i32
          %dma_start3A_621 = tpu.memref_slice %arg3[%dma_start3A_619, %dma_start3A_620] : memref<10240x128xf32, #tpu.memory_space<hbm>> -> memref<10240x128xf32, #tpu.memory_space<hbm>>
          tpu.enqueue_indirect_dma source(%dma_start3A_621 : memref<10240x128xf32, #tpu.memory_space<hbm>>) target(%dma_start3A_613 : memref<64x128xf32, #tpu.memory_space<vmem>>) offsets(%dma_start3A_618 : memref<64xi32, #tpu.memory_space<vmem>>) semaphore(%arg13 : memref<!tpu.dma_semaphore, #tpu.memory_space<semaphore_mem>>)
          %dma_start3A_622 = arith.constant 64 : i32
          %dma_start3A_623 = arith.constant 0 : i32
          %dma_start3A_624 = tpu.memref_slice %arg11[%dma_start3A_622, %dma_start3A_623] : memref<125x128xf32, #tpu.memory_space<vmem>> -> memref<61x128xf32, #tpu.memory_space<vmem>>
          %dma_start3A_625 = arith.constant 0 : i32
          %dma_start3A_626 = tpu.memref_slice %arg9[%add3A_600, %dma_start3A_625] : memref<32x125xi32, #tpu.memory_space<vmem>> -> memref<1x125xi32, #tpu.memory_space<vmem>>
          %dma_start3A_627 = tpu.memref_squeeze %dma_start3A_626 : memref<1x125xi32, #tpu.memory_space<vmem>> -> memref<125xi32, #tpu.memory_space<vmem>>
          %dma_start3A_628 = arith.constant 64 : i32
          %dma_start3A_629 = tpu.memref_slice %dma_start3A_627[%dma_start3A_628] : memref<125xi32, #tpu.memory_space<vmem>> -> memref<61xi32, #tpu.memory_space<vmem>>
          %dma_start3A_630 = arith.constant 0 : i32
          %dma_start3A_631 = arith.constant 0 : i32
          %dma_start3A_632 = tpu.memref_slice %arg3[%dma_start3A_630, %dma_start3A_631] : memref<10240x128xf32, #tpu.memory_space<hbm>> -> memref<10240x128xf32, #tpu.memory_space<hbm>>
          tpu.enqueue_indirect_dma source(%dma_start3A_632 : memref<10240x128xf32, #tpu.memory_space<hbm>>) target(%dma_start3A_624 : memref<61x128xf32, #tpu.memory_space<vmem>>) offsets(%dma_start3A_629 : memref<61xi32, #tpu.memory_space<vmem>>) semaphore(%arg13 : memref<!tpu.dma_semaphore, #tpu.memory_space<semaphore_mem>>)
        } else {
        }
      } else {
      }
    }
    %scan3A_66 = arith.constant 80 : i32
    %dma_wait3A_67 = arith.constant 31 : i32
    %dma_wait3A_68 = arith.constant 0 : i32
    %dma_wait3A_69 = tpu.memref_slice %arg10[%dma_wait3A_67, %dma_wait3A_68] : memref<32x125xi32, #tpu.memory_space<vmem>> -> memref<1x125xi32, #tpu.memory_space<vmem>>
    %dma_wait3A_70 = tpu.memref_squeeze %dma_wait3A_69 : memref<1x125xi32, #tpu.memory_space<vmem>> -> memref<125xi32, #tpu.memory_space<vmem>>
    %dma_wait3A_71 = arith.constant 0 : i32
    %dma_wait3A_72 = arith.constant 0 : i32
    %dma_wait3A_73 = tpu.memref_slice %arg8[%dma_wait3A_71, %dma_wait3A_72] : memref<10240x128xf32, #tpu.memory_space<vmem_shared>> -> memref<10240x128xf32, #tpu.memory_space<vmem_shared>>
    tpu.wait_indirect_dma semaphore(%arg16 : memref<!tpu.dma_semaphore, #tpu.memory_space<semaphore_mem>>) src(%arg12 : memref<125x128xf32, #tpu.memory_space<vmem>>) dst(%dma_wait3A_73 : memref<10240x128xf32, #tpu.memory_space<vmem_shared>>)
    %barrier3A_74 = arith.constant 0 : index
    tpu.barrier barrier_id(%barrier3A_74)
    %eq3A_75 = arith.constant 0 : i32
    %eq3A_76 = arith.cmpi eq, %arg0, %eq3A_75 : i32
    %convert_element_type3A_77 = arith.extui %eq3A_76 : i1 to i32
    %cond3A_78 = arith.constant 0 : i32
    %cond3A_79 = arith.cmpi ne, %convert_element_type3A_77, %cond3A_78 : i32
    scf.if %cond3A_79 {
      "tpu.region"() ({
        %run_scoped3A = tpu.sem_alloc : memref<!tpu.dma_semaphore, #tpu.memory_space<semaphore_mem>>
        %dma_start3A_85 = arith.constant 0 : i32
        %dma_start3A_86 = tpu.memref_slice %arg6[%multiple_of3A, %dma_start3A_85] : memref<10240x128xf32, #tpu.memory_space<hbm>> -> memref<640x128xf32, #tpu.memory_space<hbm>>
        %dma_start3A_87 = arith.constant 0 : i32
        %dma_start3A_88 = tpu.memref_slice %arg8[%multiple_of3A, %dma_start3A_87] : memref<10240x128xf32, #tpu.memory_space<vmem_shared>> -> memref<640x128xf32, #tpu.memory_space<vmem_shared>>
        tpu.enqueue_dma source(%dma_start3A_88 : memref<640x128xf32, #tpu.memory_space<vmem_shared>>) target(%dma_start3A_86 : memref<640x128xf32, #tpu.memory_space<hbm>>) target_semaphore(%run_scoped3A : memref<!tpu.dma_semaphore, #tpu.memory_space<semaphore_mem>>)
        %dma_wait3A_89 = arith.constant 0 : i32
        %dma_wait3A_90 = tpu.memref_slice %arg6[%multiple_of3A, %dma_wait3A_89] : memref<10240x128xf32, #tpu.memory_space<hbm>> -> memref<640x128xf32, #tpu.memory_space<hbm>>
        %dma_wait3A_91 = arith.constant 0 : i32
        %dma_wait3A_92 = tpu.memref_slice %arg8[%multiple_of3A, %dma_wait3A_91] : memref<10240x128xf32, #tpu.memory_space<vmem_shared>> -> memref<640x128xf32, #tpu.memory_space<vmem_shared>>
        tpu.wait_dma2 semaphore(%run_scoped3A : memref<!tpu.dma_semaphore, #tpu.memory_space<semaphore_mem>>) src(%dma_wait3A_92 : memref<640x128xf32, #tpu.memory_space<vmem_shared>>) dst(%dma_wait3A_90 : memref<640x128xf32, #tpu.memory_space<hbm>>)
        tpu.yield
      }) : () -> ()
    } else {
    }
    %eq3A_80 = arith.constant 1 : i32
    %eq3A_81 = arith.cmpi eq, %arg0, %eq3A_80 : i32
    %convert_element_type3A_82 = arith.extui %eq3A_81 : i1 to i32
    %cond3A_83 = arith.constant 0 : i32
    %cond3A_84 = arith.cmpi ne, %convert_element_type3A_82, %cond3A_83 : i32
    scf.if %cond3A_84 {
      "tpu.region"() ({
        %run_scoped3A = tpu.sem_alloc : memref<!tpu.dma_semaphore, #tpu.memory_space<semaphore_mem>>
        %dma_start3A_85 = arith.constant 0 : i32
        %dma_start3A_86 = tpu.memref_slice %arg7[%multiple_of3A, %dma_start3A_85] : memref<10240x128xf32, #tpu.memory_space<hbm>> -> memref<640x128xf32, #tpu.memory_space<hbm>>
        %dma_start3A_87 = arith.constant 0 : i32
        %dma_start3A_88 = tpu.memref_slice %arg8[%multiple_of3A, %dma_start3A_87] : memref<10240x128xf32, #tpu.memory_space<vmem_shared>> -> memref<640x128xf32, #tpu.memory_space<vmem_shared>>
        tpu.enqueue_dma source(%dma_start3A_88 : memref<640x128xf32, #tpu.memory_space<vmem_shared>>) target(%dma_start3A_86 : memref<640x128xf32, #tpu.memory_space<hbm>>) target_semaphore(%run_scoped3A : memref<!tpu.dma_semaphore, #tpu.memory_space<semaphore_mem>>)
        %dma_wait3A_89 = arith.constant 0 : i32
        %dma_wait3A_90 = tpu.memref_slice %arg7[%multiple_of3A, %dma_wait3A_89] : memref<10240x128xf32, #tpu.memory_space<hbm>> -> memref<640x128xf32, #tpu.memory_space<hbm>>
        %dma_wait3A_91 = arith.constant 0 : i32
        %dma_wait3A_92 = tpu.memref_slice %arg8[%multiple_of3A, %dma_wait3A_91] : memref<10240x128xf32, #tpu.memory_space<vmem_shared>> -> memref<640x128xf32, #tpu.memory_space<vmem_shared>>
        tpu.wait_dma2 semaphore(%run_scoped3A : memref<!tpu.dma_semaphore, #tpu.memory_space<semaphore_mem>>) src(%dma_wait3A_92 : memref<640x128xf32, #tpu.memory_space<vmem_shared>>) dst(%dma_wait3A_90 : memref<640x128xf32, #tpu.memory_space<hbm>>)
        tpu.yield
      }) : () -> ()
    } else {
    }
    return
  }
}

#map = affine_map<(d0, d1) -> (0, 0)>
module attributes {stable_mosaic.version = 14 : i64} {
  func.func @prop_kernel(%arg0: i32, %arg1: i32, %arg2: memref<10240x128xf32, #tpu.memory_space<hbm>>, %arg3: memref<10240x128xf32, #tpu.memory_space<hbm>>, %arg4: memref<2560x125xi32, #tpu.memory_space<hbm>>, %arg5: memref<2560x125xi32, #tpu.memory_space<hbm>>, %arg6: memref<10240x128xf32, #tpu.memory_space<hbm>>, %arg7: memref<10240x128xf32, #tpu.memory_space<hbm>>, %arg8: memref<10240x128xf32, #tpu.memory_space<vmem_shared>>, %arg9: memref<32x125xi32, #tpu.memory_space<vmem>>, %arg10: memref<32x125xi32, #tpu.memory_space<vmem>>, %arg11: memref<125x128xf32, #tpu.memory_space<vmem>>, %arg12: memref<125x128xf32, #tpu.memory_space<vmem>>, %arg13: memref<!tpu.dma_semaphore, #tpu.memory_space<semaphore_mem>>, %arg14: memref<!tpu.dma_semaphore, #tpu.memory_space<semaphore_mem>>, %arg15: memref<!tpu.dma_semaphore, #tpu.memory_space<semaphore_mem>>, %arg16: memref<!tpu.dma_semaphore, #tpu.memory_space<semaphore_mem>>, %arg17: memref<!tpu.dma_semaphore, #tpu.memory_space<semaphore_mem>>) attributes {dimension_semantics = [#tpu.dimension_semantics<core_parallel>, #tpu.dimension_semantics<subcore_parallel>], iteration_bounds = array<i64: 2, 16>, scalar_prefetch = 0 : i64, scratch_operands = 10 : i64, tpu.core_type = #tpu.core_type<sc_vector_subcore>, window_params = [{transform_indices = #map}, {transform_indices = #map}, {transform_indices = #map}, {transform_indices = #map}, {transform_indices = #map}, {transform_indices = #map}]} {
    %mul3A = arith.constant 640 : i32
    %mul3A_0 = arith.muli %arg1, %mul3A : i32
    %multiple_of3A = tpu.assume_multiple %mul3A_0, 8 : i32
    %mul3A_1 = arith.constant 160 : i32
    %mul3A_2 = arith.muli %arg1, %mul3A_1 : i32
    %eq3A = arith.constant 0 : i32
    %eq3A_3 = arith.cmpi eq, %arg0, %eq3A : i32
    %convert_element_type3A = arith.extui %eq3A_3 : i1 to i32
    %cond3A = arith.constant 0 : i32
    %cond3A_4 = arith.cmpi ne, %convert_element_type3A, %cond3A : i32
    scf.if %cond3A_4 {
      "tpu.region"() ({
        %run_scoped3A = tpu.sem_alloc : memref<!tpu.dma_semaphore, #tpu.memory_space<semaphore_mem>>
        %dma_start3A_85 = arith.constant 0 : i32
        %dma_start3A_86 = tpu.memref_slice %arg8[%multiple_of3A, %dma_start3A_85] : memref<10240x128xf32, #tpu.memory_space<vmem_shared>> -> memref<640x128xf32, #tpu.memory_space<vmem_shared>>
        %dma_start3A_87 = arith.constant 0 : i32
        %dma_start3A_88 = tpu.memref_slice %arg2[%multiple_of3A, %dma_start3A_87] : memref<10240x128xf32, #tpu.memory_space<hbm>> -> memref<640x128xf32, #tpu.memory_space<hbm>>
        tpu.enqueue_dma source(%dma_start3A_88 : memref<640x128xf32, #tpu.memory_space<hbm>>) target(%dma_start3A_86 : memref<640x128xf32, #tpu.memory_space<vmem_shared>>) target_semaphore(%run_scoped3A : memref<!tpu.dma_semaphore, #tpu.memory_space<semaphore_mem>>)
        %dma_wait3A_89 = arith.constant 0 : i32
        %dma_wait3A_90 = tpu.memref_slice %arg8[%multiple_of3A, %dma_wait3A_89] : memref<10240x128xf32, #tpu.memory_space<vmem_shared>> -> memref<640x128xf32, #tpu.memory_space<vmem_shared>>
        %dma_wait3A_91 = arith.constant 0 : i32
        %dma_wait3A_92 = tpu.memref_slice %arg2[%multiple_of3A, %dma_wait3A_91] : memref<10240x128xf32, #tpu.memory_space<hbm>> -> memref<640x128xf32, #tpu.memory_space<hbm>>
        tpu.wait_dma2 semaphore(%run_scoped3A : memref<!tpu.dma_semaphore, #tpu.memory_space<semaphore_mem>>) src(%dma_wait3A_92 : memref<640x128xf32, #tpu.memory_space<hbm>>) dst(%dma_wait3A_90 : memref<640x128xf32, #tpu.memory_space<vmem_shared>>)
        tpu.yield
      }) : () -> ()
    } else {
    }
    %eq3A_5 = arith.constant 1 : i32
    %eq3A_6 = arith.cmpi eq, %arg0, %eq3A_5 : i32
    %convert_element_type3A_7 = arith.extui %eq3A_6 : i1 to i32
    %cond3A_8 = arith.constant 0 : i32
    %cond3A_9 = arith.cmpi ne, %convert_element_type3A_7, %cond3A_8 : i32
    scf.if %cond3A_9 {
      "tpu.region"() ({
        %run_scoped3A = tpu.sem_alloc : memref<!tpu.dma_semaphore, #tpu.memory_space<semaphore_mem>>
        %dma_start3A_85 = arith.constant 0 : i32
        %dma_start3A_86 = tpu.memref_slice %arg8[%multiple_of3A, %dma_start3A_85] : memref<10240x128xf32, #tpu.memory_space<vmem_shared>> -> memref<640x128xf32, #tpu.memory_space<vmem_shared>>
        %dma_start3A_87 = arith.constant 0 : i32
        %dma_start3A_88 = tpu.memref_slice %arg3[%multiple_of3A, %dma_start3A_87] : memref<10240x128xf32, #tpu.memory_space<hbm>> -> memref<640x128xf32, #tpu.memory_space<hbm>>
        tpu.enqueue_dma source(%dma_start3A_88 : memref<640x128xf32, #tpu.memory_space<hbm>>) target(%dma_start3A_86 : memref<640x128xf32, #tpu.memory_space<vmem_shared>>) target_semaphore(%run_scoped3A : memref<!tpu.dma_semaphore, #tpu.memory_space<semaphore_mem>>)
        %dma_wait3A_89 = arith.constant 0 : i32
        %dma_wait3A_90 = tpu.memref_slice %arg8[%multiple_of3A, %dma_wait3A_89] : memref<10240x128xf32, #tpu.memory_space<vmem_shared>> -> memref<640x128xf32, #tpu.memory_space<vmem_shared>>
        %dma_wait3A_91 = arith.constant 0 : i32
        %dma_wait3A_92 = tpu.memref_slice %arg3[%multiple_of3A, %dma_wait3A_91] : memref<10240x128xf32, #tpu.memory_space<hbm>> -> memref<640x128xf32, #tpu.memory_space<hbm>>
        tpu.wait_dma2 semaphore(%run_scoped3A : memref<!tpu.dma_semaphore, #tpu.memory_space<semaphore_mem>>) src(%dma_wait3A_92 : memref<640x128xf32, #tpu.memory_space<hbm>>) dst(%dma_wait3A_90 : memref<640x128xf32, #tpu.memory_space<vmem_shared>>)
        tpu.yield
      }) : () -> ()
    } else {
    }
    %barrier3A = arith.constant 0 : index
    tpu.barrier barrier_id(%barrier3A)
    %add3A = arith.constant 0 : i32
    %add3A_10 = arith.addi %mul3A_2, %add3A : i32
    %multiple_of3A_11 = tpu.assume_multiple %add3A_10, 8 : i32
    %dma_start3A = arith.constant 0 : i32
    %dma_start3A_12 = arith.constant 0 : i32
    %dma_start3A_13 = tpu.memref_slice %arg9[%dma_start3A, %dma_start3A_12] : memref<32x125xi32, #tpu.memory_space<vmem>> -> memref<16x125xi32, #tpu.memory_space<vmem>>
    %dma_start3A_14 = arith.constant 0 : i32
    %dma_start3A_15 = tpu.memref_slice %arg4[%multiple_of3A_11, %dma_start3A_14] : memref<2560x125xi32, #tpu.memory_space<hbm>> -> memref<16x125xi32, #tpu.memory_space<hbm>>
    %dma_start3A_16 = arith.constant 0 : i32
    %dma_start3A_17 = arith.constant 0 : i32
    %dma_start3A_18 = tpu.memref_slice %arg9[%dma_start3A_16, %dma_start3A_17] : memref<32x125xi32, #tpu.memory_space<vmem>> -> memref<16x125xi32, #tpu.memory_space<vmem>>
    %dma_start3A_19 = arith.constant 0 : i32
    %dma_start3A_20 = tpu.memref_slice %arg4[%multiple_of3A_11, %dma_start3A_19] : memref<2560x125xi32, #tpu.memory_space<hbm>> -> memref<16x125xi32, #tpu.memory_space<hbm>>
    tpu.enqueue_dma source(%dma_start3A_20 : memref<16x125xi32, #tpu.memory_space<hbm>>) target(%dma_start3A_18 : memref<16x125xi32, #tpu.memory_space<vmem>>) target_semaphore(%arg17 : memref<!tpu.dma_semaphore, #tpu.memory_space<semaphore_mem>>)
    %dma_start3A_21 = arith.constant 0 : i32
    %dma_start3A_22 = arith.constant 0 : i32
    %dma_start3A_23 = tpu.memref_slice %arg10[%dma_start3A_21, %dma_start3A_22] : memref<32x125xi32, #tpu.memory_space<vmem>> -> memref<16x125xi32, #tpu.memory_space<vmem>>
    %dma_start3A_24 = arith.constant 0 : i32
    %dma_start3A_25 = tpu.memref_slice %arg5[%multiple_of3A_11, %dma_start3A_24] : memref<2560x125xi32, #tpu.memory_space<hbm>> -> memref<16x125xi32, #tpu.memory_space<hbm>>
    %dma_start3A_26 = arith.constant 0 : i32
    %dma_start3A_27 = arith.constant 0 : i32
    %dma_start3A_28 = tpu.memref_slice %arg10[%dma_start3A_26, %dma_start3A_27] : memref<32x125xi32, #tpu.memory_space<vmem>> -> memref<16x125xi32, #tpu.memory_space<vmem>>
    %dma_start3A_29 = arith.constant 0 : i32
    %dma_start3A_30 = tpu.memref_slice %arg5[%multiple_of3A_11, %dma_start3A_29] : memref<2560x125xi32, #tpu.memory_space<hbm>> -> memref<16x125xi32, #tpu.memory_space<hbm>>
    tpu.enqueue_dma source(%dma_start3A_30 : memref<16x125xi32, #tpu.memory_space<hbm>>) target(%dma_start3A_28 : memref<16x125xi32, #tpu.memory_space<vmem>>) target_semaphore(%arg17 : memref<!tpu.dma_semaphore, #tpu.memory_space<semaphore_mem>>)
    %dma_wait3A = arith.constant 0 : i32
    %dma_wait3A_31 = arith.constant 0 : i32
    %dma_wait3A_32 = tpu.memref_slice %arg9[%dma_wait3A, %dma_wait3A_31] : memref<32x125xi32, #tpu.memory_space<vmem>> -> memref<16x125xi32, #tpu.memory_space<vmem>>
    %dma_wait3A_33 = arith.constant 0 : i32
    %dma_wait3A_34 = tpu.memref_slice %arg4[%mul3A_2, %dma_wait3A_33] : memref<2560x125xi32, #tpu.memory_space<hbm>> -> memref<16x125xi32, #tpu.memory_space<hbm>>
    %dma_wait3A_35 = arith.constant 0 : i32
    %dma_wait3A_36 = arith.constant 0 : i32
    %dma_wait3A_37 = tpu.memref_slice %arg9[%dma_wait3A_35, %dma_wait3A_36] : memref<32x125xi32, #tpu.memory_space<vmem>> -> memref<16x125xi32, #tpu.memory_space<vmem>>
    %dma_wait3A_38 = arith.constant 0 : i32
    %dma_wait3A_39 = tpu.memref_slice %arg4[%mul3A_2, %dma_wait3A_38] : memref<2560x125xi32, #tpu.memory_space<hbm>> -> memref<16x125xi32, #tpu.memory_space<hbm>>
    tpu.wait_dma2 semaphore(%arg17 : memref<!tpu.dma_semaphore, #tpu.memory_space<semaphore_mem>>) src(%dma_wait3A_39 : memref<16x125xi32, #tpu.memory_space<hbm>>) dst(%dma_wait3A_37 : memref<16x125xi32, #tpu.memory_space<vmem>>)
    %dma_wait3A_40 = arith.constant 0 : i32
    %dma_wait3A_41 = arith.constant 0 : i32
    %dma_wait3A_42 = tpu.memref_slice %arg10[%dma_wait3A_40, %dma_wait3A_41] : memref<32x125xi32, #tpu.memory_space<vmem>> -> memref<16x125xi32, #tpu.memory_space<vmem>>
    %dma_wait3A_43 = arith.constant 0 : i32
    %dma_wait3A_44 = tpu.memref_slice %arg5[%mul3A_2, %dma_wait3A_43] : memref<2560x125xi32, #tpu.memory_space<hbm>> -> memref<16x125xi32, #tpu.memory_space<hbm>>
    %dma_wait3A_45 = arith.constant 0 : i32
    %dma_wait3A_46 = arith.constant 0 : i32
    %dma_wait3A_47 = tpu.memref_slice %arg10[%dma_wait3A_45, %dma_wait3A_46] : memref<32x125xi32, #tpu.memory_space<vmem>> -> memref<16x125xi32, #tpu.memory_space<vmem>>
    %dma_wait3A_48 = arith.constant 0 : i32
    %dma_wait3A_49 = tpu.memref_slice %arg5[%mul3A_2, %dma_wait3A_48] : memref<2560x125xi32, #tpu.memory_space<hbm>> -> memref<16x125xi32, #tpu.memory_space<hbm>>
    tpu.wait_dma2 semaphore(%arg17 : memref<!tpu.dma_semaphore, #tpu.memory_space<semaphore_mem>>) src(%dma_wait3A_49 : memref<16x125xi32, #tpu.memory_space<hbm>>) dst(%dma_wait3A_47 : memref<16x125xi32, #tpu.memory_space<vmem>>)
    %eq3A_50 = arith.constant 0 : i32
    %eq3A_51 = arith.cmpi eq, %arg0, %eq3A_50 : i32
    %convert_element_type3A_52 = arith.extui %eq3A_51 : i1 to i32
    %cond3A_53 = arith.constant 0 : i32
    %cond3A_54 = arith.constant 0 : i32
    %cond3A_55 = arith.cmpi ne, %convert_element_type3A_52, %cond3A_54 : i32
    scf.if %cond3A_55 {
      %dma_start3A_85 = arith.constant 0 : i32
      %dma_start3A_86 = arith.constant 0 : i32
      %dma_start3A_87 = tpu.memref_slice %arg11[%dma_start3A_85, %dma_start3A_86] : memref<125x128xf32, #tpu.memory_space<vmem>> -> memref<64x128xf32, #tpu.memory_space<vmem>>
      %dma_start3A_88 = arith.constant 0 : i32
      %dma_start3A_89 = tpu.memref_slice %arg9[%cond3A_53, %dma_start3A_88] : memref<32x125xi32, #tpu.memory_space<vmem>> -> memref<1x125xi32, #tpu.memory_space<vmem>>
      %dma_start3A_90 = tpu.memref_squeeze %dma_start3A_89 : memref<1x125xi32, #tpu.memory_space<vmem>> -> memref<125xi32, #tpu.memory_space<vmem>>
      %dma_start3A_91 = arith.constant 0 : i32
      %dma_start3A_92 = tpu.memref_slice %dma_start3A_90[%dma_start3A_91] : memref<125xi32, #tpu.memory_space<vmem>> -> memref<64xi32, #tpu.memory_space<vmem>>
      %dma_start3A_93 = arith.constant 0 : i32
      %dma_start3A_94 = arith.constant 0 : i32
      %dma_start3A_95 = tpu.memref_slice %arg2[%dma_start3A_93, %dma_start3A_94] : memref<10240x128xf32, #tpu.memory_space<hbm>> -> memref<10240x128xf32, #tpu.memory_space<hbm>>
      tpu.enqueue_indirect_dma source(%dma_start3A_95 : memref<10240x128xf32, #tpu.memory_space<hbm>>) target(%dma_start3A_87 : memref<64x128xf32, #tpu.memory_space<vmem>>) offsets(%dma_start3A_92 : memref<64xi32, #tpu.memory_space<vmem>>) semaphore(%arg13 : memref<!tpu.dma_semaphore, #tpu.memory_space<semaphore_mem>>)
      %dma_start3A_96 = arith.constant 64 : i32
      %dma_start3A_97 = arith.constant 0 : i32
      %dma_start3A_98 = tpu.memref_slice %arg11[%dma_start3A_96, %dma_start3A_97] : memref<125x128xf32, #tpu.memory_space<vmem>> -> memref<61x128xf32, #tpu.memory_space<vmem>>
      %dma_start3A_99 = arith.constant 0 : i32
      %dma_start3A_100 = tpu.memref_slice %arg9[%cond3A_53, %dma_start3A_99] : memref<32x125xi32, #tpu.memory_space<vmem>> -> memref<1x125xi32, #tpu.memory_space<vmem>>
      %dma_start3A_101 = tpu.memref_squeeze %dma_start3A_100 : memref<1x125xi32, #tpu.memory_space<vmem>> -> memref<125xi32, #tpu.memory_space<vmem>>
      %dma_start3A_102 = arith.constant 64 : i32
      %dma_start3A_103 = tpu.memref_slice %dma_start3A_101[%dma_start3A_102] : memref<125xi32, #tpu.memory_space<vmem>> -> memref<61xi32, #tpu.memory_space<vmem>>
      %dma_start3A_104 = arith.constant 0 : i32
      %dma_start3A_105 = arith.constant 0 : i32
      %dma_start3A_106 = tpu.memref_slice %arg2[%dma_start3A_104, %dma_start3A_105] : memref<10240x128xf32, #tpu.memory_space<hbm>> -> memref<10240x128xf32, #tpu.memory_space<hbm>>
      tpu.enqueue_indirect_dma source(%dma_start3A_106 : memref<10240x128xf32, #tpu.memory_space<hbm>>) target(%dma_start3A_98 : memref<61x128xf32, #tpu.memory_space<vmem>>) offsets(%dma_start3A_103 : memref<61xi32, #tpu.memory_space<vmem>>) semaphore(%arg13 : memref<!tpu.dma_semaphore, #tpu.memory_space<semaphore_mem>>)
    } else {
    }
    %eq3A_56 = arith.constant 1 : i32
    %eq3A_57 = arith.cmpi eq, %arg0, %eq3A_56 : i32
    %convert_element_type3A_58 = arith.extui %eq3A_57 : i1 to i32
    %cond3A_59 = arith.constant 0 : i32
    %cond3A_60 = arith.constant 0 : i32
    %cond3A_61 = arith.cmpi ne, %convert_element_type3A_58, %cond3A_60 : i32
    scf.if %cond3A_61 {
      %dma_start3A_85 = arith.constant 0 : i32
      %dma_start3A_86 = arith.constant 0 : i32
      %dma_start3A_87 = tpu.memref_slice %arg11[%dma_start3A_85, %dma_start3A_86] : memref<125x128xf32, #tpu.memory_space<vmem>> -> memref<64x128xf32, #tpu.memory_space<vmem>>
      %dma_start3A_88 = arith.constant 0 : i32
      %dma_start3A_89 = tpu.memref_slice %arg9[%cond3A_59, %dma_start3A_88] : memref<32x125xi32, #tpu.memory_space<vmem>> -> memref<1x125xi32, #tpu.memory_space<vmem>>
      %dma_start3A_90 = tpu.memref_squeeze %dma_start3A_89 : memref<1x125xi32, #tpu.memory_space<vmem>> -> memref<125xi32, #tpu.memory_space<vmem>>
      %dma_start3A_91 = arith.constant 0 : i32
      %dma_start3A_92 = tpu.memref_slice %dma_start3A_90[%dma_start3A_91] : memref<125xi32, #tpu.memory_space<vmem>> -> memref<64xi32, #tpu.memory_space<vmem>>
      %dma_start3A_93 = arith.constant 0 : i32
      %dma_start3A_94 = arith.constant 0 : i32
      %dma_start3A_95 = tpu.memref_slice %arg3[%dma_start3A_93, %dma_start3A_94] : memref<10240x128xf32, #tpu.memory_space<hbm>> -> memref<10240x128xf32, #tpu.memory_space<hbm>>
      tpu.enqueue_indirect_dma source(%dma_start3A_95 : memref<10240x128xf32, #tpu.memory_space<hbm>>) target(%dma_start3A_87 : memref<64x128xf32, #tpu.memory_space<vmem>>) offsets(%dma_start3A_92 : memref<64xi32, #tpu.memory_space<vmem>>) semaphore(%arg13 : memref<!tpu.dma_semaphore, #tpu.memory_space<semaphore_mem>>)
      %dma_start3A_96 = arith.constant 64 : i32
      %dma_start3A_97 = arith.constant 0 : i32
      %dma_start3A_98 = tpu.memref_slice %arg11[%dma_start3A_96, %dma_start3A_97] : memref<125x128xf32, #tpu.memory_space<vmem>> -> memref<61x128xf32, #tpu.memory_space<vmem>>
      %dma_start3A_99 = arith.constant 0 : i32
      %dma_start3A_100 = tpu.memref_slice %arg9[%cond3A_59, %dma_start3A_99] : memref<32x125xi32, #tpu.memory_space<vmem>> -> memref<1x125xi32, #tpu.memory_space<vmem>>
      %dma_start3A_101 = tpu.memref_squeeze %dma_start3A_100 : memref<1x125xi32, #tpu.memory_space<vmem>> -> memref<125xi32, #tpu.memory_space<vmem>>
      %dma_start3A_102 = arith.constant 64 : i32
      %dma_start3A_103 = tpu.memref_slice %dma_start3A_101[%dma_start3A_102] : memref<125xi32, #tpu.memory_space<vmem>> -> memref<61xi32, #tpu.memory_space<vmem>>
      %dma_start3A_104 = arith.constant 0 : i32
      %dma_start3A_105 = arith.constant 0 : i32
      %dma_start3A_106 = tpu.memref_slice %arg3[%dma_start3A_104, %dma_start3A_105] : memref<10240x128xf32, #tpu.memory_space<hbm>> -> memref<10240x128xf32, #tpu.memory_space<hbm>>
      tpu.enqueue_indirect_dma source(%dma_start3A_106 : memref<10240x128xf32, #tpu.memory_space<hbm>>) target(%dma_start3A_98 : memref<61x128xf32, #tpu.memory_space<vmem>>) offsets(%dma_start3A_103 : memref<61xi32, #tpu.memory_space<vmem>>) semaphore(%arg13 : memref<!tpu.dma_semaphore, #tpu.memory_space<semaphore_mem>>)
    } else {
    }
    %scan3A = arith.constant 0 : i32
    %scan3A_62 = arith.constant 0 : i32
    %scan3A_63 = arith.constant 80 : i32
    %scan3A_64 = arith.addi %scan3A_62, %scan3A_63 : i32
    %scan3A_65 = arith.constant 1 : i32
    scf.for %scan3A_85 = %scan3A_62 to %scan3A_64 step %scan3A_65  : i32 {
      %mul3A_86 = arith.constant 2 : i32
      %mul3A_87 = arith.muli %mul3A_86, %scan3A_85 : i32
      %add3A_88 = arith.constant 0 : i32
      %add3A_89 = arith.addi %mul3A_87, %add3A_88 : i32
      %jit3A = arith.constant 16 : i32
      %eq3A_90 = arith.constant 0 : i32
      %eq3A_91 = arith.cmpi eq, %jit3A, %eq3A_90 : i32
      %jit3A_92 = arith.constant 1 : i32
      %select_n3A = arith.select %eq3A_91, %jit3A_92, %jit3A : i32
      %rem3A = arith.remsi %add3A_89, %select_n3A : i32
      %ne3A = arith.constant 0 : i32
      %ne3A_93 = arith.cmpi ne, %rem3A, %ne3A : i32
      %lt3A = arith.constant 0 : i32
      %lt3A_94 = arith.cmpi slt, %rem3A, %lt3A : i32
      %lt3A_95 = arith.constant 0 : i32
      %lt3A_96 = arith.cmpi slt, %select_n3A, %lt3A_95 : i32
      %ne3A_97 = arith.xori %lt3A_94, %lt3A_96 : i1
      %and3A = arith.andi %ne3A_97, %ne3A_93 : i1
      %add3A_98 = arith.addi %rem3A, %select_n3A : i32
      %select_n3A_99 = arith.select %and3A, %add3A_98, %rem3A : i32
      %eq3A_100 = arith.constant 0 : i32
      %eq3A_101 = arith.cmpi eq, %select_n3A_99, %eq3A_100 : i32
      %jit3A_102 = arith.constant 16 : i32
      %div3A = arith.divsi %add3A_89, %jit3A_102 : i32
      %sign3A = arith.constant 0 : i32
      %sign3A_103 = arith.cmpi sgt, %add3A_89, %sign3A : i32
      %sign3A_104 = arith.extui %sign3A_103 : i1 to i32
      %sign3A_105 = arith.constant 0 : i32
      %sign3A_106 = arith.cmpi slt, %add3A_89, %sign3A_105 : i32
      %sign3A_107 = arith.extui %sign3A_106 : i1 to i32
      %sign3A_108 = arith.subi %sign3A_104, %sign3A_107 : i32
      %sign3A_109 = arith.constant 0 : i32
      %sign3A_110 = arith.cmpi sgt, %jit3A_102, %sign3A_109 : i32
      %sign3A_111 = arith.extui %sign3A_110 : i1 to i32
      %sign3A_112 = arith.constant 0 : i32
      %sign3A_113 = arith.cmpi slt, %jit3A_102, %sign3A_112 : i32
      %sign3A_114 = arith.extui %sign3A_113 : i1 to i32
      %sign3A_115 = arith.subi %sign3A_111, %sign3A_114 : i32
      %ne3A_116 = arith.cmpi ne, %sign3A_108, %sign3A_115 : i32
      %rem3A_117 = arith.remsi %add3A_89, %jit3A_102 : i32
      %ne3A_118 = arith.constant 0 : i32
      %ne3A_119 = arith.cmpi ne, %rem3A_117, %ne3A_118 : i32
      %and3A_120 = arith.andi %ne3A_116, %ne3A_119 : i1
      %sub3A = arith.constant 1 : i32
      %sub3A_121 = arith.subi %div3A, %sub3A : i32
      %select_n3A_122 = arith.select %and3A_120, %sub3A_121, %div3A : i32
      %ge3A = arith.constant 1 : i32
      %ge3A_123 = arith.cmpi sge, %add3A_89, %ge3A : i32
      %and3A_124 = arith.andi %ge3A_123, %eq3A_101 : i1
      %convert_element_type3A_125 = arith.extui %and3A_124 : i1 to i32
      %cond3A_126 = arith.constant 0 : i32
      %cond3A_127 = arith.cmpi ne, %convert_element_type3A_125, %cond3A_126 : i32
      scf.if %cond3A_127 {
        %sub3A_517 = arith.constant 1 : i32
        %sub3A_518 = arith.subi %add3A_89, %sub3A_517 : i32
        %jit3A_519 = arith.constant 16 : i32
        %div3A_520 = arith.divsi %sub3A_518, %jit3A_519 : i32
        %sign3A_521 = arith.constant 0 : i32
        %sign3A_522 = arith.cmpi sgt, %sub3A_518, %sign3A_521 : i32
        %sign3A_523 = arith.extui %sign3A_522 : i1 to i32
        %sign3A_524 = arith.constant 0 : i32
        %sign3A_525 = arith.cmpi slt, %sub3A_518, %sign3A_524 : i32
        %sign3A_526 = arith.extui %sign3A_525 : i1 to i32
        %sign3A_527 = arith.subi %sign3A_523, %sign3A_526 : i32
        %sign3A_528 = arith.constant 0 : i32
        %sign3A_529 = arith.cmpi sgt, %jit3A_519, %sign3A_528 : i32
        %sign3A_530 = arith.extui %sign3A_529 : i1 to i32
        %sign3A_531 = arith.constant 0 : i32
        %sign3A_532 = arith.cmpi slt, %jit3A_519, %sign3A_531 : i32
        %sign3A_533 = arith.extui %sign3A_532 : i1 to i32
        %sign3A_534 = arith.subi %sign3A_530, %sign3A_533 : i32
        %ne3A_535 = arith.cmpi ne, %sign3A_527, %sign3A_534 : i32
        %rem3A_536 = arith.remsi %sub3A_518, %jit3A_519 : i32
        %ne3A_537 = arith.constant 0 : i32
        %ne3A_538 = arith.cmpi ne, %rem3A_536, %ne3A_537 : i32
        %and3A_539 = arith.andi %ne3A_535, %ne3A_538 : i1
        %sub3A_540 = arith.constant 1 : i32
        %sub3A_541 = arith.subi %div3A_520, %sub3A_540 : i32
        %select_n3A_542 = arith.select %and3A_539, %sub3A_541, %div3A_520 : i32
        %jit3A_543 = arith.constant 2 : i32
        %eq3A_544 = arith.constant 0 : i32
        %eq3A_545 = arith.cmpi eq, %jit3A_543, %eq3A_544 : i32
        %jit3A_546 = arith.constant 1 : i32
        %select_n3A_547 = arith.select %eq3A_545, %jit3A_546, %jit3A_543 : i32
        %rem3A_548 = arith.remsi %select_n3A_542, %select_n3A_547 : i32
        %ne3A_549 = arith.constant 0 : i32
        %ne3A_550 = arith.cmpi ne, %rem3A_548, %ne3A_549 : i32
        %lt3A_551 = arith.constant 0 : i32
        %lt3A_552 = arith.cmpi slt, %rem3A_548, %lt3A_551 : i32
        %lt3A_553 = arith.constant 0 : i32
        %lt3A_554 = arith.cmpi slt, %select_n3A_547, %lt3A_553 : i32
        %ne3A_555 = arith.xori %lt3A_552, %lt3A_554 : i1
        %and3A_556 = arith.andi %ne3A_555, %ne3A_550 : i1
        %add3A_557 = arith.addi %rem3A_548, %select_n3A_547 : i32
        %select_n3A_558 = arith.select %and3A_556, %add3A_557, %rem3A_548 : i32
        %mul3A_559 = arith.constant 16 : i32
        %mul3A_560 = arith.muli %select_n3A_558, %mul3A_559 : i32
        %jit3A_561 = arith.constant 16 : i32
        %eq3A_562 = arith.constant 0 : i32
        %eq3A_563 = arith.cmpi eq, %jit3A_561, %eq3A_562 : i32
        %jit3A_564 = arith.constant 1 : i32
        %select_n3A_565 = arith.select %eq3A_563, %jit3A_564, %jit3A_561 : i32
        %rem3A_566 = arith.remsi %sub3A_518, %select_n3A_565 : i32
        %ne3A_567 = arith.constant 0 : i32
        %ne3A_568 = arith.cmpi ne, %rem3A_566, %ne3A_567 : i32
        %lt3A_569 = arith.constant 0 : i32
        %lt3A_570 = arith.cmpi slt, %rem3A_566, %lt3A_569 : i32
        %lt3A_571 = arith.constant 0 : i32
        %lt3A_572 = arith.cmpi slt, %select_n3A_565, %lt3A_571 : i32
        %ne3A_573 = arith.xori %lt3A_570, %lt3A_572 : i1
        %and3A_574 = arith.andi %ne3A_573, %ne3A_568 : i1
        %add3A_575 = arith.addi %rem3A_566, %select_n3A_565 : i32
        %select_n3A_576 = arith.select %and3A_574, %add3A_575, %rem3A_566 : i32
        %add3A_577 = arith.addi %mul3A_560, %select_n3A_576 : i32
        %dma_wait3A_578 = arith.constant 0 : i32
        %dma_wait3A_579 = tpu.memref_slice %arg10[%add3A_577, %dma_wait3A_578] : memref<32x125xi32, #tpu.memory_space<vmem>> -> memref<1x125xi32, #tpu.memory_space<vmem>>
        %dma_wait3A_580 = tpu.memref_squeeze %dma_wait3A_579 : memref<1x125xi32, #tpu.memory_space<vmem>> -> memref<125xi32, #tpu.memory_space<vmem>>
        %dma_wait3A_581 = arith.constant 0 : i32
        %dma_wait3A_582 = arith.constant 0 : i32
        %dma_wait3A_583 = tpu.memref_slice %arg8[%dma_wait3A_581, %dma_wait3A_582] : memref<10240x128xf32, #tpu.memory_space<vmem_shared>> -> memref<10240x128xf32, #tpu.memory_space<vmem_shared>>
        tpu.wait_indirect_dma semaphore(%arg16 : memref<!tpu.dma_semaphore, #tpu.memory_space<semaphore_mem>>) src(%arg12 : memref<125x128xf32, #tpu.memory_space<vmem>>) dst(%dma_wait3A_583 : memref<10240x128xf32, #tpu.memory_space<vmem_shared>>)
      } else {
      }
      %add3A_128 = arith.constant 16 : i32
      %add3A_129 = arith.addi %add3A_89, %add3A_128 : i32
      %lt3A_130 = arith.constant 160 : i32
      %lt3A_131 = arith.cmpi slt, %add3A_129, %lt3A_130 : i32
      %and3A_132 = arith.andi %eq3A_101, %lt3A_131 : i1
      %convert_element_type3A_133 = arith.extui %and3A_132 : i1 to i32
      %cond3A_134 = arith.constant 0 : i32
      %cond3A_135 = arith.cmpi ne, %convert_element_type3A_133, %cond3A_134 : i32
      scf.if %cond3A_135 {
        %add3A_517 = arith.constant 1 : i32
        %add3A_518 = arith.addi %select_n3A_122, %add3A_517 : i32
        %mul3A_519 = arith.constant 16 : i32
        %mul3A_520 = arith.muli %add3A_518, %mul3A_519 : i32
        %add3A_521 = arith.addi %mul3A_2, %mul3A_520 : i32
        %multiple_of3A_522 = tpu.assume_multiple %add3A_521, 8 : i32
        %jit3A_523 = arith.constant 2 : i32
        %eq3A_524 = arith.constant 0 : i32
        %eq3A_525 = arith.cmpi eq, %jit3A_523, %eq3A_524 : i32
        %jit3A_526 = arith.constant 1 : i32
        %select_n3A_527 = arith.select %eq3A_525, %jit3A_526, %jit3A_523 : i32
        %rem3A_528 = arith.remsi %add3A_518, %select_n3A_527 : i32
        %ne3A_529 = arith.constant 0 : i32
        %ne3A_530 = arith.cmpi ne, %rem3A_528, %ne3A_529 : i32
        %lt3A_531 = arith.constant 0 : i32
        %lt3A_532 = arith.cmpi slt, %rem3A_528, %lt3A_531 : i32
        %lt3A_533 = arith.constant 0 : i32
        %lt3A_534 = arith.cmpi slt, %select_n3A_527, %lt3A_533 : i32
        %ne3A_535 = arith.xori %lt3A_532, %lt3A_534 : i1
        %and3A_536 = arith.andi %ne3A_535, %ne3A_530 : i1
        %add3A_537 = arith.addi %rem3A_528, %select_n3A_527 : i32
        %select_n3A_538 = arith.select %and3A_536, %add3A_537, %rem3A_528 : i32
        %mul3A_539 = arith.constant 16 : i32
        %mul3A_540 = arith.muli %select_n3A_538, %mul3A_539 : i32
        %dma_start3A_541 = arith.constant 0 : i32
        %dma_start3A_542 = tpu.memref_slice %arg9[%mul3A_540, %dma_start3A_541] : memref<32x125xi32, #tpu.memory_space<vmem>> -> memref<16x125xi32, #tpu.memory_space<vmem>>
        %dma_start3A_543 = arith.constant 0 : i32
        %dma_start3A_544 = tpu.memref_slice %arg4[%multiple_of3A_522, %dma_start3A_543] : memref<2560x125xi32, #tpu.memory_space<hbm>> -> memref<16x125xi32, #tpu.memory_space<hbm>>
        %dma_start3A_545 = arith.constant 0 : i32
        %dma_start3A_546 = tpu.memref_slice %arg9[%mul3A_540, %dma_start3A_545] : memref<32x125xi32, #tpu.memory_space<vmem>> -> memref<16x125xi32, #tpu.memory_space<vmem>>
        %dma_start3A_547 = arith.constant 0 : i32
        %dma_start3A_548 = tpu.memref_slice %arg4[%multiple_of3A_522, %dma_start3A_547] : memref<2560x125xi32, #tpu.memory_space<hbm>> -> memref<16x125xi32, #tpu.memory_space<hbm>>
        tpu.enqueue_dma source(%dma_start3A_548 : memref<16x125xi32, #tpu.memory_space<hbm>>) target(%dma_start3A_546 : memref<16x125xi32, #tpu.memory_space<vmem>>) target_semaphore(%arg17 : memref<!tpu.dma_semaphore, #tpu.memory_space<semaphore_mem>>)
        %dma_start3A_549 = arith.constant 0 : i32
        %dma_start3A_550 = tpu.memref_slice %arg10[%mul3A_540, %dma_start3A_549] : memref<32x125xi32, #tpu.memory_space<vmem>> -> memref<16x125xi32, #tpu.memory_space<vmem>>
        %dma_start3A_551 = arith.constant 0 : i32
        %dma_start3A_552 = tpu.memref_slice %arg5[%multiple_of3A_522, %dma_start3A_551] : memref<2560x125xi32, #tpu.memory_space<hbm>> -> memref<16x125xi32, #tpu.memory_space<hbm>>
        %dma_start3A_553 = arith.constant 0 : i32
        %dma_start3A_554 = tpu.memref_slice %arg10[%mul3A_540, %dma_start3A_553] : memref<32x125xi32, #tpu.memory_space<vmem>> -> memref<16x125xi32, #tpu.memory_space<vmem>>
        %dma_start3A_555 = arith.constant 0 : i32
        %dma_start3A_556 = tpu.memref_slice %arg5[%multiple_of3A_522, %dma_start3A_555] : memref<2560x125xi32, #tpu.memory_space<hbm>> -> memref<16x125xi32, #tpu.memory_space<hbm>>
        tpu.enqueue_dma source(%dma_start3A_556 : memref<16x125xi32, #tpu.memory_space<hbm>>) target(%dma_start3A_554 : memref<16x125xi32, #tpu.memory_space<vmem>>) target_semaphore(%arg17 : memref<!tpu.dma_semaphore, #tpu.memory_space<semaphore_mem>>)
      } else {
      }
      %jit3A_136 = arith.constant 16 : i32
      %div3A_137 = arith.divsi %add3A_89, %jit3A_136 : i32
      %sign3A_138 = arith.constant 0 : i32
      %sign3A_139 = arith.cmpi sgt, %add3A_89, %sign3A_138 : i32
      %sign3A_140 = arith.extui %sign3A_139 : i1 to i32
      %sign3A_141 = arith.constant 0 : i32
      %sign3A_142 = arith.cmpi slt, %add3A_89, %sign3A_141 : i32
      %sign3A_143 = arith.extui %sign3A_142 : i1 to i32
      %sign3A_144 = arith.subi %sign3A_140, %sign3A_143 : i32
      %sign3A_145 = arith.constant 0 : i32
      %sign3A_146 = arith.cmpi sgt, %jit3A_136, %sign3A_145 : i32
      %sign3A_147 = arith.extui %sign3A_146 : i1 to i32
      %sign3A_148 = arith.constant 0 : i32
      %sign3A_149 = arith.cmpi slt, %jit3A_136, %sign3A_148 : i32
      %sign3A_150 = arith.extui %sign3A_149 : i1 to i32
      %sign3A_151 = arith.subi %sign3A_147, %sign3A_150 : i32
      %ne3A_152 = arith.cmpi ne, %sign3A_144, %sign3A_151 : i32
      %rem3A_153 = arith.remsi %add3A_89, %jit3A_136 : i32
      %ne3A_154 = arith.constant 0 : i32
      %ne3A_155 = arith.cmpi ne, %rem3A_153, %ne3A_154 : i32
      %and3A_156 = arith.andi %ne3A_152, %ne3A_155 : i1
      %sub3A_157 = arith.constant 1 : i32
      %sub3A_158 = arith.subi %div3A_137, %sub3A_157 : i32
      %select_n3A_159 = arith.select %and3A_156, %sub3A_158, %div3A_137 : i32
      %jit3A_160 = arith.constant 2 : i32
      %eq3A_161 = arith.constant 0 : i32
      %eq3A_162 = arith.cmpi eq, %jit3A_160, %eq3A_161 : i32
      %jit3A_163 = arith.constant 1 : i32
      %select_n3A_164 = arith.select %eq3A_162, %jit3A_163, %jit3A_160 : i32
      %rem3A_165 = arith.remsi %select_n3A_159, %select_n3A_164 : i32
      %ne3A_166 = arith.constant 0 : i32
      %ne3A_167 = arith.cmpi ne, %rem3A_165, %ne3A_166 : i32
      %lt3A_168 = arith.constant 0 : i32
      %lt3A_169 = arith.cmpi slt, %rem3A_165, %lt3A_168 : i32
      %lt3A_170 = arith.constant 0 : i32
      %lt3A_171 = arith.cmpi slt, %select_n3A_164, %lt3A_170 : i32
      %ne3A_172 = arith.xori %lt3A_169, %lt3A_171 : i1
      %and3A_173 = arith.andi %ne3A_172, %ne3A_167 : i1
      %add3A_174 = arith.addi %rem3A_165, %select_n3A_164 : i32
      %select_n3A_175 = arith.select %and3A_173, %add3A_174, %rem3A_165 : i32
      %mul3A_176 = arith.constant 16 : i32
      %mul3A_177 = arith.muli %select_n3A_175, %mul3A_176 : i32
      %jit3A_178 = arith.constant 16 : i32
      %eq3A_179 = arith.constant 0 : i32
      %eq3A_180 = arith.cmpi eq, %jit3A_178, %eq3A_179 : i32
      %jit3A_181 = arith.constant 1 : i32
      %select_n3A_182 = arith.select %eq3A_180, %jit3A_181, %jit3A_178 : i32
      %rem3A_183 = arith.remsi %add3A_89, %select_n3A_182 : i32
      %ne3A_184 = arith.constant 0 : i32
      %ne3A_185 = arith.cmpi ne, %rem3A_183, %ne3A_184 : i32
      %lt3A_186 = arith.constant 0 : i32
      %lt3A_187 = arith.cmpi slt, %rem3A_183, %lt3A_186 : i32
      %lt3A_188 = arith.constant 0 : i32
      %lt3A_189 = arith.cmpi slt, %select_n3A_182, %lt3A_188 : i32
      %ne3A_190 = arith.xori %lt3A_187, %lt3A_189 : i1
      %and3A_191 = arith.andi %ne3A_190, %ne3A_185 : i1
      %add3A_192 = arith.addi %rem3A_183, %select_n3A_182 : i32
      %select_n3A_193 = arith.select %and3A_191, %add3A_192, %rem3A_183 : i32
      %add3A_194 = arith.addi %mul3A_177, %select_n3A_193 : i32
      %dma_wait3A_195 = arith.constant 0 : i32
      %dma_wait3A_196 = arith.constant 0 : i32
      %dma_wait3A_197 = tpu.memref_slice %arg11[%dma_wait3A_195, %dma_wait3A_196] : memref<125x128xf32, #tpu.memory_space<vmem>> -> memref<64x128xf32, #tpu.memory_space<vmem>>
      %dma_wait3A_198 = arith.constant 0 : i32
      %dma_wait3A_199 = tpu.memref_slice %arg9[%add3A_194, %dma_wait3A_198] : memref<32x125xi32, #tpu.memory_space<vmem>> -> memref<1x125xi32, #tpu.memory_space<vmem>>
      %dma_wait3A_200 = tpu.memref_squeeze %dma_wait3A_199 : memref<1x125xi32, #tpu.memory_space<vmem>> -> memref<125xi32, #tpu.memory_space<vmem>>
      %dma_wait3A_201 = arith.constant 0 : i32
      %dma_wait3A_202 = tpu.memref_slice %dma_wait3A_200[%dma_wait3A_201] : memref<125xi32, #tpu.memory_space<vmem>> -> memref<64xi32, #tpu.memory_space<vmem>>
      %dma_wait3A_203 = arith.constant 0 : i32
      %dma_wait3A_204 = arith.constant 0 : i32
      %dma_wait3A_205 = tpu.memref_slice %arg2[%dma_wait3A_203, %dma_wait3A_204] : memref<10240x128xf32, #tpu.memory_space<hbm>> -> memref<10240x128xf32, #tpu.memory_space<hbm>>
      tpu.wait_indirect_dma semaphore(%arg13 : memref<!tpu.dma_semaphore, #tpu.memory_space<semaphore_mem>>) src(%dma_wait3A_205 : memref<10240x128xf32, #tpu.memory_space<hbm>>) dst(%dma_wait3A_197 : memref<64x128xf32, #tpu.memory_space<vmem>>)
      %dma_wait3A_206 = arith.constant 64 : i32
      %dma_wait3A_207 = arith.constant 0 : i32
      %dma_wait3A_208 = tpu.memref_slice %arg11[%dma_wait3A_206, %dma_wait3A_207] : memref<125x128xf32, #tpu.memory_space<vmem>> -> memref<61x128xf32, #tpu.memory_space<vmem>>
      %dma_wait3A_209 = arith.constant 0 : i32
      %dma_wait3A_210 = tpu.memref_slice %arg9[%add3A_194, %dma_wait3A_209] : memref<32x125xi32, #tpu.memory_space<vmem>> -> memref<1x125xi32, #tpu.memory_space<vmem>>
      %dma_wait3A_211 = tpu.memref_squeeze %dma_wait3A_210 : memref<1x125xi32, #tpu.memory_space<vmem>> -> memref<125xi32, #tpu.memory_space<vmem>>
      %dma_wait3A_212 = arith.constant 64 : i32
      %dma_wait3A_213 = tpu.memref_slice %dma_wait3A_211[%dma_wait3A_212] : memref<125xi32, #tpu.memory_space<vmem>> -> memref<61xi32, #tpu.memory_space<vmem>>
      %dma_wait3A_214 = arith.constant 0 : i32
      %dma_wait3A_215 = arith.constant 0 : i32
      %dma_wait3A_216 = tpu.memref_slice %arg2[%dma_wait3A_214, %dma_wait3A_215] : memref<10240x128xf32, #tpu.memory_space<hbm>> -> memref<10240x128xf32, #tpu.memory_space<hbm>>
      tpu.wait_indirect_dma semaphore(%arg13 : memref<!tpu.dma_semaphore, #tpu.memory_space<semaphore_mem>>) src(%dma_wait3A_216 : memref<10240x128xf32, #tpu.memory_space<hbm>>) dst(%dma_wait3A_208 : memref<61x128xf32, #tpu.memory_space<vmem>>)
      %jit3A_217 = arith.constant 16 : i32
      %div3A_218 = arith.divsi %add3A_89, %jit3A_217 : i32
      %sign3A_219 = arith.constant 0 : i32
      %sign3A_220 = arith.cmpi sgt, %add3A_89, %sign3A_219 : i32
      %sign3A_221 = arith.extui %sign3A_220 : i1 to i32
      %sign3A_222 = arith.constant 0 : i32
      %sign3A_223 = arith.cmpi slt, %add3A_89, %sign3A_222 : i32
      %sign3A_224 = arith.extui %sign3A_223 : i1 to i32
      %sign3A_225 = arith.subi %sign3A_221, %sign3A_224 : i32
      %sign3A_226 = arith.constant 0 : i32
      %sign3A_227 = arith.cmpi sgt, %jit3A_217, %sign3A_226 : i32
      %sign3A_228 = arith.extui %sign3A_227 : i1 to i32
      %sign3A_229 = arith.constant 0 : i32
      %sign3A_230 = arith.cmpi slt, %jit3A_217, %sign3A_229 : i32
      %sign3A_231 = arith.extui %sign3A_230 : i1 to i32
      %sign3A_232 = arith.subi %sign3A_228, %sign3A_231 : i32
      %ne3A_233 = arith.cmpi ne, %sign3A_225, %sign3A_232 : i32
      %rem3A_234 = arith.remsi %add3A_89, %jit3A_217 : i32
      %ne3A_235 = arith.constant 0 : i32
      %ne3A_236 = arith.cmpi ne, %rem3A_234, %ne3A_235 : i32
      %and3A_237 = arith.andi %ne3A_233, %ne3A_236 : i1
      %sub3A_238 = arith.constant 1 : i32
      %sub3A_239 = arith.subi %div3A_218, %sub3A_238 : i32
      %select_n3A_240 = arith.select %and3A_237, %sub3A_239, %div3A_218 : i32
      %jit3A_241 = arith.constant 2 : i32
      %eq3A_242 = arith.constant 0 : i32
      %eq3A_243 = arith.cmpi eq, %jit3A_241, %eq3A_242 : i32
      %jit3A_244 = arith.constant 1 : i32
      %select_n3A_245 = arith.select %eq3A_243, %jit3A_244, %jit3A_241 : i32
      %rem3A_246 = arith.remsi %select_n3A_240, %select_n3A_245 : i32
      %ne3A_247 = arith.constant 0 : i32
      %ne3A_248 = arith.cmpi ne, %rem3A_246, %ne3A_247 : i32
      %lt3A_249 = arith.constant 0 : i32
      %lt3A_250 = arith.cmpi slt, %rem3A_246, %lt3A_249 : i32
      %lt3A_251 = arith.constant 0 : i32
      %lt3A_252 = arith.cmpi slt, %select_n3A_245, %lt3A_251 : i32
      %ne3A_253 = arith.xori %lt3A_250, %lt3A_252 : i1
      %and3A_254 = arith.andi %ne3A_253, %ne3A_248 : i1
      %add3A_255 = arith.addi %rem3A_246, %select_n3A_245 : i32
      %select_n3A_256 = arith.select %and3A_254, %add3A_255, %rem3A_246 : i32
      %mul3A_257 = arith.constant 16 : i32
      %mul3A_258 = arith.muli %select_n3A_256, %mul3A_257 : i32
      %jit3A_259 = arith.constant 16 : i32
      %eq3A_260 = arith.constant 0 : i32
      %eq3A_261 = arith.cmpi eq, %jit3A_259, %eq3A_260 : i32
      %jit3A_262 = arith.constant 1 : i32
      %select_n3A_263 = arith.select %eq3A_261, %jit3A_262, %jit3A_259 : i32
      %rem3A_264 = arith.remsi %add3A_89, %select_n3A_263 : i32
      %ne3A_265 = arith.constant 0 : i32
      %ne3A_266 = arith.cmpi ne, %rem3A_264, %ne3A_265 : i32
      %lt3A_267 = arith.constant 0 : i32
      %lt3A_268 = arith.cmpi slt, %rem3A_264, %lt3A_267 : i32
      %lt3A_269 = arith.constant 0 : i32
      %lt3A_270 = arith.cmpi slt, %select_n3A_263, %lt3A_269 : i32
      %ne3A_271 = arith.xori %lt3A_268, %lt3A_270 : i1
      %and3A_272 = arith.andi %ne3A_271, %ne3A_266 : i1
      %add3A_273 = arith.addi %rem3A_264, %select_n3A_263 : i32
      %select_n3A_274 = arith.select %and3A_272, %add3A_273, %rem3A_264 : i32
      %add3A_275 = arith.addi %mul3A_258, %select_n3A_274 : i32
      %dma_start3A_276 = arith.constant 0 : i32
      %dma_start3A_277 = tpu.memref_slice %arg10[%add3A_275, %dma_start3A_276] : memref<32x125xi32, #tpu.memory_space<vmem>> -> memref<1x125xi32, #tpu.memory_space<vmem>>
      %dma_start3A_278 = tpu.memref_squeeze %dma_start3A_277 : memref<1x125xi32, #tpu.memory_space<vmem>> -> memref<125xi32, #tpu.memory_space<vmem>>
      %dma_start3A_279 = arith.constant 0 : i32
      %dma_start3A_280 = arith.constant 0 : i32
      %dma_start3A_281 = tpu.memref_slice %arg8[%dma_start3A_279, %dma_start3A_280] : memref<10240x128xf32, #tpu.memory_space<vmem_shared>> -> memref<10240x128xf32, #tpu.memory_space<vmem_shared>>
      tpu.enqueue_indirect_dma source(%arg11 : memref<125x128xf32, #tpu.memory_space<vmem>>) target(%dma_start3A_281 : memref<10240x128xf32, #tpu.memory_space<vmem_shared>>) offsets(%dma_start3A_278 : memref<125xi32, #tpu.memory_space<vmem>>) semaphore(%arg15 : memref<!tpu.dma_semaphore, #tpu.memory_space<semaphore_mem>>) {add = true}
      %ge3A_282 = arith.constant 1 : i32
      %ge3A_283 = arith.cmpi sge, %add3A_89, %ge3A_282 : i32
      %not3A = arith.constant true
      %not3A_284 = arith.xori %eq3A_101, %not3A : i1
      %and3A_285 = arith.andi %ge3A_283, %not3A_284 : i1
      %convert_element_type3A_286 = arith.extui %and3A_285 : i1 to i32
      %cond3A_287 = arith.constant 0 : i32
      %cond3A_288 = arith.cmpi ne, %convert_element_type3A_286, %cond3A_287 : i32
      scf.if %cond3A_288 {
        %sub3A_517 = arith.constant 1 : i32
        %sub3A_518 = arith.subi %add3A_89, %sub3A_517 : i32
        %jit3A_519 = arith.constant 16 : i32
        %div3A_520 = arith.divsi %sub3A_518, %jit3A_519 : i32
        %sign3A_521 = arith.constant 0 : i32
        %sign3A_522 = arith.cmpi sgt, %sub3A_518, %sign3A_521 : i32
        %sign3A_523 = arith.extui %sign3A_522 : i1 to i32
        %sign3A_524 = arith.constant 0 : i32
        %sign3A_525 = arith.cmpi slt, %sub3A_518, %sign3A_524 : i32
        %sign3A_526 = arith.extui %sign3A_525 : i1 to i32
        %sign3A_527 = arith.subi %sign3A_523, %sign3A_526 : i32
        %sign3A_528 = arith.constant 0 : i32
        %sign3A_529 = arith.cmpi sgt, %jit3A_519, %sign3A_528 : i32
        %sign3A_530 = arith.extui %sign3A_529 : i1 to i32
        %sign3A_531 = arith.constant 0 : i32
        %sign3A_532 = arith.cmpi slt, %jit3A_519, %sign3A_531 : i32
        %sign3A_533 = arith.extui %sign3A_532 : i1 to i32
        %sign3A_534 = arith.subi %sign3A_530, %sign3A_533 : i32
        %ne3A_535 = arith.cmpi ne, %sign3A_527, %sign3A_534 : i32
        %rem3A_536 = arith.remsi %sub3A_518, %jit3A_519 : i32
        %ne3A_537 = arith.constant 0 : i32
        %ne3A_538 = arith.cmpi ne, %rem3A_536, %ne3A_537 : i32
        %and3A_539 = arith.andi %ne3A_535, %ne3A_538 : i1
        %sub3A_540 = arith.constant 1 : i32
        %sub3A_541 = arith.subi %div3A_520, %sub3A_540 : i32
        %select_n3A_542 = arith.select %and3A_539, %sub3A_541, %div3A_520 : i32
        %jit3A_543 = arith.constant 2 : i32
        %eq3A_544 = arith.constant 0 : i32
        %eq3A_545 = arith.cmpi eq, %jit3A_543, %eq3A_544 : i32
        %jit3A_546 = arith.constant 1 : i32
        %select_n3A_547 = arith.select %eq3A_545, %jit3A_546, %jit3A_543 : i32
        %rem3A_548 = arith.remsi %select_n3A_542, %select_n3A_547 : i32
        %ne3A_549 = arith.constant 0 : i32
        %ne3A_550 = arith.cmpi ne, %rem3A_548, %ne3A_549 : i32
        %lt3A_551 = arith.constant 0 : i32
        %lt3A_552 = arith.cmpi slt, %rem3A_548, %lt3A_551 : i32
        %lt3A_553 = arith.constant 0 : i32
        %lt3A_554 = arith.cmpi slt, %select_n3A_547, %lt3A_553 : i32
        %ne3A_555 = arith.xori %lt3A_552, %lt3A_554 : i1
        %and3A_556 = arith.andi %ne3A_555, %ne3A_550 : i1
        %add3A_557 = arith.addi %rem3A_548, %select_n3A_547 : i32
        %select_n3A_558 = arith.select %and3A_556, %add3A_557, %rem3A_548 : i32
        %mul3A_559 = arith.constant 16 : i32
        %mul3A_560 = arith.muli %select_n3A_558, %mul3A_559 : i32
        %jit3A_561 = arith.constant 16 : i32
        %eq3A_562 = arith.constant 0 : i32
        %eq3A_563 = arith.cmpi eq, %jit3A_561, %eq3A_562 : i32
        %jit3A_564 = arith.constant 1 : i32
        %select_n3A_565 = arith.select %eq3A_563, %jit3A_564, %jit3A_561 : i32
        %rem3A_566 = arith.remsi %sub3A_518, %select_n3A_565 : i32
        %ne3A_567 = arith.constant 0 : i32
        %ne3A_568 = arith.cmpi ne, %rem3A_566, %ne3A_567 : i32
        %lt3A_569 = arith.constant 0 : i32
        %lt3A_570 = arith.cmpi slt, %rem3A_566, %lt3A_569 : i32
        %lt3A_571 = arith.constant 0 : i32
        %lt3A_572 = arith.cmpi slt, %select_n3A_565, %lt3A_571 : i32
        %ne3A_573 = arith.xori %lt3A_570, %lt3A_572 : i1
        %and3A_574 = arith.andi %ne3A_573, %ne3A_568 : i1
        %add3A_575 = arith.addi %rem3A_566, %select_n3A_565 : i32
        %select_n3A_576 = arith.select %and3A_574, %add3A_575, %rem3A_566 : i32
        %add3A_577 = arith.addi %mul3A_560, %select_n3A_576 : i32
        %dma_wait3A_578 = arith.constant 0 : i32
        %dma_wait3A_579 = tpu.memref_slice %arg10[%add3A_577, %dma_wait3A_578] : memref<32x125xi32, #tpu.memory_space<vmem>> -> memref<1x125xi32, #tpu.memory_space<vmem>>
        %dma_wait3A_580 = tpu.memref_squeeze %dma_wait3A_579 : memref<1x125xi32, #tpu.memory_space<vmem>> -> memref<125xi32, #tpu.memory_space<vmem>>
        %dma_wait3A_581 = arith.constant 0 : i32
        %dma_wait3A_582 = arith.constant 0 : i32
        %dma_wait3A_583 = tpu.memref_slice %arg8[%dma_wait3A_581, %dma_wait3A_582] : memref<10240x128xf32, #tpu.memory_space<vmem_shared>> -> memref<10240x128xf32, #tpu.memory_space<vmem_shared>>
        tpu.wait_indirect_dma semaphore(%arg16 : memref<!tpu.dma_semaphore, #tpu.memory_space<semaphore_mem>>) src(%arg12 : memref<125x128xf32, #tpu.memory_space<vmem>>) dst(%dma_wait3A_583 : memref<10240x128xf32, #tpu.memory_space<vmem_shared>>)
      } else {
      }
      %add3A_289 = arith.constant 1 : i32
      %add3A_290 = arith.addi %add3A_89, %add3A_289 : i32
      %lt3A_291 = arith.constant 160 : i32
      %lt3A_292 = arith.cmpi slt, %add3A_290, %lt3A_291 : i32
      %convert_element_type3A_293 = arith.extui %lt3A_292 : i1 to i32
      %cond3A_294 = arith.constant 0 : i32
      %cond3A_295 = arith.cmpi ne, %convert_element_type3A_293, %cond3A_294 : i32
      scf.if %cond3A_295 {
        %add3A_517 = arith.constant 1 : i32
        %add3A_518 = arith.addi %add3A_89, %add3A_517 : i32
        %jit3A_519 = arith.constant 16 : i32
        %eq3A_520 = arith.constant 0 : i32
        %eq3A_521 = arith.cmpi eq, %jit3A_519, %eq3A_520 : i32
        %jit3A_522 = arith.constant 1 : i32
        %select_n3A_523 = arith.select %eq3A_521, %jit3A_522, %jit3A_519 : i32
        %rem3A_524 = arith.remsi %add3A_518, %select_n3A_523 : i32
        %ne3A_525 = arith.constant 0 : i32
        %ne3A_526 = arith.cmpi ne, %rem3A_524, %ne3A_525 : i32
        %lt3A_527 = arith.constant 0 : i32
        %lt3A_528 = arith.cmpi slt, %rem3A_524, %lt3A_527 : i32
        %lt3A_529 = arith.constant 0 : i32
        %lt3A_530 = arith.cmpi slt, %select_n3A_523, %lt3A_529 : i32
        %ne3A_531 = arith.xori %lt3A_528, %lt3A_530 : i1
        %and3A_532 = arith.andi %ne3A_531, %ne3A_526 : i1
        %add3A_533 = arith.addi %rem3A_524, %select_n3A_523 : i32
        %select_n3A_534 = arith.select %and3A_532, %add3A_533, %rem3A_524 : i32
        %eq3A_535 = arith.constant 0 : i32
        %eq3A_536 = arith.cmpi eq, %select_n3A_534, %eq3A_535 : i32
        %convert_element_type3A_537 = arith.extui %eq3A_536 : i1 to i32
        %cond3A_538 = arith.constant 0 : i32
        %cond3A_539 = arith.cmpi ne, %convert_element_type3A_537, %cond3A_538 : i32
        scf.if %cond3A_539 {
          %add3A_611 = arith.constant 1 : i32
          %add3A_612 = arith.addi %add3A_89, %add3A_611 : i32
          %jit3A_613 = arith.constant 16 : i32
          %div3A_614 = arith.divsi %add3A_612, %jit3A_613 : i32
          %sign3A_615 = arith.constant 0 : i32
          %sign3A_616 = arith.cmpi sgt, %add3A_612, %sign3A_615 : i32
          %sign3A_617 = arith.extui %sign3A_616 : i1 to i32
          %sign3A_618 = arith.constant 0 : i32
          %sign3A_619 = arith.cmpi slt, %add3A_612, %sign3A_618 : i32
          %sign3A_620 = arith.extui %sign3A_619 : i1 to i32
          %sign3A_621 = arith.subi %sign3A_617, %sign3A_620 : i32
          %sign3A_622 = arith.constant 0 : i32
          %sign3A_623 = arith.cmpi sgt, %jit3A_613, %sign3A_622 : i32
          %sign3A_624 = arith.extui %sign3A_623 : i1 to i32
          %sign3A_625 = arith.constant 0 : i32
          %sign3A_626 = arith.cmpi slt, %jit3A_613, %sign3A_625 : i32
          %sign3A_627 = arith.extui %sign3A_626 : i1 to i32
          %sign3A_628 = arith.subi %sign3A_624, %sign3A_627 : i32
          %ne3A_629 = arith.cmpi ne, %sign3A_621, %sign3A_628 : i32
          %rem3A_630 = arith.remsi %add3A_612, %jit3A_613 : i32
          %ne3A_631 = arith.constant 0 : i32
          %ne3A_632 = arith.cmpi ne, %rem3A_630, %ne3A_631 : i32
          %and3A_633 = arith.andi %ne3A_629, %ne3A_632 : i1
          %sub3A_634 = arith.constant 1 : i32
          %sub3A_635 = arith.subi %div3A_614, %sub3A_634 : i32
          %select_n3A_636 = arith.select %and3A_633, %sub3A_635, %div3A_614 : i32
          %jit3A_637 = arith.constant 2 : i32
          %eq3A_638 = arith.constant 0 : i32
          %eq3A_639 = arith.cmpi eq, %jit3A_637, %eq3A_638 : i32
          %jit3A_640 = arith.constant 1 : i32
          %select_n3A_641 = arith.select %eq3A_639, %jit3A_640, %jit3A_637 : i32
          %rem3A_642 = arith.remsi %select_n3A_636, %select_n3A_641 : i32
          %ne3A_643 = arith.constant 0 : i32
          %ne3A_644 = arith.cmpi ne, %rem3A_642, %ne3A_643 : i32
          %lt3A_645 = arith.constant 0 : i32
          %lt3A_646 = arith.cmpi slt, %rem3A_642, %lt3A_645 : i32
          %lt3A_647 = arith.constant 0 : i32
          %lt3A_648 = arith.cmpi slt, %select_n3A_641, %lt3A_647 : i32
          %ne3A_649 = arith.xori %lt3A_646, %lt3A_648 : i1
          %and3A_650 = arith.andi %ne3A_649, %ne3A_644 : i1
          %add3A_651 = arith.addi %rem3A_642, %select_n3A_641 : i32
          %select_n3A_652 = arith.select %and3A_650, %add3A_651, %rem3A_642 : i32
          %mul3A_653 = arith.constant 16 : i32
          %mul3A_654 = arith.muli %select_n3A_652, %mul3A_653 : i32
          %dma_wait3A_655 = arith.constant 0 : i32
          %dma_wait3A_656 = tpu.memref_slice %arg9[%mul3A_654, %dma_wait3A_655] : memref<32x125xi32, #tpu.memory_space<vmem>> -> memref<16x125xi32, #tpu.memory_space<vmem>>
          %dma_wait3A_657 = arith.constant 0 : i32
          %dma_wait3A_658 = tpu.memref_slice %arg4[%mul3A_2, %dma_wait3A_657] : memref<2560x125xi32, #tpu.memory_space<hbm>> -> memref<16x125xi32, #tpu.memory_space<hbm>>
          %dma_wait3A_659 = arith.constant 0 : i32
          %dma_wait3A_660 = tpu.memref_slice %arg9[%mul3A_654, %dma_wait3A_659] : memref<32x125xi32, #tpu.memory_space<vmem>> -> memref<16x125xi32, #tpu.memory_space<vmem>>
          %dma_wait3A_661 = arith.constant 0 : i32
          %dma_wait3A_662 = tpu.memref_slice %arg4[%mul3A_2, %dma_wait3A_661] : memref<2560x125xi32, #tpu.memory_space<hbm>> -> memref<16x125xi32, #tpu.memory_space<hbm>>
          tpu.wait_dma2 semaphore(%arg17 : memref<!tpu.dma_semaphore, #tpu.memory_space<semaphore_mem>>) src(%dma_wait3A_662 : memref<16x125xi32, #tpu.memory_space<hbm>>) dst(%dma_wait3A_660 : memref<16x125xi32, #tpu.memory_space<vmem>>)
          %dma_wait3A_663 = arith.constant 0 : i32
          %dma_wait3A_664 = tpu.memref_slice %arg10[%mul3A_654, %dma_wait3A_663] : memref<32x125xi32, #tpu.memory_space<vmem>> -> memref<16x125xi32, #tpu.memory_space<vmem>>
          %dma_wait3A_665 = arith.constant 0 : i32
          %dma_wait3A_666 = tpu.memref_slice %arg5[%mul3A_2, %dma_wait3A_665] : memref<2560x125xi32, #tpu.memory_space<hbm>> -> memref<16x125xi32, #tpu.memory_space<hbm>>
          %dma_wait3A_667 = arith.constant 0 : i32
          %dma_wait3A_668 = tpu.memref_slice %arg10[%mul3A_654, %dma_wait3A_667] : memref<32x125xi32, #tpu.memory_space<vmem>> -> memref<16x125xi32, #tpu.memory_space<vmem>>
          %dma_wait3A_669 = arith.constant 0 : i32
          %dma_wait3A_670 = tpu.memref_slice %arg5[%mul3A_2, %dma_wait3A_669] : memref<2560x125xi32, #tpu.memory_space<hbm>> -> memref<16x125xi32, #tpu.memory_space<hbm>>
          tpu.wait_dma2 semaphore(%arg17 : memref<!tpu.dma_semaphore, #tpu.memory_space<semaphore_mem>>) src(%dma_wait3A_670 : memref<16x125xi32, #tpu.memory_space<hbm>>) dst(%dma_wait3A_668 : memref<16x125xi32, #tpu.memory_space<vmem>>)
        } else {
        }
        %add3A_540 = arith.constant 1 : i32
        %add3A_541 = arith.addi %add3A_89, %add3A_540 : i32
        %jit3A_542 = arith.constant 16 : i32
        %div3A_543 = arith.divsi %add3A_541, %jit3A_542 : i32
        %sign3A_544 = arith.constant 0 : i32
        %sign3A_545 = arith.cmpi sgt, %add3A_541, %sign3A_544 : i32
        %sign3A_546 = arith.extui %sign3A_545 : i1 to i32
        %sign3A_547 = arith.constant 0 : i32
        %sign3A_548 = arith.cmpi slt, %add3A_541, %sign3A_547 : i32
        %sign3A_549 = arith.extui %sign3A_548 : i1 to i32
        %sign3A_550 = arith.subi %sign3A_546, %sign3A_549 : i32
        %sign3A_551 = arith.constant 0 : i32
        %sign3A_552 = arith.cmpi sgt, %jit3A_542, %sign3A_551 : i32
        %sign3A_553 = arith.extui %sign3A_552 : i1 to i32
        %sign3A_554 = arith.constant 0 : i32
        %sign3A_555 = arith.cmpi slt, %jit3A_542, %sign3A_554 : i32
        %sign3A_556 = arith.extui %sign3A_555 : i1 to i32
        %sign3A_557 = arith.subi %sign3A_553, %sign3A_556 : i32
        %ne3A_558 = arith.cmpi ne, %sign3A_550, %sign3A_557 : i32
        %rem3A_559 = arith.remsi %add3A_541, %jit3A_542 : i32
        %ne3A_560 = arith.constant 0 : i32
        %ne3A_561 = arith.cmpi ne, %rem3A_559, %ne3A_560 : i32
        %and3A_562 = arith.andi %ne3A_558, %ne3A_561 : i1
        %sub3A_563 = arith.constant 1 : i32
        %sub3A_564 = arith.subi %div3A_543, %sub3A_563 : i32
        %select_n3A_565 = arith.select %and3A_562, %sub3A_564, %div3A_543 : i32
        %jit3A_566 = arith.constant 2 : i32
        %eq3A_567 = arith.constant 0 : i32
        %eq3A_568 = arith.cmpi eq, %jit3A_566, %eq3A_567 : i32
        %jit3A_569 = arith.constant 1 : i32
        %select_n3A_570 = arith.select %eq3A_568, %jit3A_569, %jit3A_566 : i32
        %rem3A_571 = arith.remsi %select_n3A_565, %select_n3A_570 : i32
        %ne3A_572 = arith.constant 0 : i32
        %ne3A_573 = arith.cmpi ne, %rem3A_571, %ne3A_572 : i32
        %lt3A_574 = arith.constant 0 : i32
        %lt3A_575 = arith.cmpi slt, %rem3A_571, %lt3A_574 : i32
        %lt3A_576 = arith.constant 0 : i32
        %lt3A_577 = arith.cmpi slt, %select_n3A_570, %lt3A_576 : i32
        %ne3A_578 = arith.xori %lt3A_575, %lt3A_577 : i1
        %and3A_579 = arith.andi %ne3A_578, %ne3A_573 : i1
        %add3A_580 = arith.addi %rem3A_571, %select_n3A_570 : i32
        %select_n3A_581 = arith.select %and3A_579, %add3A_580, %rem3A_571 : i32
        %mul3A_582 = arith.constant 16 : i32
        %mul3A_583 = arith.muli %select_n3A_581, %mul3A_582 : i32
        %jit3A_584 = arith.constant 16 : i32
        %eq3A_585 = arith.constant 0 : i32
        %eq3A_586 = arith.cmpi eq, %jit3A_584, %eq3A_585 : i32
        %jit3A_587 = arith.constant 1 : i32
        %select_n3A_588 = arith.select %eq3A_586, %jit3A_587, %jit3A_584 : i32
        %rem3A_589 = arith.remsi %add3A_541, %select_n3A_588 : i32
        %ne3A_590 = arith.constant 0 : i32
        %ne3A_591 = arith.cmpi ne, %rem3A_589, %ne3A_590 : i32
        %lt3A_592 = arith.constant 0 : i32
        %lt3A_593 = arith.cmpi slt, %rem3A_589, %lt3A_592 : i32
        %lt3A_594 = arith.constant 0 : i32
        %lt3A_595 = arith.cmpi slt, %select_n3A_588, %lt3A_594 : i32
        %ne3A_596 = arith.xori %lt3A_593, %lt3A_595 : i1
        %and3A_597 = arith.andi %ne3A_596, %ne3A_591 : i1
        %add3A_598 = arith.addi %rem3A_589, %select_n3A_588 : i32
        %select_n3A_599 = arith.select %and3A_597, %add3A_598, %rem3A_589 : i32
        %add3A_600 = arith.addi %mul3A_583, %select_n3A_599 : i32
        %eq3A_601 = arith.constant 0 : i32
        %eq3A_602 = arith.cmpi eq, %arg0, %eq3A_601 : i32
        %convert_element_type3A_603 = arith.extui %eq3A_602 : i1 to i32
        %cond3A_604 = arith.constant 0 : i32
        %cond3A_605 = arith.cmpi ne, %convert_element_type3A_603, %cond3A_604 : i32
        scf.if %cond3A_605 {
          %dma_start3A_611 = arith.constant 0 : i32
          %dma_start3A_612 = arith.constant 0 : i32
          %dma_start3A_613 = tpu.memref_slice %arg12[%dma_start3A_611, %dma_start3A_612] : memref<125x128xf32, #tpu.memory_space<vmem>> -> memref<64x128xf32, #tpu.memory_space<vmem>>
          %dma_start3A_614 = arith.constant 0 : i32
          %dma_start3A_615 = tpu.memref_slice %arg9[%add3A_600, %dma_start3A_614] : memref<32x125xi32, #tpu.memory_space<vmem>> -> memref<1x125xi32, #tpu.memory_space<vmem>>
          %dma_start3A_616 = tpu.memref_squeeze %dma_start3A_615 : memref<1x125xi32, #tpu.memory_space<vmem>> -> memref<125xi32, #tpu.memory_space<vmem>>
          %dma_start3A_617 = arith.constant 0 : i32
          %dma_start3A_618 = tpu.memref_slice %dma_start3A_616[%dma_start3A_617] : memref<125xi32, #tpu.memory_space<vmem>> -> memref<64xi32, #tpu.memory_space<vmem>>
          %dma_start3A_619 = arith.constant 0 : i32
          %dma_start3A_620 = arith.constant 0 : i32
          %dma_start3A_621 = tpu.memref_slice %arg2[%dma_start3A_619, %dma_start3A_620] : memref<10240x128xf32, #tpu.memory_space<hbm>> -> memref<10240x128xf32, #tpu.memory_space<hbm>>
          tpu.enqueue_indirect_dma source(%dma_start3A_621 : memref<10240x128xf32, #tpu.memory_space<hbm>>) target(%dma_start3A_613 : memref<64x128xf32, #tpu.memory_space<vmem>>) offsets(%dma_start3A_618 : memref<64xi32, #tpu.memory_space<vmem>>) semaphore(%arg14 : memref<!tpu.dma_semaphore, #tpu.memory_space<semaphore_mem>>)
          %dma_start3A_622 = arith.constant 64 : i32
          %dma_start3A_623 = arith.constant 0 : i32
          %dma_start3A_624 = tpu.memref_slice %arg12[%dma_start3A_622, %dma_start3A_623] : memref<125x128xf32, #tpu.memory_space<vmem>> -> memref<61x128xf32, #tpu.memory_space<vmem>>
          %dma_start3A_625 = arith.constant 0 : i32
          %dma_start3A_626 = tpu.memref_slice %arg9[%add3A_600, %dma_start3A_625] : memref<32x125xi32, #tpu.memory_space<vmem>> -> memref<1x125xi32, #tpu.memory_space<vmem>>
          %dma_start3A_627 = tpu.memref_squeeze %dma_start3A_626 : memref<1x125xi32, #tpu.memory_space<vmem>> -> memref<125xi32, #tpu.memory_space<vmem>>
          %dma_start3A_628 = arith.constant 64 : i32
          %dma_start3A_629 = tpu.memref_slice %dma_start3A_627[%dma_start3A_628] : memref<125xi32, #tpu.memory_space<vmem>> -> memref<61xi32, #tpu.memory_space<vmem>>
          %dma_start3A_630 = arith.constant 0 : i32
          %dma_start3A_631 = arith.constant 0 : i32
          %dma_start3A_632 = tpu.memref_slice %arg2[%dma_start3A_630, %dma_start3A_631] : memref<10240x128xf32, #tpu.memory_space<hbm>> -> memref<10240x128xf32, #tpu.memory_space<hbm>>
          tpu.enqueue_indirect_dma source(%dma_start3A_632 : memref<10240x128xf32, #tpu.memory_space<hbm>>) target(%dma_start3A_624 : memref<61x128xf32, #tpu.memory_space<vmem>>) offsets(%dma_start3A_629 : memref<61xi32, #tpu.memory_space<vmem>>) semaphore(%arg14 : memref<!tpu.dma_semaphore, #tpu.memory_space<semaphore_mem>>)
        } else {
        }
        %eq3A_606 = arith.constant 1 : i32
        %eq3A_607 = arith.cmpi eq, %arg0, %eq3A_606 : i32
        %convert_element_type3A_608 = arith.extui %eq3A_607 : i1 to i32
        %cond3A_609 = arith.constant 0 : i32
        %cond3A_610 = arith.cmpi ne, %convert_element_type3A_608, %cond3A_609 : i32
        scf.if %cond3A_610 {
          %dma_start3A_611 = arith.constant 0 : i32
          %dma_start3A_612 = arith.constant 0 : i32
          %dma_start3A_613 = tpu.memref_slice %arg12[%dma_start3A_611, %dma_start3A_612] : memref<125x128xf32, #tpu.memory_space<vmem>> -> memref<64x128xf32, #tpu.memory_space<vmem>>
          %dma_start3A_614 = arith.constant 0 : i32
          %dma_start3A_615 = tpu.memref_slice %arg9[%add3A_600, %dma_start3A_614] : memref<32x125xi32, #tpu.memory_space<vmem>> -> memref<1x125xi32, #tpu.memory_space<vmem>>
          %dma_start3A_616 = tpu.memref_squeeze %dma_start3A_615 : memref<1x125xi32, #tpu.memory_space<vmem>> -> memref<125xi32, #tpu.memory_space<vmem>>
          %dma_start3A_617 = arith.constant 0 : i32
          %dma_start3A_618 = tpu.memref_slice %dma_start3A_616[%dma_start3A_617] : memref<125xi32, #tpu.memory_space<vmem>> -> memref<64xi32, #tpu.memory_space<vmem>>
          %dma_start3A_619 = arith.constant 0 : i32
          %dma_start3A_620 = arith.constant 0 : i32
          %dma_start3A_621 = tpu.memref_slice %arg3[%dma_start3A_619, %dma_start3A_620] : memref<10240x128xf32, #tpu.memory_space<hbm>> -> memref<10240x128xf32, #tpu.memory_space<hbm>>
          tpu.enqueue_indirect_dma source(%dma_start3A_621 : memref<10240x128xf32, #tpu.memory_space<hbm>>) target(%dma_start3A_613 : memref<64x128xf32, #tpu.memory_space<vmem>>) offsets(%dma_start3A_618 : memref<64xi32, #tpu.memory_space<vmem>>) semaphore(%arg14 : memref<!tpu.dma_semaphore, #tpu.memory_space<semaphore_mem>>)
          %dma_start3A_622 = arith.constant 64 : i32
          %dma_start3A_623 = arith.constant 0 : i32
          %dma_start3A_624 = tpu.memref_slice %arg12[%dma_start3A_622, %dma_start3A_623] : memref<125x128xf32, #tpu.memory_space<vmem>> -> memref<61x128xf32, #tpu.memory_space<vmem>>
          %dma_start3A_625 = arith.constant 0 : i32
          %dma_start3A_626 = tpu.memref_slice %arg9[%add3A_600, %dma_start3A_625] : memref<32x125xi32, #tpu.memory_space<vmem>> -> memref<1x125xi32, #tpu.memory_space<vmem>>
          %dma_start3A_627 = tpu.memref_squeeze %dma_start3A_626 : memref<1x125xi32, #tpu.memory_space<vmem>> -> memref<125xi32, #tpu.memory_space<vmem>>
          %dma_start3A_628 = arith.constant 64 : i32
          %dma_start3A_629 = tpu.memref_slice %dma_start3A_627[%dma_start3A_628] : memref<125xi32, #tpu.memory_space<vmem>> -> memref<61xi32, #tpu.memory_space<vmem>>
          %dma_start3A_630 = arith.constant 0 : i32
          %dma_start3A_631 = arith.constant 0 : i32
          %dma_start3A_632 = tpu.memref_slice %arg3[%dma_start3A_630, %dma_start3A_631] : memref<10240x128xf32, #tpu.memory_space<hbm>> -> memref<10240x128xf32, #tpu.memory_space<hbm>>
          tpu.enqueue_indirect_dma source(%dma_start3A_632 : memref<10240x128xf32, #tpu.memory_space<hbm>>) target(%dma_start3A_624 : memref<61x128xf32, #tpu.memory_space<vmem>>) offsets(%dma_start3A_629 : memref<61xi32, #tpu.memory_space<vmem>>) semaphore(%arg14 : memref<!tpu.dma_semaphore, #tpu.memory_space<semaphore_mem>>)
        } else {
        }
      } else {
      }
      %mul3A_296 = arith.constant 2 : i32
      %mul3A_297 = arith.muli %mul3A_296, %scan3A_85 : i32
      %add3A_298 = arith.constant 1 : i32
      %add3A_299 = arith.addi %mul3A_297, %add3A_298 : i32
      %jit3A_300 = arith.constant 16 : i32
      %eq3A_301 = arith.constant 0 : i32
      %eq3A_302 = arith.cmpi eq, %jit3A_300, %eq3A_301 : i32
      %jit3A_303 = arith.constant 1 : i32
      %select_n3A_304 = arith.select %eq3A_302, %jit3A_303, %jit3A_300 : i32
      %rem3A_305 = arith.remsi %add3A_299, %select_n3A_304 : i32
      %ne3A_306 = arith.constant 0 : i32
      %ne3A_307 = arith.cmpi ne, %rem3A_305, %ne3A_306 : i32
      %lt3A_308 = arith.constant 0 : i32
      %lt3A_309 = arith.cmpi slt, %rem3A_305, %lt3A_308 : i32
      %lt3A_310 = arith.constant 0 : i32
      %lt3A_311 = arith.cmpi slt, %select_n3A_304, %lt3A_310 : i32
      %ne3A_312 = arith.xori %lt3A_309, %lt3A_311 : i1
      %and3A_313 = arith.andi %ne3A_312, %ne3A_307 : i1
      %add3A_314 = arith.addi %rem3A_305, %select_n3A_304 : i32
      %select_n3A_315 = arith.select %and3A_313, %add3A_314, %rem3A_305 : i32
      %eq3A_316 = arith.constant 0 : i32
      %eq3A_317 = arith.cmpi eq, %select_n3A_315, %eq3A_316 : i32
      %jit3A_318 = arith.constant 16 : i32
      %div3A_319 = arith.divsi %add3A_299, %jit3A_318 : i32
      %sign3A_320 = arith.constant 0 : i32
      %sign3A_321 = arith.cmpi sgt, %add3A_299, %sign3A_320 : i32
      %sign3A_322 = arith.extui %sign3A_321 : i1 to i32
      %sign3A_323 = arith.constant 0 : i32
      %sign3A_324 = arith.cmpi slt, %add3A_299, %sign3A_323 : i32
      %sign3A_325 = arith.extui %sign3A_324 : i1 to i32
      %sign3A_326 = arith.subi %sign3A_322, %sign3A_325 : i32
      %sign3A_327 = arith.constant 0 : i32
      %sign3A_328 = arith.cmpi sgt, %jit3A_318, %sign3A_327 : i32
      %sign3A_329 = arith.extui %sign3A_328 : i1 to i32
      %sign3A_330 = arith.constant 0 : i32
      %sign3A_331 = arith.cmpi slt, %jit3A_318, %sign3A_330 : i32
      %sign3A_332 = arith.extui %sign3A_331 : i1 to i32
      %sign3A_333 = arith.subi %sign3A_329, %sign3A_332 : i32
      %ne3A_334 = arith.cmpi ne, %sign3A_326, %sign3A_333 : i32
      %rem3A_335 = arith.remsi %add3A_299, %jit3A_318 : i32
      %ne3A_336 = arith.constant 0 : i32
      %ne3A_337 = arith.cmpi ne, %rem3A_335, %ne3A_336 : i32
      %and3A_338 = arith.andi %ne3A_334, %ne3A_337 : i1
      %sub3A_339 = arith.constant 1 : i32
      %sub3A_340 = arith.subi %div3A_319, %sub3A_339 : i32
      %select_n3A_341 = arith.select %and3A_338, %sub3A_340, %div3A_319 : i32
      %ge3A_342 = arith.constant 1 : i32
      %ge3A_343 = arith.cmpi sge, %add3A_299, %ge3A_342 : i32
      %and3A_344 = arith.andi %ge3A_343, %eq3A_317 : i1
      %convert_element_type3A_345 = arith.extui %and3A_344 : i1 to i32
      %cond3A_346 = arith.constant 0 : i32
      %cond3A_347 = arith.cmpi ne, %convert_element_type3A_345, %cond3A_346 : i32
      scf.if %cond3A_347 {
        %sub3A_517 = arith.constant 1 : i32
        %sub3A_518 = arith.subi %add3A_299, %sub3A_517 : i32
        %jit3A_519 = arith.constant 16 : i32
        %div3A_520 = arith.divsi %sub3A_518, %jit3A_519 : i32
        %sign3A_521 = arith.constant 0 : i32
        %sign3A_522 = arith.cmpi sgt, %sub3A_518, %sign3A_521 : i32
        %sign3A_523 = arith.extui %sign3A_522 : i1 to i32
        %sign3A_524 = arith.constant 0 : i32
        %sign3A_525 = arith.cmpi slt, %sub3A_518, %sign3A_524 : i32
        %sign3A_526 = arith.extui %sign3A_525 : i1 to i32
        %sign3A_527 = arith.subi %sign3A_523, %sign3A_526 : i32
        %sign3A_528 = arith.constant 0 : i32
        %sign3A_529 = arith.cmpi sgt, %jit3A_519, %sign3A_528 : i32
        %sign3A_530 = arith.extui %sign3A_529 : i1 to i32
        %sign3A_531 = arith.constant 0 : i32
        %sign3A_532 = arith.cmpi slt, %jit3A_519, %sign3A_531 : i32
        %sign3A_533 = arith.extui %sign3A_532 : i1 to i32
        %sign3A_534 = arith.subi %sign3A_530, %sign3A_533 : i32
        %ne3A_535 = arith.cmpi ne, %sign3A_527, %sign3A_534 : i32
        %rem3A_536 = arith.remsi %sub3A_518, %jit3A_519 : i32
        %ne3A_537 = arith.constant 0 : i32
        %ne3A_538 = arith.cmpi ne, %rem3A_536, %ne3A_537 : i32
        %and3A_539 = arith.andi %ne3A_535, %ne3A_538 : i1
        %sub3A_540 = arith.constant 1 : i32
        %sub3A_541 = arith.subi %div3A_520, %sub3A_540 : i32
        %select_n3A_542 = arith.select %and3A_539, %sub3A_541, %div3A_520 : i32
        %jit3A_543 = arith.constant 2 : i32
        %eq3A_544 = arith.constant 0 : i32
        %eq3A_545 = arith.cmpi eq, %jit3A_543, %eq3A_544 : i32
        %jit3A_546 = arith.constant 1 : i32
        %select_n3A_547 = arith.select %eq3A_545, %jit3A_546, %jit3A_543 : i32
        %rem3A_548 = arith.remsi %select_n3A_542, %select_n3A_547 : i32
        %ne3A_549 = arith.constant 0 : i32
        %ne3A_550 = arith.cmpi ne, %rem3A_548, %ne3A_549 : i32
        %lt3A_551 = arith.constant 0 : i32
        %lt3A_552 = arith.cmpi slt, %rem3A_548, %lt3A_551 : i32
        %lt3A_553 = arith.constant 0 : i32
        %lt3A_554 = arith.cmpi slt, %select_n3A_547, %lt3A_553 : i32
        %ne3A_555 = arith.xori %lt3A_552, %lt3A_554 : i1
        %and3A_556 = arith.andi %ne3A_555, %ne3A_550 : i1
        %add3A_557 = arith.addi %rem3A_548, %select_n3A_547 : i32
        %select_n3A_558 = arith.select %and3A_556, %add3A_557, %rem3A_548 : i32
        %mul3A_559 = arith.constant 16 : i32
        %mul3A_560 = arith.muli %select_n3A_558, %mul3A_559 : i32
        %jit3A_561 = arith.constant 16 : i32
        %eq3A_562 = arith.constant 0 : i32
        %eq3A_563 = arith.cmpi eq, %jit3A_561, %eq3A_562 : i32
        %jit3A_564 = arith.constant 1 : i32
        %select_n3A_565 = arith.select %eq3A_563, %jit3A_564, %jit3A_561 : i32
        %rem3A_566 = arith.remsi %sub3A_518, %select_n3A_565 : i32
        %ne3A_567 = arith.constant 0 : i32
        %ne3A_568 = arith.cmpi ne, %rem3A_566, %ne3A_567 : i32
        %lt3A_569 = arith.constant 0 : i32
        %lt3A_570 = arith.cmpi slt, %rem3A_566, %lt3A_569 : i32
        %lt3A_571 = arith.constant 0 : i32
        %lt3A_572 = arith.cmpi slt, %select_n3A_565, %lt3A_571 : i32
        %ne3A_573 = arith.xori %lt3A_570, %lt3A_572 : i1
        %and3A_574 = arith.andi %ne3A_573, %ne3A_568 : i1
        %add3A_575 = arith.addi %rem3A_566, %select_n3A_565 : i32
        %select_n3A_576 = arith.select %and3A_574, %add3A_575, %rem3A_566 : i32
        %add3A_577 = arith.addi %mul3A_560, %select_n3A_576 : i32
        %dma_wait3A_578 = arith.constant 0 : i32
        %dma_wait3A_579 = tpu.memref_slice %arg10[%add3A_577, %dma_wait3A_578] : memref<32x125xi32, #tpu.memory_space<vmem>> -> memref<1x125xi32, #tpu.memory_space<vmem>>
        %dma_wait3A_580 = tpu.memref_squeeze %dma_wait3A_579 : memref<1x125xi32, #tpu.memory_space<vmem>> -> memref<125xi32, #tpu.memory_space<vmem>>
        %dma_wait3A_581 = arith.constant 0 : i32
        %dma_wait3A_582 = arith.constant 0 : i32
        %dma_wait3A_583 = tpu.memref_slice %arg8[%dma_wait3A_581, %dma_wait3A_582] : memref<10240x128xf32, #tpu.memory_space<vmem_shared>> -> memref<10240x128xf32, #tpu.memory_space<vmem_shared>>
        tpu.wait_indirect_dma semaphore(%arg15 : memref<!tpu.dma_semaphore, #tpu.memory_space<semaphore_mem>>) src(%arg11 : memref<125x128xf32, #tpu.memory_space<vmem>>) dst(%dma_wait3A_583 : memref<10240x128xf32, #tpu.memory_space<vmem_shared>>)
      } else {
      }
      %add3A_348 = arith.constant 16 : i32
      %add3A_349 = arith.addi %add3A_299, %add3A_348 : i32
      %lt3A_350 = arith.constant 160 : i32
      %lt3A_351 = arith.cmpi slt, %add3A_349, %lt3A_350 : i32
      %and3A_352 = arith.andi %eq3A_317, %lt3A_351 : i1
      %convert_element_type3A_353 = arith.extui %and3A_352 : i1 to i32
      %cond3A_354 = arith.constant 0 : i32
      %cond3A_355 = arith.cmpi ne, %convert_element_type3A_353, %cond3A_354 : i32
      scf.if %cond3A_355 {
        %add3A_517 = arith.constant 1 : i32
        %add3A_518 = arith.addi %select_n3A_341, %add3A_517 : i32
        %mul3A_519 = arith.constant 16 : i32
        %mul3A_520 = arith.muli %add3A_518, %mul3A_519 : i32
        %add3A_521 = arith.addi %mul3A_2, %mul3A_520 : i32
        %multiple_of3A_522 = tpu.assume_multiple %add3A_521, 8 : i32
        %jit3A_523 = arith.constant 2 : i32
        %eq3A_524 = arith.constant 0 : i32
        %eq3A_525 = arith.cmpi eq, %jit3A_523, %eq3A_524 : i32
        %jit3A_526 = arith.constant 1 : i32
        %select_n3A_527 = arith.select %eq3A_525, %jit3A_526, %jit3A_523 : i32
        %rem3A_528 = arith.remsi %add3A_518, %select_n3A_527 : i32
        %ne3A_529 = arith.constant 0 : i32
        %ne3A_530 = arith.cmpi ne, %rem3A_528, %ne3A_529 : i32
        %lt3A_531 = arith.constant 0 : i32
        %lt3A_532 = arith.cmpi slt, %rem3A_528, %lt3A_531 : i32
        %lt3A_533 = arith.constant 0 : i32
        %lt3A_534 = arith.cmpi slt, %select_n3A_527, %lt3A_533 : i32
        %ne3A_535 = arith.xori %lt3A_532, %lt3A_534 : i1
        %and3A_536 = arith.andi %ne3A_535, %ne3A_530 : i1
        %add3A_537 = arith.addi %rem3A_528, %select_n3A_527 : i32
        %select_n3A_538 = arith.select %and3A_536, %add3A_537, %rem3A_528 : i32
        %mul3A_539 = arith.constant 16 : i32
        %mul3A_540 = arith.muli %select_n3A_538, %mul3A_539 : i32
        %dma_start3A_541 = arith.constant 0 : i32
        %dma_start3A_542 = tpu.memref_slice %arg9[%mul3A_540, %dma_start3A_541] : memref<32x125xi32, #tpu.memory_space<vmem>> -> memref<16x125xi32, #tpu.memory_space<vmem>>
        %dma_start3A_543 = arith.constant 0 : i32
        %dma_start3A_544 = tpu.memref_slice %arg4[%multiple_of3A_522, %dma_start3A_543] : memref<2560x125xi32, #tpu.memory_space<hbm>> -> memref<16x125xi32, #tpu.memory_space<hbm>>
        %dma_start3A_545 = arith.constant 0 : i32
        %dma_start3A_546 = tpu.memref_slice %arg9[%mul3A_540, %dma_start3A_545] : memref<32x125xi32, #tpu.memory_space<vmem>> -> memref<16x125xi32, #tpu.memory_space<vmem>>
        %dma_start3A_547 = arith.constant 0 : i32
        %dma_start3A_548 = tpu.memref_slice %arg4[%multiple_of3A_522, %dma_start3A_547] : memref<2560x125xi32, #tpu.memory_space<hbm>> -> memref<16x125xi32, #tpu.memory_space<hbm>>
        tpu.enqueue_dma source(%dma_start3A_548 : memref<16x125xi32, #tpu.memory_space<hbm>>) target(%dma_start3A_546 : memref<16x125xi32, #tpu.memory_space<vmem>>) target_semaphore(%arg17 : memref<!tpu.dma_semaphore, #tpu.memory_space<semaphore_mem>>)
        %dma_start3A_549 = arith.constant 0 : i32
        %dma_start3A_550 = tpu.memref_slice %arg10[%mul3A_540, %dma_start3A_549] : memref<32x125xi32, #tpu.memory_space<vmem>> -> memref<16x125xi32, #tpu.memory_space<vmem>>
        %dma_start3A_551 = arith.constant 0 : i32
        %dma_start3A_552 = tpu.memref_slice %arg5[%multiple_of3A_522, %dma_start3A_551] : memref<2560x125xi32, #tpu.memory_space<hbm>> -> memref<16x125xi32, #tpu.memory_space<hbm>>
        %dma_start3A_553 = arith.constant 0 : i32
        %dma_start3A_554 = tpu.memref_slice %arg10[%mul3A_540, %dma_start3A_553] : memref<32x125xi32, #tpu.memory_space<vmem>> -> memref<16x125xi32, #tpu.memory_space<vmem>>
        %dma_start3A_555 = arith.constant 0 : i32
        %dma_start3A_556 = tpu.memref_slice %arg5[%multiple_of3A_522, %dma_start3A_555] : memref<2560x125xi32, #tpu.memory_space<hbm>> -> memref<16x125xi32, #tpu.memory_space<hbm>>
        tpu.enqueue_dma source(%dma_start3A_556 : memref<16x125xi32, #tpu.memory_space<hbm>>) target(%dma_start3A_554 : memref<16x125xi32, #tpu.memory_space<vmem>>) target_semaphore(%arg17 : memref<!tpu.dma_semaphore, #tpu.memory_space<semaphore_mem>>)
      } else {
      }
      %jit3A_356 = arith.constant 16 : i32
      %div3A_357 = arith.divsi %add3A_299, %jit3A_356 : i32
      %sign3A_358 = arith.constant 0 : i32
      %sign3A_359 = arith.cmpi sgt, %add3A_299, %sign3A_358 : i32
      %sign3A_360 = arith.extui %sign3A_359 : i1 to i32
      %sign3A_361 = arith.constant 0 : i32
      %sign3A_362 = arith.cmpi slt, %add3A_299, %sign3A_361 : i32
      %sign3A_363 = arith.extui %sign3A_362 : i1 to i32
      %sign3A_364 = arith.subi %sign3A_360, %sign3A_363 : i32
      %sign3A_365 = arith.constant 0 : i32
      %sign3A_366 = arith.cmpi sgt, %jit3A_356, %sign3A_365 : i32
      %sign3A_367 = arith.extui %sign3A_366 : i1 to i32
      %sign3A_368 = arith.constant 0 : i32
      %sign3A_369 = arith.cmpi slt, %jit3A_356, %sign3A_368 : i32
      %sign3A_370 = arith.extui %sign3A_369 : i1 to i32
      %sign3A_371 = arith.subi %sign3A_367, %sign3A_370 : i32
      %ne3A_372 = arith.cmpi ne, %sign3A_364, %sign3A_371 : i32
      %rem3A_373 = arith.remsi %add3A_299, %jit3A_356 : i32
      %ne3A_374 = arith.constant 0 : i32
      %ne3A_375 = arith.cmpi ne, %rem3A_373, %ne3A_374 : i32
      %and3A_376 = arith.andi %ne3A_372, %ne3A_375 : i1
      %sub3A_377 = arith.constant 1 : i32
      %sub3A_378 = arith.subi %div3A_357, %sub3A_377 : i32
      %select_n3A_379 = arith.select %and3A_376, %sub3A_378, %div3A_357 : i32
      %jit3A_380 = arith.constant 2 : i32
      %eq3A_381 = arith.constant 0 : i32
      %eq3A_382 = arith.cmpi eq, %jit3A_380, %eq3A_381 : i32
      %jit3A_383 = arith.constant 1 : i32
      %select_n3A_384 = arith.select %eq3A_382, %jit3A_383, %jit3A_380 : i32
      %rem3A_385 = arith.remsi %select_n3A_379, %select_n3A_384 : i32
      %ne3A_386 = arith.constant 0 : i32
      %ne3A_387 = arith.cmpi ne, %rem3A_385, %ne3A_386 : i32
      %lt3A_388 = arith.constant 0 : i32
      %lt3A_389 = arith.cmpi slt, %rem3A_385, %lt3A_388 : i32
      %lt3A_390 = arith.constant 0 : i32
      %lt3A_391 = arith.cmpi slt, %select_n3A_384, %lt3A_390 : i32
      %ne3A_392 = arith.xori %lt3A_389, %lt3A_391 : i1
      %and3A_393 = arith.andi %ne3A_392, %ne3A_387 : i1
      %add3A_394 = arith.addi %rem3A_385, %select_n3A_384 : i32
      %select_n3A_395 = arith.select %and3A_393, %add3A_394, %rem3A_385 : i32
      %mul3A_396 = arith.constant 16 : i32
      %mul3A_397 = arith.muli %select_n3A_395, %mul3A_396 : i32
      %jit3A_398 = arith.constant 16 : i32
      %eq3A_399 = arith.constant 0 : i32
      %eq3A_400 = arith.cmpi eq, %jit3A_398, %eq3A_399 : i32
      %jit3A_401 = arith.constant 1 : i32
      %select_n3A_402 = arith.select %eq3A_400, %jit3A_401, %jit3A_398 : i32
      %rem3A_403 = arith.remsi %add3A_299, %select_n3A_402 : i32
      %ne3A_404 = arith.constant 0 : i32
      %ne3A_405 = arith.cmpi ne, %rem3A_403, %ne3A_404 : i32
      %lt3A_406 = arith.constant 0 : i32
      %lt3A_407 = arith.cmpi slt, %rem3A_403, %lt3A_406 : i32
      %lt3A_408 = arith.constant 0 : i32
      %lt3A_409 = arith.cmpi slt, %select_n3A_402, %lt3A_408 : i32
      %ne3A_410 = arith.xori %lt3A_407, %lt3A_409 : i1
      %and3A_411 = arith.andi %ne3A_410, %ne3A_405 : i1
      %add3A_412 = arith.addi %rem3A_403, %select_n3A_402 : i32
      %select_n3A_413 = arith.select %and3A_411, %add3A_412, %rem3A_403 : i32
      %add3A_414 = arith.addi %mul3A_397, %select_n3A_413 : i32
      %dma_wait3A_415 = arith.constant 0 : i32
      %dma_wait3A_416 = arith.constant 0 : i32
      %dma_wait3A_417 = tpu.memref_slice %arg12[%dma_wait3A_415, %dma_wait3A_416] : memref<125x128xf32, #tpu.memory_space<vmem>> -> memref<64x128xf32, #tpu.memory_space<vmem>>
      %dma_wait3A_418 = arith.constant 0 : i32
      %dma_wait3A_419 = tpu.memref_slice %arg9[%add3A_414, %dma_wait3A_418] : memref<32x125xi32, #tpu.memory_space<vmem>> -> memref<1x125xi32, #tpu.memory_space<vmem>>
      %dma_wait3A_420 = tpu.memref_squeeze %dma_wait3A_419 : memref<1x125xi32, #tpu.memory_space<vmem>> -> memref<125xi32, #tpu.memory_space<vmem>>
      %dma_wait3A_421 = arith.constant 0 : i32
      %dma_wait3A_422 = tpu.memref_slice %dma_wait3A_420[%dma_wait3A_421] : memref<125xi32, #tpu.memory_space<vmem>> -> memref<64xi32, #tpu.memory_space<vmem>>
      %dma_wait3A_423 = arith.constant 0 : i32
      %dma_wait3A_424 = arith.constant 0 : i32
      %dma_wait3A_425 = tpu.memref_slice %arg2[%dma_wait3A_423, %dma_wait3A_424] : memref<10240x128xf32, #tpu.memory_space<hbm>> -> memref<10240x128xf32, #tpu.memory_space<hbm>>
      tpu.wait_indirect_dma semaphore(%arg14 : memref<!tpu.dma_semaphore, #tpu.memory_space<semaphore_mem>>) src(%dma_wait3A_425 : memref<10240x128xf32, #tpu.memory_space<hbm>>) dst(%dma_wait3A_417 : memref<64x128xf32, #tpu.memory_space<vmem>>)
      %dma_wait3A_426 = arith.constant 64 : i32
      %dma_wait3A_427 = arith.constant 0 : i32
      %dma_wait3A_428 = tpu.memref_slice %arg12[%dma_wait3A_426, %dma_wait3A_427] : memref<125x128xf32, #tpu.memory_space<vmem>> -> memref<61x128xf32, #tpu.memory_space<vmem>>
      %dma_wait3A_429 = arith.constant 0 : i32
      %dma_wait3A_430 = tpu.memref_slice %arg9[%add3A_414, %dma_wait3A_429] : memref<32x125xi32, #tpu.memory_space<vmem>> -> memref<1x125xi32, #tpu.memory_space<vmem>>
      %dma_wait3A_431 = tpu.memref_squeeze %dma_wait3A_430 : memref<1x125xi32, #tpu.memory_space<vmem>> -> memref<125xi32, #tpu.memory_space<vmem>>
      %dma_wait3A_432 = arith.constant 64 : i32
      %dma_wait3A_433 = tpu.memref_slice %dma_wait3A_431[%dma_wait3A_432] : memref<125xi32, #tpu.memory_space<vmem>> -> memref<61xi32, #tpu.memory_space<vmem>>
      %dma_wait3A_434 = arith.constant 0 : i32
      %dma_wait3A_435 = arith.constant 0 : i32
      %dma_wait3A_436 = tpu.memref_slice %arg2[%dma_wait3A_434, %dma_wait3A_435] : memref<10240x128xf32, #tpu.memory_space<hbm>> -> memref<10240x128xf32, #tpu.memory_space<hbm>>
      tpu.wait_indirect_dma semaphore(%arg14 : memref<!tpu.dma_semaphore, #tpu.memory_space<semaphore_mem>>) src(%dma_wait3A_436 : memref<10240x128xf32, #tpu.memory_space<hbm>>) dst(%dma_wait3A_428 : memref<61x128xf32, #tpu.memory_space<vmem>>)
      %jit3A_437 = arith.constant 16 : i32
      %div3A_438 = arith.divsi %add3A_299, %jit3A_437 : i32
      %sign3A_439 = arith.constant 0 : i32
      %sign3A_440 = arith.cmpi sgt, %add3A_299, %sign3A_439 : i32
      %sign3A_441 = arith.extui %sign3A_440 : i1 to i32
      %sign3A_442 = arith.constant 0 : i32
      %sign3A_443 = arith.cmpi slt, %add3A_299, %sign3A_442 : i32
      %sign3A_444 = arith.extui %sign3A_443 : i1 to i32
      %sign3A_445 = arith.subi %sign3A_441, %sign3A_444 : i32
      %sign3A_446 = arith.constant 0 : i32
      %sign3A_447 = arith.cmpi sgt, %jit3A_437, %sign3A_446 : i32
      %sign3A_448 = arith.extui %sign3A_447 : i1 to i32
      %sign3A_449 = arith.constant 0 : i32
      %sign3A_450 = arith.cmpi slt, %jit3A_437, %sign3A_449 : i32
      %sign3A_451 = arith.extui %sign3A_450 : i1 to i32
      %sign3A_452 = arith.subi %sign3A_448, %sign3A_451 : i32
      %ne3A_453 = arith.cmpi ne, %sign3A_445, %sign3A_452 : i32
      %rem3A_454 = arith.remsi %add3A_299, %jit3A_437 : i32
      %ne3A_455 = arith.constant 0 : i32
      %ne3A_456 = arith.cmpi ne, %rem3A_454, %ne3A_455 : i32
      %and3A_457 = arith.andi %ne3A_453, %ne3A_456 : i1
      %sub3A_458 = arith.constant 1 : i32
      %sub3A_459 = arith.subi %div3A_438, %sub3A_458 : i32
      %select_n3A_460 = arith.select %and3A_457, %sub3A_459, %div3A_438 : i32
      %jit3A_461 = arith.constant 2 : i32
      %eq3A_462 = arith.constant 0 : i32
      %eq3A_463 = arith.cmpi eq, %jit3A_461, %eq3A_462 : i32
      %jit3A_464 = arith.constant 1 : i32
      %select_n3A_465 = arith.select %eq3A_463, %jit3A_464, %jit3A_461 : i32
      %rem3A_466 = arith.remsi %select_n3A_460, %select_n3A_465 : i32
      %ne3A_467 = arith.constant 0 : i32
      %ne3A_468 = arith.cmpi ne, %rem3A_466, %ne3A_467 : i32
      %lt3A_469 = arith.constant 0 : i32
      %lt3A_470 = arith.cmpi slt, %rem3A_466, %lt3A_469 : i32
      %lt3A_471 = arith.constant 0 : i32
      %lt3A_472 = arith.cmpi slt, %select_n3A_465, %lt3A_471 : i32
      %ne3A_473 = arith.xori %lt3A_470, %lt3A_472 : i1
      %and3A_474 = arith.andi %ne3A_473, %ne3A_468 : i1
      %add3A_475 = arith.addi %rem3A_466, %select_n3A_465 : i32
      %select_n3A_476 = arith.select %and3A_474, %add3A_475, %rem3A_466 : i32
      %mul3A_477 = arith.constant 16 : i32
      %mul3A_478 = arith.muli %select_n3A_476, %mul3A_477 : i32
      %jit3A_479 = arith.constant 16 : i32
      %eq3A_480 = arith.constant 0 : i32
      %eq3A_481 = arith.cmpi eq, %jit3A_479, %eq3A_480 : i32
      %jit3A_482 = arith.constant 1 : i32
      %select_n3A_483 = arith.select %eq3A_481, %jit3A_482, %jit3A_479 : i32
      %rem3A_484 = arith.remsi %add3A_299, %select_n3A_483 : i32
      %ne3A_485 = arith.constant 0 : i32
      %ne3A_486 = arith.cmpi ne, %rem3A_484, %ne3A_485 : i32
      %lt3A_487 = arith.constant 0 : i32
      %lt3A_488 = arith.cmpi slt, %rem3A_484, %lt3A_487 : i32
      %lt3A_489 = arith.constant 0 : i32
      %lt3A_490 = arith.cmpi slt, %select_n3A_483, %lt3A_489 : i32
      %ne3A_491 = arith.xori %lt3A_488, %lt3A_490 : i1
      %and3A_492 = arith.andi %ne3A_491, %ne3A_486 : i1
      %add3A_493 = arith.addi %rem3A_484, %select_n3A_483 : i32
      %select_n3A_494 = arith.select %and3A_492, %add3A_493, %rem3A_484 : i32
      %add3A_495 = arith.addi %mul3A_478, %select_n3A_494 : i32
      %dma_start3A_496 = arith.constant 0 : i32
      %dma_start3A_497 = tpu.memref_slice %arg10[%add3A_495, %dma_start3A_496] : memref<32x125xi32, #tpu.memory_space<vmem>> -> memref<1x125xi32, #tpu.memory_space<vmem>>
      %dma_start3A_498 = tpu.memref_squeeze %dma_start3A_497 : memref<1x125xi32, #tpu.memory_space<vmem>> -> memref<125xi32, #tpu.memory_space<vmem>>
      %dma_start3A_499 = arith.constant 0 : i32
      %dma_start3A_500 = arith.constant 0 : i32
      %dma_start3A_501 = tpu.memref_slice %arg8[%dma_start3A_499, %dma_start3A_500] : memref<10240x128xf32, #tpu.memory_space<vmem_shared>> -> memref<10240x128xf32, #tpu.memory_space<vmem_shared>>
      tpu.enqueue_indirect_dma source(%arg12 : memref<125x128xf32, #tpu.memory_space<vmem>>) target(%dma_start3A_501 : memref<10240x128xf32, #tpu.memory_space<vmem_shared>>) offsets(%dma_start3A_498 : memref<125xi32, #tpu.memory_space<vmem>>) semaphore(%arg16 : memref<!tpu.dma_semaphore, #tpu.memory_space<semaphore_mem>>) {add = true}
      %ge3A_502 = arith.constant 1 : i32
      %ge3A_503 = arith.cmpi sge, %add3A_299, %ge3A_502 : i32
      %not3A_504 = arith.constant true
      %not3A_505 = arith.xori %eq3A_317, %not3A_504 : i1
      %and3A_506 = arith.andi %ge3A_503, %not3A_505 : i1
      %convert_element_type3A_507 = arith.extui %and3A_506 : i1 to i32
      %cond3A_508 = arith.constant 0 : i32
      %cond3A_509 = arith.cmpi ne, %convert_element_type3A_507, %cond3A_508 : i32
      scf.if %cond3A_509 {
        %sub3A_517 = arith.constant 1 : i32
        %sub3A_518 = arith.subi %add3A_299, %sub3A_517 : i32
        %jit3A_519 = arith.constant 16 : i32
        %div3A_520 = arith.divsi %sub3A_518, %jit3A_519 : i32
        %sign3A_521 = arith.constant 0 : i32
        %sign3A_522 = arith.cmpi sgt, %sub3A_518, %sign3A_521 : i32
        %sign3A_523 = arith.extui %sign3A_522 : i1 to i32
        %sign3A_524 = arith.constant 0 : i32
        %sign3A_525 = arith.cmpi slt, %sub3A_518, %sign3A_524 : i32
        %sign3A_526 = arith.extui %sign3A_525 : i1 to i32
        %sign3A_527 = arith.subi %sign3A_523, %sign3A_526 : i32
        %sign3A_528 = arith.constant 0 : i32
        %sign3A_529 = arith.cmpi sgt, %jit3A_519, %sign3A_528 : i32
        %sign3A_530 = arith.extui %sign3A_529 : i1 to i32
        %sign3A_531 = arith.constant 0 : i32
        %sign3A_532 = arith.cmpi slt, %jit3A_519, %sign3A_531 : i32
        %sign3A_533 = arith.extui %sign3A_532 : i1 to i32
        %sign3A_534 = arith.subi %sign3A_530, %sign3A_533 : i32
        %ne3A_535 = arith.cmpi ne, %sign3A_527, %sign3A_534 : i32
        %rem3A_536 = arith.remsi %sub3A_518, %jit3A_519 : i32
        %ne3A_537 = arith.constant 0 : i32
        %ne3A_538 = arith.cmpi ne, %rem3A_536, %ne3A_537 : i32
        %and3A_539 = arith.andi %ne3A_535, %ne3A_538 : i1
        %sub3A_540 = arith.constant 1 : i32
        %sub3A_541 = arith.subi %div3A_520, %sub3A_540 : i32
        %select_n3A_542 = arith.select %and3A_539, %sub3A_541, %div3A_520 : i32
        %jit3A_543 = arith.constant 2 : i32
        %eq3A_544 = arith.constant 0 : i32
        %eq3A_545 = arith.cmpi eq, %jit3A_543, %eq3A_544 : i32
        %jit3A_546 = arith.constant 1 : i32
        %select_n3A_547 = arith.select %eq3A_545, %jit3A_546, %jit3A_543 : i32
        %rem3A_548 = arith.remsi %select_n3A_542, %select_n3A_547 : i32
        %ne3A_549 = arith.constant 0 : i32
        %ne3A_550 = arith.cmpi ne, %rem3A_548, %ne3A_549 : i32
        %lt3A_551 = arith.constant 0 : i32
        %lt3A_552 = arith.cmpi slt, %rem3A_548, %lt3A_551 : i32
        %lt3A_553 = arith.constant 0 : i32
        %lt3A_554 = arith.cmpi slt, %select_n3A_547, %lt3A_553 : i32
        %ne3A_555 = arith.xori %lt3A_552, %lt3A_554 : i1
        %and3A_556 = arith.andi %ne3A_555, %ne3A_550 : i1
        %add3A_557 = arith.addi %rem3A_548, %select_n3A_547 : i32
        %select_n3A_558 = arith.select %and3A_556, %add3A_557, %rem3A_548 : i32
        %mul3A_559 = arith.constant 16 : i32
        %mul3A_560 = arith.muli %select_n3A_558, %mul3A_559 : i32
        %jit3A_561 = arith.constant 16 : i32
        %eq3A_562 = arith.constant 0 : i32
        %eq3A_563 = arith.cmpi eq, %jit3A_561, %eq3A_562 : i32
        %jit3A_564 = arith.constant 1 : i32
        %select_n3A_565 = arith.select %eq3A_563, %jit3A_564, %jit3A_561 : i32
        %rem3A_566 = arith.remsi %sub3A_518, %select_n3A_565 : i32
        %ne3A_567 = arith.constant 0 : i32
        %ne3A_568 = arith.cmpi ne, %rem3A_566, %ne3A_567 : i32
        %lt3A_569 = arith.constant 0 : i32
        %lt3A_570 = arith.cmpi slt, %rem3A_566, %lt3A_569 : i32
        %lt3A_571 = arith.constant 0 : i32
        %lt3A_572 = arith.cmpi slt, %select_n3A_565, %lt3A_571 : i32
        %ne3A_573 = arith.xori %lt3A_570, %lt3A_572 : i1
        %and3A_574 = arith.andi %ne3A_573, %ne3A_568 : i1
        %add3A_575 = arith.addi %rem3A_566, %select_n3A_565 : i32
        %select_n3A_576 = arith.select %and3A_574, %add3A_575, %rem3A_566 : i32
        %add3A_577 = arith.addi %mul3A_560, %select_n3A_576 : i32
        %dma_wait3A_578 = arith.constant 0 : i32
        %dma_wait3A_579 = tpu.memref_slice %arg10[%add3A_577, %dma_wait3A_578] : memref<32x125xi32, #tpu.memory_space<vmem>> -> memref<1x125xi32, #tpu.memory_space<vmem>>
        %dma_wait3A_580 = tpu.memref_squeeze %dma_wait3A_579 : memref<1x125xi32, #tpu.memory_space<vmem>> -> memref<125xi32, #tpu.memory_space<vmem>>
        %dma_wait3A_581 = arith.constant 0 : i32
        %dma_wait3A_582 = arith.constant 0 : i32
        %dma_wait3A_583 = tpu.memref_slice %arg8[%dma_wait3A_581, %dma_wait3A_582] : memref<10240x128xf32, #tpu.memory_space<vmem_shared>> -> memref<10240x128xf32, #tpu.memory_space<vmem_shared>>
        tpu.wait_indirect_dma semaphore(%arg15 : memref<!tpu.dma_semaphore, #tpu.memory_space<semaphore_mem>>) src(%arg11 : memref<125x128xf32, #tpu.memory_space<vmem>>) dst(%dma_wait3A_583 : memref<10240x128xf32, #tpu.memory_space<vmem_shared>>)
      } else {
      }
      %add3A_510 = arith.constant 1 : i32
      %add3A_511 = arith.addi %add3A_299, %add3A_510 : i32
      %lt3A_512 = arith.constant 160 : i32
      %lt3A_513 = arith.cmpi slt, %add3A_511, %lt3A_512 : i32
      %convert_element_type3A_514 = arith.extui %lt3A_513 : i1 to i32
      %cond3A_515 = arith.constant 0 : i32
      %cond3A_516 = arith.cmpi ne, %convert_element_type3A_514, %cond3A_515 : i32
      scf.if %cond3A_516 {
        %add3A_517 = arith.constant 1 : i32
        %add3A_518 = arith.addi %add3A_299, %add3A_517 : i32
        %jit3A_519 = arith.constant 16 : i32
        %eq3A_520 = arith.constant 0 : i32
        %eq3A_521 = arith.cmpi eq, %jit3A_519, %eq3A_520 : i32
        %jit3A_522 = arith.constant 1 : i32
        %select_n3A_523 = arith.select %eq3A_521, %jit3A_522, %jit3A_519 : i32
        %rem3A_524 = arith.remsi %add3A_518, %select_n3A_523 : i32
        %ne3A_525 = arith.constant 0 : i32
        %ne3A_526 = arith.cmpi ne, %rem3A_524, %ne3A_525 : i32
        %lt3A_527 = arith.constant 0 : i32
        %lt3A_528 = arith.cmpi slt, %rem3A_524, %lt3A_527 : i32
        %lt3A_529 = arith.constant 0 : i32
        %lt3A_530 = arith.cmpi slt, %select_n3A_523, %lt3A_529 : i32
        %ne3A_531 = arith.xori %lt3A_528, %lt3A_530 : i1
        %and3A_532 = arith.andi %ne3A_531, %ne3A_526 : i1
        %add3A_533 = arith.addi %rem3A_524, %select_n3A_523 : i32
        %select_n3A_534 = arith.select %and3A_532, %add3A_533, %rem3A_524 : i32
        %eq3A_535 = arith.constant 0 : i32
        %eq3A_536 = arith.cmpi eq, %select_n3A_534, %eq3A_535 : i32
        %convert_element_type3A_537 = arith.extui %eq3A_536 : i1 to i32
        %cond3A_538 = arith.constant 0 : i32
        %cond3A_539 = arith.cmpi ne, %convert_element_type3A_537, %cond3A_538 : i32
        scf.if %cond3A_539 {
          %add3A_611 = arith.constant 1 : i32
          %add3A_612 = arith.addi %add3A_299, %add3A_611 : i32
          %jit3A_613 = arith.constant 16 : i32
          %div3A_614 = arith.divsi %add3A_612, %jit3A_613 : i32
          %sign3A_615 = arith.constant 0 : i32
          %sign3A_616 = arith.cmpi sgt, %add3A_612, %sign3A_615 : i32
          %sign3A_617 = arith.extui %sign3A_616 : i1 to i32
          %sign3A_618 = arith.constant 0 : i32
          %sign3A_619 = arith.cmpi slt, %add3A_612, %sign3A_618 : i32
          %sign3A_620 = arith.extui %sign3A_619 : i1 to i32
          %sign3A_621 = arith.subi %sign3A_617, %sign3A_620 : i32
          %sign3A_622 = arith.constant 0 : i32
          %sign3A_623 = arith.cmpi sgt, %jit3A_613, %sign3A_622 : i32
          %sign3A_624 = arith.extui %sign3A_623 : i1 to i32
          %sign3A_625 = arith.constant 0 : i32
          %sign3A_626 = arith.cmpi slt, %jit3A_613, %sign3A_625 : i32
          %sign3A_627 = arith.extui %sign3A_626 : i1 to i32
          %sign3A_628 = arith.subi %sign3A_624, %sign3A_627 : i32
          %ne3A_629 = arith.cmpi ne, %sign3A_621, %sign3A_628 : i32
          %rem3A_630 = arith.remsi %add3A_612, %jit3A_613 : i32
          %ne3A_631 = arith.constant 0 : i32
          %ne3A_632 = arith.cmpi ne, %rem3A_630, %ne3A_631 : i32
          %and3A_633 = arith.andi %ne3A_629, %ne3A_632 : i1
          %sub3A_634 = arith.constant 1 : i32
          %sub3A_635 = arith.subi %div3A_614, %sub3A_634 : i32
          %select_n3A_636 = arith.select %and3A_633, %sub3A_635, %div3A_614 : i32
          %jit3A_637 = arith.constant 2 : i32
          %eq3A_638 = arith.constant 0 : i32
          %eq3A_639 = arith.cmpi eq, %jit3A_637, %eq3A_638 : i32
          %jit3A_640 = arith.constant 1 : i32
          %select_n3A_641 = arith.select %eq3A_639, %jit3A_640, %jit3A_637 : i32
          %rem3A_642 = arith.remsi %select_n3A_636, %select_n3A_641 : i32
          %ne3A_643 = arith.constant 0 : i32
          %ne3A_644 = arith.cmpi ne, %rem3A_642, %ne3A_643 : i32
          %lt3A_645 = arith.constant 0 : i32
          %lt3A_646 = arith.cmpi slt, %rem3A_642, %lt3A_645 : i32
          %lt3A_647 = arith.constant 0 : i32
          %lt3A_648 = arith.cmpi slt, %select_n3A_641, %lt3A_647 : i32
          %ne3A_649 = arith.xori %lt3A_646, %lt3A_648 : i1
          %and3A_650 = arith.andi %ne3A_649, %ne3A_644 : i1
          %add3A_651 = arith.addi %rem3A_642, %select_n3A_641 : i32
          %select_n3A_652 = arith.select %and3A_650, %add3A_651, %rem3A_642 : i32
          %mul3A_653 = arith.constant 16 : i32
          %mul3A_654 = arith.muli %select_n3A_652, %mul3A_653 : i32
          %dma_wait3A_655 = arith.constant 0 : i32
          %dma_wait3A_656 = tpu.memref_slice %arg9[%mul3A_654, %dma_wait3A_655] : memref<32x125xi32, #tpu.memory_space<vmem>> -> memref<16x125xi32, #tpu.memory_space<vmem>>
          %dma_wait3A_657 = arith.constant 0 : i32
          %dma_wait3A_658 = tpu.memref_slice %arg4[%mul3A_2, %dma_wait3A_657] : memref<2560x125xi32, #tpu.memory_space<hbm>> -> memref<16x125xi32, #tpu.memory_space<hbm>>
          %dma_wait3A_659 = arith.constant 0 : i32
          %dma_wait3A_660 = tpu.memref_slice %arg9[%mul3A_654, %dma_wait3A_659] : memref<32x125xi32, #tpu.memory_space<vmem>> -> memref<16x125xi32, #tpu.memory_space<vmem>>
          %dma_wait3A_661 = arith.constant 0 : i32
          %dma_wait3A_662 = tpu.memref_slice %arg4[%mul3A_2, %dma_wait3A_661] : memref<2560x125xi32, #tpu.memory_space<hbm>> -> memref<16x125xi32, #tpu.memory_space<hbm>>
          tpu.wait_dma2 semaphore(%arg17 : memref<!tpu.dma_semaphore, #tpu.memory_space<semaphore_mem>>) src(%dma_wait3A_662 : memref<16x125xi32, #tpu.memory_space<hbm>>) dst(%dma_wait3A_660 : memref<16x125xi32, #tpu.memory_space<vmem>>)
          %dma_wait3A_663 = arith.constant 0 : i32
          %dma_wait3A_664 = tpu.memref_slice %arg10[%mul3A_654, %dma_wait3A_663] : memref<32x125xi32, #tpu.memory_space<vmem>> -> memref<16x125xi32, #tpu.memory_space<vmem>>
          %dma_wait3A_665 = arith.constant 0 : i32
          %dma_wait3A_666 = tpu.memref_slice %arg5[%mul3A_2, %dma_wait3A_665] : memref<2560x125xi32, #tpu.memory_space<hbm>> -> memref<16x125xi32, #tpu.memory_space<hbm>>
          %dma_wait3A_667 = arith.constant 0 : i32
          %dma_wait3A_668 = tpu.memref_slice %arg10[%mul3A_654, %dma_wait3A_667] : memref<32x125xi32, #tpu.memory_space<vmem>> -> memref<16x125xi32, #tpu.memory_space<vmem>>
          %dma_wait3A_669 = arith.constant 0 : i32
          %dma_wait3A_670 = tpu.memref_slice %arg5[%mul3A_2, %dma_wait3A_669] : memref<2560x125xi32, #tpu.memory_space<hbm>> -> memref<16x125xi32, #tpu.memory_space<hbm>>
          tpu.wait_dma2 semaphore(%arg17 : memref<!tpu.dma_semaphore, #tpu.memory_space<semaphore_mem>>) src(%dma_wait3A_670 : memref<16x125xi32, #tpu.memory_space<hbm>>) dst(%dma_wait3A_668 : memref<16x125xi32, #tpu.memory_space<vmem>>)
        } else {
        }
        %add3A_540 = arith.constant 1 : i32
        %add3A_541 = arith.addi %add3A_299, %add3A_540 : i32
        %jit3A_542 = arith.constant 16 : i32
        %div3A_543 = arith.divsi %add3A_541, %jit3A_542 : i32
        %sign3A_544 = arith.constant 0 : i32
        %sign3A_545 = arith.cmpi sgt, %add3A_541, %sign3A_544 : i32
        %sign3A_546 = arith.extui %sign3A_545 : i1 to i32
        %sign3A_547 = arith.constant 0 : i32
        %sign3A_548 = arith.cmpi slt, %add3A_541, %sign3A_547 : i32
        %sign3A_549 = arith.extui %sign3A_548 : i1 to i32
        %sign3A_550 = arith.subi %sign3A_546, %sign3A_549 : i32
        %sign3A_551 = arith.constant 0 : i32
        %sign3A_552 = arith.cmpi sgt, %jit3A_542, %sign3A_551 : i32
        %sign3A_553 = arith.extui %sign3A_552 : i1 to i32
        %sign3A_554 = arith.constant 0 : i32
        %sign3A_555 = arith.cmpi slt, %jit3A_542, %sign3A_554 : i32
        %sign3A_556 = arith.extui %sign3A_555 : i1 to i32
        %sign3A_557 = arith.subi %sign3A_553, %sign3A_556 : i32
        %ne3A_558 = arith.cmpi ne, %sign3A_550, %sign3A_557 : i32
        %rem3A_559 = arith.remsi %add3A_541, %jit3A_542 : i32
        %ne3A_560 = arith.constant 0 : i32
        %ne3A_561 = arith.cmpi ne, %rem3A_559, %ne3A_560 : i32
        %and3A_562 = arith.andi %ne3A_558, %ne3A_561 : i1
        %sub3A_563 = arith.constant 1 : i32
        %sub3A_564 = arith.subi %div3A_543, %sub3A_563 : i32
        %select_n3A_565 = arith.select %and3A_562, %sub3A_564, %div3A_543 : i32
        %jit3A_566 = arith.constant 2 : i32
        %eq3A_567 = arith.constant 0 : i32
        %eq3A_568 = arith.cmpi eq, %jit3A_566, %eq3A_567 : i32
        %jit3A_569 = arith.constant 1 : i32
        %select_n3A_570 = arith.select %eq3A_568, %jit3A_569, %jit3A_566 : i32
        %rem3A_571 = arith.remsi %select_n3A_565, %select_n3A_570 : i32
        %ne3A_572 = arith.constant 0 : i32
        %ne3A_573 = arith.cmpi ne, %rem3A_571, %ne3A_572 : i32
        %lt3A_574 = arith.constant 0 : i32
        %lt3A_575 = arith.cmpi slt, %rem3A_571, %lt3A_574 : i32
        %lt3A_576 = arith.constant 0 : i32
        %lt3A_577 = arith.cmpi slt, %select_n3A_570, %lt3A_576 : i32
        %ne3A_578 = arith.xori %lt3A_575, %lt3A_577 : i1
        %and3A_579 = arith.andi %ne3A_578, %ne3A_573 : i1
        %add3A_580 = arith.addi %rem3A_571, %select_n3A_570 : i32
        %select_n3A_581 = arith.select %and3A_579, %add3A_580, %rem3A_571 : i32
        %mul3A_582 = arith.constant 16 : i32
        %mul3A_583 = arith.muli %select_n3A_581, %mul3A_582 : i32
        %jit3A_584 = arith.constant 16 : i32
        %eq3A_585 = arith.constant 0 : i32
        %eq3A_586 = arith.cmpi eq, %jit3A_584, %eq3A_585 : i32
        %jit3A_587 = arith.constant 1 : i32
        %select_n3A_588 = arith.select %eq3A_586, %jit3A_587, %jit3A_584 : i32
        %rem3A_589 = arith.remsi %add3A_541, %select_n3A_588 : i32
        %ne3A_590 = arith.constant 0 : i32
        %ne3A_591 = arith.cmpi ne, %rem3A_589, %ne3A_590 : i32
        %lt3A_592 = arith.constant 0 : i32
        %lt3A_593 = arith.cmpi slt, %rem3A_589, %lt3A_592 : i32
        %lt3A_594 = arith.constant 0 : i32
        %lt3A_595 = arith.cmpi slt, %select_n3A_588, %lt3A_594 : i32
        %ne3A_596 = arith.xori %lt3A_593, %lt3A_595 : i1
        %and3A_597 = arith.andi %ne3A_596, %ne3A_591 : i1
        %add3A_598 = arith.addi %rem3A_589, %select_n3A_588 : i32
        %select_n3A_599 = arith.select %and3A_597, %add3A_598, %rem3A_589 : i32
        %add3A_600 = arith.addi %mul3A_583, %select_n3A_599 : i32
        %eq3A_601 = arith.constant 0 : i32
        %eq3A_602 = arith.cmpi eq, %arg0, %eq3A_601 : i32
        %convert_element_type3A_603 = arith.extui %eq3A_602 : i1 to i32
        %cond3A_604 = arith.constant 0 : i32
        %cond3A_605 = arith.cmpi ne, %convert_element_type3A_603, %cond3A_604 : i32
        scf.if %cond3A_605 {
          %dma_start3A_611 = arith.constant 0 : i32
          %dma_start3A_612 = arith.constant 0 : i32
          %dma_start3A_613 = tpu.memref_slice %arg11[%dma_start3A_611, %dma_start3A_612] : memref<125x128xf32, #tpu.memory_space<vmem>> -> memref<64x128xf32, #tpu.memory_space<vmem>>
          %dma_start3A_614 = arith.constant 0 : i32
          %dma_start3A_615 = tpu.memref_slice %arg9[%add3A_600, %dma_start3A_614] : memref<32x125xi32, #tpu.memory_space<vmem>> -> memref<1x125xi32, #tpu.memory_space<vmem>>
          %dma_start3A_616 = tpu.memref_squeeze %dma_start3A_615 : memref<1x125xi32, #tpu.memory_space<vmem>> -> memref<125xi32, #tpu.memory_space<vmem>>
          %dma_start3A_617 = arith.constant 0 : i32
          %dma_start3A_618 = tpu.memref_slice %dma_start3A_616[%dma_start3A_617] : memref<125xi32, #tpu.memory_space<vmem>> -> memref<64xi32, #tpu.memory_space<vmem>>
          %dma_start3A_619 = arith.constant 0 : i32
          %dma_start3A_620 = arith.constant 0 : i32
          %dma_start3A_621 = tpu.memref_slice %arg2[%dma_start3A_619, %dma_start3A_620] : memref<10240x128xf32, #tpu.memory_space<hbm>> -> memref<10240x128xf32, #tpu.memory_space<hbm>>
          tpu.enqueue_indirect_dma source(%dma_start3A_621 : memref<10240x128xf32, #tpu.memory_space<hbm>>) target(%dma_start3A_613 : memref<64x128xf32, #tpu.memory_space<vmem>>) offsets(%dma_start3A_618 : memref<64xi32, #tpu.memory_space<vmem>>) semaphore(%arg13 : memref<!tpu.dma_semaphore, #tpu.memory_space<semaphore_mem>>)
          %dma_start3A_622 = arith.constant 64 : i32
          %dma_start3A_623 = arith.constant 0 : i32
          %dma_start3A_624 = tpu.memref_slice %arg11[%dma_start3A_622, %dma_start3A_623] : memref<125x128xf32, #tpu.memory_space<vmem>> -> memref<61x128xf32, #tpu.memory_space<vmem>>
          %dma_start3A_625 = arith.constant 0 : i32
          %dma_start3A_626 = tpu.memref_slice %arg9[%add3A_600, %dma_start3A_625] : memref<32x125xi32, #tpu.memory_space<vmem>> -> memref<1x125xi32, #tpu.memory_space<vmem>>
          %dma_start3A_627 = tpu.memref_squeeze %dma_start3A_626 : memref<1x125xi32, #tpu.memory_space<vmem>> -> memref<125xi32, #tpu.memory_space<vmem>>
          %dma_start3A_628 = arith.constant 64 : i32
          %dma_start3A_629 = tpu.memref_slice %dma_start3A_627[%dma_start3A_628] : memref<125xi32, #tpu.memory_space<vmem>> -> memref<61xi32, #tpu.memory_space<vmem>>
          %dma_start3A_630 = arith.constant 0 : i32
          %dma_start3A_631 = arith.constant 0 : i32
          %dma_start3A_632 = tpu.memref_slice %arg2[%dma_start3A_630, %dma_start3A_631] : memref<10240x128xf32, #tpu.memory_space<hbm>> -> memref<10240x128xf32, #tpu.memory_space<hbm>>
          tpu.enqueue_indirect_dma source(%dma_start3A_632 : memref<10240x128xf32, #tpu.memory_space<hbm>>) target(%dma_start3A_624 : memref<61x128xf32, #tpu.memory_space<vmem>>) offsets(%dma_start3A_629 : memref<61xi32, #tpu.memory_space<vmem>>) semaphore(%arg13 : memref<!tpu.dma_semaphore, #tpu.memory_space<semaphore_mem>>)
        } else {
        }
        %eq3A_606 = arith.constant 1 : i32
        %eq3A_607 = arith.cmpi eq, %arg0, %eq3A_606 : i32
        %convert_element_type3A_608 = arith.extui %eq3A_607 : i1 to i32
        %cond3A_609 = arith.constant 0 : i32
        %cond3A_610 = arith.cmpi ne, %convert_element_type3A_608, %cond3A_609 : i32
        scf.if %cond3A_610 {
          %dma_start3A_611 = arith.constant 0 : i32
          %dma_start3A_612 = arith.constant 0 : i32
          %dma_start3A_613 = tpu.memref_slice %arg11[%dma_start3A_611, %dma_start3A_612] : memref<125x128xf32, #tpu.memory_space<vmem>> -> memref<64x128xf32, #tpu.memory_space<vmem>>
          %dma_start3A_614 = arith.constant 0 : i32
          %dma_start3A_615 = tpu.memref_slice %arg9[%add3A_600, %dma_start3A_614] : memref<32x125xi32, #tpu.memory_space<vmem>> -> memref<1x125xi32, #tpu.memory_space<vmem>>
          %dma_start3A_616 = tpu.memref_squeeze %dma_start3A_615 : memref<1x125xi32, #tpu.memory_space<vmem>> -> memref<125xi32, #tpu.memory_space<vmem>>
          %dma_start3A_617 = arith.constant 0 : i32
          %dma_start3A_618 = tpu.memref_slice %dma_start3A_616[%dma_start3A_617] : memref<125xi32, #tpu.memory_space<vmem>> -> memref<64xi32, #tpu.memory_space<vmem>>
          %dma_start3A_619 = arith.constant 0 : i32
          %dma_start3A_620 = arith.constant 0 : i32
          %dma_start3A_621 = tpu.memref_slice %arg3[%dma_start3A_619, %dma_start3A_620] : memref<10240x128xf32, #tpu.memory_space<hbm>> -> memref<10240x128xf32, #tpu.memory_space<hbm>>
          tpu.enqueue_indirect_dma source(%dma_start3A_621 : memref<10240x128xf32, #tpu.memory_space<hbm>>) target(%dma_start3A_613 : memref<64x128xf32, #tpu.memory_space<vmem>>) offsets(%dma_start3A_618 : memref<64xi32, #tpu.memory_space<vmem>>) semaphore(%arg13 : memref<!tpu.dma_semaphore, #tpu.memory_space<semaphore_mem>>)
          %dma_start3A_622 = arith.constant 64 : i32
          %dma_start3A_623 = arith.constant 0 : i32
          %dma_start3A_624 = tpu.memref_slice %arg11[%dma_start3A_622, %dma_start3A_623] : memref<125x128xf32, #tpu.memory_space<vmem>> -> memref<61x128xf32, #tpu.memory_space<vmem>>
          %dma_start3A_625 = arith.constant 0 : i32
          %dma_start3A_626 = tpu.memref_slice %arg9[%add3A_600, %dma_start3A_625] : memref<32x125xi32, #tpu.memory_space<vmem>> -> memref<1x125xi32, #tpu.memory_space<vmem>>
          %dma_start3A_627 = tpu.memref_squeeze %dma_start3A_626 : memref<1x125xi32, #tpu.memory_space<vmem>> -> memref<125xi32, #tpu.memory_space<vmem>>
          %dma_start3A_628 = arith.constant 64 : i32
          %dma_start3A_629 = tpu.memref_slice %dma_start3A_627[%dma_start3A_628] : memref<125xi32, #tpu.memory_space<vmem>> -> memref<61xi32, #tpu.memory_space<vmem>>
          %dma_start3A_630 = arith.constant 0 : i32
          %dma_start3A_631 = arith.constant 0 : i32
          %dma_start3A_632 = tpu.memref_slice %arg3[%dma_start3A_630, %dma_start3A_631] : memref<10240x128xf32, #tpu.memory_space<hbm>> -> memref<10240x128xf32, #tpu.memory_space<hbm>>
          tpu.enqueue_indirect_dma source(%dma_start3A_632 : memref<10240x128xf32, #tpu.memory_space<hbm>>) target(%dma_start3A_624 : memref<61x128xf32, #tpu.memory_space<vmem>>) offsets(%dma_start3A_629 : memref<61xi32, #tpu.memory_space<vmem>>) semaphore(%arg13 : memref<!tpu.dma_semaphore, #tpu.memory_space<semaphore_mem>>)
        } else {
        }
      } else {
      }
    }
    %scan3A_66 = arith.constant 80 : i32
    %dma_wait3A_67 = arith.constant 31 : i32
    %dma_wait3A_68 = arith.constant 0 : i32
    %dma_wait3A_69 = tpu.memref_slice %arg10[%dma_wait3A_67, %dma_wait3A_68] : memref<32x125xi32, #tpu.memory_space<vmem>> -> memref<1x125xi32, #tpu.memory_space<vmem>>
    %dma_wait3A_70 = tpu.memref_squeeze %dma_wait3A_69 : memref<1x125xi32, #tpu.memory_space<vmem>> -> memref<125xi32, #tpu.memory_space<vmem>>
    %dma_wait3A_71 = arith.constant 0 : i32
    %dma_wait3A_72 = arith.constant 0 : i32
    %dma_wait3A_73 = tpu.memref_slice %arg8[%dma_wait3A_71, %dma_wait3A_72] : memref<10240x128xf32, #tpu.memory_space<vmem_shared>> -> memref<10240x128xf32, #tpu.memory_space<vmem_shared>>
    tpu.wait_indirect_dma semaphore(%arg16 : memref<!tpu.dma_semaphore, #tpu.memory_space<semaphore_mem>>) src(%arg12 : memref<125x128xf32, #tpu.memory_space<vmem>>) dst(%dma_wait3A_73 : memref<10240x128xf32, #tpu.memory_space<vmem_shared>>)
    %barrier3A_74 = arith.constant 0 : index
    tpu.barrier barrier_id(%barrier3A_74)
    %eq3A_75 = arith.constant 0 : i32
    %eq3A_76 = arith.cmpi eq, %arg0, %eq3A_75 : i32
    %convert_element_type3A_77 = arith.extui %eq3A_76 : i1 to i32
    %cond3A_78 = arith.constant 0 : i32
    %cond3A_79 = arith.cmpi ne, %convert_element_type3A_77, %cond3A_78 : i32
    scf.if %cond3A_79 {
      "tpu.region"() ({
        %run_scoped3A = tpu.sem_alloc : memref<!tpu.dma_semaphore, #tpu.memory_space<semaphore_mem>>
        %dma_start3A_85 = arith.constant 0 : i32
        %dma_start3A_86 = tpu.memref_slice %arg6[%multiple_of3A, %dma_start3A_85] : memref<10240x128xf32, #tpu.memory_space<hbm>> -> memref<640x128xf32, #tpu.memory_space<hbm>>
        %dma_start3A_87 = arith.constant 0 : i32
        %dma_start3A_88 = tpu.memref_slice %arg8[%multiple_of3A, %dma_start3A_87] : memref<10240x128xf32, #tpu.memory_space<vmem_shared>> -> memref<640x128xf32, #tpu.memory_space<vmem_shared>>
        tpu.enqueue_dma source(%dma_start3A_88 : memref<640x128xf32, #tpu.memory_space<vmem_shared>>) target(%dma_start3A_86 : memref<640x128xf32, #tpu.memory_space<hbm>>) target_semaphore(%run_scoped3A : memref<!tpu.dma_semaphore, #tpu.memory_space<semaphore_mem>>)
        %dma_wait3A_89 = arith.constant 0 : i32
        %dma_wait3A_90 = tpu.memref_slice %arg6[%multiple_of3A, %dma_wait3A_89] : memref<10240x128xf32, #tpu.memory_space<hbm>> -> memref<640x128xf32, #tpu.memory_space<hbm>>
        %dma_wait3A_91 = arith.constant 0 : i32
        %dma_wait3A_92 = tpu.memref_slice %arg8[%multiple_of3A, %dma_wait3A_91] : memref<10240x128xf32, #tpu.memory_space<vmem_shared>> -> memref<640x128xf32, #tpu.memory_space<vmem_shared>>
        tpu.wait_dma2 semaphore(%run_scoped3A : memref<!tpu.dma_semaphore, #tpu.memory_space<semaphore_mem>>) src(%dma_wait3A_92 : memref<640x128xf32, #tpu.memory_space<vmem_shared>>) dst(%dma_wait3A_90 : memref<640x128xf32, #tpu.memory_space<hbm>>)
        tpu.yield
      }) : () -> ()
    } else {
    }
    %eq3A_80 = arith.constant 1 : i32
    %eq3A_81 = arith.cmpi eq, %arg0, %eq3A_80 : i32
    %convert_element_type3A_82 = arith.extui %eq3A_81 : i1 to i32
    %cond3A_83 = arith.constant 0 : i32
    %cond3A_84 = arith.cmpi ne, %convert_element_type3A_82, %cond3A_83 : i32
    scf.if %cond3A_84 {
      "tpu.region"() ({
        %run_scoped3A = tpu.sem_alloc : memref<!tpu.dma_semaphore, #tpu.memory_space<semaphore_mem>>
        %dma_start3A_85 = arith.constant 0 : i32
        %dma_start3A_86 = tpu.memref_slice %arg7[%multiple_of3A, %dma_start3A_85] : memref<10240x128xf32, #tpu.memory_space<hbm>> -> memref<640x128xf32, #tpu.memory_space<hbm>>
        %dma_start3A_87 = arith.constant 0 : i32
        %dma_start3A_88 = tpu.memref_slice %arg8[%multiple_of3A, %dma_start3A_87] : memref<10240x128xf32, #tpu.memory_space<vmem_shared>> -> memref<640x128xf32, #tpu.memory_space<vmem_shared>>
        tpu.enqueue_dma source(%dma_start3A_88 : memref<640x128xf32, #tpu.memory_space<vmem_shared>>) target(%dma_start3A_86 : memref<640x128xf32, #tpu.memory_space<hbm>>) target_semaphore(%run_scoped3A : memref<!tpu.dma_semaphore, #tpu.memory_space<semaphore_mem>>)
        %dma_wait3A_89 = arith.constant 0 : i32
        %dma_wait3A_90 = tpu.memref_slice %arg7[%multiple_of3A, %dma_wait3A_89] : memref<10240x128xf32, #tpu.memory_space<hbm>> -> memref<640x128xf32, #tpu.memory_space<hbm>>
        %dma_wait3A_91 = arith.constant 0 : i32
        %dma_wait3A_92 = tpu.memref_slice %arg8[%multiple_of3A, %dma_wait3A_91] : memref<10240x128xf32, #tpu.memory_space<vmem_shared>> -> memref<640x128xf32, #tpu.memory_space<vmem_shared>>
        tpu.wait_dma2 semaphore(%run_scoped3A : memref<!tpu.dma_semaphore, #tpu.memory_space<semaphore_mem>>) src(%dma_wait3A_92 : memref<640x128xf32, #tpu.memory_space<vmem_shared>>) dst(%dma_wait3A_90 : memref<640x128xf32, #tpu.memory_space<hbm>>)
        tpu.yield
      }) : () -> ()
    } else {
    }
    return
  }
}

module attributes {stable_mosaic.version = 14 : i64} {
  func.func @_l1_body(%arg0: i32, %arg1: memref<1000x128xf32, #tpu.memory_space<vmem>>, %arg2: memref<128x256xf32, #tpu.memory_space<vmem>>, %arg3: memref<1000x16xf32, #tpu.memory_space<vmem>>, %arg4: memref<1000x16xf32, #tpu.memory_space<vmem>>, %arg5: memref<1000x128xf32, #tpu.memory_space<vmem>>, %arg6: memref<1000x128xf32, #tpu.memory_space<vmem>>, %arg7: memref<1000x1xf32, #tpu.memory_space<vmem>>) attributes {dimension_semantics = [#tpu.dimension_semantics<arbitrary>], iteration_bounds = array<i64: 10>, scalar_prefetch = 0 : i64, scratch_operands = 0 : i64, tpu.core_type = #tpu.core_type<tc>, window_params = [{transform_indices = @transform_0, window_bounds = array<i64: 1000, 128>}, {pipeline_mode = #tpu.pipeline_mode<synchronous>, transform_indices = @transform_1, window_bounds = array<i64: 128, 256>}, {transform_indices = @transform_2, window_bounds = array<i64: 1000, 16>}, {transform_indices = @transform_3, window_bounds = array<i64: 1000, 16>}, {transform_indices = @transform_4, window_bounds = array<i64: 1000, 128>}, {transform_indices = @transform_5, window_bounds = array<i64: 1000, 128>}, {transform_indices = @transform_6, window_bounds = array<i64: 1000, 1>}]} {
    %get3A = arith.constant 0 : index
    %get3A_0 = arith.constant 0 : index
    %get3A_1 = vector.load %arg3[%get3A, %get3A_0] : memref<1000x16xf32, #tpu.memory_space<vmem>>, vector<1000x1xf32>
    %get3A_2 = arith.constant 0 : index
    %get3A_3 = arith.constant 0 : index
    %get3A_4 = vector.load %arg4[%get3A_2, %get3A_3] : memref<1000x16xf32, #tpu.memory_space<vmem>>, vector<1000x1xf32>
    %add3A = arith.addf %get3A_1, %get3A_4 : vector<1000x1xf32>
    %add3A_5 = arith.constant 1.000000e+00 : f32
    %add3A_6 = vector.broadcast %add3A_5 : f32 to vector<1000x1xf32>
    %add3A_7 = arith.addf %add3A, %add3A_6 : vector<1000x1xf32>
    %rsqrt3A = math.rsqrt %add3A_7 : vector<1000x1xf32>
    %get3A_8 = arith.constant 0 : index
    %get3A_9 = arith.constant 0 : index
    %get3A_10 = vector.load %arg1[%get3A_8, %get3A_9] : memref<1000x128xf32, #tpu.memory_space<vmem>>, vector<1000x128xf32>
    %get3A_11 = arith.constant 0 : index
    %get3A_12 = arith.constant 0 : index
    %get3A_13 = vector.load %arg2[%get3A_11, %get3A_12] : memref<128x256xf32, #tpu.memory_space<vmem>>, vector<128x256xf32>
    %dot_general3A = arith.constant dense<0.000000e+00> : vector<1000x256xf32>
    %dot_general3A_14 = tpu.matmul %get3A_10, %get3A_13, %dot_general3A {dimension_numbers = #tpu.dot_dimension_numbers<[1], [0], [0], [1], [0, 0, 1, 1], [], []>, transpose_lhs_hint = false} : vector<1000x128xf32>, vector<128x256xf32>, vector<1000x256xf32> -> vector<1000x256xf32>
    %mul3A = vector.broadcast %rsqrt3A : vector<1000x1xf32> to vector<1000x256xf32>
    %mul3A_15 = arith.mulf %dot_general3A_14, %mul3A : vector<1000x256xf32>
    %slice3A = vector.extract_strided_slice %mul3A_15 {offsets = [0, 0], sizes = [1000, 128], strides = [1, 1]} : vector<1000x256xf32> to vector<1000x128xf32>
    %swap3A = arith.constant 0 : index
    %swap3A_16 = arith.constant 0 : index
    %swap3A_17 = vector.load %arg5[%swap3A, %swap3A_16] : memref<1000x128xf32, #tpu.memory_space<vmem>>, vector<1000x128xf32>
    tpu.vector_store %arg5[%swap3A, %swap3A_16], %slice3A {strides = array<i32>} : memref<1000x128xf32, #tpu.memory_space<vmem>>, vector<1000x128xf32>,
    %slice3A_18 = vector.extract_strided_slice %mul3A_15 {offsets = [0, 128], sizes = [1000, 128], strides = [1, 1]} : vector<1000x256xf32> to vector<1000x128xf32>
    %swap3A_19 = arith.constant 0 : index
    %swap3A_20 = arith.constant 0 : index
    %swap3A_21 = vector.load %arg6[%swap3A_19, %swap3A_20] : memref<1000x128xf32, #tpu.memory_space<vmem>>, vector<1000x128xf32>
    tpu.vector_store %arg6[%swap3A_19, %swap3A_20], %slice3A_18 {strides = array<i32>} : memref<1000x128xf32, #tpu.memory_space<vmem>>, vector<1000x128xf32>,
    %swap3A_22 = arith.constant 0 : index
    %swap3A_23 = arith.constant 0 : index
    %swap3A_24 = vector.load %arg7[%swap3A_22, %swap3A_23] : memref<1000x1xf32, #tpu.memory_space<vmem>>, vector<1000x1xf32>
    tpu.vector_store %arg7[%swap3A_22, %swap3A_23], %rsqrt3A {strides = array<i32>} : memref<1000x1xf32, #tpu.memory_space<vmem>>, vector<1000x1xf32>,
    return
  }
  func.func @transform_0(%arg0: i32) -> (i32, i32) {
    %c0_i32 = arith.constant 0 : i32
    %c0_i32_0 = arith.constant 0 : i32
    return %arg0, %c0_i32 : i32, i32
  }
  func.func @transform_1(%arg0: i32) -> (i32, i32) {
    %c0_i32 = arith.constant 0 : i32
    %c0_i32_0 = arith.constant 0 : i32
    %c0_i32_1 = arith.constant 0 : i32
    return %c0_i32, %c0_i32_0 : i32, i32
  }
  func.func @transform_2(%arg0: i32) -> (i32, i32) {
    %c0_i32 = arith.constant 0 : i32
    %c0_i32_0 = arith.constant 0 : i32
    return %arg0, %c0_i32 : i32, i32
  }
  func.func @transform_3(%arg0: i32) -> (i32, i32) {
    %c0_i32 = arith.constant 0 : i32
    %c0_i32_0 = arith.constant 0 : i32
    return %arg0, %c0_i32 : i32, i32
  }
  func.func @transform_4(%arg0: i32) -> (i32, i32) {
    %c0_i32 = arith.constant 0 : i32
    %c0_i32_0 = arith.constant 0 : i32
    return %arg0, %c0_i32 : i32, i32
  }
  func.func @transform_5(%arg0: i32) -> (i32, i32) {
    %c0_i32 = arith.constant 0 : i32
    %c0_i32_0 = arith.constant 0 : i32
    return %arg0, %c0_i32 : i32, i32
  }
  func.func @transform_6(%arg0: i32) -> (i32, i32) {
    %c0_i32 = arith.constant 0 : i32
    %c0_i32_0 = arith.constant 0 : i32
    return %arg0, %c0_i32 : i32, i32
  }
}

module attributes {stable_mosaic.version = 14 : i64} {
  func.func @_mid_body(%arg0: i32, %arg1: memref<1000x128xf32, #tpu.memory_space<vmem>>, %arg2: memref<1000x128xf32, #tpu.memory_space<vmem>>, %arg3: memref<1000x1xf32, #tpu.memory_space<vmem>>, %arg4: memref<1x128xf32, #tpu.memory_space<vmem>>, %arg5: memref<1x128xf32, #tpu.memory_space<vmem>>, %arg6: memref<128x256xf32, #tpu.memory_space<vmem>>, %arg7: memref<128x256xf32, #tpu.memory_space<vmem>>, %arg8: memref<1000x128xf32, #tpu.memory_space<vmem>>, %arg9: memref<1000x128xf32, #tpu.memory_space<vmem>>) attributes {dimension_semantics = [#tpu.dimension_semantics<arbitrary>], iteration_bounds = array<i64: 10>, scalar_prefetch = 0 : i64, scratch_operands = 0 : i64, tpu.core_type = #tpu.core_type<tc>, window_params = [{transform_indices = @transform_0, window_bounds = array<i64: 1000, 128>}, {transform_indices = @transform_1, window_bounds = array<i64: 1000, 128>}, {transform_indices = @transform_2, window_bounds = array<i64: 1000, 1>}, {pipeline_mode = #tpu.pipeline_mode<synchronous>, transform_indices = @transform_3, window_bounds = array<i64: 1, 128>}, {pipeline_mode = #tpu.pipeline_mode<synchronous>, transform_indices = @transform_4, window_bounds = array<i64: 1, 128>}, {pipeline_mode = #tpu.pipeline_mode<synchronous>, transform_indices = @transform_5, window_bounds = array<i64: 128, 256>}, {pipeline_mode = #tpu.pipeline_mode<synchronous>, transform_indices = @transform_6, window_bounds = array<i64: 128, 256>}, {transform_indices = @transform_7, window_bounds = array<i64: 1000, 128>}, {transform_indices = @transform_8, window_bounds = array<i64: 1000, 128>}]} {
    %get3A = arith.constant 0 : index
    %get3A_0 = arith.constant 0 : index
    %get3A_1 = vector.load %arg3[%get3A, %get3A_0] : memref<1000x1xf32, #tpu.memory_space<vmem>>, vector<1000x1xf32>
    %get3A_2 = arith.constant 0 : index
    %get3A_3 = arith.constant 0 : index
    %get3A_4 = vector.load %arg1[%get3A_2, %get3A_3] : memref<1000x128xf32, #tpu.memory_space<vmem>>, vector<1000x128xf32>
    %mul3A = vector.broadcast %get3A_1 : vector<1000x1xf32> to vector<1000x128xf32>
    %mul3A_5 = arith.mulf %get3A_4, %mul3A : vector<1000x128xf32>
    %get3A_6 = arith.constant 0 : index
    %get3A_7 = arith.constant 0 : index
    %get3A_8 = vector.load %arg4[%get3A_6, %get3A_7] : memref<1x128xf32, #tpu.memory_space<vmem>>, vector<1x128xf32>
    %add3A = vector.broadcast %get3A_8 : vector<1x128xf32> to vector<1000x128xf32>
    %add3A_9 = arith.addf %mul3A_5, %add3A : vector<1000x128xf32>
    %max3A = arith.constant 0.000000e+00 : f32
    %max3A_10 = vector.broadcast %max3A : f32 to vector<1000x128xf32>
    %max3A_11 = arith.maximumf %add3A_9, %max3A_10 : vector<1000x128xf32>
    %get3A_12 = arith.constant 0 : index
    %get3A_13 = arith.constant 0 : index
    %get3A_14 = vector.load %arg2[%get3A_12, %get3A_13] : memref<1000x128xf32, #tpu.memory_space<vmem>>, vector<1000x128xf32>
    %mul3A_15 = vector.broadcast %get3A_1 : vector<1000x1xf32> to vector<1000x128xf32>
    %mul3A_16 = arith.mulf %get3A_14, %mul3A_15 : vector<1000x128xf32>
    %get3A_17 = arith.constant 0 : index
    %get3A_18 = arith.constant 0 : index
    %get3A_19 = vector.load %arg5[%get3A_17, %get3A_18] : memref<1x128xf32, #tpu.memory_space<vmem>>, vector<1x128xf32>
    %add3A_20 = vector.broadcast %get3A_19 : vector<1x128xf32> to vector<1000x128xf32>
    %add3A_21 = arith.addf %mul3A_16, %add3A_20 : vector<1000x128xf32>
    %max3A_22 = arith.constant 0.000000e+00 : f32
    %max3A_23 = vector.broadcast %max3A_22 : f32 to vector<1000x128xf32>
    %max3A_24 = arith.maximumf %add3A_21, %max3A_23 : vector<1000x128xf32>
    %get3A_25 = arith.constant 0 : index
    %get3A_26 = arith.constant 0 : index
    %get3A_27 = vector.load %arg6[%get3A_25, %get3A_26] : memref<128x256xf32, #tpu.memory_space<vmem>>, vector<128x256xf32>
    %dot_general3A = arith.constant dense<0.000000e+00> : vector<1000x256xf32>
    %dot_general3A_28 = tpu.matmul %max3A_11, %get3A_27, %dot_general3A {dimension_numbers = #tpu.dot_dimension_numbers<[1], [0], [0], [1], [0, 0, 1, 1], [], []>, transpose_lhs_hint = false} : vector<1000x128xf32>, vector<128x256xf32>, vector<1000x256xf32> -> vector<1000x256xf32>
    %get3A_29 = arith.constant 0 : index
    %get3A_30 = arith.constant 0 : index
    %get3A_31 = vector.load %arg7[%get3A_29, %get3A_30] : memref<128x256xf32, #tpu.memory_space<vmem>>, vector<128x256xf32>
    %dot_general3A_32 = arith.constant dense<0.000000e+00> : vector<1000x256xf32>
    %dot_general3A_33 = tpu.matmul %max3A_24, %get3A_31, %dot_general3A_32 {dimension_numbers = #tpu.dot_dimension_numbers<[1], [0], [0], [1], [0, 0, 1, 1], [], []>, transpose_lhs_hint = false} : vector<1000x128xf32>, vector<128x256xf32>, vector<1000x256xf32> -> vector<1000x256xf32>
    %add3A_34 = arith.addf %dot_general3A_28, %dot_general3A_33 : vector<1000x256xf32>
    %mul3A_35 = vector.broadcast %get3A_1 : vector<1000x1xf32> to vector<1000x256xf32>
    %mul3A_36 = arith.mulf %add3A_34, %mul3A_35 : vector<1000x256xf32>
    %slice3A = vector.extract_strided_slice %mul3A_36 {offsets = [0, 0], sizes = [1000, 128], strides = [1, 1]} : vector<1000x256xf32> to vector<1000x128xf32>
    %swap3A = arith.constant 0 : index
    %swap3A_37 = arith.constant 0 : index
    %swap3A_38 = vector.load %arg8[%swap3A, %swap3A_37] : memref<1000x128xf32, #tpu.memory_space<vmem>>, vector<1000x128xf32>
    tpu.vector_store %arg8[%swap3A, %swap3A_37], %slice3A {strides = array<i32>} : memref<1000x128xf32, #tpu.memory_space<vmem>>, vector<1000x128xf32>,
    %slice3A_39 = vector.extract_strided_slice %mul3A_36 {offsets = [0, 128], sizes = [1000, 128], strides = [1, 1]} : vector<1000x256xf32> to vector<1000x128xf32>
    %swap3A_40 = arith.constant 0 : index
    %swap3A_41 = arith.constant 0 : index
    %swap3A_42 = vector.load %arg9[%swap3A_40, %swap3A_41] : memref<1000x128xf32, #tpu.memory_space<vmem>>, vector<1000x128xf32>
    tpu.vector_store %arg9[%swap3A_40, %swap3A_41], %slice3A_39 {strides = array<i32>} : memref<1000x128xf32, #tpu.memory_space<vmem>>, vector<1000x128xf32>,
    return
  }
  func.func @transform_0(%arg0: i32) -> (i32, i32) {
    %c0_i32 = arith.constant 0 : i32
    %c0_i32_0 = arith.constant 0 : i32
    return %arg0, %c0_i32 : i32, i32
  }
  func.func @transform_1(%arg0: i32) -> (i32, i32) {
    %c0_i32 = arith.constant 0 : i32
    %c0_i32_0 = arith.constant 0 : i32
    return %arg0, %c0_i32 : i32, i32
  }
  func.func @transform_2(%arg0: i32) -> (i32, i32) {
    %c0_i32 = arith.constant 0 : i32
    %c0_i32_0 = arith.constant 0 : i32
    return %arg0, %c0_i32 : i32, i32
  }
  func.func @transform_3(%arg0: i32) -> (i32, i32) {
    %c0_i32 = arith.constant 0 : i32
    %c0_i32_0 = arith.constant 0 : i32
    %c0_i32_1 = arith.constant 0 : i32
    return %c0_i32, %c0_i32_0 : i32, i32
  }
  func.func @transform_4(%arg0: i32) -> (i32, i32) {
    %c0_i32 = arith.constant 0 : i32
    %c0_i32_0 = arith.constant 0 : i32
    %c0_i32_1 = arith.constant 0 : i32
    return %c0_i32, %c0_i32_0 : i32, i32
  }
  func.func @transform_5(%arg0: i32) -> (i32, i32) {
    %c0_i32 = arith.constant 0 : i32
    %c0_i32_0 = arith.constant 0 : i32
    %c0_i32_1 = arith.constant 0 : i32
    return %c0_i32, %c0_i32_0 : i32, i32
  }
  func.func @transform_6(%arg0: i32) -> (i32, i32) {
    %c0_i32 = arith.constant 0 : i32
    %c0_i32_0 = arith.constant 0 : i32
    %c0_i32_1 = arith.constant 0 : i32
    return %c0_i32, %c0_i32_0 : i32, i32
  }
  func.func @transform_7(%arg0: i32) -> (i32, i32) {
    %c0_i32 = arith.constant 0 : i32
    %c0_i32_0 = arith.constant 0 : i32
    return %arg0, %c0_i32 : i32, i32
  }
  func.func @transform_8(%arg0: i32) -> (i32, i32) {
    %c0_i32 = arith.constant 0 : i32
    %c0_i32_0 = arith.constant 0 : i32
    return %arg0, %c0_i32 : i32, i32
  }
}

module attributes {stable_mosaic.version = 14 : i64} {
  func.func @_fin_body(%arg0: i32, %arg1: memref<1000x128xf32, #tpu.memory_space<vmem>>, %arg2: memref<1000x128xf32, #tpu.memory_space<vmem>>, %arg3: memref<1000x1xf32, #tpu.memory_space<vmem>>, %arg4: memref<1x128xf32, #tpu.memory_space<vmem>>, %arg5: memref<1x128xf32, #tpu.memory_space<vmem>>, %arg6: memref<1000x1xi32, #tpu.memory_space<vmem>>, %arg7: memref<64x2xf32, #tpu.memory_space<vmem>>, %arg8: memref<256x196xf32, #tpu.memory_space<vmem>>, %arg9: memref<2x196xf32, #tpu.memory_space<vmem>>, %arg10: memref<1x196xf32, #tpu.memory_space<vmem>>, %arg11: memref<196x1xf32, #tpu.memory_space<vmem>>, %arg12: memref<1x1xf32, #tpu.memory_space<vmem>>, %arg13: memref<64x1xf32, #tpu.memory_space<vmem>>, %arg14: memref<64x256xf32, #tpu.memory_space<vmem>>, %arg15: memref<64x1xf32, #tpu.memory_space<vmem>>) attributes {dimension_semantics = [#tpu.dimension_semantics<arbitrary>], iteration_bounds = array<i64: 10>, scalar_prefetch = 0 : i64, scratch_operands = 2 : i64, tpu.core_type = #tpu.core_type<tc>, window_params = [{transform_indices = @transform_0, window_bounds = array<i64: 1000, 128>}, {transform_indices = @transform_1, window_bounds = array<i64: 1000, 128>}, {transform_indices = @transform_2, window_bounds = array<i64: 1000, 1>}, {pipeline_mode = #tpu.pipeline_mode<synchronous>, transform_indices = @transform_3, window_bounds = array<i64: 1, 128>}, {pipeline_mode = #tpu.pipeline_mode<synchronous>, transform_indices = @transform_4, window_bounds = array<i64: 1, 128>}, {transform_indices = @transform_5, window_bounds = array<i64: 1000, 1>}, {pipeline_mode = #tpu.pipeline_mode<synchronous>, transform_indices = @transform_6, window_bounds = array<i64: 64, 2>}, {pipeline_mode = #tpu.pipeline_mode<synchronous>, transform_indices = @transform_7, window_bounds = array<i64: 256, 196>}, {pipeline_mode = #tpu.pipeline_mode<synchronous>, transform_indices = @transform_8, window_bounds = array<i64: 2, 196>}, {pipeline_mode = #tpu.pipeline_mode<synchronous>, transform_indices = @transform_9, window_bounds = array<i64: 1, 196>}, {pipeline_mode = #tpu.pipeline_mode<synchronous>, transform_indices = @transform_10, window_bounds = array<i64: 196, 1>}, {pipeline_mode = #tpu.pipeline_mode<synchronous>, transform_indices = @transform_11, window_bounds = array<i64: 1, 1>}, {pipeline_mode = #tpu.pipeline_mode<synchronous>, transform_indices = @transform_12, window_bounds = array<i64: 64, 1>}]} {
    %eq3A = arith.constant 0 : i32
    %eq3A_0 = arith.cmpi eq, %arg0, %eq3A : i32
    %convert_element_type3A = arith.extui %eq3A_0 : i1 to i32
    %cond3A = arith.constant 0 : i32
    %cond3A_1 = arith.cmpi ne, %convert_element_type3A, %cond3A : i32
    scf.if %cond3A_1 {
      %broadcast_in_dim3A_55 = arith.constant 0.000000e+00 : f32
      %broadcast_in_dim3A_56 = vector.broadcast %broadcast_in_dim3A_55 : f32 to vector<64x256xf32>
      %swap3A_57 = arith.constant 0 : index
      %swap3A_58 = arith.constant 0 : index
      %swap3A_59 = vector.load %arg14[%swap3A_57, %swap3A_58] : memref<64x256xf32, #tpu.memory_space<vmem>>, vector<64x256xf32>
      tpu.vector_store %arg14[%swap3A_57, %swap3A_58], %broadcast_in_dim3A_56 {strides = array<i32>} : memref<64x256xf32, #tpu.memory_space<vmem>>, vector<64x256xf32>,
      %broadcast_in_dim3A_60 = arith.constant 0.000000e+00 : f32
      %broadcast_in_dim3A_61 = vector.broadcast %broadcast_in_dim3A_60 : f32 to vector<64x1xf32>
      %swap3A_62 = arith.constant 0 : index
      %swap3A_63 = arith.constant 0 : index
      %swap3A_64 = vector.load %arg15[%swap3A_62, %swap3A_63] : memref<64x1xf32, #tpu.memory_space<vmem>>, vector<64x1xf32>
      tpu.vector_store %arg15[%swap3A_62, %swap3A_63], %broadcast_in_dim3A_61 {strides = array<i32>} : memref<64x1xf32, #tpu.memory_space<vmem>>, vector<64x1xf32>,
    } else {
    }
    %get3A = arith.constant 0 : index
    %get3A_2 = arith.constant 0 : index
    %get3A_3 = vector.load %arg3[%get3A, %get3A_2] : memref<1000x1xf32, #tpu.memory_space<vmem>>, vector<1000x1xf32>
    %get3A_4 = arith.constant 0 : index
    %get3A_5 = arith.constant 0 : index
    %get3A_6 = vector.load %arg1[%get3A_4, %get3A_5] : memref<1000x128xf32, #tpu.memory_space<vmem>>, vector<1000x128xf32>
    %mul3A = vector.broadcast %get3A_3 : vector<1000x1xf32> to vector<1000x128xf32>
    %mul3A_7 = arith.mulf %get3A_6, %mul3A : vector<1000x128xf32>
    %get3A_8 = arith.constant 0 : index
    %get3A_9 = arith.constant 0 : index
    %get3A_10 = vector.load %arg4[%get3A_8, %get3A_9] : memref<1x128xf32, #tpu.memory_space<vmem>>, vector<1x128xf32>
    %add3A = vector.broadcast %get3A_10 : vector<1x128xf32> to vector<1000x128xf32>
    %add3A_11 = arith.addf %mul3A_7, %add3A : vector<1000x128xf32>
    %max3A = arith.constant 0.000000e+00 : f32
    %max3A_12 = vector.broadcast %max3A : f32 to vector<1000x128xf32>
    %max3A_13 = arith.maximumf %add3A_11, %max3A_12 : vector<1000x128xf32>
    %get3A_14 = arith.constant 0 : index
    %get3A_15 = arith.constant 0 : index
    %get3A_16 = vector.load %arg2[%get3A_14, %get3A_15] : memref<1000x128xf32, #tpu.memory_space<vmem>>, vector<1000x128xf32>
    %mul3A_17 = vector.broadcast %get3A_3 : vector<1000x1xf32> to vector<1000x128xf32>
    %mul3A_18 = arith.mulf %get3A_16, %mul3A_17 : vector<1000x128xf32>
    %get3A_19 = arith.constant 0 : index
    %get3A_20 = arith.constant 0 : index
    %get3A_21 = vector.load %arg5[%get3A_19, %get3A_20] : memref<1x128xf32, #tpu.memory_space<vmem>>, vector<1x128xf32>
    %add3A_22 = vector.broadcast %get3A_21 : vector<1x128xf32> to vector<1000x128xf32>
    %add3A_23 = arith.addf %mul3A_18, %add3A_22 : vector<1000x128xf32>
    %max3A_24 = arith.constant 0.000000e+00 : f32
    %max3A_25 = vector.broadcast %max3A_24 : f32 to vector<1000x128xf32>
    %max3A_26 = arith.maximumf %add3A_23, %max3A_25 : vector<1000x128xf32>
    %concatenate3A = tpu.concatenate %max3A_13, %max3A_26 in 1 : vector<1000x128xf32>, vector<1000x128xf32> -> vector<1000x256xf32>
    %iota3A = tpu.iota {dimensions = array<i32: 1>} : vector<1x64xi32>
    %get3A_27 = arith.constant 0 : index
    %get3A_28 = arith.constant 0 : index
    %get3A_29 = vector.load %arg6[%get3A_27, %get3A_28] : memref<1000x1xi32, #tpu.memory_space<vmem>>, vector<1000x1xi32>
    %eq3A_30 = vector.broadcast %get3A_29 : vector<1000x1xi32> to vector<1000x64xi32>
    %eq3A_31 = vector.broadcast %iota3A : vector<1x64xi32> to vector<1000x64xi32>
    %eq3A_32 = arith.cmpi eq, %eq3A_30, %eq3A_31 : vector<1000x64xi32>
    %convert_element_type3A_33 = arith.extui %eq3A_32 : vector<1000x64xi1> to vector<1000x64xi32>
    %convert_element_type3A_34 = arith.sitofp %convert_element_type3A_33 : vector<1000x64xi32> to vector<1000x64xf32>
    %get3A_35 = arith.constant 0 : index
    %get3A_36 = arith.constant 0 : index
    %get3A_37 = vector.load %arg14[%get3A_35, %get3A_36] : memref<64x256xf32, #tpu.memory_space<vmem>>, vector<64x256xf32>
    %dot_general3A = arith.constant dense<0.000000e+00> : vector<64x256xf32>
    %dot_general3A_38 = tpu.matmul %convert_element_type3A_34, %concatenate3A, %dot_general3A {dimension_numbers = #tpu.dot_dimension_numbers<[0], [0], [1], [1], [0, 1, 1, 1], [], []>, transpose_lhs_hint = false} : vector<1000x64xf32>, vector<1000x256xf32>, vector<64x256xf32> -> vector<64x256xf32>
    %add3A_39 = arith.addf %get3A_37, %dot_general3A_38 : vector<64x256xf32>
    %swap3A = arith.constant 0 : index
    %swap3A_40 = arith.constant 0 : index
    %swap3A_41 = vector.load %arg14[%swap3A, %swap3A_40] : memref<64x256xf32, #tpu.memory_space<vmem>>, vector<64x256xf32>
    tpu.vector_store %arg14[%swap3A, %swap3A_40], %add3A_39 {strides = array<i32>} : memref<64x256xf32, #tpu.memory_space<vmem>>, vector<64x256xf32>,
    %get3A_42 = arith.constant 0 : index
    %get3A_43 = arith.constant 0 : index
    %get3A_44 = vector.load %arg15[%get3A_42, %get3A_43] : memref<64x1xf32, #tpu.memory_space<vmem>>, vector<64x1xf32>
    %reduce_sum3A = arith.constant dense<0.000000e+00> : vector<64xf32>
    %reduce_sum3A_45 = vector.multi_reduction <add>, %convert_element_type3A_34, %reduce_sum3A [0] : vector<1000x64xf32> to vector<64xf32>
    %broadcast_in_dim3A = vector.shape_cast %reduce_sum3A_45 : vector<64xf32> to vector<64x1xf32>
    %add3A_46 = arith.addf %get3A_44, %broadcast_in_dim3A : vector<64x1xf32>
    %swap3A_47 = arith.constant 0 : index
    %swap3A_48 = arith.constant 0 : index
    %swap3A_49 = vector.load %arg15[%swap3A_47, %swap3A_48] : memref<64x1xf32, #tpu.memory_space<vmem>>, vector<64x1xf32>
    tpu.vector_store %arg15[%swap3A_47, %swap3A_48], %add3A_46 {strides = array<i32>} : memref<64x1xf32, #tpu.memory_space<vmem>>, vector<64x1xf32>,
    %eq3A_50 = arith.constant 9 : i32
    %eq3A_51 = arith.cmpi eq, %arg0, %eq3A_50 : i32
    %convert_element_type3A_52 = arith.extui %eq3A_51 : i1 to i32
    %cond3A_53 = arith.constant 0 : i32
    %cond3A_54 = arith.cmpi ne, %convert_element_type3A_52, %cond3A_53 : i32
    scf.if %cond3A_54 {
      %get3A_55 = arith.constant 0 : index
      %get3A_56 = arith.constant 0 : index
      %get3A_57 = vector.load %arg14[%get3A_55, %get3A_56] : memref<64x256xf32, #tpu.memory_space<vmem>>, vector<64x256xf32>
      %get3A_58 = arith.constant 0 : index
      %get3A_59 = arith.constant 0 : index
      %get3A_60 = vector.load %arg15[%get3A_58, %get3A_59] : memref<64x1xf32, #tpu.memory_space<vmem>>, vector<64x1xf32>
      %max3A_61 = arith.constant 1.000000e+00 : f32
      %max3A_62 = vector.broadcast %max3A_61 : f32 to vector<64x1xf32>
      %max3A_63 = arith.maximumf %get3A_60, %max3A_62 : vector<64x1xf32>
      %div3A = vector.broadcast %max3A_63 : vector<64x1xf32> to vector<64x256xf32>
      %div3A_64 = arith.divf %get3A_57, %div3A : vector<64x256xf32>
      %get3A_65 = arith.constant 0 : index
      %get3A_66 = arith.constant 0 : index
      %get3A_67 = vector.load %arg8[%get3A_65, %get3A_66] : memref<256x196xf32, #tpu.memory_space<vmem>>, vector<256x196xf32>
      %dot_general3A_68 = arith.constant dense<0.000000e+00> : vector<64x196xf32>
      %dot_general3A_69 = tpu.matmul %div3A_64, %get3A_67, %dot_general3A_68 {dimension_numbers = #tpu.dot_dimension_numbers<[1], [0], [0], [1], [0, 0, 1, 1], [], []>, transpose_lhs_hint = false} : vector<64x256xf32>, vector<256x196xf32>, vector<64x196xf32> -> vector<64x196xf32>
      %get3A_70 = arith.constant 0 : index
      %get3A_71 = arith.constant 0 : index
      %get3A_72 = vector.load %arg7[%get3A_70, %get3A_71] : memref<64x2xf32, #tpu.memory_space<vmem>>, vector<64x2xf32>
      %get3A_73 = arith.constant 0 : index
      %get3A_74 = arith.constant 0 : index
      %get3A_75 = vector.load %arg9[%get3A_73, %get3A_74] : memref<2x196xf32, #tpu.memory_space<vmem>>, vector<2x196xf32>
      %dot_general3A_76 = arith.constant dense<0.000000e+00> : vector<64x196xf32>
      %dot_general3A_77 = tpu.matmul %get3A_72, %get3A_75, %dot_general3A_76 {dimension_numbers = #tpu.dot_dimension_numbers<[1], [0], [0], [1], [0, 0, 1, 1], [], []>, transpose_lhs_hint = false} : vector<64x2xf32>, vector<2x196xf32>, vector<64x196xf32> -> vector<64x196xf32>
      %add3A_78 = arith.addf %dot_general3A_69, %dot_general3A_77 : vector<64x196xf32>
      %get3A_79 = arith.constant 0 : index
      %get3A_80 = arith.constant 0 : index
      %get3A_81 = vector.load %arg10[%get3A_79, %get3A_80] : memref<1x196xf32, #tpu.memory_space<vmem>>, vector<1x196xf32>
      %add3A_82 = vector.broadcast %get3A_81 : vector<1x196xf32> to vector<64x196xf32>
      %add3A_83 = arith.addf %add3A_78, %add3A_82 : vector<64x196xf32>
      %max3A_84 = arith.constant 0.000000e+00 : f32
      %max3A_85 = vector.broadcast %max3A_84 : f32 to vector<64x196xf32>
      %max3A_86 = arith.maximumf %add3A_83, %max3A_85 : vector<64x196xf32>
      %get3A_87 = arith.constant 0 : index
      %get3A_88 = arith.constant 0 : index
      %get3A_89 = vector.load %arg11[%get3A_87, %get3A_88] : memref<196x1xf32, #tpu.memory_space<vmem>>, vector<196x1xf32>
      %dot_general3A_90 = arith.constant dense<0.000000e+00> : vector<64x1xf32>
      %dot_general3A_91 = tpu.matmul %max3A_86, %get3A_89, %dot_general3A_90 {dimension_numbers = #tpu.dot_dimension_numbers<[1], [0], [0], [1], [0, 0, 1, 1], [], []>, transpose_lhs_hint = false} : vector<64x196xf32>, vector<196x1xf32>, vector<64x1xf32> -> vector<64x1xf32>
      %get3A_92 = arith.constant 0 : index
      %get3A_93 = arith.constant 0 : index
      %get3A_94 = vector.load %arg12[%get3A_92, %get3A_93] : memref<1x1xf32, #tpu.memory_space<vmem>>, vector<1x1xf32>
      %add3A_95 = vector.broadcast %get3A_94 : vector<1x1xf32> to vector<64x1xf32>
      %add3A_96 = arith.addf %dot_general3A_91, %add3A_95 : vector<64x1xf32>
      %swap3A_97 = arith.constant 0 : index
      %swap3A_98 = arith.constant 0 : index
      %swap3A_99 = vector.load %arg13[%swap3A_97, %swap3A_98] : memref<64x1xf32, #tpu.memory_space<vmem>>, vector<64x1xf32>
      tpu.vector_store %arg13[%swap3A_97, %swap3A_98], %add3A_96 {strides = array<i32>} : memref<64x1xf32, #tpu.memory_space<vmem>>, vector<64x1xf32>,
    } else {
    }
    return
  }
  func.func @transform_0(%arg0: i32) -> (i32, i32) {
    %c0_i32 = arith.constant 0 : i32
    %c0_i32_0 = arith.constant 0 : i32
    return %arg0, %c0_i32 : i32, i32
  }
  func.func @transform_1(%arg0: i32) -> (i32, i32) {
    %c0_i32 = arith.constant 0 : i32
    %c0_i32_0 = arith.constant 0 : i32
    return %arg0, %c0_i32 : i32, i32
  }
  func.func @transform_2(%arg0: i32) -> (i32, i32) {
    %c0_i32 = arith.constant 0 : i32
    %c0_i32_0 = arith.constant 0 : i32
    return %arg0, %c0_i32 : i32, i32
  }
  func.func @transform_3(%arg0: i32) -> (i32, i32) {
    %c0_i32 = arith.constant 0 : i32
    %c0_i32_0 = arith.constant 0 : i32
    %c0_i32_1 = arith.constant 0 : i32
    return %c0_i32, %c0_i32_0 : i32, i32
  }
  func.func @transform_4(%arg0: i32) -> (i32, i32) {
    %c0_i32 = arith.constant 0 : i32
    %c0_i32_0 = arith.constant 0 : i32
    %c0_i32_1 = arith.constant 0 : i32
    return %c0_i32, %c0_i32_0 : i32, i32
  }
  func.func @transform_5(%arg0: i32) -> (i32, i32) {
    %c0_i32 = arith.constant 0 : i32
    %c0_i32_0 = arith.constant 0 : i32
    return %arg0, %c0_i32 : i32, i32
  }
  func.func @transform_6(%arg0: i32) -> (i32, i32) {
    %c0_i32 = arith.constant 0 : i32
    %c0_i32_0 = arith.constant 0 : i32
    %c0_i32_1 = arith.constant 0 : i32
    return %c0_i32, %c0_i32_0 : i32, i32
  }
  func.func @transform_7(%arg0: i32) -> (i32, i32) {
    %c0_i32 = arith.constant 0 : i32
    %c0_i32_0 = arith.constant 0 : i32
    %c0_i32_1 = arith.constant 0 : i32
    return %c0_i32, %c0_i32_0 : i32, i32
  }
  func.func @transform_8(%arg0: i32) -> (i32, i32) {
    %c0_i32 = arith.constant 0 : i32
    %c0_i32_0 = arith.constant 0 : i32
    %c0_i32_1 = arith.constant 0 : i32
    return %c0_i32, %c0_i32_0 : i32, i32
  }
  func.func @transform_9(%arg0: i32) -> (i32, i32) {
    %c0_i32 = arith.constant 0 : i32
    %c0_i32_0 = arith.constant 0 : i32
    %c0_i32_1 = arith.constant 0 : i32
    return %c0_i32, %c0_i32_0 : i32, i32
  }
  func.func @transform_10(%arg0: i32) -> (i32, i32) {
    %c0_i32 = arith.constant 0 : i32
    %c0_i32_0 = arith.constant 0 : i32
    %c0_i32_1 = arith.constant 0 : i32
    return %c0_i32, %c0_i32_0 : i32, i32
  }
  func.func @transform_11(%arg0: i32) -> (i32, i32) {
    %c0_i32 = arith.constant 0 : i32
    %c0_i32_0 = arith.constant 0 : i32
    %c0_i32_1 = arith.constant 0 : i32
    return %c0_i32, %c0_i32_0 : i32, i32
  }
  func.func @transform_12(%arg0: i32) -> (i32, i32) {
    %c0_i32 = arith.constant 0 : i32
    %c0_i32_0 = arith.constant 0 : i32
    %c0_i32_1 = arith.constant 0 : i32
    return %c0_i32, %c0_i32_0 : i32, i32
  }
}

</mosaic_0001>

<sc_bundles>
// kernel: kernel.10.cloned.1.call-start
scs
__scs_entry_jumppad:
0x0: {  	(pc) =	sbr.rel $0x88, $3  }
0x1: {  	(tag) =	ssettag $0x0;
	lr =	simm.s32 $0x1  }
0x2: {  	[smem:$0x3F92] =	sst lr;
	_ =	strace $0xD0000000  }
0x3: {  	_ = 	snop  }
0x4: {  	_ = 	snop  }
0x5: {  	_ = 	snop  }
0x6: {  	_ = 	snop  }
0x7: {  	_ = 	snop  }
__scs_overlays_trampoline_lowered:
0x8: {  	[smem:$0x3FA1] =	sst s0  }
0x9: {  	[smem:$0x3FA2] =	sst s1  }
0xa: {  	[smem:$0x3FA3] =	sst s2  }
0xb: {  	[smem:$0x3FA4] =	sst s3  }
0xc: {  	[smem:$0x3FA5] =	sst s4  }
0xd: {  	[smem:$0x3FA6] =	sst s5  }
0xe: {  	[smem:$0x3FA7] =	sst s6  }
0xf: {  	[smem:$0x3FA8] =	sst s7  }
0x10: {  	[smem:$0x3FA9] =	sst s8  }
0x11: {  	[smem:$0x3FAA] =	sst s9;
	s0 =	simm.s32 @!p0 $0x0  }
0x12: {  	s1 =	sld [smem:$0x3F90];
	s0 =	simm.s32 @p0 $0x1  }
0x13: {  	[smem:$0x3FAB] =	sst s0;
	s0 =	simm.s32 @!p1 $0x0  }
0x14: {  	s2 =	sld [smem:$0x3F8F];
	s0 =	simm.s32 @p1 $0x1  }
0x15: {  	[smem:$0x3FAC] =	sst s0;
	s0 =	simm.s32 @!p2 $0x0  }
0x16: {  	s3 =	sld [smem:$0x3FDB];
	s0 =	simm.s32 @p2 $0x1  }
0x17: {  	s4 =	simm.s32 $0x1BF5;
	[smem:$0x3FAE] =	sst s0  }
0x18: {  	s0 =	sld [smem:$0x3F91];
	_ =	swait.ge [sflag:s4], $0x0  }
0x19: {  	s7 =	sld [smem:$0x3F92]  }
0x1a: {  	s8 =	sadd.s32 $0xFFFFE003, lr  }
0x1b: {  	s9 =	sadd.s32 $0xFFFFFEF7, lr;
	s5 =	simm.s32 $0xFFFFFFFF;
	p2 =	slt.u32 s8, $0xFFFFF086  }
0x1c: {  	p1 =	slt.u32 s9, $0xF7A;
	s5 =	simm.s32 @!p2 $0x0  }
0x1d: {  	s5 =	simm.s32 @p1 $0x1;
	p0 =	seq.s32 s7, s2  }
0x1e: {  	s7 =	smul.u32 @!p0 $0xF7A, s2;
	p2 =	seq.s32 @!p0 s5, $0x0  }
0x1f: {  	s9 =	smul.u32 $0xF7A, s1;
	s8 =	simm.s32 @!p0 $0x1BF5;
	p2 =	por !p2, p0  }
0x20: {  	[sflag:s8] =	ssyncset.s32 @!p0 $0xFFFFF086;
	s6 =	sadd.s32 @!p0 s3, s7;
	s7 =	simm.s32 @!p0 $0x108  }
0x21: {  	s3 =	sadd.s32 s3, s9;
	s6 =	sadd.s32 @!p0 $0x88, s6;
	s7 =	simm.s32 @p2 $0x1082  }
0x22: {  	[simem:s7], [sflag:s8] =	dma.local @!p0 [hbm:s6], $0xF7A  }
0x23: {  	s9 =	sor.u32 $0xD0000000, s2;
	s6 =	simm.s32 $0x108;
	_ =	swait.ge @!p0 [sflag:s8], $0x0  }
0x24: {  	s3 =	sadd.s32 $0x88, s3;
	s6 =	simm.s32 @!p1 $0x1082;
	[sflag:s4] =	ssyncset.s32 $0xFFFFF086  }
0x25: {  	[simem:s6], [sflag:s4] =	dma.local [hbm:s3], $0xF7A  }
0x26: {  	[smem:$0x3F92] =	sst s1;
	(tag) =	ssettag s2;
	_ =	strace s9  }
0x27: {  	s1 =	sld [smem:$0x3FA2]  }
0x28: {  	s2 =	sld [smem:$0x3FA3]  }
0x29: {  	s4 =	sld [smem:$0x3FA5]  }
0x2a: {  	p0 =	seq.s32 s5, $0x0;
	s5 =	sld [smem:$0x3FA6]  }
0x2b: {  	s6 =	sld [smem:$0x3FA7]  }
0x2c: {  	s7 =	sld [smem:$0x3FA8]  }
0x2d: {  	s3 =	simm.s32 $0x108;
	s8 =	sld [smem:$0x3FA9]  }
0x2e: {  	s3 =	simm.s32 @!p0 $0x1082;
	s9 =	sld [smem:$0x3FAA]  }
0x2f: {  	lr =	sadd.s32 s0, s3;
	s0 =	sld [smem:$0x3FA1]  }
0x30: {  	s3 =	sld [smem:$0x3FA4]  }
0x31: {  	[smem:$0x3FAD] =	sst s10  }
0x32: {  	s10 =	sld [smem:$0x3FAB];
	_ =	sdelay $0x3  }
0x33: {  	p0 =	seq.s32 s10, $0x1;
	s10 =	sld [smem:$0x3FAD];
	_ =	sdelay $0x3  }
0x34: {  	[smem:$0x3FAD] =	sst s10  }
0x35: {  	s10 =	sld [smem:$0x3FAC];
	_ =	sdelay $0x3  }
0x36: {  	p1 =	seq.s32 s10, $0x1;
	s10 =	sld [smem:$0x3FAD];
	_ =	sdelay $0x3  }
0x37: {  	[smem:$0x3FAD] =	sst s10  }
0x38: {  	s10 =	sld [smem:$0x3FAE]  }
0x39: {  	_ = 	snop;
	(pc) =	sbr.ind lr, $3  }
0x3a: {  	_ = 	snop  }
0x3b: {  	_ = 	snop  }
0x3c: {  	p2 =	seq.s32 s10, $0x1;
	s10 =	sld [smem:$0x3FAD]  }
0x3d: {  	_ =	shalt  }
0x3e: {  	_ =	shalt  }
0x3f: {  	_ =	shalt  }
0x40: {  	_ =	shalt  }
0x41: {  	_ =	shalt  }
0x42: {  	_ =	shalt  }
0x43: {  	_ =	shalt  }
0x44: {  	_ =	shalt  }
0x45: {  	_ =	shalt  }
0x46: {  	_ =	shalt  }
0x47: {  	_ =	shalt  }
0x48: {  	_ =	shalt  }
0x49: {  	_ =	shalt  }
0x4a: {  	_ =	shalt  }
0x4b: {  	_ =	shalt  }
0x4c: {  	_ =	shalt  }
0x4d: {  	_ =	shalt  }
0x4e: {  	_ =	shalt  }
0x4f: {  	_ =	shalt  }
0x50: {  	_ =	shalt  }
0x51: {  	_ =	shalt  }
0x52: {  	_ =	shalt  }
0x53: {  	_ =	shalt  }
0x54: {  	_ =	shalt  }
0x55: {  	_ =	shalt  }
0x56: {  	_ =	shalt  }
0x57: {  	_ =	shalt  }
0x58: {  	_ =	shalt  }
0x59: {  	_ =	shalt  }
0x5a: {  	_ =	shalt  }
0x5b: {  	_ =	shalt  }
0x5c: {  	_ =	shalt  }
0x5d: {  	_ =	shalt  }
0x5e: {  	_ =	shalt  }
0x5f: {  	_ =	shalt  }
0x60: {  	_ =	shalt  }
0x61: {  	_ =	shalt  }
0x62: {  	_ =	shalt  }
0x63: {  	_ =	shalt  }
0x64: {  	_ =	shalt  }
0x65: {  	_ =	shalt  }
0x66: {  	_ =	shalt  }
0x67: {  	_ =	shalt  }
0x68: {  	_ =	shalt  }
0x69: {  	_ =	shalt  }
0x6a: {  	_ =	shalt  }
0x6b: {  	_ =	shalt  }
0x6c: {  	_ =	shalt  }
0x6d: {  	_ =	shalt  }
0x6e: {  	_ =	shalt  }
0x6f: {  	_ =	shalt  }
0x70: {  	_ =	shalt  }
0x71: {  	_ =	shalt  }
0x72: {  	_ =	shalt  }
0x73: {  	_ =	shalt  }
0x74: {  	_ =	shalt  }
0x75: {  	_ =	shalt  }
0x76: {  	_ =	shalt  }
0x77: {  	_ =	shalt  }
0x78: {  	_ =	shalt  }
0x79: {  	_ =	shalt  }
0x7a: {  	_ =	shalt  }
0x7b: {  	_ =	shalt  }
0x7c: {  	_ =	shalt  }
0x7d: {  	_ =	shalt  }
0x7e: {  	_ =	shalt  }
0x7f: {  	_ =	shalt  }
0x80: {  	_ =	shalt  }
0x81: {  	_ =	shalt  }
0x82: {  	_ =	shalt  }
0x83: {  	_ =	shalt  }
0x84: {  	_ =	shalt  }
0x85: {  	_ =	shalt  }
0x86: {  	_ =	shalt  }
0x87: {  	_ =	shalt  }
.Lfunc_end0:
.L_simem_size_0:
called_computation_lowered:
.L_overlay_start_0:
0x88: {  	s2 =	sld [smem:$0x3FD9]  }
0x89: {  	s3 =	sld [smem:$0x3FFE];
	_ =	sdelay $0x1  }
0x8a: {  	s1 =	srdreg.scid  }
0x8b: {  	s0 =	sand.u32 $0x1, s1  }
0x8c: {  	s16 =	sshll.u32 s0, $0xA;
	s2 =	sadd.s32 s3, s2  }
0x8d: {  	s2 =	sadd.s32 s2, s16  }
0x8e: {  	[smem:$0x3FB9] =	sst s2  }
0x8f: {  	_ = 	snop  }
0x90: {  	(tm) =	ssettm $0x1  }
0x91: {  	s17 =	sld [smem:$0x3FFB];
	_ =	sdelay $0x3  }
0x92: {  	_ =	strace s17  }
0x93: {  	s2 =	sld [smem:$0x3FFC];
	_ =	sdelay $0x3  }
0x94: {  	_ =	strace s2  }
0x95: {  	s2 =	sld [smem:$0x3FFD];
	_ =	sdelay $0x3  }
0x96: {  	_ =	strace s2  }
0x97: {  	_ =	strace $0x8FFFFFFF  }
0x98: {  	s18 =	sld [smem:$0x3FDB];
	_ =	sdelay $0x1  }
0x99: {  	s19 =	simm.s32 $_scs_section_size  }
0x9a: {  	s4 =	simm.s32 $_size__tile_overlayer_lowered;
	s5 =	simm.s32 $_tile_overlayer_lowered  }
0x9b: {  	s22 =	simm.s32 $0x1BFF;
	s21 =	sshll.u32 s5, $0x1;
	s2 =	sadd.s32 s19, s18  }
0x9c: {  	s6 =	simm.s32 $0x0;
	s20 =	sshll.u32 s4, $0x1;
	s4 =	sadd.s32 s21, s2  }
0x9d: {  	[timem:s6], [sflag:s22] =	dma.local [hbm:s4], s20  }
0x9e: {  	_ =	swait.ge [sflag:s22], s20  }
0x9f: {  	s3 =	ssub.s32 $0x0, s20;
	[sflag:s22] =	ssyncset.done $0x0  }
0xa0: {  	[sflag:s22] =	ssyncadd.s32 s3;
	_ =	sdelay $0x1  }
0xa1: {  	s23 =	simm.s32 $0x1B8B  }
0xa2: {  	_ =	swait.ge [sflag:s23], $0x1  }
0xa3: {  	[sflag:s23] =	ssyncset.done $0x0  }
0xa4: {  	s25 =	simm.s32 $0x1B8E;
	s24 =	sld [smem:$0x3FFE];
	[sflag:s23] =	ssyncadd.s32 $0xFFFFFFFF  }
0xa5: {  	s26 =	simm.s32 $execute0_lowered;
	[smem:$0x3FD2] =	sst s25  }
0xa6: {  	s4 =	sshll.u32 s26, $0x1;
	_ =	strace $0x80000046;
	[dreg:$0x1] =	wrdreg $0xFFFFFFFF  }
0xa7: {  	s28 =	simm.s32 $_size_execute0_lowered;
	s2 =	sadd.s32 s2, s4;
	[dreg:$0x0] =	wrdreg $0x0  }
0xa8: {  	s4 =	sshll.u32 s28, $0x1;
	[dreg:$0x2] =	wrdreg s2  }
0xa9: {  	[dreg:$0x3] =	wrdreg s4  }
0xaa: {  	[dreg:$0x4] =	wrdreg $0xC0  }
0xab: {  	_ =	task [dreg:s6], $0x5FFFF  }
0xac: {  	[dreg:$0x1] =	wrdreg $0xFFFFFFFF  }
0xad: {  	[dreg:$0x0] =	wrdreg $0x60  }
0xae: {  	[dreg:$0x2] =	wrdreg s24  }
0xaf: {  	[dreg:$0x3] =	wrdreg $0x0  }
0xb0: {  	[dreg:$0x4] =	wrdreg $0x9  }
0xb1: {  	_ =	task.clear_ibuf [dreg:s6], $0x5FFFF;
	_ =	strace $0x90000046  }
0xb2: {  	s29 =	simm.s32 $0x9;
	_ =	strace $0x80000048  }
0xb3: {  	_ =	swait.ge [sflag:s29], $0x1  }
0xb4: {  	[sflag:s29] =	ssyncadd.s32 $0xFFFFFFFF  }
0xb5: {  	_ =	strace $0x90000048  }
0xb6: {  	_ =	sfence  }
0xb7: {  	s30 =	sld [smem:$0x0];
	_ =	sdelay $0x2  }
0xb8: {  	s31 =	sshll.u32 s1, $0xD;
	s1 =	sshrl.u32 s1, $0x2  }
0xb9: {  	s3 =	sand.u32 $0x4000, s31;
	s1 =	sadd.s32 s1, s30  }
0xba: {  	s0 =	sor.u32 s3, s0;
	s1 =	sshll.u32 s1, $0x11  }
0xbb: {  	s0 =	sor.u32 s1, s0  }
0xbc: {  	s0 =	sadd.s32 $0x8F2B, s0  }
0xbd: {  	[sflag:s0] =	ssyncadd.remote.s32 $0x1  }
0xbe: {  	_ =	sfence.sel $0xFFFF  }
0xbf: {  	[dreg:$0x0] =	wrdreg $0xFFFFFFFF;
	(pc) =	sbr.abs _section_cstart, $3  }
0xc0: {  	[dreg:$0x1] =	wrdreg $0xFFFFFFFF  }
0xc1: {  	_ =	task.clear_ibuf [dreg:s6], $0x2FFFF;
	_ =	strace $0x9FFFFFFF  }
0xc2: {  	(tm) =	ssettm $0x7FFFFFFF  }
0xc3: {  	_ =	shalt  }
tec
execute0_lowered:
.L_overlay_start_1:
0x0: {  	(tag) =	ssettag $0x1  }
0x1: {  	s8 =	rddreg [dreg:$0x0]  }
0x2: {  	s1 =	rddreg [dreg:$0x1]  }
0x3: {  	s2 =	srdreg.scid;
	s0 =	rddreg [dreg:$0x2];
	s3 =	simm.s32 $0x0  }
0x4: {  	s14 =	simm.s32 $0x7D;
	s6 =	sand.u32 $0x1, s2;
	s2 =	stileid.u32  }
0x5: {  	s15 =	simm.s32 $0x1;
	[smem:$0x7FF] =	sst s3;
	s4 =	smul.u32 $0x5000, s6  }
0x6: {  	s16 =	simm.s32 $0x0;
	s5 =	smul.u32 $0x500, s2;
	_ =	strace $0x80000047  }
0x7: {  	s7 =	ssub.s32 $0x2, s6;
	s9 =	smul.u32 $0x50000, s2;
	p0 =	seq.s32 s6, $0x1  }
0x8: {  	s31 =	sshll.u32 s2, $0x6;
	s13 =	smul.u32 $0x2800, s2;
	s11 =	sshrl.u32 s7, $0x1  }
0x9: {  	s6 =	sor.u32 $0x1C02, s31;
	s4 =	sadd.s32 s5, s4;
	s5 =	sadd.s32 $0xFC00, s8  }
0xa: {  	s11 =	ssub.s32 s7, s11;
	s30 =	sshrl.u32 s9, $0x2;
	s9 =	simm.s32 $0x3AC00  }
0xb: {  	s10 =	sadd.s32 s4, s8;
	s4 =	sadd.s32 $0x12400, s8;
	s9 =	simm.s32 @!p0 $0x12C00  }
0xc: {  	s12 =	sadd.s32 s30, s1;
	s7 =	sadd.s32 $0x5C00, s10;
	s9 =	sadd.s32 s9, s8  }
0xd: {  	s8 =	smax.u32 s11, $0x1;
	s10 =	sshrl.u32 s12, $0x3;
	s11 =	simm.s32 $0x2  }
0xe: {  	s12 =	simm.s32 $0x5000;
	s9 =	sadd.s32 s9, s13;
	s13 =	simm.s32 $0x2800  }
.LBB2_1:
0xf: {  	[spmem:s10], [sflag:s6] =	dma.local [hbm:s5], $0x2800  }
0x10: {  	_ =	swait.ge [sflag:s11], $0x2800  }
0x11: {  	[sflag:s11] =	ssyncset.done $0x0  }
0x12: {  	[sflag:s11] =	ssyncadd.s32 $0xFFFFD800  }
0x13: {  	[tilespmem:s12], [sflag:$0x2] =	stream.linear.gather [hbm4b:s4+s3], $0x3E80, $0x38;
	[tilespmem:$0x9000] =	vst v63  }
0x14: {  	_ =	swait.ge [sflag:s11], $0x3E80  }
0x15: {  	[sflag:s11] =	ssyncset.done $0x0  }
0x16: {  	[sflag:s11] =	ssyncadd.s32 $0xFFFFC180  }
0x17: {  	[tilespmem:s13], [sflag:$0x2] =	stream.linear.gather [hbm4b:s7+s3], $0x2800, $0x38;
	[tilespmem:$0x9000] =	vst v63  }
0x18: {  	_ =	swait.ge [sflag:s11], $0x2800  }
0x19: {  	[sflag:s11] =	ssyncset.done $0x0  }
0x1a: {  	[sflag:s11] =	ssyncadd.s32 $0xFFFFD800  }
0x1b: {  	s17 =	simm.s32 $0x0;
	[bflag:$0x0] =	sbarrier.arrive $0xFFFF  }
.LBB2_2:
0x1c: {  	p0 =	sne.s32 s17, $0x9E00  }
.Ltmp0:
0x1d: {  	_ = 	snop;
	(pc) =	sbr.rel @p0 .LBB2_2-.Ltmp0, $4  }
0x1e: {  	_ = 	snop  }
0x1f: {  	s18 =	sshra.s32 s17, $0x2  }
0x20: {  	s17 =	sadd.s32 $0x200, s17;
	s18 =	sadd.s32 $0x2800, s18  }
0x21: {  	[spmem:s1] =	stream.indirect.scatter.add.f32 [tilespmem:s12], [sflag:$0x1], $0x10, s18, s14, $0xb8;
	[tilespmem:$0x9000] =	vst v63  }
0x22: {  	_ =	swait.ge [sflag:s15], $0x7D0  }
0x23: {  	s17 =	simm.s32 $0x4F;
	[sflag:s15] =	ssyncset.done $0x0  }
.LBB2_4:
0x24: {  	p0 =	sne.s32 s17, $0x1;
	s17 =	sadd.s32 $0xFFFFFFFF, s17;
	[sflag:s15] =	ssyncadd.s32 $0xFFFFF830  }
.Ltmp1:
0x25: {  	(pc) =	sbr.rel @p0 .LBB2_4-.Ltmp1, $3  }
0x26: {  	_ =	sdelay $0x1  }
0x27: {  	_ =	swait.ge [sflag:s15], $0x7D0  }
0x28: {  	[sflag:s15] =	ssyncset.done $0x0  }
0x29: {  	s16 =	sadd.s32 $0x1, s16  }
0x2a: {  	[sflag:s15] =	ssyncadd.s32 $0xFFFFF830;
	p0 =	sne.s32 s16, s8  }
.Ltmp2:
0x2b: {  	[bflag:$0x0] =	sbarrier.arrive $0xFFFF;
	(pc) =	sbr.rel @p0 .LBB2_1-.Ltmp2, $4  }
0x2c: {  	[hbm:s9], [sflag:s6] =	dma.local [spmem:s10], $0x2800  }
0x2d: {  	_ =	swait.ge [sflag:s11], $0x2800  }
0x2e: {  	[sflag:s11] =	ssyncset.done $0x0  }
0x2f: {  	[sflag:s11] =	ssyncadd.s32 $0xFFFFD800  }
0x30: {  	_ =	sfence.sel $0x180000  }
0x31: {  	[bflag:$0x0] =	sbarrier.arrive $0xFFFF  }
0x32: {  	p0 =	sne.s32 s2, $0x0;
	_ =	strace $0x90000047  }
0x33: {  	s0 =	sadd.s32 @!p0 $0x100000, s0;
	[bflag:$0x2] =	sbarrier.arrive $0xFFFF  }
0x34: {  	[sflag:s0] =	ssyncadd.tile.s32 @!p0 $0x1;
	_ =	shalt  }
.Lfunc_end2:
_tile_overlayer_lowered:
.L_overlay_start_2:
0x35: {  	(tag) =	ssettag $0x2  }
0x36: {  	s0 =	rddreg [dreg:$0x0];
	s2 =	stileid.u32  }
0x37: {  	s1 =	rddreg [dreg:$0x1];
	p0 =	sne.s32 s2, $0x0  }
0x38: {  	s3 =	rddreg [dreg:$0x2];
	[bflag:$0x3] =	sbarrier.arrive $0xFFFF;
	s2 =	simm.s32 @!p0 $0x1C02  }
0x39: {  	[timem:s3], [sflag:s2] =	dma.local @!p0 [hbm:s0], s1  }
0x3a: {  	s0 =	simm.s32 @!p0 $0x2  }
0x3b: {  	_ =	swait.ge @!p0 [sflag:s0], s1  }
0x3c: {  	s1 =	ssub.s32 @!p0 $0x0, s1;
	[sflag:s0] =	ssyncset.done @!p0 $0x0  }
0x3d: {  	[sflag:s0] =	ssyncadd.s32 @!p0 s1  }
0x3e: {  	[bflag:$0x3] =	sbarrier.arrive $0xFFFF  }
0x3f: {  	_ =	shalt  }

// kernel: kernel.13.cloned.1.call-start
scs
__scs_entry_jumppad:
0x0: {  	(pc) =	sbr.rel $0x88, $3  }
0x1: {  	(tag) =	ssettag $0x0;
	lr =	simm.s32 $0x1  }
0x2: {  	[smem:$0x3F92] =	sst lr;
	_ =	strace $0xD0000000  }
0x3: {  	_ = 	snop  }
0x4: {  	_ = 	snop  }
0x5: {  	_ = 	snop  }
0x6: {  	_ = 	snop  }
0x7: {  	_ = 	snop  }
__scs_overlays_trampoline_lowered:
0x8: {  	[smem:$0x3FA1] =	sst s0  }
0x9: {  	[smem:$0x3FA2] =	sst s1  }
0xa: {  	[smem:$0x3FA3] =	sst s2  }
0xb: {  	[smem:$0x3FA4] =	sst s3  }
0xc: {  	[smem:$0x3FA5] =	sst s4  }
0xd: {  	[smem:$0x3FA6] =	sst s5  }
0xe: {  	[smem:$0x3FA7] =	sst s6  }
0xf: {  	[smem:$0x3FA8] =	sst s7  }
0x10: {  	[smem:$0x3FA9] =	sst s8  }
0x11: {  	[smem:$0x3FAA] =	sst s9;
	s0 =	simm.s32 @!p0 $0x0  }
0x12: {  	s1 =	sld [smem:$0x3F90];
	s0 =	simm.s32 @p0 $0x1  }
0x13: {  	[smem:$0x3FAB] =	sst s0;
	s0 =	simm.s32 @!p1 $0x0  }
0x14: {  	s2 =	sld [smem:$0x3F8F];
	s0 =	simm.s32 @p1 $0x1  }
0x15: {  	[smem:$0x3FAC] =	sst s0;
	s0 =	simm.s32 @!p2 $0x0  }
0x16: {  	s3 =	sld [smem:$0x3FDB];
	s0 =	simm.s32 @p2 $0x1  }
0x17: {  	s4 =	simm.s32 $0x1BF5;
	[smem:$0x3FAE] =	sst s0  }
0x18: {  	s0 =	sld [smem:$0x3F91];
	_ =	swait.ge [sflag:s4], $0x0  }
0x19: {  	s7 =	sld [smem:$0x3F92]  }
0x1a: {  	s8 =	sadd.s32 $0xFFFFE003, lr  }
0x1b: {  	s9 =	sadd.s32 $0xFFFFFEF7, lr;
	s5 =	simm.s32 $0xFFFFFFFF;
	p2 =	slt.u32 s8, $0xFFFFF086  }
0x1c: {  	p1 =	slt.u32 s9, $0xF7A;
	s5 =	simm.s32 @!p2 $0x0  }
0x1d: {  	s5 =	simm.s32 @p1 $0x1;
	p0 =	seq.s32 s7, s2  }
0x1e: {  	s7 =	smul.u32 @!p0 $0xF7A, s2;
	p2 =	seq.s32 @!p0 s5, $0x0  }
0x1f: {  	s9 =	smul.u32 $0xF7A, s1;
	s8 =	simm.s32 @!p0 $0x1BF5;
	p2 =	por !p2, p0  }
0x20: {  	[sflag:s8] =	ssyncset.s32 @!p0 $0xFFFFF086;
	s6 =	sadd.s32 @!p0 s3, s7;
	s7 =	simm.s32 @!p0 $0x108  }
0x21: {  	s3 =	sadd.s32 s3, s9;
	s6 =	sadd.s32 @!p0 $0x88, s6;
	s7 =	simm.s32 @p2 $0x1082  }
0x22: {  	[simem:s7], [sflag:s8] =	dma.local @!p0 [hbm:s6], $0xF7A  }
0x23: {  	s9 =	sor.u32 $0xD0000000, s2;
	s6 =	simm.s32 $0x108;
	_ =	swait.ge @!p0 [sflag:s8], $0x0  }
0x24: {  	s3 =	sadd.s32 $0x88, s3;
	s6 =	simm.s32 @!p1 $0x1082;
	[sflag:s4] =	ssyncset.s32 $0xFFFFF086  }
0x25: {  	[simem:s6], [sflag:s4] =	dma.local [hbm:s3], $0xF7A  }
0x26: {  	[smem:$0x3F92] =	sst s1;
	(tag) =	ssettag s2;
	_ =	strace s9  }
0x27: {  	s1 =	sld [smem:$0x3FA2]  }
0x28: {  	s2 =	sld [smem:$0x3FA3]  }
0x29: {  	s4 =	sld [smem:$0x3FA5]  }
0x2a: {  	p0 =	seq.s32 s5, $0x0;
	s5 =	sld [smem:$0x3FA6]  }
0x2b: {  	s6 =	sld [smem:$0x3FA7]  }
0x2c: {  	s7 =	sld [smem:$0x3FA8]  }
0x2d: {  	s3 =	simm.s32 $0x108;
	s8 =	sld [smem:$0x3FA9]  }
0x2e: {  	s3 =	simm.s32 @!p0 $0x1082;
	s9 =	sld [smem:$0x3FAA]  }
0x2f: {  	lr =	sadd.s32 s0, s3;
	s0 =	sld [smem:$0x3FA1]  }
0x30: {  	s3 =	sld [smem:$0x3FA4]  }
0x31: {  	[smem:$0x3FAD] =	sst s10  }
0x32: {  	s10 =	sld [smem:$0x3FAB];
	_ =	sdelay $0x3  }
0x33: {  	p0 =	seq.s32 s10, $0x1;
	s10 =	sld [smem:$0x3FAD];
	_ =	sdelay $0x3  }
0x34: {  	[smem:$0x3FAD] =	sst s10  }
0x35: {  	s10 =	sld [smem:$0x3FAC];
	_ =	sdelay $0x3  }
0x36: {  	p1 =	seq.s32 s10, $0x1;
	s10 =	sld [smem:$0x3FAD];
	_ =	sdelay $0x3  }
0x37: {  	[smem:$0x3FAD] =	sst s10  }
0x38: {  	s10 =	sld [smem:$0x3FAE]  }
0x39: {  	_ = 	snop;
	(pc) =	sbr.ind lr, $3  }
0x3a: {  	_ = 	snop  }
0x3b: {  	_ = 	snop  }
0x3c: {  	p2 =	seq.s32 s10, $0x1;
	s10 =	sld [smem:$0x3FAD]  }
0x3d: {  	_ =	shalt  }
0x3e: {  	_ =	shalt  }
0x3f: {  	_ =	shalt  }
0x40: {  	_ =	shalt  }
0x41: {  	_ =	shalt  }
0x42: {  	_ =	shalt  }
0x43: {  	_ =	shalt  }
0x44: {  	_ =	shalt  }
0x45: {  	_ =	shalt  }
0x46: {  	_ =	shalt  }
0x47: {  	_ =	shalt  }
0x48: {  	_ =	shalt  }
0x49: {  	_ =	shalt  }
0x4a: {  	_ =	shalt  }
0x4b: {  	_ =	shalt  }
0x4c: {  	_ =	shalt  }
0x4d: {  	_ =	shalt  }
0x4e: {  	_ =	shalt  }
0x4f: {  	_ =	shalt  }
0x50: {  	_ =	shalt  }
0x51: {  	_ =	shalt  }
0x52: {  	_ =	shalt  }
0x53: {  	_ =	shalt  }
0x54: {  	_ =	shalt  }
0x55: {  	_ =	shalt  }
0x56: {  	_ =	shalt  }
0x57: {  	_ =	shalt  }
0x58: {  	_ =	shalt  }
0x59: {  	_ =	shalt  }
0x5a: {  	_ =	shalt  }
0x5b: {  	_ =	shalt  }
0x5c: {  	_ =	shalt  }
0x5d: {  	_ =	shalt  }
0x5e: {  	_ =	shalt  }
0x5f: {  	_ =	shalt  }
0x60: {  	_ =	shalt  }
0x61: {  	_ =	shalt  }
0x62: {  	_ =	shalt  }
0x63: {  	_ =	shalt  }
0x64: {  	_ =	shalt  }
0x65: {  	_ =	shalt  }
0x66: {  	_ =	shalt  }
0x67: {  	_ =	shalt  }
0x68: {  	_ =	shalt  }
0x69: {  	_ =	shalt  }
0x6a: {  	_ =	shalt  }
0x6b: {  	_ =	shalt  }
0x6c: {  	_ =	shalt  }
0x6d: {  	_ =	shalt  }
0x6e: {  	_ =	shalt  }
0x6f: {  	_ =	shalt  }
0x70: {  	_ =	shalt  }
0x71: {  	_ =	shalt  }
0x72: {  	_ =	shalt  }
0x73: {  	_ =	shalt  }
0x74: {  	_ =	shalt  }
0x75: {  	_ =	shalt  }
0x76: {  	_ =	shalt  }
0x77: {  	_ =	shalt  }
0x78: {  	_ =	shalt  }
0x79: {  	_ =	shalt  }
0x7a: {  	_ =	shalt  }
0x7b: {  	_ =	shalt  }
0x7c: {  	_ =	shalt  }
0x7d: {  	_ =	shalt  }
0x7e: {  	_ =	shalt  }
0x7f: {  	_ =	shalt  }
0x80: {  	_ =	shalt  }
0x81: {  	_ =	shalt  }
0x82: {  	_ =	shalt  }
0x83: {  	_ =	shalt  }
0x84: {  	_ =	shalt  }
0x85: {  	_ =	shalt  }
0x86: {  	_ =	shalt  }
0x87: {  	_ =	shalt  }
.Lfunc_end0:
.L_simem_size_0:
called_computation.1_lowered:
.L_overlay_start_0:
0x88: {  	s2 =	sld [smem:$0x3FD9]  }
0x89: {  	s3 =	sld [smem:$0x3FFE];
	_ =	sdelay $0x1  }
0x8a: {  	s1 =	srdreg.scid  }
0x8b: {  	s0 =	sand.u32 $0x1, s1  }
0x8c: {  	s16 =	sshll.u32 s0, $0xA;
	s2 =	sadd.s32 s3, s2  }
0x8d: {  	s2 =	sadd.s32 s2, s16  }
0x8e: {  	[smem:$0x3FB9] =	sst s2  }
0x8f: {  	_ = 	snop  }
0x90: {  	(tm) =	ssettm $0x1  }
0x91: {  	s17 =	sld [smem:$0x3FFB];
	_ =	sdelay $0x3  }
0x92: {  	_ =	strace s17  }
0x93: {  	s2 =	sld [smem:$0x3FFC];
	_ =	sdelay $0x3  }
0x94: {  	_ =	strace s2  }
0x95: {  	s2 =	sld [smem:$0x3FFD];
	_ =	sdelay $0x3  }
0x96: {  	_ =	strace s2  }
0x97: {  	_ =	strace $0x8FFFFFFF  }
0x98: {  	s18 =	sld [smem:$0x3FDB];
	_ =	sdelay $0x1  }
0x99: {  	s19 =	simm.s32 $_scs_section_size  }
0x9a: {  	s4 =	simm.s32 $_size__tile_overlayer_lowered;
	s5 =	simm.s32 $_tile_overlayer_lowered  }
0x9b: {  	s22 =	simm.s32 $0x1BFF;
	s21 =	sshll.u32 s5, $0x1;
	s2 =	sadd.s32 s19, s18  }
0x9c: {  	s6 =	simm.s32 $0x0;
	s20 =	sshll.u32 s4, $0x1;
	s4 =	sadd.s32 s21, s2  }
0x9d: {  	[timem:s6], [sflag:s22] =	dma.local [hbm:s4], s20  }
0x9e: {  	_ =	swait.ge [sflag:s22], s20  }
0x9f: {  	s3 =	ssub.s32 $0x0, s20;
	[sflag:s22] =	ssyncset.done $0x0  }
0xa0: {  	[sflag:s22] =	ssyncadd.s32 s3;
	_ =	sdelay $0x1  }
0xa1: {  	s23 =	simm.s32 $0x1B8B  }
0xa2: {  	_ =	swait.ge [sflag:s23], $0x1  }
0xa3: {  	[sflag:s23] =	ssyncset.done $0x0  }
0xa4: {  	s25 =	simm.s32 $0x1B8E;
	s24 =	sld [smem:$0x3FFE];
	[sflag:s23] =	ssyncadd.s32 $0xFFFFFFFF  }
0xa5: {  	s26 =	simm.s32 $execute0_lowered;
	[smem:$0x3FD2] =	sst s25  }
0xa6: {  	s4 =	sshll.u32 s26, $0x1;
	_ =	strace $0x80000049;
	[dreg:$0x1] =	wrdreg $0xFFFFFFFF  }
0xa7: {  	s28 =	simm.s32 $_size_execute0_lowered;
	s2 =	sadd.s32 s2, s4;
	[dreg:$0x0] =	wrdreg $0x0  }
0xa8: {  	s4 =	sshll.u32 s28, $0x1;
	[dreg:$0x2] =	wrdreg s2  }
0xa9: {  	[dreg:$0x3] =	wrdreg s4  }
0xaa: {  	[dreg:$0x4] =	wrdreg $0xC0  }
0xab: {  	_ =	task [dreg:s6], $0x5FFFF  }
0xac: {  	[dreg:$0x1] =	wrdreg $0xFFFFFFFF  }
0xad: {  	[dreg:$0x0] =	wrdreg $0x60  }
0xae: {  	[dreg:$0x2] =	wrdreg s24  }
0xaf: {  	[dreg:$0x3] =	wrdreg $0x0  }
0xb0: {  	[dreg:$0x4] =	wrdreg $0x9  }
0xb1: {  	_ =	task.clear_ibuf [dreg:s6], $0x5FFFF;
	_ =	strace $0x90000049  }
0xb2: {  	s29 =	simm.s32 $0x9;
	_ =	strace $0x8000004B  }
0xb3: {  	_ =	swait.ge [sflag:s29], $0x1  }
0xb4: {  	[sflag:s29] =	ssyncadd.s32 $0xFFFFFFFF  }
0xb5: {  	_ =	strace $0x9000004B  }
0xb6: {  	_ =	sfence  }
0xb7: {  	s30 =	sld [smem:$0x0];
	_ =	sdelay $0x2  }
0xb8: {  	s31 =	sshll.u32 s1, $0xD;
	s1 =	sshrl.u32 s1, $0x2  }
0xb9: {  	s3 =	sand.u32 $0x4000, s31;
	s1 =	sadd.s32 s1, s30  }
0xba: {  	s0 =	sor.u32 s3, s0;
	s1 =	sshll.u32 s1, $0x11  }
0xbb: {  	s0 =	sor.u32 s1, s0  }
0xbc: {  	s0 =	sadd.s32 $0x8F2B, s0  }
0xbd: {  	[sflag:s0] =	ssyncadd.remote.s32 $0x1  }
0xbe: {  	_ =	sfence.sel $0xFFFF  }
0xbf: {  	[dreg:$0x0] =	wrdreg $0xFFFFFFFF;
	(pc) =	sbr.abs _section_cstart, $3  }
0xc0: {  	[dreg:$0x1] =	wrdreg $0xFFFFFFFF  }
0xc1: {  	_ =	task.clear_ibuf [dreg:s6], $0x2FFFF;
	_ =	strace $0x9FFFFFFF  }
0xc2: {  	(tm) =	ssettm $0x7FFFFFFF  }
0xc3: {  	_ =	shalt  }
tec
execute0_lowered:
.L_overlay_start_1:
0x0: {  	(tag) =	ssettag $0x1  }
0x1: {  	s0 =	rddreg [dreg:$0x0]  }
0x2: {  	s1 =	rddreg [dreg:$0x1];
	s2 =	simm.s32 $0x0  }
0x3: {  	s7 =	srdreg.scid;
	s20 =	stileid.u32;
	s15 =	simm.s32 $0x6  }
0x4: {  	s18 =	simm.s32 $0x5;
	s19 =	simm.s32 $0x40;
	s28 =	simm.s32 $0x1C000  }
0x5: {  	s29 =	simm.s32 $0x2;
	s30 =	simm.s32 $0x3;
	s31 =	simm.s32 $0x4  }
0x6: {  	[smem:$0x7FF] =	sst s2;
	s3 =	sadd.s32 $0xFC00, s0;
	s4 =	sadd.s32 $0x37C00, s0  }
0x7: {  	s5 =	sadd.s32 $0x62C00, s0;
	s6 =	sadd.s32 $0x5C00, s0;
	s9 =	smul.u32 $0x50000, s20  }
0x8: {  	s7 =	sand.u32 $0x1, s7;
	s11 =	sadd.s32 $0x6CC00, s0;
	s12 =	smul.u32 $0xA00, s20  }
0x9: {  	s0 =	sadd.s32 $0x94C00, s0;
	s13 =	smul.u32 $0x2800, s20;
	s25 =	sshll.u32 s20, $0x6  }
0xa: {  	_ =	strace $0x8000004A;
	s8 =	ssub.s32 $0x2, s7;
	p0 =	seq.s32 s7, $0x0  }
0xb: {  	s10 =	sshrl.u32 s8, $0x1;
	s21 =	sshrl.u32 s9, $0x2;
	s22 =	sadd.s32 s5, s12  }
0xc: {  	s23 =	sadd.s32 s6, s12;
	s9 =	smul.u32 $0x5000, s20;
	s4 =	smov.u32 @p0 s3  }
0xd: {  	s0 =	smov.u32 @p0 s11;
	s12 =	sor.u32 $0x1C06, s25;
	s20 =	simm.s32 $0x16000  }
0xe: {  	s25 =	simm.s32 $0x7D;
	s10 =	ssub.s32 s8, s10;
	[dreg:$0x3] =	wrdreg s22  }
.Ltmp0:
0xf: {  	s14 =	sadd.s32 s21, s1;
	[dreg:$0x4] =	wrdreg s23;
	(pc) =	sbr.rel .LBB2_1-.Ltmp0, $4  }
0x10: {  	s26 =	sadd.s32 s4, s13;
	s0 =	sadd.s32 s0, s13;
	s21 =	simm.s32 $0x3D  }
0x11: {  	s23 =	simm.s32 $0x18000;
	s24 =	smax.u32 s10, $0x1;
	[dreg:$0x6] =	wrdreg s26  }
0x12: {  	[dreg:$0x7] =	wrdreg s0;
	s14 =	sshrl.u32 s14, $0x3;
	s26 =	simm.s32 $0x1A000  }
0x13: {  	s0 =	simm.s32 $0x0;
	[dreg:$0x5] =	wrdreg s24;
	s24 =	simm.s32 $0x1  }
.LBB2_4:
0x14: {  	_ =	swait.ge [sflag:s31], $0x3E80  }
0x15: {  	[sflag:s31] =	ssyncset.done $0x0  }
0x16: {  	[sflag:s31] =	ssyncadd.s32 $0xFFFFC180  }
0x17: {  	[bflag:$0x0] =	sbarrier.arrive $0xFFFF  }
0x18: {  	s2 =	rddreg [dreg:$0x7]  }
0x19: {  	[hbm:s2], [sflag:s12] =	dma.local [spmem:s14], $0x2800  }
0x1a: {  	_ =	swait.ge [sflag:s15], $0x2800  }
0x1b: {  	s0 =	sadd.s32 $0x1, s0;
	s22 =	rddreg [dreg:$0x5]  }
0x1c: {  	p0 =	sne.s32 s0, s22  }
.Ltmp1:
0x1d: {  	_ = 	snop;
	(pc) =	sbr.rel @!p0 .LBB2_5-.Ltmp1, $3  }
0x1e: {  	_ =	sdelay $0x1  }
0x1f: {  	[sflag:s15] =	ssyncset.done $0x0  }
0x20: {  	[sflag:s15] =	ssyncadd.s32 $0xFFFFD800  }
.LBB2_1:
0x21: {  	s2 =	rddreg [dreg:$0x6]  }
0x22: {  	[spmem:s14], [sflag:s12] =	dma.local [hbm:s2], $0x2800  }
0x23: {  	_ =	swait.ge [sflag:s15], $0x2800  }
0x24: {  	[sflag:s15] =	ssyncset.done $0x0  }
0x25: {  	[sflag:s15] =	ssyncadd.s32 $0xFFFFD800  }
0x26: {  	[bflag:$0x0] =	sbarrier.arrive $0xFFFF  }
0x27: {  	s16 =	simm.s32 $0x0;
	s7 =	simm.s32 $0x14000;
	s3 =	rddreg [dreg:$0x3]  }
0x28: {  	[tilespmem:s7], [sflag:$0x5] =	stream.linear.gather [hbm4b:s3+s16], $0x800, $0x38;
	[tilespmem:$0x1E000] =	vst v63  }
0x29: {  	s8 =	simm.s32 $0x15000;
	s17 =	rddreg [dreg:$0x4]  }
0x2a: {  	[tilespmem:s8], [sflag:$0x5] =	stream.linear.gather [hbm4b:s17+s16], $0x800, $0x38;
	[tilespmem:$0x1E000] =	vst v63  }
0x2b: {  	_ =	swait.ge [sflag:s18], $0x800  }
0x2c: {  	[sflag:s18] =	ssyncset.done $0x0  }
0x2d: {  	[sflag:s18] =	ssyncadd.s32 $0xFFFFF800  }
0x2e: {  	_ =	swait.ge [sflag:s18], $0x800  }
0x2f: {  	[sflag:s18] =	ssyncset.done $0x0  }
0x30: {  	[sflag:s18] =	ssyncadd.s32 $0xFFFFF800  }
0x31: {  	[tilespmem:s20], [sflag:$0x1] =	stream.indirect.gather [hbm4b:s4+s19], $0x80, s7, s19, $0xb8;
	[tilespmem:$0x1E000] =	vst v63  }
0x32: {  	s22 =	simm.s32 $0x14040  }
0x33: {  	[tilespmem:s23], [sflag:$0x1] =	stream.indirect.gather [hbm4b:s4+s21], $0x80, s22, s21, $0xb8;
	[tilespmem:$0x1E000] =	vst v63  }
0x34: {  	s3 =	simm.s32 $0x0;
	s17 =	simm.s32 $0x0;
	s22 =	simm.s32 $0x0  }
.LBB2_2:
0x35: {  	s2 =	sand.u32 $0xE, s3;
	p0 =	seq.s32 s17, $0x0;
	p1 =	sgt.u32 s22, $0x47  }
0x36: {  	p2 =	sne.s32 @!p0 s2, $0x0;
	p3 =	sne.s32 @!p1 s2, $0x0  }
0x37: {  	s7 =	sshrl.u32 s22, $0x3;
	p2 =	por p2, p0;
	p0 =	por p3, p1  }
0x38: {  	s8 =	simm.s32 @!p2 $0x4;
	s10 =	sshll.u32 @!p0 s7, $0xB  }
0x39: {  	_ =	swait.ge @!p2 [sflag:s8], $0x3E80;
	s10 =	sadd.s32 @!p0 $0x800, s10  }
0x3a: {  	[sflag:s8] =	ssyncset.done @!p2 $0x0;
	s11 =	sadd.s32 @!p0 s9, s10  }
0x3b: {  	[sflag:s8] =	ssyncadd.s32 @!p2 $0xFFFFC180;
	s8 =	sand.u32 @!p0 $0x800, s10;
	s10 =	sshrl.u32 @!p0 s11, $0x3  }
0x3c: {  	s16 =	simm.s32 @!p0 $0x0;
	s11 =	sor.u32 @!p0 $0x14000, s8;
	s13 =	sadd.s32 @!p0 s5, s10  }
0x3d: {  	[tilespmem:s11], [sflag:$0x5] =	stream.linear.gather @!p0 [hbm4b:s13+s16], $0x800, $0x38;
	[tilespmem:$0x1E000] =	vst v63  }
0x3e: {  	s8 =	sor.u32 @!p0 $0x15000, s8;
	s10 =	sadd.s32 @!p0 s6, s10  }
0x3f: {  	[tilespmem:s8], [sflag:$0x5] =	stream.linear.gather @!p0 [hbm4b:s10+s16], $0x800, $0x38;
	[tilespmem:$0x1E000] =	vst v63  }
0x40: {  	s7 =	sshll.u32 s7, $0x4;
	_ =	swait.ge [sflag:s24], $0x2000  }
0x41: {  	s7 =	sand.u32 $0x10, s7;
	[sflag:s24] =	ssyncset.done $0x0  }
0x42: {  	s7 =	sor.u32 s2, s7;
	[sflag:s24] =	ssyncadd.s32 $0xFFFFE000  }
0x43: {  	s7 =	sshll.u32 s7, $0x7;
	_ =	swait.ge [sflag:s24], $0x1E80  }
0x44: {  	p0 =	seq.s32 s2, $0x0;
	s8 =	sor.u32 $0x15000, s7;
	[sflag:s24] =	ssyncset.done $0x0  }
0x45: {  	s10 =	sand.u32 $0x3C00, s17;
	s2 =	simm.s32 @!p0 $0x4;
	[sflag:s24] =	ssyncadd.s32 $0xFFFFE180  }
0x46: {  	[spmem:s1] =	stream.indirect.scatter.add.f32 [tilespmem:s20], [sflag:$0x3], $0x80, s8, s25, $0xb8;
	[tilespmem:$0x1E000] =	vst v63  }
0x47: {  	s7 =	sor.u32 $0x200, s10;
	_ =	swait.ge @!p0 [sflag:s2], $0x3E80  }
0x48: {  	s7 =	sshrl.u32 s7, $0x2;
	[sflag:s2] =	ssyncset.done @!p0 $0x0  }
0x49: {  	s11 =	sor.u32 $0x14000, s7;
	[sflag:s2] =	ssyncadd.s32 @!p0 $0xFFFFC180  }
0x4a: {  	[tilespmem:s26], [sflag:$0x2] =	stream.indirect.gather [hbm4b:s4+s19], $0x80, s11, s19, $0xb8;
	[tilespmem:$0x1E000] =	vst v63  }
0x4b: {  	s13 =	sor.u32 $0x14040, s7  }
0x4c: {  	[tilespmem:s28], [sflag:$0x2] =	stream.indirect.gather [hbm4b:s4+s21], $0x80, s13, s21, $0xb8;
	[tilespmem:$0x1E000] =	vst v63  }
0x4d: {  	_ =	swait.ge [sflag:s29], $0x2000  }
0x4e: {  	[sflag:s29] =	ssyncset.done $0x0  }
0x4f: {  	[sflag:s29] =	ssyncadd.s32 $0xFFFFE000  }
0x50: {  	_ =	swait.ge [sflag:s29], $0x1E80  }
0x51: {  	p0 =	seq.s32 s22, $0x4F;
	[sflag:s29] =	ssyncset.done $0x0  }
.Ltmp2:
0x52: {  	s16 =	sor.u32 $0x15000, s7;
	[sflag:s29] =	ssyncadd.s32 $0xFFFFE180;
	(pc) =	sbr.rel @p0 .LBB2_4-.Ltmp2, $4  }
0x53: {  	[spmem:s1] =	stream.indirect.scatter.add.f32 [tilespmem:s26], [sflag:$0x4], $0x80, s16, s25, $0xb8;
	[tilespmem:$0x1E000] =	vst v63  }
0x54: {  	_ =	swait.ge [sflag:s30], $0x3E80  }
0x55: {  	[sflag:s30] =	ssyncset.done $0x0  }
0x56: {  	[sflag:s30] =	ssyncadd.s32 $0xFFFFC180  }
0x57: {  	s3 =	sadd.s32 $0x2, s3  }
0x58: {  	s2 =	sand.u32 $0xE, s3  }
0x59: {  	p0 =	sne.s32 s2, $0x0  }
0x5a: {  	s2 =	simm.s32 @!p0 $0x5  }
0x5b: {  	_ =	swait.ge @!p0 [sflag:s2], $0x800  }
0x5c: {  	[sflag:s2] =	ssyncset.done @!p0 $0x0  }
0x5d: {  	s17 =	sadd.s32 $0x400, s17;
	[sflag:s2] =	ssyncadd.s32 @!p0 $0xFFFFF800  }
0x5e: {  	s7 =	sand.u32 $0x3C00, s17;
	_ =	swait.ge @!p0 [sflag:s2], $0x800  }
.Ltmp3:
0x5f: {  	s7 =	sshrl.u32 s7, $0x2;
	[sflag:s2] =	ssyncset.done @!p0 $0x0;
	(pc) =	sbr.rel .LBB2_2-.Ltmp3, $4  }
0x60: {  	s13 =	sor.u32 $0x14000, s7;
	[sflag:s2] =	ssyncadd.s32 @!p0 $0xFFFFF800  }
0x61: {  	[tilespmem:s20], [sflag:$0x1] =	stream.indirect.gather [hbm4b:s4+s19], $0x80, s13, s19, $0xb8;
	[tilespmem:$0x1E000] =	vst v63  }
0x62: {  	s22 =	sadd.s32 $0x1, s22;
	s16 =	sor.u32 $0x14040, s7  }
0x63: {  	[tilespmem:s23], [sflag:$0x1] =	stream.indirect.gather [hbm4b:s4+s21], $0x80, s16, s21, $0xb8;
	[tilespmem:$0x1E000] =	vst v63  }
.LBB2_5:
0x64: {  	_ =	sfence.sel $0x180000  }
0x65: {  	[bflag:$0x0] =	sbarrier.arrive $0xFFFF  }
0x66: {  	_ =	strace $0x9000004A  }
0x67: {  	s0 =	stileid.u32;
	[bflag:$0x2] =	sbarrier.arrive $0xFFFF  }
0x68: {  	p0 =	sne.s32 s0, $0x0;
	s0 =	rddreg [dreg:$0x2]  }
0x69: {  	s0 =	sadd.s32 @!p0 $0x100000, s0  }
0x6a: {  	[sflag:s0] =	ssyncadd.tile.s32 @!p0 $0x1;
	_ =	shalt  }
.Lfunc_end2:
_tile_overlayer_lowered:
.L_overlay_start_2:
0x6b: {  	(tag) =	ssettag $0x2  }
0x6c: {  	s0 =	rddreg [dreg:$0x0];
	s2 =	stileid.u32  }
0x6d: {  	s1 =	rddreg [dreg:$0x1];
	p0 =	sne.s32 s2, $0x0  }
0x6e: {  	s3 =	rddreg [dreg:$0x2];
	[bflag:$0x3] =	sbarrier.arrive $0xFFFF;
	s2 =	simm.s32 @!p0 $0x1C06  }
0x6f: {  	[timem:s3], [sflag:s2] =	dma.local @!p0 [hbm:s0], s1  }
0x70: {  	s0 =	simm.s32 @!p0 $0x6  }
0x71: {  	_ =	swait.ge @!p0 [sflag:s0], s1  }
0x72: {  	s1 =	ssub.s32 @!p0 $0x0, s1;
	[sflag:s0] =	ssyncset.done @!p0 $0x0  }
0x73: {  	[sflag:s0] =	ssyncadd.s32 @!p0 s1  }
0x74: {  	[bflag:$0x3] =	sbarrier.arrive $0xFFFF  }
0x75: {  	_ =	shalt  }

// kernel: kernel.16.cloned.1.call-start
scs
__scs_entry_jumppad:
0x0: {  	(pc) =	sbr.rel $0x88, $3  }
0x1: {  	(tag) =	ssettag $0x0;
	lr =	simm.s32 $0x1  }
0x2: {  	[smem:$0x3F92] =	sst lr;
	_ =	strace $0xD0000000  }
0x3: {  	_ = 	snop  }
0x4: {  	_ = 	snop  }
0x5: {  	_ = 	snop  }
0x6: {  	_ = 	snop  }
0x7: {  	_ = 	snop  }
__scs_overlays_trampoline_lowered:
0x8: {  	[smem:$0x3FA1] =	sst s0  }
0x9: {  	[smem:$0x3FA2] =	sst s1  }
0xa: {  	[smem:$0x3FA3] =	sst s2  }
0xb: {  	[smem:$0x3FA4] =	sst s3  }
0xc: {  	[smem:$0x3FA5] =	sst s4  }
0xd: {  	[smem:$0x3FA6] =	sst s5  }
0xe: {  	[smem:$0x3FA7] =	sst s6  }
0xf: {  	[smem:$0x3FA8] =	sst s7  }
0x10: {  	[smem:$0x3FA9] =	sst s8  }
0x11: {  	[smem:$0x3FAA] =	sst s9;
	s0 =	simm.s32 @!p0 $0x0  }
0x12: {  	s1 =	sld [smem:$0x3F90];
	s0 =	simm.s32 @p0 $0x1  }
0x13: {  	[smem:$0x3FAB] =	sst s0;
	s0 =	simm.s32 @!p1 $0x0  }
0x14: {  	s2 =	sld [smem:$0x3F8F];
	s0 =	simm.s32 @p1 $0x1  }
0x15: {  	[smem:$0x3FAC] =	sst s0;
	s0 =	simm.s32 @!p2 $0x0  }
0x16: {  	s3 =	sld [smem:$0x3FDB];
	s0 =	simm.s32 @p2 $0x1  }
0x17: {  	s4 =	simm.s32 $0x1BF5;
	[smem:$0x3FAE] =	sst s0  }
0x18: {  	s0 =	sld [smem:$0x3F91];
	_ =	swait.ge [sflag:s4], $0x0  }
0x19: {  	s7 =	sld [smem:$0x3F92]  }
0x1a: {  	s8 =	sadd.s32 $0xFFFFE003, lr  }
0x1b: {  	s9 =	sadd.s32 $0xFFFFFEF7, lr;
	s5 =	simm.s32 $0xFFFFFFFF;
	p2 =	slt.u32 s8, $0xFFFFF086  }
0x1c: {  	p1 =	slt.u32 s9, $0xF7A;
	s5 =	simm.s32 @!p2 $0x0  }
0x1d: {  	s5 =	simm.s32 @p1 $0x1;
	p0 =	seq.s32 s7, s2  }
0x1e: {  	s7 =	smul.u32 @!p0 $0xF7A, s2;
	p2 =	seq.s32 @!p0 s5, $0x0  }
0x1f: {  	s9 =	smul.u32 $0xF7A, s1;
	s8 =	simm.s32 @!p0 $0x1BF5;
	p2 =	por !p2, p0  }
0x20: {  	[sflag:s8] =	ssyncset.s32 @!p0 $0xFFFFF086;
	s6 =	sadd.s32 @!p0 s3, s7;
	s7 =	simm.s32 @!p0 $0x108  }
0x21: {  	s3 =	sadd.s32 s3, s9;
	s6 =	sadd.s32 @!p0 $0x88, s6;
	s7 =	simm.s32 @p2 $0x1082  }
0x22: {  	[simem:s7], [sflag:s8] =	dma.local @!p0 [hbm:s6], $0xF7A  }
0x23: {  	s9 =	sor.u32 $0xD0000000, s2;
	s6 =	simm.s32 $0x108;
	_ =	swait.ge @!p0 [sflag:s8], $0x0  }
0x24: {  	s3 =	sadd.s32 $0x88, s3;
	s6 =	simm.s32 @!p1 $0x1082;
	[sflag:s4] =	ssyncset.s32 $0xFFFFF086  }
0x25: {  	[simem:s6], [sflag:s4] =	dma.local [hbm:s3], $0xF7A  }
0x26: {  	[smem:$0x3F92] =	sst s1;
	(tag) =	ssettag s2;
	_ =	strace s9  }
0x27: {  	s1 =	sld [smem:$0x3FA2]  }
0x28: {  	s2 =	sld [smem:$0x3FA3]  }
0x29: {  	s4 =	sld [smem:$0x3FA5]  }
0x2a: {  	p0 =	seq.s32 s5, $0x0;
	s5 =	sld [smem:$0x3FA6]  }
0x2b: {  	s6 =	sld [smem:$0x3FA7]  }
0x2c: {  	s7 =	sld [smem:$0x3FA8]  }
0x2d: {  	s3 =	simm.s32 $0x108;
	s8 =	sld [smem:$0x3FA9]  }
0x2e: {  	s3 =	simm.s32 @!p0 $0x1082;
	s9 =	sld [smem:$0x3FAA]  }
0x2f: {  	lr =	sadd.s32 s0, s3;
	s0 =	sld [smem:$0x3FA1]  }
0x30: {  	s3 =	sld [smem:$0x3FA4]  }
0x31: {  	[smem:$0x3FAD] =	sst s10  }
0x32: {  	s10 =	sld [smem:$0x3FAB];
	_ =	sdelay $0x3  }
0x33: {  	p0 =	seq.s32 s10, $0x1;
	s10 =	sld [smem:$0x3FAD];
	_ =	sdelay $0x3  }
0x34: {  	[smem:$0x3FAD] =	sst s10  }
0x35: {  	s10 =	sld [smem:$0x3FAC];
	_ =	sdelay $0x3  }
0x36: {  	p1 =	seq.s32 s10, $0x1;
	s10 =	sld [smem:$0x3FAD];
	_ =	sdelay $0x3  }
0x37: {  	[smem:$0x3FAD] =	sst s10  }
0x38: {  	s10 =	sld [smem:$0x3FAE]  }
0x39: {  	_ = 	snop;
	(pc) =	sbr.ind lr, $3  }
0x3a: {  	_ = 	snop  }
0x3b: {  	_ = 	snop  }
0x3c: {  	p2 =	seq.s32 s10, $0x1;
	s10 =	sld [smem:$0x3FAD]  }
0x3d: {  	_ =	shalt  }
0x3e: {  	_ =	shalt  }
0x3f: {  	_ =	shalt  }
0x40: {  	_ =	shalt  }
0x41: {  	_ =	shalt  }
0x42: {  	_ =	shalt  }
0x43: {  	_ =	shalt  }
0x44: {  	_ =	shalt  }
0x45: {  	_ =	shalt  }
0x46: {  	_ =	shalt  }
0x47: {  	_ =	shalt  }
0x48: {  	_ =	shalt  }
0x49: {  	_ =	shalt  }
0x4a: {  	_ =	shalt  }
0x4b: {  	_ =	shalt  }
0x4c: {  	_ =	shalt  }
0x4d: {  	_ =	shalt  }
0x4e: {  	_ =	shalt  }
0x4f: {  	_ =	shalt  }
0x50: {  	_ =	shalt  }
0x51: {  	_ =	shalt  }
0x52: {  	_ =	shalt  }
0x53: {  	_ =	shalt  }
0x54: {  	_ =	shalt  }
0x55: {  	_ =	shalt  }
0x56: {  	_ =	shalt  }
0x57: {  	_ =	shalt  }
0x58: {  	_ =	shalt  }
0x59: {  	_ =	shalt  }
0x5a: {  	_ =	shalt  }
0x5b: {  	_ =	shalt  }
0x5c: {  	_ =	shalt  }
0x5d: {  	_ =	shalt  }
0x5e: {  	_ =	shalt  }
0x5f: {  	_ =	shalt  }
0x60: {  	_ =	shalt  }
0x61: {  	_ =	shalt  }
0x62: {  	_ =	shalt  }
0x63: {  	_ =	shalt  }
0x64: {  	_ =	shalt  }
0x65: {  	_ =	shalt  }
0x66: {  	_ =	shalt  }
0x67: {  	_ =	shalt  }
0x68: {  	_ =	shalt  }
0x69: {  	_ =	shalt  }
0x6a: {  	_ =	shalt  }
0x6b: {  	_ =	shalt  }
0x6c: {  	_ =	shalt  }
0x6d: {  	_ =	shalt  }
0x6e: {  	_ =	shalt  }
0x6f: {  	_ =	shalt  }
0x70: {  	_ =	shalt  }
0x71: {  	_ =	shalt  }
0x72: {  	_ =	shalt  }
0x73: {  	_ =	shalt  }
0x74: {  	_ =	shalt  }
0x75: {  	_ =	shalt  }
0x76: {  	_ =	shalt  }
0x77: {  	_ =	shalt  }
0x78: {  	_ =	shalt  }
0x79: {  	_ =	shalt  }
0x7a: {  	_ =	shalt  }
0x7b: {  	_ =	shalt  }
0x7c: {  	_ =	shalt  }
0x7d: {  	_ =	shalt  }
0x7e: {  	_ =	shalt  }
0x7f: {  	_ =	shalt  }
0x80: {  	_ =	shalt  }
0x81: {  	_ =	shalt  }
0x82: {  	_ =	shalt  }
0x83: {  	_ =	shalt  }
0x84: {  	_ =	shalt  }
0x85: {  	_ =	shalt  }
0x86: {  	_ =	shalt  }
0x87: {  	_ =	shalt  }
.Lfunc_end0:
.L_simem_size_0:
called_computation.2_lowered:
.L_overlay_start_0:
0x88: {  	s2 =	sld [smem:$0x3FD9]  }
0x89: {  	s3 =	sld [smem:$0x3FFE];
	_ =	sdelay $0x1  }
0x8a: {  	s1 =	srdreg.scid  }
0x8b: {  	s0 =	sand.u32 $0x1, s1  }
0x8c: {  	s16 =	sshll.u32 s0, $0xA;
	s2 =	sadd.s32 s3, s2  }
0x8d: {  	s2 =	sadd.s32 s2, s16  }
0x8e: {  	[smem:$0x3FB9] =	sst s2  }
0x8f: {  	_ = 	snop  }
0x90: {  	(tm) =	ssettm $0x1  }
0x91: {  	s17 =	sld [smem:$0x3FFB];
	_ =	sdelay $0x3  }
0x92: {  	_ =	strace s17  }
0x93: {  	s2 =	sld [smem:$0x3FFC];
	_ =	sdelay $0x3  }
0x94: {  	_ =	strace s2  }
0x95: {  	s2 =	sld [smem:$0x3FFD];
	_ =	sdelay $0x3  }
0x96: {  	_ =	strace s2  }
0x97: {  	_ =	strace $0x8FFFFFFF  }
0x98: {  	s18 =	sld [smem:$0x3FDB];
	_ =	sdelay $0x1  }
0x99: {  	s19 =	simm.s32 $_scs_section_size  }
0x9a: {  	s4 =	simm.s32 $_size__tile_overlayer_lowered;
	s5 =	simm.s32 $_tile_overlayer_lowered  }
0x9b: {  	s22 =	simm.s32 $0x1BFF;
	s21 =	sshll.u32 s5, $0x1;
	s2 =	sadd.s32 s19, s18  }
0x9c: {  	s6 =	simm.s32 $0x0;
	s20 =	sshll.u32 s4, $0x1;
	s4 =	sadd.s32 s21, s2  }
0x9d: {  	[timem:s6], [sflag:s22] =	dma.local [hbm:s4], s20  }
0x9e: {  	_ =	swait.ge [sflag:s22], s20  }
0x9f: {  	s3 =	ssub.s32 $0x0, s20;
	[sflag:s22] =	ssyncset.done $0x0  }
0xa0: {  	[sflag:s22] =	ssyncadd.s32 s3;
	_ =	sdelay $0x1  }
0xa1: {  	s23 =	simm.s32 $0x1B8B  }
0xa2: {  	_ =	swait.ge [sflag:s23], $0x1  }
0xa3: {  	[sflag:s23] =	ssyncset.done $0x0  }
0xa4: {  	s25 =	simm.s32 $0x1B8E;
	s24 =	sld [smem:$0x3FFE];
	[sflag:s23] =	ssyncadd.s32 $0xFFFFFFFF  }
0xa5: {  	s26 =	simm.s32 $execute0_lowered;
	[smem:$0x3FD2] =	sst s25  }
0xa6: {  	s4 =	sshll.u32 s26, $0x1;
	_ =	strace $0x8000004C;
	[dreg:$0x1] =	wrdreg $0xFFFFFFFF  }
0xa7: {  	s28 =	simm.s32 $_size_execute0_lowered;
	s2 =	sadd.s32 s2, s4;
	[dreg:$0x0] =	wrdreg $0x0  }
0xa8: {  	s4 =	sshll.u32 s28, $0x1;
	[dreg:$0x2] =	wrdreg s2  }
0xa9: {  	[dreg:$0x3] =	wrdreg s4  }
0xaa: {  	[dreg:$0x4] =	wrdreg $0xC0  }
0xab: {  	_ =	task [dreg:s6], $0x5FFFF  }
0xac: {  	[dreg:$0x1] =	wrdreg $0xFFFFFFFF  }
0xad: {  	[dreg:$0x0] =	wrdreg $0x60  }
0xae: {  	[dreg:$0x2] =	wrdreg s24  }
0xaf: {  	[dreg:$0x3] =	wrdreg $0x0  }
0xb0: {  	[dreg:$0x4] =	wrdreg $0x9  }
0xb1: {  	_ =	task.clear_ibuf [dreg:s6], $0x5FFFF;
	_ =	strace $0x9000004C  }
0xb2: {  	s29 =	simm.s32 $0x9;
	_ =	strace $0x8000004E  }
0xb3: {  	_ =	swait.ge [sflag:s29], $0x1  }
0xb4: {  	[sflag:s29] =	ssyncadd.s32 $0xFFFFFFFF  }
0xb5: {  	_ =	strace $0x9000004E  }
0xb6: {  	_ =	sfence  }
0xb7: {  	s30 =	sld [smem:$0x0];
	_ =	sdelay $0x2  }
0xb8: {  	s31 =	sshll.u32 s1, $0xD;
	s1 =	sshrl.u32 s1, $0x2  }
0xb9: {  	s3 =	sand.u32 $0x4000, s31;
	s1 =	sadd.s32 s1, s30  }
0xba: {  	s0 =	sor.u32 s3, s0;
	s1 =	sshll.u32 s1, $0x11  }
0xbb: {  	s0 =	sor.u32 s1, s0  }
0xbc: {  	s0 =	sadd.s32 $0x8F2B, s0  }
0xbd: {  	[sflag:s0] =	ssyncadd.remote.s32 $0x1  }
0xbe: {  	_ =	sfence.sel $0xFFFF  }
0xbf: {  	[dreg:$0x0] =	wrdreg $0xFFFFFFFF;
	(pc) =	sbr.abs _section_cstart, $3  }
0xc0: {  	[dreg:$0x1] =	wrdreg $0xFFFFFFFF  }
0xc1: {  	_ =	task.clear_ibuf [dreg:s6], $0x2FFFF;
	_ =	strace $0x9FFFFFFF  }
0xc2: {  	(tm) =	ssettm $0x7FFFFFFF  }
0xc3: {  	_ =	shalt  }
tec
execute0_lowered:
.L_overlay_start_1:
0x0: {  	(tag) =	ssettag $0x1  }
0x1: {  	s0 =	rddreg [dreg:$0x0]  }
0x2: {  	s1 =	rddreg [dreg:$0x1];
	s2 =	simm.s32 $0x0  }
0x3: {  	s7 =	srdreg.scid;
	s20 =	stileid.u32;
	s15 =	simm.s32 $0x6  }
0x4: {  	s18 =	simm.s32 $0x5;
	s19 =	simm.s32 $0x40;
	s28 =	simm.s32 $0x1C000  }
0x5: {  	s29 =	simm.s32 $0x2;
	s30 =	simm.s32 $0x3;
	s31 =	simm.s32 $0x4  }
0x6: {  	[smem:$0x7FF] =	sst s2;
	s3 =	sadd.s32 $0xFC00, s0;
	s4 =	sadd.s32 $0x37C00, s0  }
0x7: {  	s5 =	sadd.s32 $0x62C00, s0;
	s6 =	sadd.s32 $0x5C00, s0;
	s9 =	smul.u32 $0x50000, s20  }
0x8: {  	s7 =	sand.u32 $0x1, s7;
	s11 =	sadd.s32 $0x6CC00, s0;
	s12 =	smul.u32 $0xA00, s20  }
0x9: {  	s0 =	sadd.s32 $0x94C00, s0;
	s13 =	smul.u32 $0x2800, s20;
	s25 =	sshll.u32 s20, $0x6  }
0xa: {  	_ =	strace $0x8000004D;
	s8 =	ssub.s32 $0x2, s7;
	p0 =	seq.s32 s7, $0x0  }
0xb: {  	s10 =	sshrl.u32 s8, $0x1;
	s21 =	sshrl.u32 s9, $0x2;
	s22 =	sadd.s32 s5, s12  }
0xc: {  	s23 =	sadd.s32 s6, s12;
	s9 =	smul.u32 $0x5000, s20;
	s4 =	smov.u32 @p0 s3  }
0xd: {  	s0 =	smov.u32 @p0 s11;
	s12 =	sor.u32 $0x1C06, s25;
	s20 =	simm.s32 $0x16000  }
0xe: {  	s25 =	simm.s32 $0x7D;
	s10 =	ssub.s32 s8, s10;
	[dreg:$0x3] =	wrdreg s22  }
.Ltmp0:
0xf: {  	s14 =	sadd.s32 s21, s1;
	[dreg:$0x4] =	wrdreg s23;
	(pc) =	sbr.rel .LBB2_1-.Ltmp0, $4  }
0x10: {  	s26 =	sadd.s32 s4, s13;
	s0 =	sadd.s32 s0, s13;
	s21 =	simm.s32 $0x3D  }
0x11: {  	s23 =	simm.s32 $0x18000;
	s24 =	smax.u32 s10, $0x1;
	[dreg:$0x6] =	wrdreg s26  }
0x12: {  	[dreg:$0x7] =	wrdreg s0;
	s14 =	sshrl.u32 s14, $0x3;
	s26 =	simm.s32 $0x1A000  }
0x13: {  	s0 =	simm.s32 $0x0;
	[dreg:$0x5] =	wrdreg s24;
	s24 =	simm.s32 $0x1  }
.LBB2_4:
0x14: {  	_ =	swait.ge [sflag:s31], $0x3E80  }
0x15: {  	[sflag:s31] =	ssyncset.done $0x0  }
0x16: {  	[sflag:s31] =	ssyncadd.s32 $0xFFFFC180  }
0x17: {  	[bflag:$0x0] =	sbarrier.arrive $0xFFFF  }
0x18: {  	s2 =	rddreg [dreg:$0x7]  }
0x19: {  	[hbm:s2], [sflag:s12] =	dma.local [spmem:s14], $0x2800  }
0x1a: {  	_ =	swait.ge [sflag:s15], $0x2800  }
0x1b: {  	s0 =	sadd.s32 $0x1, s0;
	s22 =	rddreg [dreg:$0x5]  }
0x1c: {  	p0 =	sne.s32 s0, s22  }
.Ltmp1:
0x1d: {  	_ = 	snop;
	(pc) =	sbr.rel @!p0 .LBB2_5-.Ltmp1, $3  }
0x1e: {  	_ =	sdelay $0x1  }
0x1f: {  	[sflag:s15] =	ssyncset.done $0x0  }
0x20: {  	[sflag:s15] =	ssyncadd.s32 $0xFFFFD800  }
.LBB2_1:
0x21: {  	s2 =	rddreg [dreg:$0x6]  }
0x22: {  	[spmem:s14], [sflag:s12] =	dma.local [hbm:s2], $0x2800  }
0x23: {  	_ =	swait.ge [sflag:s15], $0x2800  }
0x24: {  	[sflag:s15] =	ssyncset.done $0x0  }
0x25: {  	[sflag:s15] =	ssyncadd.s32 $0xFFFFD800  }
0x26: {  	[bflag:$0x0] =	sbarrier.arrive $0xFFFF  }
0x27: {  	s16 =	simm.s32 $0x0;
	s7 =	simm.s32 $0x14000;
	s3 =	rddreg [dreg:$0x3]  }
0x28: {  	[tilespmem:s7], [sflag:$0x5] =	stream.linear.gather [hbm4b:s3+s16], $0x800, $0x38;
	[tilespmem:$0x1E000] =	vst v63  }
0x29: {  	s8 =	simm.s32 $0x15000;
	s17 =	rddreg [dreg:$0x4]  }
0x2a: {  	[tilespmem:s8], [sflag:$0x5] =	stream.linear.gather [hbm4b:s17+s16], $0x800, $0x38;
	[tilespmem:$0x1E000] =	vst v63  }
0x2b: {  	_ =	swait.ge [sflag:s18], $0x800  }
0x2c: {  	[sflag:s18] =	ssyncset.done $0x0  }
0x2d: {  	[sflag:s18] =	ssyncadd.s32 $0xFFFFF800  }
0x2e: {  	_ =	swait.ge [sflag:s18], $0x800  }
0x2f: {  	[sflag:s18] =	ssyncset.done $0x0  }
0x30: {  	[sflag:s18] =	ssyncadd.s32 $0xFFFFF800  }
0x31: {  	[tilespmem:s20], [sflag:$0x1] =	stream.indirect.gather [hbm4b:s4+s19], $0x80, s7, s19, $0xb8;
	[tilespmem:$0x1E000] =	vst v63  }
0x32: {  	s22 =	simm.s32 $0x14040  }
0x33: {  	[tilespmem:s23], [sflag:$0x1] =	stream.indirect.gather [hbm4b:s4+s21], $0x80, s22, s21, $0xb8;
	[tilespmem:$0x1E000] =	vst v63  }
0x34: {  	s3 =	simm.s32 $0x0;
	s17 =	simm.s32 $0x0;
	s22 =	simm.s32 $0x0  }
.LBB2_2:
0x35: {  	s2 =	sand.u32 $0xE, s3;
	p0 =	seq.s32 s17, $0x0;
	p1 =	sgt.u32 s22, $0x47  }
0x36: {  	p2 =	sne.s32 @!p0 s2, $0x0;
	p3 =	sne.s32 @!p1 s2, $0x0  }
0x37: {  	s7 =	sshrl.u32 s22, $0x3;
	p2 =	por p2, p0;
	p0 =	por p3, p1  }
0x38: {  	s8 =	simm.s32 @!p2 $0x4;
	s10 =	sshll.u32 @!p0 s7, $0xB  }
0x39: {  	_ =	swait.ge @!p2 [sflag:s8], $0x3E80;
	s10 =	sadd.s32 @!p0 $0x800, s10  }
0x3a: {  	[sflag:s8] =	ssyncset.done @!p2 $0x0;
	s11 =	sadd.s32 @!p0 s9, s10  }
0x3b: {  	[sflag:s8] =	ssyncadd.s32 @!p2 $0xFFFFC180;
	s8 =	sand.u32 @!p0 $0x800, s10;
	s10 =	sshrl.u32 @!p0 s11, $0x3  }
0x3c: {  	s16 =	simm.s32 @!p0 $0x0;
	s11 =	sor.u32 @!p0 $0x14000, s8;
	s13 =	sadd.s32 @!p0 s5, s10  }
0x3d: {  	[tilespmem:s11], [sflag:$0x5] =	stream.linear.gather @!p0 [hbm4b:s13+s16], $0x800, $0x38;
	[tilespmem:$0x1E000] =	vst v63  }
0x3e: {  	s8 =	sor.u32 @!p0 $0x15000, s8;
	s10 =	sadd.s32 @!p0 s6, s10  }
0x3f: {  	[tilespmem:s8], [sflag:$0x5] =	stream.linear.gather @!p0 [hbm4b:s10+s16], $0x800, $0x38;
	[tilespmem:$0x1E000] =	vst v63  }
0x40: {  	s7 =	sshll.u32 s7, $0x4;
	_ =	swait.ge [sflag:s24], $0x2000  }
0x41: {  	s7 =	sand.u32 $0x10, s7;
	[sflag:s24] =	ssyncset.done $0x0  }
0x42: {  	s7 =	sor.u32 s2, s7;
	[sflag:s24] =	ssyncadd.s32 $0xFFFFE000  }
0x43: {  	s7 =	sshll.u32 s7, $0x7;
	_ =	swait.ge [sflag:s24], $0x1E80  }
0x44: {  	p0 =	seq.s32 s2, $0x0;
	s8 =	sor.u32 $0x15000, s7;
	[sflag:s24] =	ssyncset.done $0x0  }
0x45: {  	s10 =	sand.u32 $0x3C00, s17;
	s2 =	simm.s32 @!p0 $0x4;
	[sflag:s24] =	ssyncadd.s32 $0xFFFFE180  }
0x46: {  	[spmem:s1] =	stream.indirect.scatter.add.f32 [tilespmem:s20], [sflag:$0x3], $0x80, s8, s25, $0xb8;
	[tilespmem:$0x1E000] =	vst v63  }
0x47: {  	s7 =	sor.u32 $0x200, s10;
	_ =	swait.ge @!p0 [sflag:s2], $0x3E80  }
0x48: {  	s7 =	sshrl.u32 s7, $0x2;
	[sflag:s2] =	ssyncset.done @!p0 $0x0  }
0x49: {  	s11 =	sor.u32 $0x14000, s7;
	[sflag:s2] =	ssyncadd.s32 @!p0 $0xFFFFC180  }
0x4a: {  	[tilespmem:s26], [sflag:$0x2] =	stream.indirect.gather [hbm4b:s4+s19], $0x80, s11, s19, $0xb8;
	[tilespmem:$0x1E000] =	vst v63  }
0x4b: {  	s13 =	sor.u32 $0x14040, s7  }
0x4c: {  	[tilespmem:s28], [sflag:$0x2] =	stream.indirect.gather [hbm4b:s4+s21], $0x80, s13, s21, $0xb8;
	[tilespmem:$0x1E000] =	vst v63  }
0x4d: {  	_ =	swait.ge [sflag:s29], $0x2000  }
0x4e: {  	[sflag:s29] =	ssyncset.done $0x0  }
0x4f: {  	[sflag:s29] =	ssyncadd.s32 $0xFFFFE000  }
0x50: {  	_ =	swait.ge [sflag:s29], $0x1E80  }
0x51: {  	p0 =	seq.s32 s22, $0x4F;
	[sflag:s29] =	ssyncset.done $0x0  }
.Ltmp2:
0x52: {  	s16 =	sor.u32 $0x15000, s7;
	[sflag:s29] =	ssyncadd.s32 $0xFFFFE180;
	(pc) =	sbr.rel @p0 .LBB2_4-.Ltmp2, $4  }
0x53: {  	[spmem:s1] =	stream.indirect.scatter.add.f32 [tilespmem:s26], [sflag:$0x4], $0x80, s16, s25, $0xb8;
	[tilespmem:$0x1E000] =	vst v63  }
0x54: {  	_ =	swait.ge [sflag:s30], $0x3E80  }
0x55: {  	[sflag:s30] =	ssyncset.done $0x0  }
0x56: {  	[sflag:s30] =	ssyncadd.s32 $0xFFFFC180  }
0x57: {  	s3 =	sadd.s32 $0x2, s3  }
0x58: {  	s2 =	sand.u32 $0xE, s3  }
0x59: {  	p0 =	sne.s32 s2, $0x0  }
0x5a: {  	s2 =	simm.s32 @!p0 $0x5  }
0x5b: {  	_ =	swait.ge @!p0 [sflag:s2], $0x800  }
0x5c: {  	[sflag:s2] =	ssyncset.done @!p0 $0x0  }
0x5d: {  	s17 =	sadd.s32 $0x400, s17;
	[sflag:s2] =	ssyncadd.s32 @!p0 $0xFFFFF800  }
0x5e: {  	s7 =	sand.u32 $0x3C00, s17;
	_ =	swait.ge @!p0 [sflag:s2], $0x800  }
.Ltmp3:
0x5f: {  	s7 =	sshrl.u32 s7, $0x2;
	[sflag:s2] =	ssyncset.done @!p0 $0x0;
	(pc) =	sbr.rel .LBB2_2-.Ltmp3, $4  }
0x60: {  	s13 =	sor.u32 $0x14000, s7;
	[sflag:s2] =	ssyncadd.s32 @!p0 $0xFFFFF800  }
0x61: {  	[tilespmem:s20], [sflag:$0x1] =	stream.indirect.gather [hbm4b:s4+s19], $0x80, s13, s19, $0xb8;
	[tilespmem:$0x1E000] =	vst v63  }
0x62: {  	s22 =	sadd.s32 $0x1, s22;
	s16 =	sor.u32 $0x14040, s7  }
0x63: {  	[tilespmem:s23], [sflag:$0x1] =	stream.indirect.gather [hbm4b:s4+s21], $0x80, s16, s21, $0xb8;
	[tilespmem:$0x1E000] =	vst v63  }
.LBB2_5:
0x64: {  	_ =	sfence.sel $0x180000  }
0x65: {  	[bflag:$0x0] =	sbarrier.arrive $0xFFFF  }
0x66: {  	_ =	strace $0x9000004D  }
0x67: {  	s0 =	stileid.u32;
	[bflag:$0x2] =	sbarrier.arrive $0xFFFF  }
0x68: {  	p0 =	sne.s32 s0, $0x0;
	s0 =	rddreg [dreg:$0x2]  }
0x69: {  	s0 =	sadd.s32 @!p0 $0x100000, s0  }
0x6a: {  	[sflag:s0] =	ssyncadd.tile.s32 @!p0 $0x1;
	_ =	shalt  }
.Lfunc_end2:
_tile_overlayer_lowered:
.L_overlay_start_2:
0x6b: {  	(tag) =	ssettag $0x2  }
0x6c: {  	s0 =	rddreg [dreg:$0x0];
	s2 =	stileid.u32  }
0x6d: {  	s1 =	rddreg [dreg:$0x1];
	p0 =	sne.s32 s2, $0x0  }
0x6e: {  	s3 =	rddreg [dreg:$0x2];
	[bflag:$0x3] =	sbarrier.arrive $0xFFFF;
	s2 =	simm.s32 @!p0 $0x1C06  }
0x6f: {  	[timem:s3], [sflag:s2] =	dma.local @!p0 [hbm:s0], s1  }
0x70: {  	s0 =	simm.s32 @!p0 $0x6  }
0x71: {  	_ =	swait.ge @!p0 [sflag:s0], s1  }
0x72: {  	s1 =	ssub.s32 @!p0 $0x0, s1;
	[sflag:s0] =	ssyncset.done @!p0 $0x0  }
0x73: {  	[sflag:s0] =	ssyncadd.s32 @!p0 s1  }
0x74: {  	[bflag:$0x3] =	sbarrier.arrive $0xFFFF  }
0x75: {  	_ =	shalt  }

// kernel: kernel.19.cloned.1.call-start
scs
__scs_entry_jumppad:
0x0: {  	(pc) =	sbr.rel $0x88, $3  }
0x1: {  	(tag) =	ssettag $0x0;
	lr =	simm.s32 $0x1  }
0x2: {  	[smem:$0x3F92] =	sst lr;
	_ =	strace $0xD0000000  }
0x3: {  	_ = 	snop  }
0x4: {  	_ = 	snop  }
0x5: {  	_ = 	snop  }
0x6: {  	_ = 	snop  }
0x7: {  	_ = 	snop  }
__scs_overlays_trampoline_lowered:
0x8: {  	[smem:$0x3FA1] =	sst s0  }
0x9: {  	[smem:$0x3FA2] =	sst s1  }
0xa: {  	[smem:$0x3FA3] =	sst s2  }
0xb: {  	[smem:$0x3FA4] =	sst s3  }
0xc: {  	[smem:$0x3FA5] =	sst s4  }
0xd: {  	[smem:$0x3FA6] =	sst s5  }
0xe: {  	[smem:$0x3FA7] =	sst s6  }
0xf: {  	[smem:$0x3FA8] =	sst s7  }
0x10: {  	[smem:$0x3FA9] =	sst s8  }
0x11: {  	[smem:$0x3FAA] =	sst s9;
	s0 =	simm.s32 @!p0 $0x0  }
0x12: {  	s1 =	sld [smem:$0x3F90];
	s0 =	simm.s32 @p0 $0x1  }
0x13: {  	[smem:$0x3FAB] =	sst s0;
	s0 =	simm.s32 @!p1 $0x0  }
0x14: {  	s2 =	sld [smem:$0x3F8F];
	s0 =	simm.s32 @p1 $0x1  }
0x15: {  	[smem:$0x3FAC] =	sst s0;
	s0 =	simm.s32 @!p2 $0x0  }
0x16: {  	s3 =	sld [smem:$0x3FDB];
	s0 =	simm.s32 @p2 $0x1  }
0x17: {  	s4 =	simm.s32 $0x1BF5;
	[smem:$0x3FAE] =	sst s0  }
0x18: {  	s0 =	sld [smem:$0x3F91];
	_ =	swait.ge [sflag:s4], $0x0  }
0x19: {  	s7 =	sld [smem:$0x3F92]  }
0x1a: {  	s8 =	sadd.s32 $0xFFFFE003, lr  }
0x1b: {  	s9 =	sadd.s32 $0xFFFFFEF7, lr;
	s5 =	simm.s32 $0xFFFFFFFF;
	p2 =	slt.u32 s8, $0xFFFFF086  }
0x1c: {  	p1 =	slt.u32 s9, $0xF7A;
	s5 =	simm.s32 @!p2 $0x0  }
0x1d: {  	s5 =	simm.s32 @p1 $0x1;
	p0 =	seq.s32 s7, s2  }
0x1e: {  	s7 =	smul.u32 @!p0 $0xF7A, s2;
	p2 =	seq.s32 @!p0 s5, $0x0  }
0x1f: {  	s9 =	smul.u32 $0xF7A, s1;
	s8 =	simm.s32 @!p0 $0x1BF5;
	p2 =	por !p2, p0  }
0x20: {  	[sflag:s8] =	ssyncset.s32 @!p0 $0xFFFFF086;
	s6 =	sadd.s32 @!p0 s3, s7;
	s7 =	simm.s32 @!p0 $0x108  }
0x21: {  	s3 =	sadd.s32 s3, s9;
	s6 =	sadd.s32 @!p0 $0x88, s6;
	s7 =	simm.s32 @p2 $0x1082  }
0x22: {  	[simem:s7], [sflag:s8] =	dma.local @!p0 [hbm:s6], $0xF7A  }
0x23: {  	s9 =	sor.u32 $0xD0000000, s2;
	s6 =	simm.s32 $0x108;
	_ =	swait.ge @!p0 [sflag:s8], $0x0  }
0x24: {  	s3 =	sadd.s32 $0x88, s3;
	s6 =	simm.s32 @!p1 $0x1082;
	[sflag:s4] =	ssyncset.s32 $0xFFFFF086  }
0x25: {  	[simem:s6], [sflag:s4] =	dma.local [hbm:s3], $0xF7A  }
0x26: {  	[smem:$0x3F92] =	sst s1;
	(tag) =	ssettag s2;
	_ =	strace s9  }
0x27: {  	s1 =	sld [smem:$0x3FA2]  }
0x28: {  	s2 =	sld [smem:$0x3FA3]  }
0x29: {  	s4 =	sld [smem:$0x3FA5]  }
0x2a: {  	p0 =	seq.s32 s5, $0x0;
	s5 =	sld [smem:$0x3FA6]  }
0x2b: {  	s6 =	sld [smem:$0x3FA7]  }
0x2c: {  	s7 =	sld [smem:$0x3FA8]  }
0x2d: {  	s3 =	simm.s32 $0x108;
	s8 =	sld [smem:$0x3FA9]  }
0x2e: {  	s3 =	simm.s32 @!p0 $0x1082;
	s9 =	sld [smem:$0x3FAA]  }
0x2f: {  	lr =	sadd.s32 s0, s3;
	s0 =	sld [smem:$0x3FA1]  }
0x30: {  	s3 =	sld [smem:$0x3FA4]  }
0x31: {  	[smem:$0x3FAD] =	sst s10  }
0x32: {  	s10 =	sld [smem:$0x3FAB];
	_ =	sdelay $0x3  }
0x33: {  	p0 =	seq.s32 s10, $0x1;
	s10 =	sld [smem:$0x3FAD];
	_ =	sdelay $0x3  }
0x34: {  	[smem:$0x3FAD] =	sst s10  }
0x35: {  	s10 =	sld [smem:$0x3FAC];
	_ =	sdelay $0x3  }
0x36: {  	p1 =	seq.s32 s10, $0x1;
	s10 =	sld [smem:$0x3FAD];
	_ =	sdelay $0x3  }
0x37: {  	[smem:$0x3FAD] =	sst s10  }
0x38: {  	s10 =	sld [smem:$0x3FAE]  }
0x39: {  	_ = 	snop;
	(pc) =	sbr.ind lr, $3  }
0x3a: {  	_ = 	snop  }
0x3b: {  	_ = 	snop  }
0x3c: {  	p2 =	seq.s32 s10, $0x1;
	s10 =	sld [smem:$0x3FAD]  }
0x3d: {  	_ =	shalt  }
0x3e: {  	_ =	shalt  }
0x3f: {  	_ =	shalt  }
0x40: {  	_ =	shalt  }
0x41: {  	_ =	shalt  }
0x42: {  	_ =	shalt  }
0x43: {  	_ =	shalt  }
0x44: {  	_ =	shalt  }
0x45: {  	_ =	shalt  }
0x46: {  	_ =	shalt  }
0x47: {  	_ =	shalt  }
0x48: {  	_ =	shalt  }
0x49: {  	_ =	shalt  }
0x4a: {  	_ =	shalt  }
0x4b: {  	_ =	shalt  }
0x4c: {  	_ =	shalt  }
0x4d: {  	_ =	shalt  }
0x4e: {  	_ =	shalt  }
0x4f: {  	_ =	shalt  }
0x50: {  	_ =	shalt  }
0x51: {  	_ =	shalt  }
0x52: {  	_ =	shalt  }
0x53: {  	_ =	shalt  }
0x54: {  	_ =	shalt  }
0x55: {  	_ =	shalt  }
0x56: {  	_ =	shalt  }
0x57: {  	_ =	shalt  }
0x58: {  	_ =	shalt  }
0x59: {  	_ =	shalt  }
0x5a: {  	_ =	shalt  }
0x5b: {  	_ =	shalt  }
0x5c: {  	_ =	shalt  }
0x5d: {  	_ =	shalt  }
0x5e: {  	_ =	shalt  }
0x5f: {  	_ =	shalt  }
0x60: {  	_ =	shalt  }
0x61: {  	_ =	shalt  }
0x62: {  	_ =	shalt  }
0x63: {  	_ =	shalt  }
0x64: {  	_ =	shalt  }
0x65: {  	_ =	shalt  }
0x66: {  	_ =	shalt  }
0x67: {  	_ =	shalt  }
0x68: {  	_ =	shalt  }
0x69: {  	_ =	shalt  }
0x6a: {  	_ =	shalt  }
0x6b: {  	_ =	shalt  }
0x6c: {  	_ =	shalt  }
0x6d: {  	_ =	shalt  }
0x6e: {  	_ =	shalt  }
0x6f: {  	_ =	shalt  }
0x70: {  	_ =	shalt  }
0x71: {  	_ =	shalt  }
0x72: {  	_ =	shalt  }
0x73: {  	_ =	shalt  }
0x74: {  	_ =	shalt  }
0x75: {  	_ =	shalt  }
0x76: {  	_ =	shalt  }
0x77: {  	_ =	shalt  }
0x78: {  	_ =	shalt  }
0x79: {  	_ =	shalt  }
0x7a: {  	_ =	shalt  }
0x7b: {  	_ =	shalt  }
0x7c: {  	_ =	shalt  }
0x7d: {  	_ =	shalt  }
0x7e: {  	_ =	shalt  }
0x7f: {  	_ =	shalt  }
0x80: {  	_ =	shalt  }
0x81: {  	_ =	shalt  }
0x82: {  	_ =	shalt  }
0x83: {  	_ =	shalt  }
0x84: {  	_ =	shalt  }
0x85: {  	_ =	shalt  }
0x86: {  	_ =	shalt  }
0x87: {  	_ =	shalt  }
.Lfunc_end0:
.L_simem_size_0:
called_computation.3_lowered:
.L_overlay_start_0:
0x88: {  	s2 =	sld [smem:$0x3FD9]  }
0x89: {  	s3 =	sld [smem:$0x3FFE];
	_ =	sdelay $0x1  }
0x8a: {  	s1 =	srdreg.scid  }
0x8b: {  	s0 =	sand.u32 $0x1, s1  }
0x8c: {  	s16 =	sshll.u32 s0, $0xA;
	s2 =	sadd.s32 s3, s2  }
0x8d: {  	s2 =	sadd.s32 s2, s16  }
0x8e: {  	[smem:$0x3FB9] =	sst s2  }
0x8f: {  	_ = 	snop  }
0x90: {  	(tm) =	ssettm $0x1  }
0x91: {  	s17 =	sld [smem:$0x3FFB];
	_ =	sdelay $0x3  }
0x92: {  	_ =	strace s17  }
0x93: {  	s2 =	sld [smem:$0x3FFC];
	_ =	sdelay $0x3  }
0x94: {  	_ =	strace s2  }
0x95: {  	s2 =	sld [smem:$0x3FFD];
	_ =	sdelay $0x3  }
0x96: {  	_ =	strace s2  }
0x97: {  	_ =	strace $0x8FFFFFFF  }
0x98: {  	s18 =	sld [smem:$0x3FDB];
	_ =	sdelay $0x1  }
0x99: {  	s19 =	simm.s32 $_scs_section_size  }
0x9a: {  	s4 =	simm.s32 $_size__tile_overlayer_lowered;
	s5 =	simm.s32 $_tile_overlayer_lowered  }
0x9b: {  	s22 =	simm.s32 $0x1BFF;
	s21 =	sshll.u32 s5, $0x1;
	s2 =	sadd.s32 s19, s18  }
0x9c: {  	s6 =	simm.s32 $0x0;
	s20 =	sshll.u32 s4, $0x1;
	s4 =	sadd.s32 s21, s2  }
0x9d: {  	[timem:s6], [sflag:s22] =	dma.local [hbm:s4], s20  }
0x9e: {  	_ =	swait.ge [sflag:s22], s20  }
0x9f: {  	s3 =	ssub.s32 $0x0, s20;
	[sflag:s22] =	ssyncset.done $0x0  }
0xa0: {  	[sflag:s22] =	ssyncadd.s32 s3;
	_ =	sdelay $0x1  }
0xa1: {  	s23 =	simm.s32 $0x1B8B  }
0xa2: {  	_ =	swait.ge [sflag:s23], $0x1  }
0xa3: {  	[sflag:s23] =	ssyncset.done $0x0  }
0xa4: {  	s25 =	simm.s32 $0x1B8E;
	s24 =	sld [smem:$0x3FFE];
	[sflag:s23] =	ssyncadd.s32 $0xFFFFFFFF  }
0xa5: {  	s26 =	simm.s32 $execute0_lowered;
	[smem:$0x3FD2] =	sst s25  }
0xa6: {  	s4 =	sshll.u32 s26, $0x1;
	_ =	strace $0x8000004F;
	[dreg:$0x1] =	wrdreg $0xFFFFFFFF  }
0xa7: {  	s28 =	simm.s32 $_size_execute0_lowered;
	s2 =	sadd.s32 s2, s4;
	[dreg:$0x0] =	wrdreg $0x0  }
0xa8: {  	s4 =	sshll.u32 s28, $0x1;
	[dreg:$0x2] =	wrdreg s2  }
0xa9: {  	[dreg:$0x3] =	wrdreg s4  }
0xaa: {  	[dreg:$0x4] =	wrdreg $0xC0  }
0xab: {  	_ =	task [dreg:s6], $0x5FFFF  }
0xac: {  	[dreg:$0x1] =	wrdreg $0xFFFFFFFF  }
0xad: {  	[dreg:$0x0] =	wrdreg $0x60  }
0xae: {  	[dreg:$0x2] =	wrdreg s24  }
0xaf: {  	[dreg:$0x3] =	wrdreg $0x0  }
0xb0: {  	[dreg:$0x4] =	wrdreg $0x9  }
0xb1: {  	_ =	task.clear_ibuf [dreg:s6], $0x5FFFF;
	_ =	strace $0x9000004F  }
0xb2: {  	s29 =	simm.s32 $0x9;
	_ =	strace $0x80000051  }
0xb3: {  	_ =	swait.ge [sflag:s29], $0x1  }
0xb4: {  	[sflag:s29] =	ssyncadd.s32 $0xFFFFFFFF  }
0xb5: {  	_ =	strace $0x90000051  }
0xb6: {  	_ =	sfence  }
0xb7: {  	s30 =	sld [smem:$0x0];
	_ =	sdelay $0x2  }
0xb8: {  	s31 =	sshll.u32 s1, $0xD;
	s1 =	sshrl.u32 s1, $0x2  }
0xb9: {  	s3 =	sand.u32 $0x4000, s31;
	s1 =	sadd.s32 s1, s30  }
0xba: {  	s0 =	sor.u32 s3, s0;
	s1 =	sshll.u32 s1, $0x11  }
0xbb: {  	s0 =	sor.u32 s1, s0  }
0xbc: {  	s0 =	sadd.s32 $0x8F2B, s0  }
0xbd: {  	[sflag:s0] =	ssyncadd.remote.s32 $0x1  }
0xbe: {  	_ =	sfence.sel $0xFFFF  }
0xbf: {  	[dreg:$0x0] =	wrdreg $0xFFFFFFFF;
	(pc) =	sbr.abs _section_cstart, $3  }
0xc0: {  	[dreg:$0x1] =	wrdreg $0xFFFFFFFF  }
0xc1: {  	_ =	task.clear_ibuf [dreg:s6], $0x2FFFF;
	_ =	strace $0x9FFFFFFF  }
0xc2: {  	(tm) =	ssettm $0x7FFFFFFF  }
0xc3: {  	_ =	shalt  }
tec
execute0_lowered:
.L_overlay_start_1:
0x0: {  	(tag) =	ssettag $0x1  }
0x1: {  	s0 =	rddreg [dreg:$0x0]  }
0x2: {  	s1 =	rddreg [dreg:$0x1];
	s2 =	simm.s32 $0x0  }
0x3: {  	s7 =	srdreg.scid;
	s20 =	stileid.u32;
	s15 =	simm.s32 $0x6  }
0x4: {  	s18 =	simm.s32 $0x5;
	s19 =	simm.s32 $0x40;
	s28 =	simm.s32 $0x1C000  }
0x5: {  	s29 =	simm.s32 $0x2;
	s30 =	simm.s32 $0x3;
	s31 =	simm.s32 $0x4  }
0x6: {  	[smem:$0x7FF] =	sst s2;
	s3 =	sadd.s32 $0xFC00, s0;
	s4 =	sadd.s32 $0x37C00, s0  }
0x7: {  	s5 =	sadd.s32 $0x62C00, s0;
	s6 =	sadd.s32 $0x5C00, s0;
	s9 =	smul.u32 $0x50000, s20  }
0x8: {  	s7 =	sand.u32 $0x1, s7;
	s11 =	sadd.s32 $0x6CC00, s0;
	s12 =	smul.u32 $0xA00, s20  }
0x9: {  	s0 =	sadd.s32 $0x94C00, s0;
	s13 =	smul.u32 $0x2800, s20;
	s25 =	sshll.u32 s20, $0x6  }
0xa: {  	_ =	strace $0x80000050;
	s8 =	ssub.s32 $0x2, s7;
	p0 =	seq.s32 s7, $0x0  }
0xb: {  	s10 =	sshrl.u32 s8, $0x1;
	s21 =	sshrl.u32 s9, $0x2;
	s22 =	sadd.s32 s5, s12  }
0xc: {  	s23 =	sadd.s32 s6, s12;
	s9 =	smul.u32 $0x5000, s20;
	s4 =	smov.u32 @p0 s3  }
0xd: {  	s0 =	smov.u32 @p0 s11;
	s12 =	sor.u32 $0x1C06, s25;
	s20 =	simm.s32 $0x16000  }
0xe: {  	s25 =	simm.s32 $0x7D;
	s10 =	ssub.s32 s8, s10;
	[dreg:$0x3] =	wrdreg s22  }
.Ltmp0:
0xf: {  	s14 =	sadd.s32 s21, s1;
	[dreg:$0x4] =	wrdreg s23;
	(pc) =	sbr.rel .LBB2_1-.Ltmp0, $4  }
0x10: {  	s26 =	sadd.s32 s4, s13;
	s0 =	sadd.s32 s0, s13;
	s21 =	simm.s32 $0x3D  }
0x11: {  	s23 =	simm.s32 $0x18000;
	s24 =	smax.u32 s10, $0x1;
	[dreg:$0x6] =	wrdreg s26  }
0x12: {  	[dreg:$0x7] =	wrdreg s0;
	s14 =	sshrl.u32 s14, $0x3;
	s26 =	simm.s32 $0x1A000  }
0x13: {  	s0 =	simm.s32 $0x0;
	[dreg:$0x5] =	wrdreg s24;
	s24 =	simm.s32 $0x1  }
.LBB2_4:
0x14: {  	_ =	swait.ge [sflag:s31], $0x3E80  }
0x15: {  	[sflag:s31] =	ssyncset.done $0x0  }
0x16: {  	[sflag:s31] =	ssyncadd.s32 $0xFFFFC180  }
0x17: {  	[bflag:$0x0] =	sbarrier.arrive $0xFFFF  }
0x18: {  	s2 =	rddreg [dreg:$0x7]  }
0x19: {  	[hbm:s2], [sflag:s12] =	dma.local [spmem:s14], $0x2800  }
0x1a: {  	_ =	swait.ge [sflag:s15], $0x2800  }
0x1b: {  	s0 =	sadd.s32 $0x1, s0;
	s22 =	rddreg [dreg:$0x5]  }
0x1c: {  	p0 =	sne.s32 s0, s22  }
.Ltmp1:
0x1d: {  	_ = 	snop;
	(pc) =	sbr.rel @!p0 .LBB2_5-.Ltmp1, $3  }
0x1e: {  	_ =	sdelay $0x1  }
0x1f: {  	[sflag:s15] =	ssyncset.done $0x0  }
0x20: {  	[sflag:s15] =	ssyncadd.s32 $0xFFFFD800  }
.LBB2_1:
0x21: {  	s2 =	rddreg [dreg:$0x6]  }
0x22: {  	[spmem:s14], [sflag:s12] =	dma.local [hbm:s2], $0x2800  }
0x23: {  	_ =	swait.ge [sflag:s15], $0x2800  }
0x24: {  	[sflag:s15] =	ssyncset.done $0x0  }
0x25: {  	[sflag:s15] =	ssyncadd.s32 $0xFFFFD800  }
0x26: {  	[bflag:$0x0] =	sbarrier.arrive $0xFFFF  }
0x27: {  	s16 =	simm.s32 $0x0;
	s7 =	simm.s32 $0x14000;
	s3 =	rddreg [dreg:$0x3]  }
0x28: {  	[tilespmem:s7], [sflag:$0x5] =	stream.linear.gather [hbm4b:s3+s16], $0x800, $0x38;
	[tilespmem:$0x1E000] =	vst v63  }
0x29: {  	s8 =	simm.s32 $0x15000;
	s17 =	rddreg [dreg:$0x4]  }
0x2a: {  	[tilespmem:s8], [sflag:$0x5] =	stream.linear.gather [hbm4b:s17+s16], $0x800, $0x38;
	[tilespmem:$0x1E000] =	vst v63  }
0x2b: {  	_ =	swait.ge [sflag:s18], $0x800  }
0x2c: {  	[sflag:s18] =	ssyncset.done $0x0  }
0x2d: {  	[sflag:s18] =	ssyncadd.s32 $0xFFFFF800  }
0x2e: {  	_ =	swait.ge [sflag:s18], $0x800  }
0x2f: {  	[sflag:s18] =	ssyncset.done $0x0  }
0x30: {  	[sflag:s18] =	ssyncadd.s32 $0xFFFFF800  }
0x31: {  	[tilespmem:s20], [sflag:$0x1] =	stream.indirect.gather [hbm4b:s4+s19], $0x80, s7, s19, $0xb8;
	[tilespmem:$0x1E000] =	vst v63  }
0x32: {  	s22 =	simm.s32 $0x14040  }
0x33: {  	[tilespmem:s23], [sflag:$0x1] =	stream.indirect.gather [hbm4b:s4+s21], $0x80, s22, s21, $0xb8;
	[tilespmem:$0x1E000] =	vst v63  }
0x34: {  	s3 =	simm.s32 $0x0;
	s17 =	simm.s32 $0x0;
	s22 =	simm.s32 $0x0  }
.LBB2_2:
0x35: {  	s2 =	sand.u32 $0xE, s3;
	p0 =	seq.s32 s17, $0x0;
	p1 =	sgt.u32 s22, $0x47  }
0x36: {  	p2 =	sne.s32 @!p0 s2, $0x0;
	p3 =	sne.s32 @!p1 s2, $0x0  }
0x37: {  	s7 =	sshrl.u32 s22, $0x3;
	p2 =	por p2, p0;
	p0 =	por p3, p1  }
0x38: {  	s8 =	simm.s32 @!p2 $0x4;
	s10 =	sshll.u32 @!p0 s7, $0xB  }
0x39: {  	_ =	swait.ge @!p2 [sflag:s8], $0x3E80;
	s10 =	sadd.s32 @!p0 $0x800, s10  }
0x3a: {  	[sflag:s8] =	ssyncset.done @!p2 $0x0;
	s11 =	sadd.s32 @!p0 s9, s10  }
0x3b: {  	[sflag:s8] =	ssyncadd.s32 @!p2 $0xFFFFC180;
	s8 =	sand.u32 @!p0 $0x800, s10;
	s10 =	sshrl.u32 @!p0 s11, $0x3  }
0x3c: {  	s16 =	simm.s32 @!p0 $0x0;
	s11 =	sor.u32 @!p0 $0x14000, s8;
	s13 =	sadd.s32 @!p0 s5, s10  }
0x3d: {  	[tilespmem:s11], [sflag:$0x5] =	stream.linear.gather @!p0 [hbm4b:s13+s16], $0x800, $0x38;
	[tilespmem:$0x1E000] =	vst v63  }
0x3e: {  	s8 =	sor.u32 @!p0 $0x15000, s8;
	s10 =	sadd.s32 @!p0 s6, s10  }
0x3f: {  	[tilespmem:s8], [sflag:$0x5] =	stream.linear.gather @!p0 [hbm4b:s10+s16], $0x800, $0x38;
	[tilespmem:$0x1E000] =	vst v63  }
0x40: {  	s7 =	sshll.u32 s7, $0x4;
	_ =	swait.ge [sflag:s24], $0x2000  }
0x41: {  	s7 =	sand.u32 $0x10, s7;
	[sflag:s24] =	ssyncset.done $0x0  }
0x42: {  	s7 =	sor.u32 s2, s7;
	[sflag:s24] =	ssyncadd.s32 $0xFFFFE000  }
0x43: {  	s7 =	sshll.u32 s7, $0x7;
	_ =	swait.ge [sflag:s24], $0x1E80  }
0x44: {  	p0 =	seq.s32 s2, $0x0;
	s8 =	sor.u32 $0x15000, s7;
	[sflag:s24] =	ssyncset.done $0x0  }
0x45: {  	s10 =	sand.u32 $0x3C00, s17;
	s2 =	simm.s32 @!p0 $0x4;
	[sflag:s24] =	ssyncadd.s32 $0xFFFFE180  }
0x46: {  	[spmem:s1] =	stream.indirect.scatter.add.f32 [tilespmem:s20], [sflag:$0x3], $0x80, s8, s25, $0xb8;
	[tilespmem:$0x1E000] =	vst v63  }
0x47: {  	s7 =	sor.u32 $0x200, s10;
	_ =	swait.ge @!p0 [sflag:s2], $0x3E80  }
0x48: {  	s7 =	sshrl.u32 s7, $0x2;
	[sflag:s2] =	ssyncset.done @!p0 $0x0  }
0x49: {  	s11 =	sor.u32 $0x14000, s7;
	[sflag:s2] =	ssyncadd.s32 @!p0 $0xFFFFC180  }
0x4a: {  	[tilespmem:s26], [sflag:$0x2] =	stream.indirect.gather [hbm4b:s4+s19], $0x80, s11, s19, $0xb8;
	[tilespmem:$0x1E000] =	vst v63  }
0x4b: {  	s13 =	sor.u32 $0x14040, s7  }
0x4c: {  	[tilespmem:s28], [sflag:$0x2] =	stream.indirect.gather [hbm4b:s4+s21], $0x80, s13, s21, $0xb8;
	[tilespmem:$0x1E000] =	vst v63  }
0x4d: {  	_ =	swait.ge [sflag:s29], $0x2000  }
0x4e: {  	[sflag:s29] =	ssyncset.done $0x0  }
0x4f: {  	[sflag:s29] =	ssyncadd.s32 $0xFFFFE000  }
0x50: {  	_ =	swait.ge [sflag:s29], $0x1E80  }
0x51: {  	p0 =	seq.s32 s22, $0x4F;
	[sflag:s29] =	ssyncset.done $0x0  }
.Ltmp2:
0x52: {  	s16 =	sor.u32 $0x15000, s7;
	[sflag:s29] =	ssyncadd.s32 $0xFFFFE180;
	(pc) =	sbr.rel @p0 .LBB2_4-.Ltmp2, $4  }
0x53: {  	[spmem:s1] =	stream.indirect.scatter.add.f32 [tilespmem:s26], [sflag:$0x4], $0x80, s16, s25, $0xb8;
	[tilespmem:$0x1E000] =	vst v63  }
0x54: {  	_ =	swait.ge [sflag:s30], $0x3E80  }
0x55: {  	[sflag:s30] =	ssyncset.done $0x0  }
0x56: {  	[sflag:s30] =	ssyncadd.s32 $0xFFFFC180  }
0x57: {  	s3 =	sadd.s32 $0x2, s3  }
0x58: {  	s2 =	sand.u32 $0xE, s3  }
0x59: {  	p0 =	sne.s32 s2, $0x0  }
0x5a: {  	s2 =	simm.s32 @!p0 $0x5  }
0x5b: {  	_ =	swait.ge @!p0 [sflag:s2], $0x800  }
0x5c: {  	[sflag:s2] =	ssyncset.done @!p0 $0x0  }
0x5d: {  	s17 =	sadd.s32 $0x400, s17;
	[sflag:s2] =	ssyncadd.s32 @!p0 $0xFFFFF800  }
0x5e: {  	s7 =	sand.u32 $0x3C00, s17;
	_ =	swait.ge @!p0 [sflag:s2], $0x800  }
.Ltmp3:
0x5f: {  	s7 =	sshrl.u32 s7, $0x2;
	[sflag:s2] =	ssyncset.done @!p0 $0x0;
	(pc) =	sbr.rel .LBB2_2-.Ltmp3, $4  }
0x60: {  	s13 =	sor.u32 $0x14000, s7;
	[sflag:s2] =	ssyncadd.s32 @!p0 $0xFFFFF800  }
0x61: {  	[tilespmem:s20], [sflag:$0x1] =	stream.indirect.gather [hbm4b:s4+s19], $0x80, s13, s19, $0xb8;
	[tilespmem:$0x1E000] =	vst v63  }
0x62: {  	s22 =	sadd.s32 $0x1, s22;
	s16 =	sor.u32 $0x14040, s7  }
0x63: {  	[tilespmem:s23], [sflag:$0x1] =	stream.indirect.gather [hbm4b:s4+s21], $0x80, s16, s21, $0xb8;
	[tilespmem:$0x1E000] =	vst v63  }
.LBB2_5:
0x64: {  	_ =	sfence.sel $0x180000  }
0x65: {  	[bflag:$0x0] =	sbarrier.arrive $0xFFFF  }
0x66: {  	_ =	strace $0x90000050  }
0x67: {  	s0 =	stileid.u32;
	[bflag:$0x2] =	sbarrier.arrive $0xFFFF  }
0x68: {  	p0 =	sne.s32 s0, $0x0;
	s0 =	rddreg [dreg:$0x2]  }
0x69: {  	s0 =	sadd.s32 @!p0 $0x100000, s0  }
0x6a: {  	[sflag:s0] =	ssyncadd.tile.s32 @!p0 $0x1;
	_ =	shalt  }
.Lfunc_end2:
_tile_overlayer_lowered:
.L_overlay_start_2:
0x6b: {  	(tag) =	ssettag $0x2  }
0x6c: {  	s0 =	rddreg [dreg:$0x0];
	s2 =	stileid.u32  }
0x6d: {  	s1 =	rddreg [dreg:$0x1];
	p0 =	sne.s32 s2, $0x0  }
0x6e: {  	s3 =	rddreg [dreg:$0x2];
	[bflag:$0x3] =	sbarrier.arrive $0xFFFF;
	s2 =	simm.s32 @!p0 $0x1C06  }
0x6f: {  	[timem:s3], [sflag:s2] =	dma.local @!p0 [hbm:s0], s1  }
0x70: {  	s0 =	simm.s32 @!p0 $0x6  }
0x71: {  	_ =	swait.ge @!p0 [sflag:s0], s1  }
0x72: {  	s1 =	ssub.s32 @!p0 $0x0, s1;
	[sflag:s0] =	ssyncset.done @!p0 $0x0  }
0x73: {  	[sflag:s0] =	ssyncadd.s32 @!p0 s1  }
0x74: {  	[bflag:$0x3] =	sbarrier.arrive $0xFFFF  }
0x75: {  	_ =	shalt  }

</sc_bundles>
